<compile_context>
chip_gen: v7x
topology: tpu7x:2x2x1
jax: 0.10.2.dev20260603
libtpu: 0.0.44.dev20260713+nightly
codegen_flags: <defaults>
</compile_context>

<pallas_src>
import functools

import jax
import jax.numpy as jnp
from jax import lax
from jax.experimental import pallas as pl
from jax.experimental.pallas import tpu as pltpu
from jax.experimental.pallas import tpu_sc as plsc

N = 100000
E = 3200000
NP = 102400
NC = 2
NS = 16
L = 16
NW = NC * NS
CB = 1024
NCH = 98
EW = NCH * CB
EP = NW * EW
TSL = NP // NS
PBLK = 640
UBLK = 320

_mesh = plsc.VectorSubcoreMesh(
    core_axis_name="c", subcore_axis_name="s", num_cores=NC, num_subcores=NS)


def _iota16():
    return jnp.arange(L, dtype=jnp.int32)


def _bcast(ref, row):
    return ref[row]


def _edge_pass(first: bool):
    PB = 320 if first else PBLK
    outs = [
        jax.ShapeDtypeStruct((NC * NP,), jnp.float32),
        jax.ShapeDtypeStruct((NP,), jnp.float32),
        jax.ShapeDtypeStruct((NC * NP,), jnp.float32),
    ]
    if first:
        outs.append(jax.ShapeDtypeStruct((NC * NP,), jnp.float32))

    scratch = [
        pltpu.VMEM((N,), jnp.float32),
        pltpu.VMEM((PB,), jnp.float32),
        pltpu.VMEM((PB,), jnp.float32),
        pltpu.VMEM((PB,), jnp.float32),
        pltpu.VMEM((PB,), jnp.float32),
        pltpu.VMEM((PB,), jnp.float32),
        pltpu.VMEM((PB,), jnp.float32),
        pltpu.VMEM((CB,), jnp.int32),
        pltpu.VMEM((CB,), jnp.int32),
        pltpu.VMEM((CB,), jnp.float32),
        pltpu.VMEM((CB,), jnp.float32),
        pltpu.VMEM((CB,), jnp.float32),
        pltpu.VMEM((CB,), jnp.float32),
        pltpu.VMEM((CB,), jnp.int32),
        pltpu.VMEM((CB,), jnp.int32),
        pltpu.VMEM((CB,), jnp.float32),
        pltpu.VMEM((CB,), jnp.float32),
        pltpu.VMEM((CB,), jnp.float32),
        pltpu.VMEM((CB,), jnp.float32),
        pltpu.VMEM((CB,), jnp.float32),
        pltpu.VMEM((15, L), jnp.float32),
        pltpu.VMEM_SHARED((NP,), jnp.float32),
        pltpu.SemaphoreType.DMA,
        pltpu.SemaphoreType.DMA,
        pltpu.SemaphoreType.DMA,
    ]
    if first:
        scratch.append(pltpu.VMEM_SHARED((NP,), jnp.float32))
    if not first:
        scratch.extend([
            pltpu.VMEM((PB,), jnp.float32),
            pltpu.VMEM((PB,), jnp.float32),
            pltpu.VMEM((PB,), jnp.float32),
            pltpu.VMEM((PB,), jnp.float32),
            pltpu.VMEM((PB,), jnp.float32),
        ])

    def body(*refs):
        if first:
            (zT, srcr, dstr, rr0, rr1, rr2, rhr, pp,
             t_out, a_out, s_buf, deg_out,
             s_v, z0, z1, z2, z3, aob, sob,
             src_a, dst_a, r0_a, r1_a, r2_a, rh_a, src_b, dst_b, r0_b, r1_b, r2_b, rh_b,
             mbuf, pv, t_sh, sem_a, sem_b, sem_sc, deg_sh) = refs
        else:
            (zT, a_in, t_in, deg_in, srcr, dstr, rr0, rr1, rr2, rhr, pp,
             t_out, a_out, s_buf,
             s_v, z0, z1, z2, z3, aob, sob,
             src_a, dst_a, r0_a, r1_a, r2_a, rh_a, src_b, dst_b, r0_b, r1_b, r2_b, rh_b,
             mbuf, pv, t_sh, sem_a, sem_b, sem_sc,
             ab, t0b, t1b, g0b, g1b) = refs

        c = lax.axis_index("c")
        s = lax.axis_index("s")
        wid = c * NS + s
        it = _iota16()

        pltpu.sync_copy(pp, pv)

        @pl.loop(0, PB // L)
        def _(i):
            aob[pl.ds(i * L, L)] = jnp.zeros((L,), jnp.float32)

        base_n = s * TSL
        for blk in range(TSL // PB):
            off = base_n + blk * PB
            pltpu.sync_copy(aob, t_sh.at[pl.ds(off, PB)])
            if first:
                pltpu.sync_copy(aob, deg_sh.at[pl.ds(off, PB)])

                @pl.when(c == 0)
                def _(off=off):
                    pltpu.sync_copy(aob, a_out.at[pl.ds(off, PB)])

        ws0, ws1, ws2, ws3, ssum = (pv[5], pv[6], pv[7], pv[8], pv[9])
        if not first:
            wd0, wd1, wd2, wd3, sdum = (pv[10], pv[11], pv[12], pv[13], pv[14])

        @pl.loop(0, TSL // PB)
        def _(blk):
            off = base_n + blk * PB
            loads = [(zT.at[pl.ds(off, PB)], z0),
                     (zT.at[pl.ds(NP + off, PB)], z1),
                     (zT.at[pl.ds(2 * NP + off, PB)], z2),
                     (zT.at[pl.ds(3 * NP + off, PB)], z3)]
            if not first:
                loads += [(a_in.at[pl.ds(off, PB)], ab),
                          (t_in.at[pl.ds(off, PB)], t0b),
                          (t_in.at[pl.ds(NP + off, PB)], t1b),
                          (deg_in.at[pl.ds(off, PB)], g0b),
                          (deg_in.at[pl.ds(NP + off, PB)], g1b)]
            for sref, dref in loads:
                pltpu.async_copy(sref, dref, sem_a)
            for sref, dref in loads:
                pltpu.make_async_copy(sref, dref, sem_a).wait()

            @pl.loop(0, PB // L)
            def _(g):
                o = g * L
                zv0 = z0[pl.ds(o, L)]
                zv1 = z1[pl.ds(o, L)]
                zv2 = z2[pl.ds(o, L)]
                zv3 = z3[pl.ds(o, L)]
                if first:
                    anew = jnp.zeros((L,), jnp.float32)
                else:
                    av = ab[pl.ds(o, L)]
                    dv = (zv0 * wd0 + zv1 * wd1 + zv2 * wd2 + zv3 * wd3
                          + sdum * av)
                    anew = (av + t0b[pl.ds(o, L)] + t1b[pl.ds(o, L)]
                            + (g0b[pl.ds(o, L)] + g1b[pl.ds(o, L)]) * dv)
                    aob[pl.ds(o, L)] = anew
                sob[pl.ds(o, L)] = (zv0 * ws0 + zv1 * ws1 + zv2 * ws2
                                    + zv3 * ws3 + ssum * anew)
            if not first:
                @pl.when(c == 0)
                def _():
                    pltpu.sync_copy(aob, a_out.at[pl.ds(off, PB)])
            pltpu.sync_copy(sob, s_buf.at[pl.ds(c * NP + off, PB)])

        plsc.subcore_barrier()
        pltpu.sync_copy(s_buf.at[pl.ds(c * NP, N)], s_v)

        p0, p1, p2, p3, p4 = pv[0], pv[1], pv[2], pv[3], pv[4]

        def in_slices(ck):
            base = wid * EW + ck * CB
            base_r = jnp.minimum(base, E - CB)
            return (srcr.at[pl.ds(base, CB)],
                    dstr.at[pl.ds(base, CB)],
                    rr0.at[pl.ds(base_r, CB)],
                    rr1.at[pl.ds(base_r, CB)],
                    rr2.at[pl.ds(base_r, CB)],
                    rhr.at[pl.ds(base_r, CB)])

        def issue_loads(ck, bufs, sem):
            for sref, dref in zip(in_slices(ck), bufs):
                pltpu.async_copy(sref, dref, sem)

        def wait_loads(ck, bufs, sem):
            for sref, dref in zip(in_slices(ck), bufs):
                pltpu.make_async_copy(sref, dref, sem).wait()

        def drain_sc(nds):
            for _ in range(nds):
                pltpu.make_async_copy(mbuf, t_sh.at[dst_a], sem_sc).wait()

        def do_chunk(bufs):
            src_v, dst_v, r0_v, r1_v, r2_v, rh_v = bufs

            @pl.loop(0, CB // L)
            def _(g):
                b = g * L
                sidx = src_v[pl.ds(b, L)]
                sval = plsc.load_gather(s_v, [sidx])
                r0 = r0_v[pl.ds(b, L)]
                r1 = r1_v[pl.ds(b, L)]
                r2 = r2_v[pl.ds(b, L)]
                rh = rh_v[pl.ds(b, L)]
                mbuf[pl.ds(b, L)] = (
                    sval + r0 * p0 + r1 * p1 + r2 * p2 + rh * p3 + p4)
            pltpu.async_copy(mbuf, t_sh.at[dst_v], sem_sc, add=True)
            drain_sc(1)
            if first:
                ones = jnp.ones((L,), jnp.float32)

                @pl.loop(0, CB // L)
                def _(g):
                    mbuf[pl.ds(g * L, L)] = ones
                pltpu.async_copy(mbuf, deg_sh.at[dst_v], sem_sc, add=True)
                drain_sc(1)

        bufs_a = (src_a, dst_a, r0_a, r1_a, r2_a, rh_a)
        bufs_b = (src_b, dst_b, r0_b, r1_b, r2_b, rh_b)

        issue_loads(0, bufs_a, sem_a)

        @pl.loop(0, NCH // 2)
        def _(half):
            k = half * 2
            issue_loads(k + 1, bufs_b, sem_b)
            wait_loads(k, bufs_a, sem_a)
            do_chunk(bufs_a)

            @pl.when(k + 2 < NCH)
            def _():
                issue_loads(k + 2, bufs_a, sem_a)
            wait_loads(k + 1, bufs_b, sem_b)
            do_chunk(bufs_b)

        plsc.subcore_barrier()

        sl = pl.ds(base_n, TSL)
        osl = pl.ds(c * NP + base_n, TSL)
        pltpu.sync_copy(t_sh.at[sl], t_out.at[osl])

        if first:
            pltpu.sync_copy(deg_sh.at[sl], deg_out.at[osl])

    return pl.kernel(body, out_type=tuple(outs), mesh=_mesh,
                     scratch_types=scratch,
                     compiler_params=pltpu.CompilerParams(
                         needs_layout_passes=False))


def _finalize():
    scratch = [
        pltpu.VMEM((4 * UBLK,), jnp.float32),
        pltpu.VMEM((UBLK,), jnp.float32),
        pltpu.VMEM((UBLK,), jnp.float32),
        pltpu.VMEM((UBLK,), jnp.float32),
        pltpu.VMEM((UBLK,), jnp.float32),
        pltpu.VMEM((UBLK,), jnp.float32),
        pltpu.VMEM((UBLK,), jnp.float32),
        pltpu.VMEM((4 * UBLK,), jnp.float32),
        pltpu.VMEM((15, L), jnp.float32),
    ]

    def body(zf, a_in, t_in, deg_in, pp, x_out,
             zb, ab, t0b, t1b, g0b, g1b, a3b, xb, pv):
        c = lax.axis_index("c")
        s = lax.axis_index("s")
        wid = c * NS + s
        it = _iota16()
        pltpu.sync_copy(pp, pv)
        wd0, wd1, wd2, wd3, sdum = (pv[10], pv[11], pv[12], pv[13], pv[14])
        base_n = wid * (NP // NW)

        @pl.loop(0, NP // NW // UBLK)
        def _(blk):
            off = base_n + blk * UBLK
            pltpu.sync_copy(zf.at[pl.ds(4 * off, 4 * UBLK)], zb)
            pltpu.sync_copy(a_in.at[pl.ds(off, UBLK)], ab)
            pltpu.sync_copy(t_in.at[pl.ds(off, UBLK)], t0b)
            pltpu.sync_copy(t_in.at[pl.ds(NP + off, UBLK)], t1b)
            pltpu.sync_copy(deg_in.at[pl.ds(off, UBLK)], g0b)
            pltpu.sync_copy(deg_in.at[pl.ds(NP + off, UBLK)], g1b)
            @pl.loop(0, UBLK // L)
            def _(g):
                o = g * L
                zi = (it + o) * 4
                zv0 = plsc.load_gather(zb, [zi])
                zv1 = plsc.load_gather(zb, [zi + 1])
                zv2 = plsc.load_gather(zb, [zi + 2])
                zv3 = plsc.load_gather(zb, [zi + 3])
                av = ab[pl.ds(o, L)]
                dv = (zv0 * wd0 + zv1 * wd1 + zv2 * wd2 + zv3 * wd3
                      + sdum * av)
                a3b[pl.ds(o, L)] = (av + t0b[pl.ds(o, L)] + t1b[pl.ds(o, L)]
                                    + (g0b[pl.ds(o, L)] + g1b[pl.ds(o, L)])
                                    * dv)
            @pl.loop(0, UBLK // L)
            def _(g):
                for q in range(4):
                    p = g * 64 + q * L
                    ai = g * L + (q * 4) + (it >> 2)
                    av = plsc.load_gather(a3b, [ai])
                    xb[pl.ds(p, L)] = zb[pl.ds(p, L)] + av
            pltpu.sync_copy(xb, x_out.at[pl.ds(4 * off, 4 * UBLK)])

    return pl.kernel(
        body, out_type=jax.ShapeDtypeStruct((NP * 4,), jnp.float32),
        mesh=_mesh, scratch_types=scratch,
        compiler_params=pltpu.CompilerParams(needs_layout_passes=False))


def kernel(z, src, dst, r, r_hat, W, b):
    f32 = jnp.float32
    pad = EP - E
    pidx = jnp.arange(pad, dtype=jnp.int32) % 2048
    srcp = jnp.concatenate([src.astype(jnp.int32), pidx])
    dstp = jnp.concatenate([dst.astype(jnp.int32), pidx + N])
    rc0 = r[:, 0].astype(f32)
    rc1 = r[:, 1].astype(f32)
    rc2 = r[:, 2].astype(f32)
    rhf = r_hat[:, 0].astype(f32)
    zT = jnp.zeros((4, NP), f32).at[:, :N].set(z.astype(f32).T).reshape(-1)
    zf = jnp.zeros((NP, 4), f32).at[:N].set(z.astype(f32)).reshape(-1)

    Wf = W.astype(f32)
    bf = b.astype(f32)

    def params_for(i, iprev):
        rows = [Wf[i, 8, 0], Wf[i, 9, 0], Wf[i, 10, 0], Wf[i, 11, 0],
                bf[i, 0],
                Wf[i, 0, 0], Wf[i, 1, 0], Wf[i, 2, 0], Wf[i, 3, 0],
                jnp.sum(Wf[i, 0:4, 0])]
        if iprev is None:
            rows += [jnp.zeros(()), jnp.zeros(()), jnp.zeros(()),
                     jnp.zeros(()), jnp.zeros(())]
        else:
            rows += [Wf[iprev, 4, 0], Wf[iprev, 5, 0], Wf[iprev, 6, 0],
                     Wf[iprev, 7, 0], jnp.sum(Wf[iprev, 4:8, 0])]
        return jnp.broadcast_to(jnp.stack(rows)[:, None], (15, L))

    e_first = _edge_pass(True)
    e_next = _edge_pass(False)
    fin = _finalize()

    t0p, a0, _sb0, degp = e_first(zT, srcp, dstp, rc0, rc1, rc2, rhf,
                                  params_for(0, None))
    t1p, a1, _sb1 = e_next(zT, a0, t0p, degp, srcp, dstp, rc0, rc1, rc2,
                           rhf, params_for(1, 0))
    t2p, a2, _sb2 = e_next(zT, a1, t1p, degp, srcp, dstp, rc0, rc1, rc2,
                           rhf, params_for(2, 1))
    xf = fin(zf, a2, t2p, degp, params_for(0, 2))
    return xf.reshape(NP, 4)[:N]

# --- scband reference (transcript-rebuilt; emitter-appended) ---
"""Pipeline reference for scband-interaction-layer-76897094467615 (READ-ONLY COPY).

The authoritative reference and input builder live on the scoring server;
editing this copy changes nothing except your own understanding.
"""

import jax, jax.numpy as jnp
import numpy as np

N_NODES = 100000
N_EDGES = 3200000
N_INTERACTION = 3

def setup_inputs(seed: int = 0) -> dict:
    key = jax.random.key(seed)
    ks = jax.random.split(key, 7)
    z = jax.random.normal(ks[0], (N_NODES, 4), dtype=jnp.float32)
    src = jax.random.randint(ks[1], (N_EDGES,), 0, N_NODES, dtype=jnp.int64 if jax.config.jax_enable_x64 else jnp.int32).astype(jnp.int32)
    dst = jax.random.randint(ks[2], (N_EDGES,), 0, N_NODES, dtype=jnp.int64 if jax.config.jax_enable_x64 else jnp.int32).astype(jnp.int32)
    r = jax.random.normal(ks[3], (N_EDGES, 3), dtype=jnp.float32)
    r_hat = jax.random.normal(ks[4], (N_EDGES, 1), dtype=jnp.float32)
    # Learned params: n_interaction Linear(12, 1) layers, stacked.
    W = jax.random.normal(ks[5], (N_INTERACTION, 12, 1), dtype=jnp.float32) * (1.0 / np.sqrt(12.0))
    b = jnp.zeros((N_INTERACTION, 1), dtype=jnp.float32)
    return {"z": z, "src": src, "dst": dst, "r": r, "r_hat": r_hat, "W": W, "b": b}

def reference(z, src, dst, r, r_hat, W, b):
    # InteractionLayer: for each of n_interaction Linear(12,1) layers,
    # gather source/dest node embeddings, concat with edge attrs r, r_hat,
    # compute per-edge message, scatter-add into destination nodes (residual).
    x = z
    n_nodes = z.shape[0]
    for i in range(W.shape[0]):
        z_src = jnp.take(x, src, axis=0)            # gather [E, 4]
        z_dst = jnp.take(x, dst, axis=0)            # gather [E, 4]
        inpt = jnp.concatenate([z_src, z_dst, r, r_hat], axis=1)  # [E, 12]
        m = inpt @ W[i] + b[i]                      # [E, 1]
        agg = jax.ops.segment_sum(m, dst, num_segments=n_nodes)   # scatter-add [N, 1]
        x = x + agg                                  # broadcast residual update
    return x

if __name__ == "__main__":
    import jax
    _d = setup_inputs()
    print(jax.jit(kernel)(*tuple(_d.values())))

</pallas_src>

<mosaic_0001>
#map = affine_map<(d0, d1) -> (0)>
#map1 = affine_map<(d0, d1) -> (0, 0)>
module attributes {stable_mosaic.version = 14 : i64} {
  func.func @body(%arg0: i32, %arg1: i32, %arg2: memref<409600xf32, #tpu.memory_space<hbm>>, %arg3: memref<3211264xi32, #tpu.memory_space<hbm>>, %arg4: memref<3211264xi32, #tpu.memory_space<hbm>>, %arg5: memref<3200000xf32, #tpu.memory_space<hbm>>, %arg6: memref<3200000xf32, #tpu.memory_space<hbm>>, %arg7: memref<3200000xf32, #tpu.memory_space<hbm>>, %arg8: memref<3200000xf32, #tpu.memory_space<hbm>>, %arg9: memref<15x16xf32, #tpu.memory_space<hbm>>, %arg10: memref<204800xf32, #tpu.memory_space<hbm>>, %arg11: memref<102400xf32, #tpu.memory_space<hbm>>, %arg12: memref<204800xf32, #tpu.memory_space<hbm>>, %arg13: memref<204800xf32, #tpu.memory_space<hbm>>, %arg14: memref<100000xf32, #tpu.memory_space<vmem>>, %arg15: memref<320xf32, #tpu.memory_space<vmem>>, %arg16: memref<320xf32, #tpu.memory_space<vmem>>, %arg17: memref<320xf32, #tpu.memory_space<vmem>>, %arg18: memref<320xf32, #tpu.memory_space<vmem>>, %arg19: memref<320xf32, #tpu.memory_space<vmem>>, %arg20: memref<320xf32, #tpu.memory_space<vmem>>, %arg21: memref<1024xi32, #tpu.memory_space<vmem>>, %arg22: memref<1024xi32, #tpu.memory_space<vmem>>, %arg23: memref<1024xf32, #tpu.memory_space<vmem>>, %arg24: memref<1024xf32, #tpu.memory_space<vmem>>, %arg25: memref<1024xf32, #tpu.memory_space<vmem>>, %arg26: memref<1024xf32, #tpu.memory_space<vmem>>, %arg27: memref<1024xi32, #tpu.memory_space<vmem>>, %arg28: memref<1024xi32, #tpu.memory_space<vmem>>, %arg29: memref<1024xf32, #tpu.memory_space<vmem>>, %arg30: memref<1024xf32, #tpu.memory_space<vmem>>, %arg31: memref<1024xf32, #tpu.memory_space<vmem>>, %arg32: memref<1024xf32, #tpu.memory_space<vmem>>, %arg33: memref<1024xf32, #tpu.memory_space<vmem>>, %arg34: memref<15x16xf32, #tpu.memory_space<vmem>>, %arg35: memref<102400xf32, #tpu.memory_space<vmem_shared>>, %arg36: memref<!tpu.dma_semaphore, #tpu.memory_space<semaphore_mem>>, %arg37: memref<!tpu.dma_semaphore, #tpu.memory_space<semaphore_mem>>, %arg38: memref<!tpu.dma_semaphore, #tpu.memory_space<semaphore_mem>>, %arg39: memref<102400xf32, #tpu.memory_space<vmem_shared>>) attributes {dimension_semantics = [#tpu.dimension_semantics<core_parallel>, #tpu.dimension_semantics<subcore_parallel>], iteration_bounds = array<i64: 2, 16>, scalar_prefetch = 0 : i64, scratch_operands = 26 : i64, tpu.core_type = #tpu.core_type<sc_vector_subcore>, window_params = [{transform_indices = #map}, {transform_indices = #map}, {transform_indices = #map}, {transform_indices = #map}, {transform_indices = #map}, {transform_indices = #map}, {transform_indices = #map}, {transform_indices = #map1}, {transform_indices = #map}, {transform_indices = #map}, {transform_indices = #map}, {transform_indices = #map}]} {
    %mul3A = arith.constant 16 : i32
    %mul3A_0 = arith.muli %arg0, %mul3A : i32
    %add3A = arith.addi %mul3A_0, %arg1 : i32
    %iota3A = tpu.iota {dimensions = array<i32: 0>} : vector<16xi32>
    "tpu.region"() ({
      %run_scoped3A = tpu.sem_alloc : memref<!tpu.dma_semaphore, #tpu.memory_space<semaphore_mem>>
      tpu.enqueue_dma source(%arg9 : memref<15x16xf32, #tpu.memory_space<hbm>>) target(%arg34 : memref<15x16xf32, #tpu.memory_space<vmem>>) target_semaphore(%run_scoped3A : memref<!tpu.dma_semaphore, #tpu.memory_space<semaphore_mem>>)
      tpu.wait_dma2 semaphore(%run_scoped3A : memref<!tpu.dma_semaphore, #tpu.memory_space<semaphore_mem>>) src(%arg9 : memref<15x16xf32, #tpu.memory_space<hbm>>) dst(%arg34 : memref<15x16xf32, #tpu.memory_space<vmem>>)
      tpu.yield
    }) : () -> ()
    %scan3A = arith.constant 0 : i32
    %scan3A_1 = arith.constant 20 : i32
    %scan3A_2 = arith.addi %scan3A, %scan3A_1 : i32
    %scan3A_3 = arith.constant 1 : i32
    scf.for %scan3A_215 = %scan3A to %scan3A_2 step %scan3A_3  : i32 {
      %mul3A_216 = arith.constant 1 : i32
      %mul3A_217 = arith.muli %scan3A_215, %mul3A_216 : i32
      %add3A_218 = arith.constant 0 : i32
      %add3A_219 = arith.addi %add3A_218, %mul3A_217 : i32
      %broadcast_in_dim3A = arith.constant 0.000000e+00 : f32
      %broadcast_in_dim3A_220 = vector.broadcast %broadcast_in_dim3A : f32 to vector<16xf32>
      %mul3A_221 = arith.constant 16 : i32
      %mul3A_222 = arith.muli %add3A_219, %mul3A_221 : i32
      %swap3A = arith.index_cast %mul3A_222 : i32 to index
      %swap3A_223 = tpu.vector_load %arg19[%swap3A] {strides = array<i32>} : memref<320xf32, #tpu.memory_space<vmem>>, vector<16xf32>,
      tpu.vector_store %arg19[%swap3A], %broadcast_in_dim3A_220 {strides = array<i32>} : memref<320xf32, #tpu.memory_space<vmem>>, vector<16xf32>,
    }
    %scan3A_4 = arith.constant 20 : i32
    %mul3A_5 = arith.constant 6400 : i32
    %mul3A_6 = arith.muli %arg1, %mul3A_5 : i32
    %add3A_7 = arith.constant 0 : i32
    %add3A_8 = arith.addi %mul3A_6, %add3A_7 : i32
    "tpu.region"() ({
      %run_scoped3A = tpu.sem_alloc : memref<!tpu.dma_semaphore, #tpu.memory_space<semaphore_mem>>
      %dma_start3A_215 = tpu.memref_slice %arg35[%add3A_8] : memref<102400xf32, #tpu.memory_space<vmem_shared>> -> memref<320xf32, #tpu.memory_space<vmem_shared>>
      %dma_start3A_216 = tpu.memref_slice %arg35[%add3A_8] : memref<102400xf32, #tpu.memory_space<vmem_shared>> -> memref<320xf32, #tpu.memory_space<vmem_shared>>
      tpu.enqueue_dma source(%arg19 : memref<320xf32, #tpu.memory_space<vmem>>) target(%dma_start3A_216 : memref<320xf32, #tpu.memory_space<vmem_shared>>) target_semaphore(%run_scoped3A : memref<!tpu.dma_semaphore, #tpu.memory_space<semaphore_mem>>)
      %dma_wait3A = tpu.memref_slice %arg35[%add3A_8] : memref<102400xf32, #tpu.memory_space<vmem_shared>> -> memref<320xf32, #tpu.memory_space<vmem_shared>>
      %dma_wait3A_217 = tpu.memref_slice %arg35[%add3A_8] : memref<102400xf32, #tpu.memory_space<vmem_shared>> -> memref<320xf32, #tpu.memory_space<vmem_shared>>
      tpu.wait_dma2 semaphore(%run_scoped3A : memref<!tpu.dma_semaphore, #tpu.memory_space<semaphore_mem>>) src(%arg19 : memref<320xf32, #tpu.memory_space<vmem>>) dst(%dma_wait3A_217 : memref<320xf32, #tpu.memory_space<vmem_shared>>)
      tpu.yield
    }) : () -> ()
    "tpu.region"() ({
      %run_scoped3A = tpu.sem_alloc : memref<!tpu.dma_semaphore, #tpu.memory_space<semaphore_mem>>
      %dma_start3A_215 = tpu.memref_slice %arg39[%add3A_8] : memref<102400xf32, #tpu.memory_space<vmem_shared>> -> memref<320xf32, #tpu.memory_space<vmem_shared>>
      %dma_start3A_216 = tpu.memref_slice %arg39[%add3A_8] : memref<102400xf32, #tpu.memory_space<vmem_shared>> -> memref<320xf32, #tpu.memory_space<vmem_shared>>
      tpu.enqueue_dma source(%arg19 : memref<320xf32, #tpu.memory_space<vmem>>) target(%dma_start3A_216 : memref<320xf32, #tpu.memory_space<vmem_shared>>) target_semaphore(%run_scoped3A : memref<!tpu.dma_semaphore, #tpu.memory_space<semaphore_mem>>)
      %dma_wait3A = tpu.memref_slice %arg39[%add3A_8] : memref<102400xf32, #tpu.memory_space<vmem_shared>> -> memref<320xf32, #tpu.memory_space<vmem_shared>>
      %dma_wait3A_217 = tpu.memref_slice %arg39[%add3A_8] : memref<102400xf32, #tpu.memory_space<vmem_shared>> -> memref<320xf32, #tpu.memory_space<vmem_shared>>
      tpu.wait_dma2 semaphore(%run_scoped3A : memref<!tpu.dma_semaphore, #tpu.memory_space<semaphore_mem>>) src(%arg19 : memref<320xf32, #tpu.memory_space<vmem>>) dst(%dma_wait3A_217 : memref<320xf32, #tpu.memory_space<vmem_shared>>)
      tpu.yield
    }) : () -> ()
    %eq3A = arith.constant 0 : i32
    %eq3A_9 = arith.cmpi eq, %arg0, %eq3A : i32
    %convert_element_type3A = arith.extui %eq3A_9 : i1 to i32
    %cond3A = arith.constant 0 : i32
    %cond3A_10 = arith.cmpi ne, %convert_element_type3A, %cond3A : i32
    scf.if %cond3A_10 {
      "tpu.region"() ({
        %run_scoped3A = tpu.sem_alloc : memref<!tpu.dma_semaphore, #tpu.memory_space<semaphore_mem>>
        %dma_start3A_215 = tpu.memref_slice %arg11[%add3A_8] : memref<102400xf32, #tpu.memory_space<hbm>> -> memref<320xf32, #tpu.memory_space<hbm>>
        %dma_start3A_216 = tpu.memref_slice %arg11[%add3A_8] : memref<102400xf32, #tpu.memory_space<hbm>> -> memref<320xf32, #tpu.memory_space<hbm>>
        tpu.enqueue_dma source(%arg19 : memref<320xf32, #tpu.memory_space<vmem>>) target(%dma_start3A_216 : memref<320xf32, #tpu.memory_space<hbm>>) target_semaphore(%run_scoped3A : memref<!tpu.dma_semaphore, #tpu.memory_space<semaphore_mem>>)
        %dma_wait3A = tpu.memref_slice %arg11[%add3A_8] : memref<102400xf32, #tpu.memory_space<hbm>> -> memref<320xf32, #tpu.memory_space<hbm>>
        %dma_wait3A_217 = tpu.memref_slice %arg11[%add3A_8] : memref<102400xf32, #tpu.memory_space<hbm>> -> memref<320xf32, #tpu.memory_space<hbm>>
        tpu.wait_dma2 semaphore(%run_scoped3A : memref<!tpu.dma_semaphore, #tpu.memory_space<semaphore_mem>>) src(%arg19 : memref<320xf32, #tpu.memory_space<vmem>>) dst(%dma_wait3A_217 : memref<320xf32, #tpu.memory_space<hbm>>)
        tpu.yield
      }) : () -> ()
    } else {
    }
    %add3A_11 = arith.constant 320 : i32
    %add3A_12 = arith.addi %mul3A_6, %add3A_11 : i32
    "tpu.region"() ({
      %run_scoped3A = tpu.sem_alloc : memref<!tpu.dma_semaphore, #tpu.memory_space<semaphore_mem>>
      %dma_start3A_215 = tpu.memref_slice %arg35[%add3A_12] : memref<102400xf32, #tpu.memory_space<vmem_shared>> -> memref<320xf32, #tpu.memory_space<vmem_shared>>
      %dma_start3A_216 = tpu.memref_slice %arg35[%add3A_12] : memref<102400xf32, #tpu.memory_space<vmem_shared>> -> memref<320xf32, #tpu.memory_space<vmem_shared>>
      tpu.enqueue_dma source(%arg19 : memref<320xf32, #tpu.memory_space<vmem>>) target(%dma_start3A_216 : memref<320xf32, #tpu.memory_space<vmem_shared>>) target_semaphore(%run_scoped3A : memref<!tpu.dma_semaphore, #tpu.memory_space<semaphore_mem>>)
      %dma_wait3A = tpu.memref_slice %arg35[%add3A_12] : memref<102400xf32, #tpu.memory_space<vmem_shared>> -> memref<320xf32, #tpu.memory_space<vmem_shared>>
      %dma_wait3A_217 = tpu.memref_slice %arg35[%add3A_12] : memref<102400xf32, #tpu.memory_space<vmem_shared>> -> memref<320xf32, #tpu.memory_space<vmem_shared>>
      tpu.wait_dma2 semaphore(%run_scoped3A : memref<!tpu.dma_semaphore, #tpu.memory_space<semaphore_mem>>) src(%arg19 : memref<320xf32, #tpu.memory_space<vmem>>) dst(%dma_wait3A_217 : memref<320xf32, #tpu.memory_space<vmem_shared>>)
      tpu.yield
    }) : () -> ()
    "tpu.region"() ({
      %run_scoped3A = tpu.sem_alloc : memref<!tpu.dma_semaphore, #tpu.memory_space<semaphore_mem>>
      %dma_start3A_215 = tpu.memref_slice %arg39[%add3A_12] : memref<102400xf32, #tpu.memory_space<vmem_shared>> -> memref<320xf32, #tpu.memory_space<vmem_shared>>
      %dma_start3A_216 = tpu.memref_slice %arg39[%add3A_12] : memref<102400xf32, #tpu.memory_space<vmem_shared>> -> memref<320xf32, #tpu.memory_space<vmem_shared>>
      tpu.enqueue_dma source(%arg19 : memref<320xf32, #tpu.memory_space<vmem>>) target(%dma_start3A_216 : memref<320xf32, #tpu.memory_space<vmem_shared>>) target_semaphore(%run_scoped3A : memref<!tpu.dma_semaphore, #tpu.memory_space<semaphore_mem>>)
      %dma_wait3A = tpu.memref_slice %arg39[%add3A_12] : memref<102400xf32, #tpu.memory_space<vmem_shared>> -> memref<320xf32, #tpu.memory_space<vmem_shared>>
      %dma_wait3A_217 = tpu.memref_slice %arg39[%add3A_12] : memref<102400xf32, #tpu.memory_space<vmem_shared>> -> memref<320xf32, #tpu.memory_space<vmem_shared>>
      tpu.wait_dma2 semaphore(%run_scoped3A : memref<!tpu.dma_semaphore, #tpu.memory_space<semaphore_mem>>) src(%arg19 : memref<320xf32, #tpu.memory_space<vmem>>) dst(%dma_wait3A_217 : memref<320xf32, #tpu.memory_space<vmem_shared>>)
      tpu.yield
    }) : () -> ()
    %eq3A_13 = arith.constant 0 : i32
    %eq3A_14 = arith.cmpi eq, %arg0, %eq3A_13 : i32
    %convert_element_type3A_15 = arith.extui %eq3A_14 : i1 to i32
    %cond3A_16 = arith.constant 0 : i32
    %cond3A_17 = arith.cmpi ne, %convert_element_type3A_15, %cond3A_16 : i32
    scf.if %cond3A_17 {
      "tpu.region"() ({
        %run_scoped3A = tpu.sem_alloc : memref<!tpu.dma_semaphore, #tpu.memory_space<semaphore_mem>>
        %dma_start3A_215 = tpu.memref_slice %arg11[%add3A_12] : memref<102400xf32, #tpu.memory_space<hbm>> -> memref<320xf32, #tpu.memory_space<hbm>>
        %dma_start3A_216 = tpu.memref_slice %arg11[%add3A_12] : memref<102400xf32, #tpu.memory_space<hbm>> -> memref<320xf32, #tpu.memory_space<hbm>>
        tpu.enqueue_dma source(%arg19 : memref<320xf32, #tpu.memory_space<vmem>>) target(%dma_start3A_216 : memref<320xf32, #tpu.memory_space<hbm>>) target_semaphore(%run_scoped3A : memref<!tpu.dma_semaphore, #tpu.memory_space<semaphore_mem>>)
        %dma_wait3A = tpu.memref_slice %arg11[%add3A_12] : memref<102400xf32, #tpu.memory_space<hbm>> -> memref<320xf32, #tpu.memory_space<hbm>>
        %dma_wait3A_217 = tpu.memref_slice %arg11[%add3A_12] : memref<102400xf32, #tpu.memory_space<hbm>> -> memref<320xf32, #tpu.memory_space<hbm>>
        tpu.wait_dma2 semaphore(%run_scoped3A : memref<!tpu.dma_semaphore, #tpu.memory_space<semaphore_mem>>) src(%arg19 : memref<320xf32, #tpu.memory_space<vmem>>) dst(%dma_wait3A_217 : memref<320xf32, #tpu.memory_space<hbm>>)
        tpu.yield
      }) : () -> ()
    } else {
    }
    %add3A_18 = arith.constant 640 : i32
    %add3A_19 = arith.addi %mul3A_6, %add3A_18 : i32
    "tpu.region"() ({
      %run_scoped3A = tpu.sem_alloc : memref<!tpu.dma_semaphore, #tpu.memory_space<semaphore_mem>>
      %dma_start3A_215 = tpu.memref_slice %arg35[%add3A_19] : memref<102400xf32, #tpu.memory_space<vmem_shared>> -> memref<320xf32, #tpu.memory_space<vmem_shared>>
      %dma_start3A_216 = tpu.memref_slice %arg35[%add3A_19] : memref<102400xf32, #tpu.memory_space<vmem_shared>> -> memref<320xf32, #tpu.memory_space<vmem_shared>>
      tpu.enqueue_dma source(%arg19 : memref<320xf32, #tpu.memory_space<vmem>>) target(%dma_start3A_216 : memref<320xf32, #tpu.memory_space<vmem_shared>>) target_semaphore(%run_scoped3A : memref<!tpu.dma_semaphore, #tpu.memory_space<semaphore_mem>>)
      %dma_wait3A = tpu.memref_slice %arg35[%add3A_19] : memref<102400xf32, #tpu.memory_space<vmem_shared>> -> memref<320xf32, #tpu.memory_space<vmem_shared>>
      %dma_wait3A_217 = tpu.memref_slice %arg35[%add3A_19] : memref<102400xf32, #tpu.memory_space<vmem_shared>> -> memref<320xf32, #tpu.memory_space<vmem_shared>>
      tpu.wait_dma2 semaphore(%run_scoped3A : memref<!tpu.dma_semaphore, #tpu.memory_space<semaphore_mem>>) src(%arg19 : memref<320xf32, #tpu.memory_space<vmem>>) dst(%dma_wait3A_217 : memref<320xf32, #tpu.memory_space<vmem_shared>>)
      tpu.yield
    }) : () -> ()
    "tpu.region"() ({
      %run_scoped3A = tpu.sem_alloc : memref<!tpu.dma_semaphore, #tpu.memory_space<semaphore_mem>>
      %dma_start3A_215 = tpu.memref_slice %arg39[%add3A_19] : memref<102400xf32, #tpu.memory_space<vmem_shared>> -> memref<320xf32, #tpu.memory_space<vmem_shared>>
      %dma_start3A_216 = tpu.memref_slice %arg39[%add3A_19] : memref<102400xf32, #tpu.memory_space<vmem_shared>> -> memref<320xf32, #tpu.memory_space<vmem_shared>>
      tpu.enqueue_dma source(%arg19 : memref<320xf32, #tpu.memory_space<vmem>>) target(%dma_start3A_216 : memref<320xf32, #tpu.memory_space<vmem_shared>>) target_semaphore(%run_scoped3A : memref<!tpu.dma_semaphore, #tpu.memory_space<semaphore_mem>>)
      %dma_wait3A = tpu.memref_slice %arg39[%add3A_19] : memref<102400xf32, #tpu.memory_space<vmem_shared>> -> memref<320xf32, #tpu.memory_space<vmem_shared>>
      %dma_wait3A_217 = tpu.memref_slice %arg39[%add3A_19] : memref<102400xf32, #tpu.memory_space<vmem_shared>> -> memref<320xf32, #tpu.memory_space<vmem_shared>>
      tpu.wait_dma2 semaphore(%run_scoped3A : memref<!tpu.dma_semaphore, #tpu.memory_space<semaphore_mem>>) src(%arg19 : memref<320xf32, #tpu.memory_space<vmem>>) dst(%dma_wait3A_217 : memref<320xf32, #tpu.memory_space<vmem_shared>>)
      tpu.yield
    }) : () -> ()
    %eq3A_20 = arith.constant 0 : i32
    %eq3A_21 = arith.cmpi eq, %arg0, %eq3A_20 : i32
    %convert_element_type3A_22 = arith.extui %eq3A_21 : i1 to i32
    %cond3A_23 = arith.constant 0 : i32
    %cond3A_24 = arith.cmpi ne, %convert_element_type3A_22, %cond3A_23 : i32
    scf.if %cond3A_24 {
      "tpu.region"() ({
        %run_scoped3A = tpu.sem_alloc : memref<!tpu.dma_semaphore, #tpu.memory_space<semaphore_mem>>
        %dma_start3A_215 = tpu.memref_slice %arg11[%add3A_19] : memref<102400xf32, #tpu.memory_space<hbm>> -> memref<320xf32, #tpu.memory_space<hbm>>
        %dma_start3A_216 = tpu.memref_slice %arg11[%add3A_19] : memref<102400xf32, #tpu.memory_space<hbm>> -> memref<320xf32, #tpu.memory_space<hbm>>
        tpu.enqueue_dma source(%arg19 : memref<320xf32, #tpu.memory_space<vmem>>) target(%dma_start3A_216 : memref<320xf32, #tpu.memory_space<hbm>>) target_semaphore(%run_scoped3A : memref<!tpu.dma_semaphore, #tpu.memory_space<semaphore_mem>>)
        %dma_wait3A = tpu.memref_slice %arg11[%add3A_19] : memref<102400xf32, #tpu.memory_space<hbm>> -> memref<320xf32, #tpu.memory_space<hbm>>
        %dma_wait3A_217 = tpu.memref_slice %arg11[%add3A_19] : memref<102400xf32, #tpu.memory_space<hbm>> -> memref<320xf32, #tpu.memory_space<hbm>>
        tpu.wait_dma2 semaphore(%run_scoped3A : memref<!tpu.dma_semaphore, #tpu.memory_space<semaphore_mem>>) src(%arg19 : memref<320xf32, #tpu.memory_space<vmem>>) dst(%dma_wait3A_217 : memref<320xf32, #tpu.memory_space<hbm>>)
        tpu.yield
      }) : () -> ()
    } else {
    }
    %add3A_25 = arith.constant 960 : i32
    %add3A_26 = arith.addi %mul3A_6, %add3A_25 : i32
    "tpu.region"() ({
      %run_scoped3A = tpu.sem_alloc : memref<!tpu.dma_semaphore, #tpu.memory_space<semaphore_mem>>
      %dma_start3A_215 = tpu.memref_slice %arg35[%add3A_26] : memref<102400xf32, #tpu.memory_space<vmem_shared>> -> memref<320xf32, #tpu.memory_space<vmem_shared>>
      %dma_start3A_216 = tpu.memref_slice %arg35[%add3A_26] : memref<102400xf32, #tpu.memory_space<vmem_shared>> -> memref<320xf32, #tpu.memory_space<vmem_shared>>
      tpu.enqueue_dma source(%arg19 : memref<320xf32, #tpu.memory_space<vmem>>) target(%dma_start3A_216 : memref<320xf32, #tpu.memory_space<vmem_shared>>) target_semaphore(%run_scoped3A : memref<!tpu.dma_semaphore, #tpu.memory_space<semaphore_mem>>)
      %dma_wait3A = tpu.memref_slice %arg35[%add3A_26] : memref<102400xf32, #tpu.memory_space<vmem_shared>> -> memref<320xf32, #tpu.memory_space<vmem_shared>>
      %dma_wait3A_217 = tpu.memref_slice %arg35[%add3A_26] : memref<102400xf32, #tpu.memory_space<vmem_shared>> -> memref<320xf32, #tpu.memory_space<vmem_shared>>
      tpu.wait_dma2 semaphore(%run_scoped3A : memref<!tpu.dma_semaphore, #tpu.memory_space<semaphore_mem>>) src(%arg19 : memref<320xf32, #tpu.memory_space<vmem>>) dst(%dma_wait3A_217 : memref<320xf32, #tpu.memory_space<vmem_shared>>)
      tpu.yield
    }) : () -> ()
    "tpu.region"() ({
      %run_scoped3A = tpu.sem_alloc : memref<!tpu.dma_semaphore, #tpu.memory_space<semaphore_mem>>
      %dma_start3A_215 = tpu.memref_slice %arg39[%add3A_26] : memref<102400xf32, #tpu.memory_space<vmem_shared>> -> memref<320xf32, #tpu.memory_space<vmem_shared>>
      %dma_start3A_216 = tpu.memref_slice %arg39[%add3A_26] : memref<102400xf32, #tpu.memory_space<vmem_shared>> -> memref<320xf32, #tpu.memory_space<vmem_shared>>
      tpu.enqueue_dma source(%arg19 : memref<320xf32, #tpu.memory_space<vmem>>) target(%dma_start3A_216 : memref<320xf32, #tpu.memory_space<vmem_shared>>) target_semaphore(%run_scoped3A : memref<!tpu.dma_semaphore, #tpu.memory_space<semaphore_mem>>)
      %dma_wait3A = tpu.memref_slice %arg39[%add3A_26] : memref<102400xf32, #tpu.memory_space<vmem_shared>> -> memref<320xf32, #tpu.memory_space<vmem_shared>>
      %dma_wait3A_217 = tpu.memref_slice %arg39[%add3A_26] : memref<102400xf32, #tpu.memory_space<vmem_shared>> -> memref<320xf32, #tpu.memory_space<vmem_shared>>
      tpu.wait_dma2 semaphore(%run_scoped3A : memref<!tpu.dma_semaphore, #tpu.memory_space<semaphore_mem>>) src(%arg19 : memref<320xf32, #tpu.memory_space<vmem>>) dst(%dma_wait3A_217 : memref<320xf32, #tpu.memory_space<vmem_shared>>)
      tpu.yield
    }) : () -> ()
    %eq3A_27 = arith.constant 0 : i32
    %eq3A_28 = arith.cmpi eq, %arg0, %eq3A_27 : i32
    %convert_element_type3A_29 = arith.extui %eq3A_28 : i1 to i32
    %cond3A_30 = arith.constant 0 : i32
    %cond3A_31 = arith.cmpi ne, %convert_element_type3A_29, %cond3A_30 : i32
    scf.if %cond3A_31 {
      "tpu.region"() ({
        %run_scoped3A = tpu.sem_alloc : memref<!tpu.dma_semaphore, #tpu.memory_space<semaphore_mem>>
        %dma_start3A_215 = tpu.memref_slice %arg11[%add3A_26] : memref<102400xf32, #tpu.memory_space<hbm>> -> memref<320xf32, #tpu.memory_space<hbm>>
        %dma_start3A_216 = tpu.memref_slice %arg11[%add3A_26] : memref<102400xf32, #tpu.memory_space<hbm>> -> memref<320xf32, #tpu.memory_space<hbm>>
        tpu.enqueue_dma source(%arg19 : memref<320xf32, #tpu.memory_space<vmem>>) target(%dma_start3A_216 : memref<320xf32, #tpu.memory_space<hbm>>) target_semaphore(%run_scoped3A : memref<!tpu.dma_semaphore, #tpu.memory_space<semaphore_mem>>)
        %dma_wait3A = tpu.memref_slice %arg11[%add3A_26] : memref<102400xf32, #tpu.memory_space<hbm>> -> memref<320xf32, #tpu.memory_space<hbm>>
        %dma_wait3A_217 = tpu.memref_slice %arg11[%add3A_26] : memref<102400xf32, #tpu.memory_space<hbm>> -> memref<320xf32, #tpu.memory_space<hbm>>
        tpu.wait_dma2 semaphore(%run_scoped3A : memref<!tpu.dma_semaphore, #tpu.memory_space<semaphore_mem>>) src(%arg19 : memref<320xf32, #tpu.memory_space<vmem>>) dst(%dma_wait3A_217 : memref<320xf32, #tpu.memory_space<hbm>>)
        tpu.yield
      }) : () -> ()
    } else {
    }
    %add3A_32 = arith.constant 1280 : i32
    %add3A_33 = arith.addi %mul3A_6, %add3A_32 : i32
    "tpu.region"() ({
      %run_scoped3A = tpu.sem_alloc : memref<!tpu.dma_semaphore, #tpu.memory_space<semaphore_mem>>
      %dma_start3A_215 = tpu.memref_slice %arg35[%add3A_33] : memref<102400xf32, #tpu.memory_space<vmem_shared>> -> memref<320xf32, #tpu.memory_space<vmem_shared>>
      %dma_start3A_216 = tpu.memref_slice %arg35[%add3A_33] : memref<102400xf32, #tpu.memory_space<vmem_shared>> -> memref<320xf32, #tpu.memory_space<vmem_shared>>
      tpu.enqueue_dma source(%arg19 : memref<320xf32, #tpu.memory_space<vmem>>) target(%dma_start3A_216 : memref<320xf32, #tpu.memory_space<vmem_shared>>) target_semaphore(%run_scoped3A : memref<!tpu.dma_semaphore, #tpu.memory_space<semaphore_mem>>)
      %dma_wait3A = tpu.memref_slice %arg35[%add3A_33] : memref<102400xf32, #tpu.memory_space<vmem_shared>> -> memref<320xf32, #tpu.memory_space<vmem_shared>>
      %dma_wait3A_217 = tpu.memref_slice %arg35[%add3A_33] : memref<102400xf32, #tpu.memory_space<vmem_shared>> -> memref<320xf32, #tpu.memory_space<vmem_shared>>
      tpu.wait_dma2 semaphore(%run_scoped3A : memref<!tpu.dma_semaphore, #tpu.memory_space<semaphore_mem>>) src(%arg19 : memref<320xf32, #tpu.memory_space<vmem>>) dst(%dma_wait3A_217 : memref<320xf32, #tpu.memory_space<vmem_shared>>)
      tpu.yield
    }) : () -> ()
    "tpu.region"() ({
      %run_scoped3A = tpu.sem_alloc : memref<!tpu.dma_semaphore, #tpu.memory_space<semaphore_mem>>
      %dma_start3A_215 = tpu.memref_slice %arg39[%add3A_33] : memref<102400xf32, #tpu.memory_space<vmem_shared>> -> memref<320xf32, #tpu.memory_space<vmem_shared>>
      %dma_start3A_216 = tpu.memref_slice %arg39[%add3A_33] : memref<102400xf32, #tpu.memory_space<vmem_shared>> -> memref<320xf32, #tpu.memory_space<vmem_shared>>
      tpu.enqueue_dma source(%arg19 : memref<320xf32, #tpu.memory_space<vmem>>) target(%dma_start3A_216 : memref<320xf32, #tpu.memory_space<vmem_shared>>) target_semaphore(%run_scoped3A : memref<!tpu.dma_semaphore, #tpu.memory_space<semaphore_mem>>)
      %dma_wait3A = tpu.memref_slice %arg39[%add3A_33] : memref<102400xf32, #tpu.memory_space<vmem_shared>> -> memref<320xf32, #tpu.memory_space<vmem_shared>>
      %dma_wait3A_217 = tpu.memref_slice %arg39[%add3A_33] : memref<102400xf32, #tpu.memory_space<vmem_shared>> -> memref<320xf32, #tpu.memory_space<vmem_shared>>
      tpu.wait_dma2 semaphore(%run_scoped3A : memref<!tpu.dma_semaphore, #tpu.memory_space<semaphore_mem>>) src(%arg19 : memref<320xf32, #tpu.memory_space<vmem>>) dst(%dma_wait3A_217 : memref<320xf32, #tpu.memory_space<vmem_shared>>)
      tpu.yield
    }) : () -> ()
    %eq3A_34 = arith.constant 0 : i32
    %eq3A_35 = arith.cmpi eq, %arg0, %eq3A_34 : i32
    %convert_element_type3A_36 = arith.extui %eq3A_35 : i1 to i32
    %cond3A_37 = arith.constant 0 : i32
    %cond3A_38 = arith.cmpi ne, %convert_element_type3A_36, %cond3A_37 : i32
    scf.if %cond3A_38 {
      "tpu.region"() ({
        %run_scoped3A = tpu.sem_alloc : memref<!tpu.dma_semaphore, #tpu.memory_space<semaphore_mem>>
        %dma_start3A_215 = tpu.memref_slice %arg11[%add3A_33] : memref<102400xf32, #tpu.memory_space<hbm>> -> memref<320xf32, #tpu.memory_space<hbm>>
        %dma_start3A_216 = tpu.memref_slice %arg11[%add3A_33] : memref<102400xf32, #tpu.memory_space<hbm>> -> memref<320xf32, #tpu.memory_space<hbm>>
        tpu.enqueue_dma source(%arg19 : memref<320xf32, #tpu.memory_space<vmem>>) target(%dma_start3A_216 : memref<320xf32, #tpu.memory_space<hbm>>) target_semaphore(%run_scoped3A : memref<!tpu.dma_semaphore, #tpu.memory_space<semaphore_mem>>)
        %dma_wait3A = tpu.memref_slice %arg11[%add3A_33] : memref<102400xf32, #tpu.memory_space<hbm>> -> memref<320xf32, #tpu.memory_space<hbm>>
        %dma_wait3A_217 = tpu.memref_slice %arg11[%add3A_33] : memref<102400xf32, #tpu.memory_space<hbm>> -> memref<320xf32, #tpu.memory_space<hbm>>
        tpu.wait_dma2 semaphore(%run_scoped3A : memref<!tpu.dma_semaphore, #tpu.memory_space<semaphore_mem>>) src(%arg19 : memref<320xf32, #tpu.memory_space<vmem>>) dst(%dma_wait3A_217 : memref<320xf32, #tpu.memory_space<hbm>>)
        tpu.yield
      }) : () -> ()
    } else {
    }
    %add3A_39 = arith.constant 1600 : i32
    %add3A_40 = arith.addi %mul3A_6, %add3A_39 : i32
    "tpu.region"() ({
      %run_scoped3A = tpu.sem_alloc : memref<!tpu.dma_semaphore, #tpu.memory_space<semaphore_mem>>
      %dma_start3A_215 = tpu.memref_slice %arg35[%add3A_40] : memref<102400xf32, #tpu.memory_space<vmem_shared>> -> memref<320xf32, #tpu.memory_space<vmem_shared>>
      %dma_start3A_216 = tpu.memref_slice %arg35[%add3A_40] : memref<102400xf32, #tpu.memory_space<vmem_shared>> -> memref<320xf32, #tpu.memory_space<vmem_shared>>
      tpu.enqueue_dma source(%arg19 : memref<320xf32, #tpu.memory_space<vmem>>) target(%dma_start3A_216 : memref<320xf32, #tpu.memory_space<vmem_shared>>) target_semaphore(%run_scoped3A : memref<!tpu.dma_semaphore, #tpu.memory_space<semaphore_mem>>)
      %dma_wait3A = tpu.memref_slice %arg35[%add3A_40] : memref<102400xf32, #tpu.memory_space<vmem_shared>> -> memref<320xf32, #tpu.memory_space<vmem_shared>>
      %dma_wait3A_217 = tpu.memref_slice %arg35[%add3A_40] : memref<102400xf32, #tpu.memory_space<vmem_shared>> -> memref<320xf32, #tpu.memory_space<vmem_shared>>
      tpu.wait_dma2 semaphore(%run_scoped3A : memref<!tpu.dma_semaphore, #tpu.memory_space<semaphore_mem>>) src(%arg19 : memref<320xf32, #tpu.memory_space<vmem>>) dst(%dma_wait3A_217 : memref<320xf32, #tpu.memory_space<vmem_shared>>)
      tpu.yield
    }) : () -> ()
    "tpu.region"() ({
      %run_scoped3A = tpu.sem_alloc : memref<!tpu.dma_semaphore, #tpu.memory_space<semaphore_mem>>
      %dma_start3A_215 = tpu.memref_slice %arg39[%add3A_40] : memref<102400xf32, #tpu.memory_space<vmem_shared>> -> memref<320xf32, #tpu.memory_space<vmem_shared>>
      %dma_start3A_216 = tpu.memref_slice %arg39[%add3A_40] : memref<102400xf32, #tpu.memory_space<vmem_shared>> -> memref<320xf32, #tpu.memory_space<vmem_shared>>
      tpu.enqueue_dma source(%arg19 : memref<320xf32, #tpu.memory_space<vmem>>) target(%dma_start3A_216 : memref<320xf32, #tpu.memory_space<vmem_shared>>) target_semaphore(%run_scoped3A : memref<!tpu.dma_semaphore, #tpu.memory_space<semaphore_mem>>)
      %dma_wait3A = tpu.memref_slice %arg39[%add3A_40] : memref<102400xf32, #tpu.memory_space<vmem_shared>> -> memref<320xf32, #tpu.memory_space<vmem_shared>>
      %dma_wait3A_217 = tpu.memref_slice %arg39[%add3A_40] : memref<102400xf32, #tpu.memory_space<vmem_shared>> -> memref<320xf32, #tpu.memory_space<vmem_shared>>
      tpu.wait_dma2 semaphore(%run_scoped3A : memref<!tpu.dma_semaphore, #tpu.memory_space<semaphore_mem>>) src(%arg19 : memref<320xf32, #tpu.memory_space<vmem>>) dst(%dma_wait3A_217 : memref<320xf32, #tpu.memory_space<vmem_shared>>)
      tpu.yield
    }) : () -> ()
    %eq3A_41 = arith.constant 0 : i32
    %eq3A_42 = arith.cmpi eq, %arg0, %eq3A_41 : i32
    %convert_element_type3A_43 = arith.extui %eq3A_42 : i1 to i32
    %cond3A_44 = arith.constant 0 : i32
    %cond3A_45 = arith.cmpi ne, %convert_element_type3A_43, %cond3A_44 : i32
    scf.if %cond3A_45 {
      "tpu.region"() ({
        %run_scoped3A = tpu.sem_alloc : memref<!tpu.dma_semaphore, #tpu.memory_space<semaphore_mem>>
        %dma_start3A_215 = tpu.memref_slice %arg11[%add3A_40] : memref<102400xf32, #tpu.memory_space<hbm>> -> memref<320xf32, #tpu.memory_space<hbm>>
        %dma_start3A_216 = tpu.memref_slice %arg11[%add3A_40] : memref<102400xf32, #tpu.memory_space<hbm>> -> memref<320xf32, #tpu.memory_space<hbm>>
        tpu.enqueue_dma source(%arg19 : memref<320xf32, #tpu.memory_space<vmem>>) target(%dma_start3A_216 : memref<320xf32, #tpu.memory_space<hbm>>) target_semaphore(%run_scoped3A : memref<!tpu.dma_semaphore, #tpu.memory_space<semaphore_mem>>)
        %dma_wait3A = tpu.memref_slice %arg11[%add3A_40] : memref<102400xf32, #tpu.memory_space<hbm>> -> memref<320xf32, #tpu.memory_space<hbm>>
        %dma_wait3A_217 = tpu.memref_slice %arg11[%add3A_40] : memref<102400xf32, #tpu.memory_space<hbm>> -> memref<320xf32, #tpu.memory_space<hbm>>
        tpu.wait_dma2 semaphore(%run_scoped3A : memref<!tpu.dma_semaphore, #tpu.memory_space<semaphore_mem>>) src(%arg19 : memref<320xf32, #tpu.memory_space<vmem>>) dst(%dma_wait3A_217 : memref<320xf32, #tpu.memory_space<hbm>>)
        tpu.yield
      }) : () -> ()
    } else {
    }
    %add3A_46 = arith.constant 1920 : i32
    %add3A_47 = arith.addi %mul3A_6, %add3A_46 : i32
    "tpu.region"() ({
      %run_scoped3A = tpu.sem_alloc : memref<!tpu.dma_semaphore, #tpu.memory_space<semaphore_mem>>
      %dma_start3A_215 = tpu.memref_slice %arg35[%add3A_47] : memref<102400xf32, #tpu.memory_space<vmem_shared>> -> memref<320xf32, #tpu.memory_space<vmem_shared>>
      %dma_start3A_216 = tpu.memref_slice %arg35[%add3A_47] : memref<102400xf32, #tpu.memory_space<vmem_shared>> -> memref<320xf32, #tpu.memory_space<vmem_shared>>
      tpu.enqueue_dma source(%arg19 : memref<320xf32, #tpu.memory_space<vmem>>) target(%dma_start3A_216 : memref<320xf32, #tpu.memory_space<vmem_shared>>) target_semaphore(%run_scoped3A : memref<!tpu.dma_semaphore, #tpu.memory_space<semaphore_mem>>)
      %dma_wait3A = tpu.memref_slice %arg35[%add3A_47] : memref<102400xf32, #tpu.memory_space<vmem_shared>> -> memref<320xf32, #tpu.memory_space<vmem_shared>>
      %dma_wait3A_217 = tpu.memref_slice %arg35[%add3A_47] : memref<102400xf32, #tpu.memory_space<vmem_shared>> -> memref<320xf32, #tpu.memory_space<vmem_shared>>
      tpu.wait_dma2 semaphore(%run_scoped3A : memref<!tpu.dma_semaphore, #tpu.memory_space<semaphore_mem>>) src(%arg19 : memref<320xf32, #tpu.memory_space<vmem>>) dst(%dma_wait3A_217 : memref<320xf32, #tpu.memory_space<vmem_shared>>)
      tpu.yield
    }) : () -> ()
    "tpu.region"() ({
      %run_scoped3A = tpu.sem_alloc : memref<!tpu.dma_semaphore, #tpu.memory_space<semaphore_mem>>
      %dma_start3A_215 = tpu.memref_slice %arg39[%add3A_47] : memref<102400xf32, #tpu.memory_space<vmem_shared>> -> memref<320xf32, #tpu.memory_space<vmem_shared>>
      %dma_start3A_216 = tpu.memref_slice %arg39[%add3A_47] : memref<102400xf32, #tpu.memory_space<vmem_shared>> -> memref<320xf32, #tpu.memory_space<vmem_shared>>
      tpu.enqueue_dma source(%arg19 : memref<320xf32, #tpu.memory_space<vmem>>) target(%dma_start3A_216 : memref<320xf32, #tpu.memory_space<vmem_shared>>) target_semaphore(%run_scoped3A : memref<!tpu.dma_semaphore, #tpu.memory_space<semaphore_mem>>)
      %dma_wait3A = tpu.memref_slice %arg39[%add3A_47] : memref<102400xf32, #tpu.memory_space<vmem_shared>> -> memref<320xf32, #tpu.memory_space<vmem_shared>>
      %dma_wait3A_217 = tpu.memref_slice %arg39[%add3A_47] : memref<102400xf32, #tpu.memory_space<vmem_shared>> -> memref<320xf32, #tpu.memory_space<vmem_shared>>
      tpu.wait_dma2 semaphore(%run_scoped3A : memref<!tpu.dma_semaphore, #tpu.memory_space<semaphore_mem>>) src(%arg19 : memref<320xf32, #tpu.memory_space<vmem>>) dst(%dma_wait3A_217 : memref<320xf32, #tpu.memory_space<vmem_shared>>)
      tpu.yield
    }) : () -> ()
    %eq3A_48 = arith.constant 0 : i32
    %eq3A_49 = arith.cmpi eq, %arg0, %eq3A_48 : i32
    %convert_element_type3A_50 = arith.extui %eq3A_49 : i1 to i32
    %cond3A_51 = arith.constant 0 : i32
    %cond3A_52 = arith.cmpi ne, %convert_element_type3A_50, %cond3A_51 : i32
    scf.if %cond3A_52 {
      "tpu.region"() ({
        %run_scoped3A = tpu.sem_alloc : memref<!tpu.dma_semaphore, #tpu.memory_space<semaphore_mem>>
        %dma_start3A_215 = tpu.memref_slice %arg11[%add3A_47] : memref<102400xf32, #tpu.memory_space<hbm>> -> memref<320xf32, #tpu.memory_space<hbm>>
        %dma_start3A_216 = tpu.memref_slice %arg11[%add3A_47] : memref<102400xf32, #tpu.memory_space<hbm>> -> memref<320xf32, #tpu.memory_space<hbm>>
        tpu.enqueue_dma source(%arg19 : memref<320xf32, #tpu.memory_space<vmem>>) target(%dma_start3A_216 : memref<320xf32, #tpu.memory_space<hbm>>) target_semaphore(%run_scoped3A : memref<!tpu.dma_semaphore, #tpu.memory_space<semaphore_mem>>)
        %dma_wait3A = tpu.memref_slice %arg11[%add3A_47] : memref<102400xf32, #tpu.memory_space<hbm>> -> memref<320xf32, #tpu.memory_space<hbm>>
        %dma_wait3A_217 = tpu.memref_slice %arg11[%add3A_47] : memref<102400xf32, #tpu.memory_space<hbm>> -> memref<320xf32, #tpu.memory_space<hbm>>
        tpu.wait_dma2 semaphore(%run_scoped3A : memref<!tpu.dma_semaphore, #tpu.memory_space<semaphore_mem>>) src(%arg19 : memref<320xf32, #tpu.memory_space<vmem>>) dst(%dma_wait3A_217 : memref<320xf32, #tpu.memory_space<hbm>>)
        tpu.yield
      }) : () -> ()
    } else {
    }
    %add3A_53 = arith.constant 2240 : i32
    %add3A_54 = arith.addi %mul3A_6, %add3A_53 : i32
    "tpu.region"() ({
      %run_scoped3A = tpu.sem_alloc : memref<!tpu.dma_semaphore, #tpu.memory_space<semaphore_mem>>
      %dma_start3A_215 = tpu.memref_slice %arg35[%add3A_54] : memref<102400xf32, #tpu.memory_space<vmem_shared>> -> memref<320xf32, #tpu.memory_space<vmem_shared>>
      %dma_start3A_216 = tpu.memref_slice %arg35[%add3A_54] : memref<102400xf32, #tpu.memory_space<vmem_shared>> -> memref<320xf32, #tpu.memory_space<vmem_shared>>
      tpu.enqueue_dma source(%arg19 : memref<320xf32, #tpu.memory_space<vmem>>) target(%dma_start3A_216 : memref<320xf32, #tpu.memory_space<vmem_shared>>) target_semaphore(%run_scoped3A : memref<!tpu.dma_semaphore, #tpu.memory_space<semaphore_mem>>)
      %dma_wait3A = tpu.memref_slice %arg35[%add3A_54] : memref<102400xf32, #tpu.memory_space<vmem_shared>> -> memref<320xf32, #tpu.memory_space<vmem_shared>>
      %dma_wait3A_217 = tpu.memref_slice %arg35[%add3A_54] : memref<102400xf32, #tpu.memory_space<vmem_shared>> -> memref<320xf32, #tpu.memory_space<vmem_shared>>
      tpu.wait_dma2 semaphore(%run_scoped3A : memref<!tpu.dma_semaphore, #tpu.memory_space<semaphore_mem>>) src(%arg19 : memref<320xf32, #tpu.memory_space<vmem>>) dst(%dma_wait3A_217 : memref<320xf32, #tpu.memory_space<vmem_shared>>)
      tpu.yield
    }) : () -> ()
    "tpu.region"() ({
      %run_scoped3A = tpu.sem_alloc : memref<!tpu.dma_semaphore, #tpu.memory_space<semaphore_mem>>
      %dma_start3A_215 = tpu.memref_slice %arg39[%add3A_54] : memref<102400xf32, #tpu.memory_space<vmem_shared>> -> memref<320xf32, #tpu.memory_space<vmem_shared>>
      %dma_start3A_216 = tpu.memref_slice %arg39[%add3A_54] : memref<102400xf32, #tpu.memory_space<vmem_shared>> -> memref<320xf32, #tpu.memory_space<vmem_shared>>
      tpu.enqueue_dma source(%arg19 : memref<320xf32, #tpu.memory_space<vmem>>) target(%dma_start3A_216 : memref<320xf32, #tpu.memory_space<vmem_shared>>) target_semaphore(%run_scoped3A : memref<!tpu.dma_semaphore, #tpu.memory_space<semaphore_mem>>)
      %dma_wait3A = tpu.memref_slice %arg39[%add3A_54] : memref<102400xf32, #tpu.memory_space<vmem_shared>> -> memref<320xf32, #tpu.memory_space<vmem_shared>>
      %dma_wait3A_217 = tpu.memref_slice %arg39[%add3A_54] : memref<102400xf32, #tpu.memory_space<vmem_shared>> -> memref<320xf32, #tpu.memory_space<vmem_shared>>
      tpu.wait_dma2 semaphore(%run_scoped3A : memref<!tpu.dma_semaphore, #tpu.memory_space<semaphore_mem>>) src(%arg19 : memref<320xf32, #tpu.memory_space<vmem>>) dst(%dma_wait3A_217 : memref<320xf32, #tpu.memory_space<vmem_shared>>)
      tpu.yield
    }) : () -> ()
    %eq3A_55 = arith.constant 0 : i32
    %eq3A_56 = arith.cmpi eq, %arg0, %eq3A_55 : i32
    %convert_element_type3A_57 = arith.extui %eq3A_56 : i1 to i32
    %cond3A_58 = arith.constant 0 : i32
    %cond3A_59 = arith.cmpi ne, %convert_element_type3A_57, %cond3A_58 : i32
    scf.if %cond3A_59 {
      "tpu.region"() ({
        %run_scoped3A = tpu.sem_alloc : memref<!tpu.dma_semaphore, #tpu.memory_space<semaphore_mem>>
        %dma_start3A_215 = tpu.memref_slice %arg11[%add3A_54] : memref<102400xf32, #tpu.memory_space<hbm>> -> memref<320xf32, #tpu.memory_space<hbm>>
        %dma_start3A_216 = tpu.memref_slice %arg11[%add3A_54] : memref<102400xf32, #tpu.memory_space<hbm>> -> memref<320xf32, #tpu.memory_space<hbm>>
        tpu.enqueue_dma source(%arg19 : memref<320xf32, #tpu.memory_space<vmem>>) target(%dma_start3A_216 : memref<320xf32, #tpu.memory_space<hbm>>) target_semaphore(%run_scoped3A : memref<!tpu.dma_semaphore, #tpu.memory_space<semaphore_mem>>)
        %dma_wait3A = tpu.memref_slice %arg11[%add3A_54] : memref<102400xf32, #tpu.memory_space<hbm>> -> memref<320xf32, #tpu.memory_space<hbm>>
        %dma_wait3A_217 = tpu.memref_slice %arg11[%add3A_54] : memref<102400xf32, #tpu.memory_space<hbm>> -> memref<320xf32, #tpu.memory_space<hbm>>
        tpu.wait_dma2 semaphore(%run_scoped3A : memref<!tpu.dma_semaphore, #tpu.memory_space<semaphore_mem>>) src(%arg19 : memref<320xf32, #tpu.memory_space<vmem>>) dst(%dma_wait3A_217 : memref<320xf32, #tpu.memory_space<hbm>>)
        tpu.yield
      }) : () -> ()
    } else {
    }
    %add3A_60 = arith.constant 2560 : i32
    %add3A_61 = arith.addi %mul3A_6, %add3A_60 : i32
    "tpu.region"() ({
      %run_scoped3A = tpu.sem_alloc : memref<!tpu.dma_semaphore, #tpu.memory_space<semaphore_mem>>
      %dma_start3A_215 = tpu.memref_slice %arg35[%add3A_61] : memref<102400xf32, #tpu.memory_space<vmem_shared>> -> memref<320xf32, #tpu.memory_space<vmem_shared>>
      %dma_start3A_216 = tpu.memref_slice %arg35[%add3A_61] : memref<102400xf32, #tpu.memory_space<vmem_shared>> -> memref<320xf32, #tpu.memory_space<vmem_shared>>
      tpu.enqueue_dma source(%arg19 : memref<320xf32, #tpu.memory_space<vmem>>) target(%dma_start3A_216 : memref<320xf32, #tpu.memory_space<vmem_shared>>) target_semaphore(%run_scoped3A : memref<!tpu.dma_semaphore, #tpu.memory_space<semaphore_mem>>)
      %dma_wait3A = tpu.memref_slice %arg35[%add3A_61] : memref<102400xf32, #tpu.memory_space<vmem_shared>> -> memref<320xf32, #tpu.memory_space<vmem_shared>>
      %dma_wait3A_217 = tpu.memref_slice %arg35[%add3A_61] : memref<102400xf32, #tpu.memory_space<vmem_shared>> -> memref<320xf32, #tpu.memory_space<vmem_shared>>
      tpu.wait_dma2 semaphore(%run_scoped3A : memref<!tpu.dma_semaphore, #tpu.memory_space<semaphore_mem>>) src(%arg19 : memref<320xf32, #tpu.memory_space<vmem>>) dst(%dma_wait3A_217 : memref<320xf32, #tpu.memory_space<vmem_shared>>)
      tpu.yield
    }) : () -> ()
    "tpu.region"() ({
      %run_scoped3A = tpu.sem_alloc : memref<!tpu.dma_semaphore, #tpu.memory_space<semaphore_mem>>
      %dma_start3A_215 = tpu.memref_slice %arg39[%add3A_61] : memref<102400xf32, #tpu.memory_space<vmem_shared>> -> memref<320xf32, #tpu.memory_space<vmem_shared>>
      %dma_start3A_216 = tpu.memref_slice %arg39[%add3A_61] : memref<102400xf32, #tpu.memory_space<vmem_shared>> -> memref<320xf32, #tpu.memory_space<vmem_shared>>
      tpu.enqueue_dma source(%arg19 : memref<320xf32, #tpu.memory_space<vmem>>) target(%dma_start3A_216 : memref<320xf32, #tpu.memory_space<vmem_shared>>) target_semaphore(%run_scoped3A : memref<!tpu.dma_semaphore, #tpu.memory_space<semaphore_mem>>)
      %dma_wait3A = tpu.memref_slice %arg39[%add3A_61] : memref<102400xf32, #tpu.memory_space<vmem_shared>> -> memref<320xf32, #tpu.memory_space<vmem_shared>>
      %dma_wait3A_217 = tpu.memref_slice %arg39[%add3A_61] : memref<102400xf32, #tpu.memory_space<vmem_shared>> -> memref<320xf32, #tpu.memory_space<vmem_shared>>
      tpu.wait_dma2 semaphore(%run_scoped3A : memref<!tpu.dma_semaphore, #tpu.memory_space<semaphore_mem>>) src(%arg19 : memref<320xf32, #tpu.memory_space<vmem>>) dst(%dma_wait3A_217 : memref<320xf32, #tpu.memory_space<vmem_shared>>)
      tpu.yield
    }) : () -> ()
    %eq3A_62 = arith.constant 0 : i32
    %eq3A_63 = arith.cmpi eq, %arg0, %eq3A_62 : i32
    %convert_element_type3A_64 = arith.extui %eq3A_63 : i1 to i32
    %cond3A_65 = arith.constant 0 : i32
    %cond3A_66 = arith.cmpi ne, %convert_element_type3A_64, %cond3A_65 : i32
    scf.if %cond3A_66 {
      "tpu.region"() ({
        %run_scoped3A = tpu.sem_alloc : memref<!tpu.dma_semaphore, #tpu.memory_space<semaphore_mem>>
        %dma_start3A_215 = tpu.memref_slice %arg11[%add3A_61] : memref<102400xf32, #tpu.memory_space<hbm>> -> memref<320xf32, #tpu.memory_space<hbm>>
        %dma_start3A_216 = tpu.memref_slice %arg11[%add3A_61] : memref<102400xf32, #tpu.memory_space<hbm>> -> memref<320xf32, #tpu.memory_space<hbm>>
        tpu.enqueue_dma source(%arg19 : memref<320xf32, #tpu.memory_space<vmem>>) target(%dma_start3A_216 : memref<320xf32, #tpu.memory_space<hbm>>) target_semaphore(%run_scoped3A : memref<!tpu.dma_semaphore, #tpu.memory_space<semaphore_mem>>)
        %dma_wait3A = tpu.memref_slice %arg11[%add3A_61] : memref<102400xf32, #tpu.memory_space<hbm>> -> memref<320xf32, #tpu.memory_space<hbm>>
        %dma_wait3A_217 = tpu.memref_slice %arg11[%add3A_61] : memref<102400xf32, #tpu.memory_space<hbm>> -> memref<320xf32, #tpu.memory_space<hbm>>
        tpu.wait_dma2 semaphore(%run_scoped3A : memref<!tpu.dma_semaphore, #tpu.memory_space<semaphore_mem>>) src(%arg19 : memref<320xf32, #tpu.memory_space<vmem>>) dst(%dma_wait3A_217 : memref<320xf32, #tpu.memory_space<hbm>>)
        tpu.yield
      }) : () -> ()
    } else {
    }
    %add3A_67 = arith.constant 2880 : i32
    %add3A_68 = arith.addi %mul3A_6, %add3A_67 : i32
    "tpu.region"() ({
      %run_scoped3A = tpu.sem_alloc : memref<!tpu.dma_semaphore, #tpu.memory_space<semaphore_mem>>
      %dma_start3A_215 = tpu.memref_slice %arg35[%add3A_68] : memref<102400xf32, #tpu.memory_space<vmem_shared>> -> memref<320xf32, #tpu.memory_space<vmem_shared>>
      %dma_start3A_216 = tpu.memref_slice %arg35[%add3A_68] : memref<102400xf32, #tpu.memory_space<vmem_shared>> -> memref<320xf32, #tpu.memory_space<vmem_shared>>
      tpu.enqueue_dma source(%arg19 : memref<320xf32, #tpu.memory_space<vmem>>) target(%dma_start3A_216 : memref<320xf32, #tpu.memory_space<vmem_shared>>) target_semaphore(%run_scoped3A : memref<!tpu.dma_semaphore, #tpu.memory_space<semaphore_mem>>)
      %dma_wait3A = tpu.memref_slice %arg35[%add3A_68] : memref<102400xf32, #tpu.memory_space<vmem_shared>> -> memref<320xf32, #tpu.memory_space<vmem_shared>>
      %dma_wait3A_217 = tpu.memref_slice %arg35[%add3A_68] : memref<102400xf32, #tpu.memory_space<vmem_shared>> -> memref<320xf32, #tpu.memory_space<vmem_shared>>
      tpu.wait_dma2 semaphore(%run_scoped3A : memref<!tpu.dma_semaphore, #tpu.memory_space<semaphore_mem>>) src(%arg19 : memref<320xf32, #tpu.memory_space<vmem>>) dst(%dma_wait3A_217 : memref<320xf32, #tpu.memory_space<vmem_shared>>)
      tpu.yield
    }) : () -> ()
    "tpu.region"() ({
      %run_scoped3A = tpu.sem_alloc : memref<!tpu.dma_semaphore, #tpu.memory_space<semaphore_mem>>
      %dma_start3A_215 = tpu.memref_slice %arg39[%add3A_68] : memref<102400xf32, #tpu.memory_space<vmem_shared>> -> memref<320xf32, #tpu.memory_space<vmem_shared>>
      %dma_start3A_216 = tpu.memref_slice %arg39[%add3A_68] : memref<102400xf32, #tpu.memory_space<vmem_shared>> -> memref<320xf32, #tpu.memory_space<vmem_shared>>
      tpu.enqueue_dma source(%arg19 : memref<320xf32, #tpu.memory_space<vmem>>) target(%dma_start3A_216 : memref<320xf32, #tpu.memory_space<vmem_shared>>) target_semaphore(%run_scoped3A : memref<!tpu.dma_semaphore, #tpu.memory_space<semaphore_mem>>)
      %dma_wait3A = tpu.memref_slice %arg39[%add3A_68] : memref<102400xf32, #tpu.memory_space<vmem_shared>> -> memref<320xf32, #tpu.memory_space<vmem_shared>>
      %dma_wait3A_217 = tpu.memref_slice %arg39[%add3A_68] : memref<102400xf32, #tpu.memory_space<vmem_shared>> -> memref<320xf32, #tpu.memory_space<vmem_shared>>
      tpu.wait_dma2 semaphore(%run_scoped3A : memref<!tpu.dma_semaphore, #tpu.memory_space<semaphore_mem>>) src(%arg19 : memref<320xf32, #tpu.memory_space<vmem>>) dst(%dma_wait3A_217 : memref<320xf32, #tpu.memory_space<vmem_shared>>)
      tpu.yield
    }) : () -> ()
    %eq3A_69 = arith.constant 0 : i32
    %eq3A_70 = arith.cmpi eq, %arg0, %eq3A_69 : i32
    %convert_element_type3A_71 = arith.extui %eq3A_70 : i1 to i32
    %cond3A_72 = arith.constant 0 : i32
    %cond3A_73 = arith.cmpi ne, %convert_element_type3A_71, %cond3A_72 : i32
    scf.if %cond3A_73 {
      "tpu.region"() ({
        %run_scoped3A = tpu.sem_alloc : memref<!tpu.dma_semaphore, #tpu.memory_space<semaphore_mem>>
        %dma_start3A_215 = tpu.memref_slice %arg11[%add3A_68] : memref<102400xf32, #tpu.memory_space<hbm>> -> memref<320xf32, #tpu.memory_space<hbm>>
        %dma_start3A_216 = tpu.memref_slice %arg11[%add3A_68] : memref<102400xf32, #tpu.memory_space<hbm>> -> memref<320xf32, #tpu.memory_space<hbm>>
        tpu.enqueue_dma source(%arg19 : memref<320xf32, #tpu.memory_space<vmem>>) target(%dma_start3A_216 : memref<320xf32, #tpu.memory_space<hbm>>) target_semaphore(%run_scoped3A : memref<!tpu.dma_semaphore, #tpu.memory_space<semaphore_mem>>)
        %dma_wait3A = tpu.memref_slice %arg11[%add3A_68] : memref<102400xf32, #tpu.memory_space<hbm>> -> memref<320xf32, #tpu.memory_space<hbm>>
        %dma_wait3A_217 = tpu.memref_slice %arg11[%add3A_68] : memref<102400xf32, #tpu.memory_space<hbm>> -> memref<320xf32, #tpu.memory_space<hbm>>
        tpu.wait_dma2 semaphore(%run_scoped3A : memref<!tpu.dma_semaphore, #tpu.memory_space<semaphore_mem>>) src(%arg19 : memref<320xf32, #tpu.memory_space<vmem>>) dst(%dma_wait3A_217 : memref<320xf32, #tpu.memory_space<hbm>>)
        tpu.yield
      }) : () -> ()
    } else {
    }
    %add3A_74 = arith.constant 3200 : i32
    %add3A_75 = arith.addi %mul3A_6, %add3A_74 : i32
    "tpu.region"() ({
      %run_scoped3A = tpu.sem_alloc : memref<!tpu.dma_semaphore, #tpu.memory_space<semaphore_mem>>
      %dma_start3A_215 = tpu.memref_slice %arg35[%add3A_75] : memref<102400xf32, #tpu.memory_space<vmem_shared>> -> memref<320xf32, #tpu.memory_space<vmem_shared>>
      %dma_start3A_216 = tpu.memref_slice %arg35[%add3A_75] : memref<102400xf32, #tpu.memory_space<vmem_shared>> -> memref<320xf32, #tpu.memory_space<vmem_shared>>
      tpu.enqueue_dma source(%arg19 : memref<320xf32, #tpu.memory_space<vmem>>) target(%dma_start3A_216 : memref<320xf32, #tpu.memory_space<vmem_shared>>) target_semaphore(%run_scoped3A : memref<!tpu.dma_semaphore, #tpu.memory_space<semaphore_mem>>)
      %dma_wait3A = tpu.memref_slice %arg35[%add3A_75] : memref<102400xf32, #tpu.memory_space<vmem_shared>> -> memref<320xf32, #tpu.memory_space<vmem_shared>>
      %dma_wait3A_217 = tpu.memref_slice %arg35[%add3A_75] : memref<102400xf32, #tpu.memory_space<vmem_shared>> -> memref<320xf32, #tpu.memory_space<vmem_shared>>
      tpu.wait_dma2 semaphore(%run_scoped3A : memref<!tpu.dma_semaphore, #tpu.memory_space<semaphore_mem>>) src(%arg19 : memref<320xf32, #tpu.memory_space<vmem>>) dst(%dma_wait3A_217 : memref<320xf32, #tpu.memory_space<vmem_shared>>)
      tpu.yield
    }) : () -> ()
    "tpu.region"() ({
      %run_scoped3A = tpu.sem_alloc : memref<!tpu.dma_semaphore, #tpu.memory_space<semaphore_mem>>
      %dma_start3A_215 = tpu.memref_slice %arg39[%add3A_75] : memref<102400xf32, #tpu.memory_space<vmem_shared>> -> memref<320xf32, #tpu.memory_space<vmem_shared>>
      %dma_start3A_216 = tpu.memref_slice %arg39[%add3A_75] : memref<102400xf32, #tpu.memory_space<vmem_shared>> -> memref<320xf32, #tpu.memory_space<vmem_shared>>
      tpu.enqueue_dma source(%arg19 : memref<320xf32, #tpu.memory_space<vmem>>) target(%dma_start3A_216 : memref<320xf32, #tpu.memory_space<vmem_shared>>) target_semaphore(%run_scoped3A : memref<!tpu.dma_semaphore, #tpu.memory_space<semaphore_mem>>)
      %dma_wait3A = tpu.memref_slice %arg39[%add3A_75] : memref<102400xf32, #tpu.memory_space<vmem_shared>> -> memref<320xf32, #tpu.memory_space<vmem_shared>>
      %dma_wait3A_217 = tpu.memref_slice %arg39[%add3A_75] : memref<102400xf32, #tpu.memory_space<vmem_shared>> -> memref<320xf32, #tpu.memory_space<vmem_shared>>
      tpu.wait_dma2 semaphore(%run_scoped3A : memref<!tpu.dma_semaphore, #tpu.memory_space<semaphore_mem>>) src(%arg19 : memref<320xf32, #tpu.memory_space<vmem>>) dst(%dma_wait3A_217 : memref<320xf32, #tpu.memory_space<vmem_shared>>)
      tpu.yield
    }) : () -> ()
    %eq3A_76 = arith.constant 0 : i32
    %eq3A_77 = arith.cmpi eq, %arg0, %eq3A_76 : i32
    %convert_element_type3A_78 = arith.extui %eq3A_77 : i1 to i32
    %cond3A_79 = arith.constant 0 : i32
    %cond3A_80 = arith.cmpi ne, %convert_element_type3A_78, %cond3A_79 : i32
    scf.if %cond3A_80 {
      "tpu.region"() ({
        %run_scoped3A = tpu.sem_alloc : memref<!tpu.dma_semaphore, #tpu.memory_space<semaphore_mem>>
        %dma_start3A_215 = tpu.memref_slice %arg11[%add3A_75] : memref<102400xf32, #tpu.memory_space<hbm>> -> memref<320xf32, #tpu.memory_space<hbm>>
        %dma_start3A_216 = tpu.memref_slice %arg11[%add3A_75] : memref<102400xf32, #tpu.memory_space<hbm>> -> memref<320xf32, #tpu.memory_space<hbm>>
        tpu.enqueue_dma source(%arg19 : memref<320xf32, #tpu.memory_space<vmem>>) target(%dma_start3A_216 : memref<320xf32, #tpu.memory_space<hbm>>) target_semaphore(%run_scoped3A : memref<!tpu.dma_semaphore, #tpu.memory_space<semaphore_mem>>)
        %dma_wait3A = tpu.memref_slice %arg11[%add3A_75] : memref<102400xf32, #tpu.memory_space<hbm>> -> memref<320xf32, #tpu.memory_space<hbm>>
        %dma_wait3A_217 = tpu.memref_slice %arg11[%add3A_75] : memref<102400xf32, #tpu.memory_space<hbm>> -> memref<320xf32, #tpu.memory_space<hbm>>
        tpu.wait_dma2 semaphore(%run_scoped3A : memref<!tpu.dma_semaphore, #tpu.memory_space<semaphore_mem>>) src(%arg19 : memref<320xf32, #tpu.memory_space<vmem>>) dst(%dma_wait3A_217 : memref<320xf32, #tpu.memory_space<hbm>>)
        tpu.yield
      }) : () -> ()
    } else {
    }
    %add3A_81 = arith.constant 3520 : i32
    %add3A_82 = arith.addi %mul3A_6, %add3A_81 : i32
    "tpu.region"() ({
      %run_scoped3A = tpu.sem_alloc : memref<!tpu.dma_semaphore, #tpu.memory_space<semaphore_mem>>
      %dma_start3A_215 = tpu.memref_slice %arg35[%add3A_82] : memref<102400xf32, #tpu.memory_space<vmem_shared>> -> memref<320xf32, #tpu.memory_space<vmem_shared>>
      %dma_start3A_216 = tpu.memref_slice %arg35[%add3A_82] : memref<102400xf32, #tpu.memory_space<vmem_shared>> -> memref<320xf32, #tpu.memory_space<vmem_shared>>
      tpu.enqueue_dma source(%arg19 : memref<320xf32, #tpu.memory_space<vmem>>) target(%dma_start3A_216 : memref<320xf32, #tpu.memory_space<vmem_shared>>) target_semaphore(%run_scoped3A : memref<!tpu.dma_semaphore, #tpu.memory_space<semaphore_mem>>)
      %dma_wait3A = tpu.memref_slice %arg35[%add3A_82] : memref<102400xf32, #tpu.memory_space<vmem_shared>> -> memref<320xf32, #tpu.memory_space<vmem_shared>>
      %dma_wait3A_217 = tpu.memref_slice %arg35[%add3A_82] : memref<102400xf32, #tpu.memory_space<vmem_shared>> -> memref<320xf32, #tpu.memory_space<vmem_shared>>
      tpu.wait_dma2 semaphore(%run_scoped3A : memref<!tpu.dma_semaphore, #tpu.memory_space<semaphore_mem>>) src(%arg19 : memref<320xf32, #tpu.memory_space<vmem>>) dst(%dma_wait3A_217 : memref<320xf32, #tpu.memory_space<vmem_shared>>)
      tpu.yield
    }) : () -> ()
    "tpu.region"() ({
      %run_scoped3A = tpu.sem_alloc : memref<!tpu.dma_semaphore, #tpu.memory_space<semaphore_mem>>
      %dma_start3A_215 = tpu.memref_slice %arg39[%add3A_82] : memref<102400xf32, #tpu.memory_space<vmem_shared>> -> memref<320xf32, #tpu.memory_space<vmem_shared>>
      %dma_start3A_216 = tpu.memref_slice %arg39[%add3A_82] : memref<102400xf32, #tpu.memory_space<vmem_shared>> -> memref<320xf32, #tpu.memory_space<vmem_shared>>
      tpu.enqueue_dma source(%arg19 : memref<320xf32, #tpu.memory_space<vmem>>) target(%dma_start3A_216 : memref<320xf32, #tpu.memory_space<vmem_shared>>) target_semaphore(%run_scoped3A : memref<!tpu.dma_semaphore, #tpu.memory_space<semaphore_mem>>)
      %dma_wait3A = tpu.memref_slice %arg39[%add3A_82] : memref<102400xf32, #tpu.memory_space<vmem_shared>> -> memref<320xf32, #tpu.memory_space<vmem_shared>>
      %dma_wait3A_217 = tpu.memref_slice %arg39[%add3A_82] : memref<102400xf32, #tpu.memory_space<vmem_shared>> -> memref<320xf32, #tpu.memory_space<vmem_shared>>
      tpu.wait_dma2 semaphore(%run_scoped3A : memref<!tpu.dma_semaphore, #tpu.memory_space<semaphore_mem>>) src(%arg19 : memref<320xf32, #tpu.memory_space<vmem>>) dst(%dma_wait3A_217 : memref<320xf32, #tpu.memory_space<vmem_shared>>)
      tpu.yield
    }) : () -> ()
    %eq3A_83 = arith.constant 0 : i32
    %eq3A_84 = arith.cmpi eq, %arg0, %eq3A_83 : i32
    %convert_element_type3A_85 = arith.extui %eq3A_84 : i1 to i32
    %cond3A_86 = arith.constant 0 : i32
    %cond3A_87 = arith.cmpi ne, %convert_element_type3A_85, %cond3A_86 : i32
    scf.if %cond3A_87 {
      "tpu.region"() ({
        %run_scoped3A = tpu.sem_alloc : memref<!tpu.dma_semaphore, #tpu.memory_space<semaphore_mem>>
        %dma_start3A_215 = tpu.memref_slice %arg11[%add3A_82] : memref<102400xf32, #tpu.memory_space<hbm>> -> memref<320xf32, #tpu.memory_space<hbm>>
        %dma_start3A_216 = tpu.memref_slice %arg11[%add3A_82] : memref<102400xf32, #tpu.memory_space<hbm>> -> memref<320xf32, #tpu.memory_space<hbm>>
        tpu.enqueue_dma source(%arg19 : memref<320xf32, #tpu.memory_space<vmem>>) target(%dma_start3A_216 : memref<320xf32, #tpu.memory_space<hbm>>) target_semaphore(%run_scoped3A : memref<!tpu.dma_semaphore, #tpu.memory_space<semaphore_mem>>)
        %dma_wait3A = tpu.memref_slice %arg11[%add3A_82] : memref<102400xf32, #tpu.memory_space<hbm>> -> memref<320xf32, #tpu.memory_space<hbm>>
        %dma_wait3A_217 = tpu.memref_slice %arg11[%add3A_82] : memref<102400xf32, #tpu.memory_space<hbm>> -> memref<320xf32, #tpu.memory_space<hbm>>
        tpu.wait_dma2 semaphore(%run_scoped3A : memref<!tpu.dma_semaphore, #tpu.memory_space<semaphore_mem>>) src(%arg19 : memref<320xf32, #tpu.memory_space<vmem>>) dst(%dma_wait3A_217 : memref<320xf32, #tpu.memory_space<hbm>>)
        tpu.yield
      }) : () -> ()
    } else {
    }
    %add3A_88 = arith.constant 3840 : i32
    %add3A_89 = arith.addi %mul3A_6, %add3A_88 : i32
    "tpu.region"() ({
      %run_scoped3A = tpu.sem_alloc : memref<!tpu.dma_semaphore, #tpu.memory_space<semaphore_mem>>
      %dma_start3A_215 = tpu.memref_slice %arg35[%add3A_89] : memref<102400xf32, #tpu.memory_space<vmem_shared>> -> memref<320xf32, #tpu.memory_space<vmem_shared>>
      %dma_start3A_216 = tpu.memref_slice %arg35[%add3A_89] : memref<102400xf32, #tpu.memory_space<vmem_shared>> -> memref<320xf32, #tpu.memory_space<vmem_shared>>
      tpu.enqueue_dma source(%arg19 : memref<320xf32, #tpu.memory_space<vmem>>) target(%dma_start3A_216 : memref<320xf32, #tpu.memory_space<vmem_shared>>) target_semaphore(%run_scoped3A : memref<!tpu.dma_semaphore, #tpu.memory_space<semaphore_mem>>)
      %dma_wait3A = tpu.memref_slice %arg35[%add3A_89] : memref<102400xf32, #tpu.memory_space<vmem_shared>> -> memref<320xf32, #tpu.memory_space<vmem_shared>>
      %dma_wait3A_217 = tpu.memref_slice %arg35[%add3A_89] : memref<102400xf32, #tpu.memory_space<vmem_shared>> -> memref<320xf32, #tpu.memory_space<vmem_shared>>
      tpu.wait_dma2 semaphore(%run_scoped3A : memref<!tpu.dma_semaphore, #tpu.memory_space<semaphore_mem>>) src(%arg19 : memref<320xf32, #tpu.memory_space<vmem>>) dst(%dma_wait3A_217 : memref<320xf32, #tpu.memory_space<vmem_shared>>)
      tpu.yield
    }) : () -> ()
    "tpu.region"() ({
      %run_scoped3A = tpu.sem_alloc : memref<!tpu.dma_semaphore, #tpu.memory_space<semaphore_mem>>
      %dma_start3A_215 = tpu.memref_slice %arg39[%add3A_89] : memref<102400xf32, #tpu.memory_space<vmem_shared>> -> memref<320xf32, #tpu.memory_space<vmem_shared>>
      %dma_start3A_216 = tpu.memref_slice %arg39[%add3A_89] : memref<102400xf32, #tpu.memory_space<vmem_shared>> -> memref<320xf32, #tpu.memory_space<vmem_shared>>
      tpu.enqueue_dma source(%arg19 : memref<320xf32, #tpu.memory_space<vmem>>) target(%dma_start3A_216 : memref<320xf32, #tpu.memory_space<vmem_shared>>) target_semaphore(%run_scoped3A : memref<!tpu.dma_semaphore, #tpu.memory_space<semaphore_mem>>)
      %dma_wait3A = tpu.memref_slice %arg39[%add3A_89] : memref<102400xf32, #tpu.memory_space<vmem_shared>> -> memref<320xf32, #tpu.memory_space<vmem_shared>>
      %dma_wait3A_217 = tpu.memref_slice %arg39[%add3A_89] : memref<102400xf32, #tpu.memory_space<vmem_shared>> -> memref<320xf32, #tpu.memory_space<vmem_shared>>
      tpu.wait_dma2 semaphore(%run_scoped3A : memref<!tpu.dma_semaphore, #tpu.memory_space<semaphore_mem>>) src(%arg19 : memref<320xf32, #tpu.memory_space<vmem>>) dst(%dma_wait3A_217 : memref<320xf32, #tpu.memory_space<vmem_shared>>)
      tpu.yield
    }) : () -> ()
    %eq3A_90 = arith.constant 0 : i32
    %eq3A_91 = arith.cmpi eq, %arg0, %eq3A_90 : i32
    %convert_element_type3A_92 = arith.extui %eq3A_91 : i1 to i32
    %cond3A_93 = arith.constant 0 : i32
    %cond3A_94 = arith.cmpi ne, %convert_element_type3A_92, %cond3A_93 : i32
    scf.if %cond3A_94 {
      "tpu.region"() ({
        %run_scoped3A = tpu.sem_alloc : memref<!tpu.dma_semaphore, #tpu.memory_space<semaphore_mem>>
        %dma_start3A_215 = tpu.memref_slice %arg11[%add3A_89] : memref<102400xf32, #tpu.memory_space<hbm>> -> memref<320xf32, #tpu.memory_space<hbm>>
        %dma_start3A_216 = tpu.memref_slice %arg11[%add3A_89] : memref<102400xf32, #tpu.memory_space<hbm>> -> memref<320xf32, #tpu.memory_space<hbm>>
        tpu.enqueue_dma source(%arg19 : memref<320xf32, #tpu.memory_space<vmem>>) target(%dma_start3A_216 : memref<320xf32, #tpu.memory_space<hbm>>) target_semaphore(%run_scoped3A : memref<!tpu.dma_semaphore, #tpu.memory_space<semaphore_mem>>)
        %dma_wait3A = tpu.memref_slice %arg11[%add3A_89] : memref<102400xf32, #tpu.memory_space<hbm>> -> memref<320xf32, #tpu.memory_space<hbm>>
        %dma_wait3A_217 = tpu.memref_slice %arg11[%add3A_89] : memref<102400xf32, #tpu.memory_space<hbm>> -> memref<320xf32, #tpu.memory_space<hbm>>
        tpu.wait_dma2 semaphore(%run_scoped3A : memref<!tpu.dma_semaphore, #tpu.memory_space<semaphore_mem>>) src(%arg19 : memref<320xf32, #tpu.memory_space<vmem>>) dst(%dma_wait3A_217 : memref<320xf32, #tpu.memory_space<hbm>>)
        tpu.yield
      }) : () -> ()
    } else {
    }
    %add3A_95 = arith.constant 4160 : i32
    %add3A_96 = arith.addi %mul3A_6, %add3A_95 : i32
    "tpu.region"() ({
      %run_scoped3A = tpu.sem_alloc : memref<!tpu.dma_semaphore, #tpu.memory_space<semaphore_mem>>
      %dma_start3A_215 = tpu.memref_slice %arg35[%add3A_96] : memref<102400xf32, #tpu.memory_space<vmem_shared>> -> memref<320xf32, #tpu.memory_space<vmem_shared>>
      %dma_start3A_216 = tpu.memref_slice %arg35[%add3A_96] : memref<102400xf32, #tpu.memory_space<vmem_shared>> -> memref<320xf32, #tpu.memory_space<vmem_shared>>
      tpu.enqueue_dma source(%arg19 : memref<320xf32, #tpu.memory_space<vmem>>) target(%dma_start3A_216 : memref<320xf32, #tpu.memory_space<vmem_shared>>) target_semaphore(%run_scoped3A : memref<!tpu.dma_semaphore, #tpu.memory_space<semaphore_mem>>)
      %dma_wait3A = tpu.memref_slice %arg35[%add3A_96] : memref<102400xf32, #tpu.memory_space<vmem_shared>> -> memref<320xf32, #tpu.memory_space<vmem_shared>>
      %dma_wait3A_217 = tpu.memref_slice %arg35[%add3A_96] : memref<102400xf32, #tpu.memory_space<vmem_shared>> -> memref<320xf32, #tpu.memory_space<vmem_shared>>
      tpu.wait_dma2 semaphore(%run_scoped3A : memref<!tpu.dma_semaphore, #tpu.memory_space<semaphore_mem>>) src(%arg19 : memref<320xf32, #tpu.memory_space<vmem>>) dst(%dma_wait3A_217 : memref<320xf32, #tpu.memory_space<vmem_shared>>)
      tpu.yield
    }) : () -> ()
    "tpu.region"() ({
      %run_scoped3A = tpu.sem_alloc : memref<!tpu.dma_semaphore, #tpu.memory_space<semaphore_mem>>
      %dma_start3A_215 = tpu.memref_slice %arg39[%add3A_96] : memref<102400xf32, #tpu.memory_space<vmem_shared>> -> memref<320xf32, #tpu.memory_space<vmem_shared>>
      %dma_start3A_216 = tpu.memref_slice %arg39[%add3A_96] : memref<102400xf32, #tpu.memory_space<vmem_shared>> -> memref<320xf32, #tpu.memory_space<vmem_shared>>
      tpu.enqueue_dma source(%arg19 : memref<320xf32, #tpu.memory_space<vmem>>) target(%dma_start3A_216 : memref<320xf32, #tpu.memory_space<vmem_shared>>) target_semaphore(%run_scoped3A : memref<!tpu.dma_semaphore, #tpu.memory_space<semaphore_mem>>)
      %dma_wait3A = tpu.memref_slice %arg39[%add3A_96] : memref<102400xf32, #tpu.memory_space<vmem_shared>> -> memref<320xf32, #tpu.memory_space<vmem_shared>>
      %dma_wait3A_217 = tpu.memref_slice %arg39[%add3A_96] : memref<102400xf32, #tpu.memory_space<vmem_shared>> -> memref<320xf32, #tpu.memory_space<vmem_shared>>
      tpu.wait_dma2 semaphore(%run_scoped3A : memref<!tpu.dma_semaphore, #tpu.memory_space<semaphore_mem>>) src(%arg19 : memref<320xf32, #tpu.memory_space<vmem>>) dst(%dma_wait3A_217 : memref<320xf32, #tpu.memory_space<vmem_shared>>)
      tpu.yield
    }) : () -> ()
    %eq3A_97 = arith.constant 0 : i32
    %eq3A_98 = arith.cmpi eq, %arg0, %eq3A_97 : i32
    %convert_element_type3A_99 = arith.extui %eq3A_98 : i1 to i32
    %cond3A_100 = arith.constant 0 : i32
    %cond3A_101 = arith.cmpi ne, %convert_element_type3A_99, %cond3A_100 : i32
    scf.if %cond3A_101 {
      "tpu.region"() ({
        %run_scoped3A = tpu.sem_alloc : memref<!tpu.dma_semaphore, #tpu.memory_space<semaphore_mem>>
        %dma_start3A_215 = tpu.memref_slice %arg11[%add3A_96] : memref<102400xf32, #tpu.memory_space<hbm>> -> memref<320xf32, #tpu.memory_space<hbm>>
        %dma_start3A_216 = tpu.memref_slice %arg11[%add3A_96] : memref<102400xf32, #tpu.memory_space<hbm>> -> memref<320xf32, #tpu.memory_space<hbm>>
        tpu.enqueue_dma source(%arg19 : memref<320xf32, #tpu.memory_space<vmem>>) target(%dma_start3A_216 : memref<320xf32, #tpu.memory_space<hbm>>) target_semaphore(%run_scoped3A : memref<!tpu.dma_semaphore, #tpu.memory_space<semaphore_mem>>)
        %dma_wait3A = tpu.memref_slice %arg11[%add3A_96] : memref<102400xf32, #tpu.memory_space<hbm>> -> memref<320xf32, #tpu.memory_space<hbm>>
        %dma_wait3A_217 = tpu.memref_slice %arg11[%add3A_96] : memref<102400xf32, #tpu.memory_space<hbm>> -> memref<320xf32, #tpu.memory_space<hbm>>
        tpu.wait_dma2 semaphore(%run_scoped3A : memref<!tpu.dma_semaphore, #tpu.memory_space<semaphore_mem>>) src(%arg19 : memref<320xf32, #tpu.memory_space<vmem>>) dst(%dma_wait3A_217 : memref<320xf32, #tpu.memory_space<hbm>>)
        tpu.yield
      }) : () -> ()
    } else {
    }
    %add3A_102 = arith.constant 4480 : i32
    %add3A_103 = arith.addi %mul3A_6, %add3A_102 : i32
    "tpu.region"() ({
      %run_scoped3A = tpu.sem_alloc : memref<!tpu.dma_semaphore, #tpu.memory_space<semaphore_mem>>
      %dma_start3A_215 = tpu.memref_slice %arg35[%add3A_103] : memref<102400xf32, #tpu.memory_space<vmem_shared>> -> memref<320xf32, #tpu.memory_space<vmem_shared>>
      %dma_start3A_216 = tpu.memref_slice %arg35[%add3A_103] : memref<102400xf32, #tpu.memory_space<vmem_shared>> -> memref<320xf32, #tpu.memory_space<vmem_shared>>
      tpu.enqueue_dma source(%arg19 : memref<320xf32, #tpu.memory_space<vmem>>) target(%dma_start3A_216 : memref<320xf32, #tpu.memory_space<vmem_shared>>) target_semaphore(%run_scoped3A : memref<!tpu.dma_semaphore, #tpu.memory_space<semaphore_mem>>)
      %dma_wait3A = tpu.memref_slice %arg35[%add3A_103] : memref<102400xf32, #tpu.memory_space<vmem_shared>> -> memref<320xf32, #tpu.memory_space<vmem_shared>>
      %dma_wait3A_217 = tpu.memref_slice %arg35[%add3A_103] : memref<102400xf32, #tpu.memory_space<vmem_shared>> -> memref<320xf32, #tpu.memory_space<vmem_shared>>
      tpu.wait_dma2 semaphore(%run_scoped3A : memref<!tpu.dma_semaphore, #tpu.memory_space<semaphore_mem>>) src(%arg19 : memref<320xf32, #tpu.memory_space<vmem>>) dst(%dma_wait3A_217 : memref<320xf32, #tpu.memory_space<vmem_shared>>)
      tpu.yield
    }) : () -> ()
    "tpu.region"() ({
      %run_scoped3A = tpu.sem_alloc : memref<!tpu.dma_semaphore, #tpu.memory_space<semaphore_mem>>
      %dma_start3A_215 = tpu.memref_slice %arg39[%add3A_103] : memref<102400xf32, #tpu.memory_space<vmem_shared>> -> memref<320xf32, #tpu.memory_space<vmem_shared>>
      %dma_start3A_216 = tpu.memref_slice %arg39[%add3A_103] : memref<102400xf32, #tpu.memory_space<vmem_shared>> -> memref<320xf32, #tpu.memory_space<vmem_shared>>
      tpu.enqueue_dma source(%arg19 : memref<320xf32, #tpu.memory_space<vmem>>) target(%dma_start3A_216 : memref<320xf32, #tpu.memory_space<vmem_shared>>) target_semaphore(%run_scoped3A : memref<!tpu.dma_semaphore, #tpu.memory_space<semaphore_mem>>)
      %dma_wait3A = tpu.memref_slice %arg39[%add3A_103] : memref<102400xf32, #tpu.memory_space<vmem_shared>> -> memref<320xf32, #tpu.memory_space<vmem_shared>>
      %dma_wait3A_217 = tpu.memref_slice %arg39[%add3A_103] : memref<102400xf32, #tpu.memory_space<vmem_shared>> -> memref<320xf32, #tpu.memory_space<vmem_shared>>
      tpu.wait_dma2 semaphore(%run_scoped3A : memref<!tpu.dma_semaphore, #tpu.memory_space<semaphore_mem>>) src(%arg19 : memref<320xf32, #tpu.memory_space<vmem>>) dst(%dma_wait3A_217 : memref<320xf32, #tpu.memory_space<vmem_shared>>)
      tpu.yield
    }) : () -> ()
    %eq3A_104 = arith.constant 0 : i32
    %eq3A_105 = arith.cmpi eq, %arg0, %eq3A_104 : i32
    %convert_element_type3A_106 = arith.extui %eq3A_105 : i1 to i32
    %cond3A_107 = arith.constant 0 : i32
    %cond3A_108 = arith.cmpi ne, %convert_element_type3A_106, %cond3A_107 : i32
    scf.if %cond3A_108 {
      "tpu.region"() ({
        %run_scoped3A = tpu.sem_alloc : memref<!tpu.dma_semaphore, #tpu.memory_space<semaphore_mem>>
        %dma_start3A_215 = tpu.memref_slice %arg11[%add3A_103] : memref<102400xf32, #tpu.memory_space<hbm>> -> memref<320xf32, #tpu.memory_space<hbm>>
        %dma_start3A_216 = tpu.memref_slice %arg11[%add3A_103] : memref<102400xf32, #tpu.memory_space<hbm>> -> memref<320xf32, #tpu.memory_space<hbm>>
        tpu.enqueue_dma source(%arg19 : memref<320xf32, #tpu.memory_space<vmem>>) target(%dma_start3A_216 : memref<320xf32, #tpu.memory_space<hbm>>) target_semaphore(%run_scoped3A : memref<!tpu.dma_semaphore, #tpu.memory_space<semaphore_mem>>)
        %dma_wait3A = tpu.memref_slice %arg11[%add3A_103] : memref<102400xf32, #tpu.memory_space<hbm>> -> memref<320xf32, #tpu.memory_space<hbm>>
        %dma_wait3A_217 = tpu.memref_slice %arg11[%add3A_103] : memref<102400xf32, #tpu.memory_space<hbm>> -> memref<320xf32, #tpu.memory_space<hbm>>
        tpu.wait_dma2 semaphore(%run_scoped3A : memref<!tpu.dma_semaphore, #tpu.memory_space<semaphore_mem>>) src(%arg19 : memref<320xf32, #tpu.memory_space<vmem>>) dst(%dma_wait3A_217 : memref<320xf32, #tpu.memory_space<hbm>>)
        tpu.yield
      }) : () -> ()
    } else {
    }
    %add3A_109 = arith.constant 4800 : i32
    %add3A_110 = arith.addi %mul3A_6, %add3A_109 : i32
    "tpu.region"() ({
      %run_scoped3A = tpu.sem_alloc : memref<!tpu.dma_semaphore, #tpu.memory_space<semaphore_mem>>
      %dma_start3A_215 = tpu.memref_slice %arg35[%add3A_110] : memref<102400xf32, #tpu.memory_space<vmem_shared>> -> memref<320xf32, #tpu.memory_space<vmem_shared>>
      %dma_start3A_216 = tpu.memref_slice %arg35[%add3A_110] : memref<102400xf32, #tpu.memory_space<vmem_shared>> -> memref<320xf32, #tpu.memory_space<vmem_shared>>
      tpu.enqueue_dma source(%arg19 : memref<320xf32, #tpu.memory_space<vmem>>) target(%dma_start3A_216 : memref<320xf32, #tpu.memory_space<vmem_shared>>) target_semaphore(%run_scoped3A : memref<!tpu.dma_semaphore, #tpu.memory_space<semaphore_mem>>)
      %dma_wait3A = tpu.memref_slice %arg35[%add3A_110] : memref<102400xf32, #tpu.memory_space<vmem_shared>> -> memref<320xf32, #tpu.memory_space<vmem_shared>>
      %dma_wait3A_217 = tpu.memref_slice %arg35[%add3A_110] : memref<102400xf32, #tpu.memory_space<vmem_shared>> -> memref<320xf32, #tpu.memory_space<vmem_shared>>
      tpu.wait_dma2 semaphore(%run_scoped3A : memref<!tpu.dma_semaphore, #tpu.memory_space<semaphore_mem>>) src(%arg19 : memref<320xf32, #tpu.memory_space<vmem>>) dst(%dma_wait3A_217 : memref<320xf32, #tpu.memory_space<vmem_shared>>)
      tpu.yield
    }) : () -> ()
    "tpu.region"() ({
      %run_scoped3A = tpu.sem_alloc : memref<!tpu.dma_semaphore, #tpu.memory_space<semaphore_mem>>
      %dma_start3A_215 = tpu.memref_slice %arg39[%add3A_110] : memref<102400xf32, #tpu.memory_space<vmem_shared>> -> memref<320xf32, #tpu.memory_space<vmem_shared>>
      %dma_start3A_216 = tpu.memref_slice %arg39[%add3A_110] : memref<102400xf32, #tpu.memory_space<vmem_shared>> -> memref<320xf32, #tpu.memory_space<vmem_shared>>
      tpu.enqueue_dma source(%arg19 : memref<320xf32, #tpu.memory_space<vmem>>) target(%dma_start3A_216 : memref<320xf32, #tpu.memory_space<vmem_shared>>) target_semaphore(%run_scoped3A : memref<!tpu.dma_semaphore, #tpu.memory_space<semaphore_mem>>)
      %dma_wait3A = tpu.memref_slice %arg39[%add3A_110] : memref<102400xf32, #tpu.memory_space<vmem_shared>> -> memref<320xf32, #tpu.memory_space<vmem_shared>>
      %dma_wait3A_217 = tpu.memref_slice %arg39[%add3A_110] : memref<102400xf32, #tpu.memory_space<vmem_shared>> -> memref<320xf32, #tpu.memory_space<vmem_shared>>
      tpu.wait_dma2 semaphore(%run_scoped3A : memref<!tpu.dma_semaphore, #tpu.memory_space<semaphore_mem>>) src(%arg19 : memref<320xf32, #tpu.memory_space<vmem>>) dst(%dma_wait3A_217 : memref<320xf32, #tpu.memory_space<vmem_shared>>)
      tpu.yield
    }) : () -> ()
    %eq3A_111 = arith.constant 0 : i32
    %eq3A_112 = arith.cmpi eq, %arg0, %eq3A_111 : i32
    %convert_element_type3A_113 = arith.extui %eq3A_112 : i1 to i32
    %cond3A_114 = arith.constant 0 : i32
    %cond3A_115 = arith.cmpi ne, %convert_element_type3A_113, %cond3A_114 : i32
    scf.if %cond3A_115 {
      "tpu.region"() ({
        %run_scoped3A = tpu.sem_alloc : memref<!tpu.dma_semaphore, #tpu.memory_space<semaphore_mem>>
        %dma_start3A_215 = tpu.memref_slice %arg11[%add3A_110] : memref<102400xf32, #tpu.memory_space<hbm>> -> memref<320xf32, #tpu.memory_space<hbm>>
        %dma_start3A_216 = tpu.memref_slice %arg11[%add3A_110] : memref<102400xf32, #tpu.memory_space<hbm>> -> memref<320xf32, #tpu.memory_space<hbm>>
        tpu.enqueue_dma source(%arg19 : memref<320xf32, #tpu.memory_space<vmem>>) target(%dma_start3A_216 : memref<320xf32, #tpu.memory_space<hbm>>) target_semaphore(%run_scoped3A : memref<!tpu.dma_semaphore, #tpu.memory_space<semaphore_mem>>)
        %dma_wait3A = tpu.memref_slice %arg11[%add3A_110] : memref<102400xf32, #tpu.memory_space<hbm>> -> memref<320xf32, #tpu.memory_space<hbm>>
        %dma_wait3A_217 = tpu.memref_slice %arg11[%add3A_110] : memref<102400xf32, #tpu.memory_space<hbm>> -> memref<320xf32, #tpu.memory_space<hbm>>
        tpu.wait_dma2 semaphore(%run_scoped3A : memref<!tpu.dma_semaphore, #tpu.memory_space<semaphore_mem>>) src(%arg19 : memref<320xf32, #tpu.memory_space<vmem>>) dst(%dma_wait3A_217 : memref<320xf32, #tpu.memory_space<hbm>>)
        tpu.yield
      }) : () -> ()
    } else {
    }
    %add3A_116 = arith.constant 5120 : i32
    %add3A_117 = arith.addi %mul3A_6, %add3A_116 : i32
    "tpu.region"() ({
      %run_scoped3A = tpu.sem_alloc : memref<!tpu.dma_semaphore, #tpu.memory_space<semaphore_mem>>
      %dma_start3A_215 = tpu.memref_slice %arg35[%add3A_117] : memref<102400xf32, #tpu.memory_space<vmem_shared>> -> memref<320xf32, #tpu.memory_space<vmem_shared>>
      %dma_start3A_216 = tpu.memref_slice %arg35[%add3A_117] : memref<102400xf32, #tpu.memory_space<vmem_shared>> -> memref<320xf32, #tpu.memory_space<vmem_shared>>
      tpu.enqueue_dma source(%arg19 : memref<320xf32, #tpu.memory_space<vmem>>) target(%dma_start3A_216 : memref<320xf32, #tpu.memory_space<vmem_shared>>) target_semaphore(%run_scoped3A : memref<!tpu.dma_semaphore, #tpu.memory_space<semaphore_mem>>)
      %dma_wait3A = tpu.memref_slice %arg35[%add3A_117] : memref<102400xf32, #tpu.memory_space<vmem_shared>> -> memref<320xf32, #tpu.memory_space<vmem_shared>>
      %dma_wait3A_217 = tpu.memref_slice %arg35[%add3A_117] : memref<102400xf32, #tpu.memory_space<vmem_shared>> -> memref<320xf32, #tpu.memory_space<vmem_shared>>
      tpu.wait_dma2 semaphore(%run_scoped3A : memref<!tpu.dma_semaphore, #tpu.memory_space<semaphore_mem>>) src(%arg19 : memref<320xf32, #tpu.memory_space<vmem>>) dst(%dma_wait3A_217 : memref<320xf32, #tpu.memory_space<vmem_shared>>)
      tpu.yield
    }) : () -> ()
    "tpu.region"() ({
      %run_scoped3A = tpu.sem_alloc : memref<!tpu.dma_semaphore, #tpu.memory_space<semaphore_mem>>
      %dma_start3A_215 = tpu.memref_slice %arg39[%add3A_117] : memref<102400xf32, #tpu.memory_space<vmem_shared>> -> memref<320xf32, #tpu.memory_space<vmem_shared>>
      %dma_start3A_216 = tpu.memref_slice %arg39[%add3A_117] : memref<102400xf32, #tpu.memory_space<vmem_shared>> -> memref<320xf32, #tpu.memory_space<vmem_shared>>
      tpu.enqueue_dma source(%arg19 : memref<320xf32, #tpu.memory_space<vmem>>) target(%dma_start3A_216 : memref<320xf32, #tpu.memory_space<vmem_shared>>) target_semaphore(%run_scoped3A : memref<!tpu.dma_semaphore, #tpu.memory_space<semaphore_mem>>)
      %dma_wait3A = tpu.memref_slice %arg39[%add3A_117] : memref<102400xf32, #tpu.memory_space<vmem_shared>> -> memref<320xf32, #tpu.memory_space<vmem_shared>>
      %dma_wait3A_217 = tpu.memref_slice %arg39[%add3A_117] : memref<102400xf32, #tpu.memory_space<vmem_shared>> -> memref<320xf32, #tpu.memory_space<vmem_shared>>
      tpu.wait_dma2 semaphore(%run_scoped3A : memref<!tpu.dma_semaphore, #tpu.memory_space<semaphore_mem>>) src(%arg19 : memref<320xf32, #tpu.memory_space<vmem>>) dst(%dma_wait3A_217 : memref<320xf32, #tpu.memory_space<vmem_shared>>)
      tpu.yield
    }) : () -> ()
    %eq3A_118 = arith.constant 0 : i32
    %eq3A_119 = arith.cmpi eq, %arg0, %eq3A_118 : i32
    %convert_element_type3A_120 = arith.extui %eq3A_119 : i1 to i32
    %cond3A_121 = arith.constant 0 : i32
    %cond3A_122 = arith.cmpi ne, %convert_element_type3A_120, %cond3A_121 : i32
    scf.if %cond3A_122 {
      "tpu.region"() ({
        %run_scoped3A = tpu.sem_alloc : memref<!tpu.dma_semaphore, #tpu.memory_space<semaphore_mem>>
        %dma_start3A_215 = tpu.memref_slice %arg11[%add3A_117] : memref<102400xf32, #tpu.memory_space<hbm>> -> memref<320xf32, #tpu.memory_space<hbm>>
        %dma_start3A_216 = tpu.memref_slice %arg11[%add3A_117] : memref<102400xf32, #tpu.memory_space<hbm>> -> memref<320xf32, #tpu.memory_space<hbm>>
        tpu.enqueue_dma source(%arg19 : memref<320xf32, #tpu.memory_space<vmem>>) target(%dma_start3A_216 : memref<320xf32, #tpu.memory_space<hbm>>) target_semaphore(%run_scoped3A : memref<!tpu.dma_semaphore, #tpu.memory_space<semaphore_mem>>)
        %dma_wait3A = tpu.memref_slice %arg11[%add3A_117] : memref<102400xf32, #tpu.memory_space<hbm>> -> memref<320xf32, #tpu.memory_space<hbm>>
        %dma_wait3A_217 = tpu.memref_slice %arg11[%add3A_117] : memref<102400xf32, #tpu.memory_space<hbm>> -> memref<320xf32, #tpu.memory_space<hbm>>
        tpu.wait_dma2 semaphore(%run_scoped3A : memref<!tpu.dma_semaphore, #tpu.memory_space<semaphore_mem>>) src(%arg19 : memref<320xf32, #tpu.memory_space<vmem>>) dst(%dma_wait3A_217 : memref<320xf32, #tpu.memory_space<hbm>>)
        tpu.yield
      }) : () -> ()
    } else {
    }
    %add3A_123 = arith.constant 5440 : i32
    %add3A_124 = arith.addi %mul3A_6, %add3A_123 : i32
    "tpu.region"() ({
      %run_scoped3A = tpu.sem_alloc : memref<!tpu.dma_semaphore, #tpu.memory_space<semaphore_mem>>
      %dma_start3A_215 = tpu.memref_slice %arg35[%add3A_124] : memref<102400xf32, #tpu.memory_space<vmem_shared>> -> memref<320xf32, #tpu.memory_space<vmem_shared>>
      %dma_start3A_216 = tpu.memref_slice %arg35[%add3A_124] : memref<102400xf32, #tpu.memory_space<vmem_shared>> -> memref<320xf32, #tpu.memory_space<vmem_shared>>
      tpu.enqueue_dma source(%arg19 : memref<320xf32, #tpu.memory_space<vmem>>) target(%dma_start3A_216 : memref<320xf32, #tpu.memory_space<vmem_shared>>) target_semaphore(%run_scoped3A : memref<!tpu.dma_semaphore, #tpu.memory_space<semaphore_mem>>)
      %dma_wait3A = tpu.memref_slice %arg35[%add3A_124] : memref<102400xf32, #tpu.memory_space<vmem_shared>> -> memref<320xf32, #tpu.memory_space<vmem_shared>>
      %dma_wait3A_217 = tpu.memref_slice %arg35[%add3A_124] : memref<102400xf32, #tpu.memory_space<vmem_shared>> -> memref<320xf32, #tpu.memory_space<vmem_shared>>
      tpu.wait_dma2 semaphore(%run_scoped3A : memref<!tpu.dma_semaphore, #tpu.memory_space<semaphore_mem>>) src(%arg19 : memref<320xf32, #tpu.memory_space<vmem>>) dst(%dma_wait3A_217 : memref<320xf32, #tpu.memory_space<vmem_shared>>)
      tpu.yield
    }) : () -> ()
    "tpu.region"() ({
      %run_scoped3A = tpu.sem_alloc : memref<!tpu.dma_semaphore, #tpu.memory_space<semaphore_mem>>
      %dma_start3A_215 = tpu.memref_slice %arg39[%add3A_124] : memref<102400xf32, #tpu.memory_space<vmem_shared>> -> memref<320xf32, #tpu.memory_space<vmem_shared>>
      %dma_start3A_216 = tpu.memref_slice %arg39[%add3A_124] : memref<102400xf32, #tpu.memory_space<vmem_shared>> -> memref<320xf32, #tpu.memory_space<vmem_shared>>
      tpu.enqueue_dma source(%arg19 : memref<320xf32, #tpu.memory_space<vmem>>) target(%dma_start3A_216 : memref<320xf32, #tpu.memory_space<vmem_shared>>) target_semaphore(%run_scoped3A : memref<!tpu.dma_semaphore, #tpu.memory_space<semaphore_mem>>)
      %dma_wait3A = tpu.memref_slice %arg39[%add3A_124] : memref<102400xf32, #tpu.memory_space<vmem_shared>> -> memref<320xf32, #tpu.memory_space<vmem_shared>>
      %dma_wait3A_217 = tpu.memref_slice %arg39[%add3A_124] : memref<102400xf32, #tpu.memory_space<vmem_shared>> -> memref<320xf32, #tpu.memory_space<vmem_shared>>
      tpu.wait_dma2 semaphore(%run_scoped3A : memref<!tpu.dma_semaphore, #tpu.memory_space<semaphore_mem>>) src(%arg19 : memref<320xf32, #tpu.memory_space<vmem>>) dst(%dma_wait3A_217 : memref<320xf32, #tpu.memory_space<vmem_shared>>)
      tpu.yield
    }) : () -> ()
    %eq3A_125 = arith.constant 0 : i32
    %eq3A_126 = arith.cmpi eq, %arg0, %eq3A_125 : i32
    %convert_element_type3A_127 = arith.extui %eq3A_126 : i1 to i32
    %cond3A_128 = arith.constant 0 : i32
    %cond3A_129 = arith.cmpi ne, %convert_element_type3A_127, %cond3A_128 : i32
    scf.if %cond3A_129 {
      "tpu.region"() ({
        %run_scoped3A = tpu.sem_alloc : memref<!tpu.dma_semaphore, #tpu.memory_space<semaphore_mem>>
        %dma_start3A_215 = tpu.memref_slice %arg11[%add3A_124] : memref<102400xf32, #tpu.memory_space<hbm>> -> memref<320xf32, #tpu.memory_space<hbm>>
        %dma_start3A_216 = tpu.memref_slice %arg11[%add3A_124] : memref<102400xf32, #tpu.memory_space<hbm>> -> memref<320xf32, #tpu.memory_space<hbm>>
        tpu.enqueue_dma source(%arg19 : memref<320xf32, #tpu.memory_space<vmem>>) target(%dma_start3A_216 : memref<320xf32, #tpu.memory_space<hbm>>) target_semaphore(%run_scoped3A : memref<!tpu.dma_semaphore, #tpu.memory_space<semaphore_mem>>)
        %dma_wait3A = tpu.memref_slice %arg11[%add3A_124] : memref<102400xf32, #tpu.memory_space<hbm>> -> memref<320xf32, #tpu.memory_space<hbm>>
        %dma_wait3A_217 = tpu.memref_slice %arg11[%add3A_124] : memref<102400xf32, #tpu.memory_space<hbm>> -> memref<320xf32, #tpu.memory_space<hbm>>
        tpu.wait_dma2 semaphore(%run_scoped3A : memref<!tpu.dma_semaphore, #tpu.memory_space<semaphore_mem>>) src(%arg19 : memref<320xf32, #tpu.memory_space<vmem>>) dst(%dma_wait3A_217 : memref<320xf32, #tpu.memory_space<hbm>>)
        tpu.yield
      }) : () -> ()
    } else {
    }
    %add3A_130 = arith.constant 5760 : i32
    %add3A_131 = arith.addi %mul3A_6, %add3A_130 : i32
    "tpu.region"() ({
      %run_scoped3A = tpu.sem_alloc : memref<!tpu.dma_semaphore, #tpu.memory_space<semaphore_mem>>
      %dma_start3A_215 = tpu.memref_slice %arg35[%add3A_131] : memref<102400xf32, #tpu.memory_space<vmem_shared>> -> memref<320xf32, #tpu.memory_space<vmem_shared>>
      %dma_start3A_216 = tpu.memref_slice %arg35[%add3A_131] : memref<102400xf32, #tpu.memory_space<vmem_shared>> -> memref<320xf32, #tpu.memory_space<vmem_shared>>
      tpu.enqueue_dma source(%arg19 : memref<320xf32, #tpu.memory_space<vmem>>) target(%dma_start3A_216 : memref<320xf32, #tpu.memory_space<vmem_shared>>) target_semaphore(%run_scoped3A : memref<!tpu.dma_semaphore, #tpu.memory_space<semaphore_mem>>)
      %dma_wait3A = tpu.memref_slice %arg35[%add3A_131] : memref<102400xf32, #tpu.memory_space<vmem_shared>> -> memref<320xf32, #tpu.memory_space<vmem_shared>>
      %dma_wait3A_217 = tpu.memref_slice %arg35[%add3A_131] : memref<102400xf32, #tpu.memory_space<vmem_shared>> -> memref<320xf32, #tpu.memory_space<vmem_shared>>
      tpu.wait_dma2 semaphore(%run_scoped3A : memref<!tpu.dma_semaphore, #tpu.memory_space<semaphore_mem>>) src(%arg19 : memref<320xf32, #tpu.memory_space<vmem>>) dst(%dma_wait3A_217 : memref<320xf32, #tpu.memory_space<vmem_shared>>)
      tpu.yield
    }) : () -> ()
    "tpu.region"() ({
      %run_scoped3A = tpu.sem_alloc : memref<!tpu.dma_semaphore, #tpu.memory_space<semaphore_mem>>
      %dma_start3A_215 = tpu.memref_slice %arg39[%add3A_131] : memref<102400xf32, #tpu.memory_space<vmem_shared>> -> memref<320xf32, #tpu.memory_space<vmem_shared>>
      %dma_start3A_216 = tpu.memref_slice %arg39[%add3A_131] : memref<102400xf32, #tpu.memory_space<vmem_shared>> -> memref<320xf32, #tpu.memory_space<vmem_shared>>
      tpu.enqueue_dma source(%arg19 : memref<320xf32, #tpu.memory_space<vmem>>) target(%dma_start3A_216 : memref<320xf32, #tpu.memory_space<vmem_shared>>) target_semaphore(%run_scoped3A : memref<!tpu.dma_semaphore, #tpu.memory_space<semaphore_mem>>)
      %dma_wait3A = tpu.memref_slice %arg39[%add3A_131] : memref<102400xf32, #tpu.memory_space<vmem_shared>> -> memref<320xf32, #tpu.memory_space<vmem_shared>>
      %dma_wait3A_217 = tpu.memref_slice %arg39[%add3A_131] : memref<102400xf32, #tpu.memory_space<vmem_shared>> -> memref<320xf32, #tpu.memory_space<vmem_shared>>
      tpu.wait_dma2 semaphore(%run_scoped3A : memref<!tpu.dma_semaphore, #tpu.memory_space<semaphore_mem>>) src(%arg19 : memref<320xf32, #tpu.memory_space<vmem>>) dst(%dma_wait3A_217 : memref<320xf32, #tpu.memory_space<vmem_shared>>)
      tpu.yield
    }) : () -> ()
    %eq3A_132 = arith.constant 0 : i32
    %eq3A_133 = arith.cmpi eq, %arg0, %eq3A_132 : i32
    %convert_element_type3A_134 = arith.extui %eq3A_133 : i1 to i32
    %cond3A_135 = arith.constant 0 : i32
    %cond3A_136 = arith.cmpi ne, %convert_element_type3A_134, %cond3A_135 : i32
    scf.if %cond3A_136 {
      "tpu.region"() ({
        %run_scoped3A = tpu.sem_alloc : memref<!tpu.dma_semaphore, #tpu.memory_space<semaphore_mem>>
        %dma_start3A_215 = tpu.memref_slice %arg11[%add3A_131] : memref<102400xf32, #tpu.memory_space<hbm>> -> memref<320xf32, #tpu.memory_space<hbm>>
        %dma_start3A_216 = tpu.memref_slice %arg11[%add3A_131] : memref<102400xf32, #tpu.memory_space<hbm>> -> memref<320xf32, #tpu.memory_space<hbm>>
        tpu.enqueue_dma source(%arg19 : memref<320xf32, #tpu.memory_space<vmem>>) target(%dma_start3A_216 : memref<320xf32, #tpu.memory_space<hbm>>) target_semaphore(%run_scoped3A : memref<!tpu.dma_semaphore, #tpu.memory_space<semaphore_mem>>)
        %dma_wait3A = tpu.memref_slice %arg11[%add3A_131] : memref<102400xf32, #tpu.memory_space<hbm>> -> memref<320xf32, #tpu.memory_space<hbm>>
        %dma_wait3A_217 = tpu.memref_slice %arg11[%add3A_131] : memref<102400xf32, #tpu.memory_space<hbm>> -> memref<320xf32, #tpu.memory_space<hbm>>
        tpu.wait_dma2 semaphore(%run_scoped3A : memref<!tpu.dma_semaphore, #tpu.memory_space<semaphore_mem>>) src(%arg19 : memref<320xf32, #tpu.memory_space<vmem>>) dst(%dma_wait3A_217 : memref<320xf32, #tpu.memory_space<hbm>>)
        tpu.yield
      }) : () -> ()
    } else {
    }
    %add3A_137 = arith.constant 6080 : i32
    %add3A_138 = arith.addi %mul3A_6, %add3A_137 : i32
    "tpu.region"() ({
      %run_scoped3A = tpu.sem_alloc : memref<!tpu.dma_semaphore, #tpu.memory_space<semaphore_mem>>
      %dma_start3A_215 = tpu.memref_slice %arg35[%add3A_138] : memref<102400xf32, #tpu.memory_space<vmem_shared>> -> memref<320xf32, #tpu.memory_space<vmem_shared>>
      %dma_start3A_216 = tpu.memref_slice %arg35[%add3A_138] : memref<102400xf32, #tpu.memory_space<vmem_shared>> -> memref<320xf32, #tpu.memory_space<vmem_shared>>
      tpu.enqueue_dma source(%arg19 : memref<320xf32, #tpu.memory_space<vmem>>) target(%dma_start3A_216 : memref<320xf32, #tpu.memory_space<vmem_shared>>) target_semaphore(%run_scoped3A : memref<!tpu.dma_semaphore, #tpu.memory_space<semaphore_mem>>)
      %dma_wait3A = tpu.memref_slice %arg35[%add3A_138] : memref<102400xf32, #tpu.memory_space<vmem_shared>> -> memref<320xf32, #tpu.memory_space<vmem_shared>>
      %dma_wait3A_217 = tpu.memref_slice %arg35[%add3A_138] : memref<102400xf32, #tpu.memory_space<vmem_shared>> -> memref<320xf32, #tpu.memory_space<vmem_shared>>
      tpu.wait_dma2 semaphore(%run_scoped3A : memref<!tpu.dma_semaphore, #tpu.memory_space<semaphore_mem>>) src(%arg19 : memref<320xf32, #tpu.memory_space<vmem>>) dst(%dma_wait3A_217 : memref<320xf32, #tpu.memory_space<vmem_shared>>)
      tpu.yield
    }) : () -> ()
    "tpu.region"() ({
      %run_scoped3A = tpu.sem_alloc : memref<!tpu.dma_semaphore, #tpu.memory_space<semaphore_mem>>
      %dma_start3A_215 = tpu.memref_slice %arg39[%add3A_138] : memref<102400xf32, #tpu.memory_space<vmem_shared>> -> memref<320xf32, #tpu.memory_space<vmem_shared>>
      %dma_start3A_216 = tpu.memref_slice %arg39[%add3A_138] : memref<102400xf32, #tpu.memory_space<vmem_shared>> -> memref<320xf32, #tpu.memory_space<vmem_shared>>
      tpu.enqueue_dma source(%arg19 : memref<320xf32, #tpu.memory_space<vmem>>) target(%dma_start3A_216 : memref<320xf32, #tpu.memory_space<vmem_shared>>) target_semaphore(%run_scoped3A : memref<!tpu.dma_semaphore, #tpu.memory_space<semaphore_mem>>)
      %dma_wait3A = tpu.memref_slice %arg39[%add3A_138] : memref<102400xf32, #tpu.memory_space<vmem_shared>> -> memref<320xf32, #tpu.memory_space<vmem_shared>>
      %dma_wait3A_217 = tpu.memref_slice %arg39[%add3A_138] : memref<102400xf32, #tpu.memory_space<vmem_shared>> -> memref<320xf32, #tpu.memory_space<vmem_shared>>
      tpu.wait_dma2 semaphore(%run_scoped3A : memref<!tpu.dma_semaphore, #tpu.memory_space<semaphore_mem>>) src(%arg19 : memref<320xf32, #tpu.memory_space<vmem>>) dst(%dma_wait3A_217 : memref<320xf32, #tpu.memory_space<vmem_shared>>)
      tpu.yield
    }) : () -> ()
    %eq3A_139 = arith.constant 0 : i32
    %eq3A_140 = arith.cmpi eq, %arg0, %eq3A_139 : i32
    %convert_element_type3A_141 = arith.extui %eq3A_140 : i1 to i32
    %cond3A_142 = arith.constant 0 : i32
    %cond3A_143 = arith.cmpi ne, %convert_element_type3A_141, %cond3A_142 : i32
    scf.if %cond3A_143 {
      "tpu.region"() ({
        %run_scoped3A = tpu.sem_alloc : memref<!tpu.dma_semaphore, #tpu.memory_space<semaphore_mem>>
        %dma_start3A_215 = tpu.memref_slice %arg11[%add3A_138] : memref<102400xf32, #tpu.memory_space<hbm>> -> memref<320xf32, #tpu.memory_space<hbm>>
        %dma_start3A_216 = tpu.memref_slice %arg11[%add3A_138] : memref<102400xf32, #tpu.memory_space<hbm>> -> memref<320xf32, #tpu.memory_space<hbm>>
        tpu.enqueue_dma source(%arg19 : memref<320xf32, #tpu.memory_space<vmem>>) target(%dma_start3A_216 : memref<320xf32, #tpu.memory_space<hbm>>) target_semaphore(%run_scoped3A : memref<!tpu.dma_semaphore, #tpu.memory_space<semaphore_mem>>)
        %dma_wait3A = tpu.memref_slice %arg11[%add3A_138] : memref<102400xf32, #tpu.memory_space<hbm>> -> memref<320xf32, #tpu.memory_space<hbm>>
        %dma_wait3A_217 = tpu.memref_slice %arg11[%add3A_138] : memref<102400xf32, #tpu.memory_space<hbm>> -> memref<320xf32, #tpu.memory_space<hbm>>
        tpu.wait_dma2 semaphore(%run_scoped3A : memref<!tpu.dma_semaphore, #tpu.memory_space<semaphore_mem>>) src(%arg19 : memref<320xf32, #tpu.memory_space<vmem>>) dst(%dma_wait3A_217 : memref<320xf32, #tpu.memory_space<hbm>>)
        tpu.yield
      }) : () -> ()
    } else {
    }
    %get3A = arith.constant 5 : i32
    %get3A_144 = arith.index_cast %get3A : i32 to index
    %get3A_145 = arith.constant 0 : index
    %get3A_146 = tpu.vector_load %arg34[%get3A_144, %get3A_145] {strides = array<i32>} : memref<15x16xf32, #tpu.memory_space<vmem>>, vector<16xf32>,
    %get3A_147 = arith.constant 6 : i32
    %get3A_148 = arith.index_cast %get3A_147 : i32 to index
    %get3A_149 = arith.constant 0 : index
    %get3A_150 = tpu.vector_load %arg34[%get3A_148, %get3A_149] {strides = array<i32>} : memref<15x16xf32, #tpu.memory_space<vmem>>, vector<16xf32>,
    %get3A_151 = arith.constant 7 : i32
    %get3A_152 = arith.index_cast %get3A_151 : i32 to index
    %get3A_153 = arith.constant 0 : index
    %get3A_154 = tpu.vector_load %arg34[%get3A_152, %get3A_153] {strides = array<i32>} : memref<15x16xf32, #tpu.memory_space<vmem>>, vector<16xf32>,
    %get3A_155 = arith.constant 8 : i32
    %get3A_156 = arith.index_cast %get3A_155 : i32 to index
    %get3A_157 = arith.constant 0 : index
    %get3A_158 = tpu.vector_load %arg34[%get3A_156, %get3A_157] {strides = array<i32>} : memref<15x16xf32, #tpu.memory_space<vmem>>, vector<16xf32>,
    %get3A_159 = arith.constant 9 : i32
    %get3A_160 = arith.index_cast %get3A_159 : i32 to index
    %get3A_161 = arith.constant 0 : index
    %get3A_162 = tpu.vector_load %arg34[%get3A_160, %get3A_161] {strides = array<i32>} : memref<15x16xf32, #tpu.memory_space<vmem>>, vector<16xf32>,
    %scan3A_163 = arith.constant 0 : i32
    %scan3A_164 = arith.constant 20 : i32
    %scan3A_165 = arith.addi %scan3A_163, %scan3A_164 : i32
    %scan3A_166 = arith.constant 1 : i32
    scf.for %scan3A_215 = %scan3A_163 to %scan3A_165 step %scan3A_166  : i32 {
      %mul3A_216 = arith.constant 1 : i32
      %mul3A_217 = arith.muli %scan3A_215, %mul3A_216 : i32
      %add3A_218 = arith.constant 0 : i32
      %add3A_219 = arith.addi %add3A_218, %mul3A_217 : i32
      %mul3A_220 = arith.constant 320 : i32
      %mul3A_221 = arith.muli %add3A_219, %mul3A_220 : i32
      %add3A_222 = arith.addi %mul3A_6, %mul3A_221 : i32
      %add3A_223 = arith.constant 102400 : i32
      %add3A_224 = arith.addi %add3A_223, %add3A_222 : i32
      %add3A_225 = arith.constant 204800 : i32
      %add3A_226 = arith.addi %add3A_225, %add3A_222 : i32
      %add3A_227 = arith.constant 307200 : i32
      %add3A_228 = arith.addi %add3A_227, %add3A_222 : i32
      %dma_start3A_229 = tpu.memref_slice %arg2[%add3A_222] : memref<409600xf32, #tpu.memory_space<hbm>> -> memref<320xf32, #tpu.memory_space<hbm>>
      %dma_start3A_230 = tpu.memref_slice %arg2[%add3A_222] : memref<409600xf32, #tpu.memory_space<hbm>> -> memref<320xf32, #tpu.memory_space<hbm>>
      tpu.enqueue_dma source(%dma_start3A_230 : memref<320xf32, #tpu.memory_space<hbm>>) target(%arg15 : memref<320xf32, #tpu.memory_space<vmem>>) target_semaphore(%arg36 : memref<!tpu.dma_semaphore, #tpu.memory_space<semaphore_mem>>)
      %dma_start3A_231 = tpu.memref_slice %arg2[%add3A_224] : memref<409600xf32, #tpu.memory_space<hbm>> -> memref<320xf32, #tpu.memory_space<hbm>>
      %dma_start3A_232 = tpu.memref_slice %arg2[%add3A_224] : memref<409600xf32, #tpu.memory_space<hbm>> -> memref<320xf32, #tpu.memory_space<hbm>>
      tpu.enqueue_dma source(%dma_start3A_232 : memref<320xf32, #tpu.memory_space<hbm>>) target(%arg16 : memref<320xf32, #tpu.memory_space<vmem>>) target_semaphore(%arg36 : memref<!tpu.dma_semaphore, #tpu.memory_space<semaphore_mem>>)
      %dma_start3A_233 = tpu.memref_slice %arg2[%add3A_226] : memref<409600xf32, #tpu.memory_space<hbm>> -> memref<320xf32, #tpu.memory_space<hbm>>
      %dma_start3A_234 = tpu.memref_slice %arg2[%add3A_226] : memref<409600xf32, #tpu.memory_space<hbm>> -> memref<320xf32, #tpu.memory_space<hbm>>
      tpu.enqueue_dma source(%dma_start3A_234 : memref<320xf32, #tpu.memory_space<hbm>>) target(%arg17 : memref<320xf32, #tpu.memory_space<vmem>>) target_semaphore(%arg36 : memref<!tpu.dma_semaphore, #tpu.memory_space<semaphore_mem>>)
      %dma_start3A_235 = tpu.memref_slice %arg2[%add3A_228] : memref<409600xf32, #tpu.memory_space<hbm>> -> memref<320xf32, #tpu.memory_space<hbm>>
      %dma_start3A_236 = tpu.memref_slice %arg2[%add3A_228] : memref<409600xf32, #tpu.memory_space<hbm>> -> memref<320xf32, #tpu.memory_space<hbm>>
      tpu.enqueue_dma source(%dma_start3A_236 : memref<320xf32, #tpu.memory_space<hbm>>) target(%arg18 : memref<320xf32, #tpu.memory_space<vmem>>) target_semaphore(%arg36 : memref<!tpu.dma_semaphore, #tpu.memory_space<semaphore_mem>>)
      %dma_wait3A = tpu.memref_slice %arg2[%add3A_222] : memref<409600xf32, #tpu.memory_space<hbm>> -> memref<320xf32, #tpu.memory_space<hbm>>
      %dma_wait3A_237 = tpu.memref_slice %arg2[%add3A_222] : memref<409600xf32, #tpu.memory_space<hbm>> -> memref<320xf32, #tpu.memory_space<hbm>>
      tpu.wait_dma2 semaphore(%arg36 : memref<!tpu.dma_semaphore, #tpu.memory_space<semaphore_mem>>) src(%dma_wait3A_237 : memref<320xf32, #tpu.memory_space<hbm>>) dst(%arg15 : memref<320xf32, #tpu.memory_space<vmem>>)
      %dma_wait3A_238 = tpu.memref_slice %arg2[%add3A_224] : memref<409600xf32, #tpu.memory_space<hbm>> -> memref<320xf32, #tpu.memory_space<hbm>>
      %dma_wait3A_239 = tpu.memref_slice %arg2[%add3A_224] : memref<409600xf32, #tpu.memory_space<hbm>> -> memref<320xf32, #tpu.memory_space<hbm>>
      tpu.wait_dma2 semaphore(%arg36 : memref<!tpu.dma_semaphore, #tpu.memory_space<semaphore_mem>>) src(%dma_wait3A_239 : memref<320xf32, #tpu.memory_space<hbm>>) dst(%arg16 : memref<320xf32, #tpu.memory_space<vmem>>)
      %dma_wait3A_240 = tpu.memref_slice %arg2[%add3A_226] : memref<409600xf32, #tpu.memory_space<hbm>> -> memref<320xf32, #tpu.memory_space<hbm>>
      %dma_wait3A_241 = tpu.memref_slice %arg2[%add3A_226] : memref<409600xf32, #tpu.memory_space<hbm>> -> memref<320xf32, #tpu.memory_space<hbm>>
      tpu.wait_dma2 semaphore(%arg36 : memref<!tpu.dma_semaphore, #tpu.memory_space<semaphore_mem>>) src(%dma_wait3A_241 : memref<320xf32, #tpu.memory_space<hbm>>) dst(%arg17 : memref<320xf32, #tpu.memory_space<vmem>>)
      %dma_wait3A_242 = tpu.memref_slice %arg2[%add3A_228] : memref<409600xf32, #tpu.memory_space<hbm>> -> memref<320xf32, #tpu.memory_space<hbm>>
      %dma_wait3A_243 = tpu.memref_slice %arg2[%add3A_228] : memref<409600xf32, #tpu.memory_space<hbm>> -> memref<320xf32, #tpu.memory_space<hbm>>
      tpu.wait_dma2 semaphore(%arg36 : memref<!tpu.dma_semaphore, #tpu.memory_space<semaphore_mem>>) src(%dma_wait3A_243 : memref<320xf32, #tpu.memory_space<hbm>>) dst(%arg18 : memref<320xf32, #tpu.memory_space<vmem>>)
      %scan3A_244 = arith.constant 0 : i32
      %scan3A_245 = arith.constant 20 : i32
      %scan3A_246 = arith.addi %scan3A_244, %scan3A_245 : i32
      %scan3A_247 = arith.constant 1 : i32
      scf.for %scan3A_252 = %scan3A_244 to %scan3A_246 step %scan3A_247  : i32 {
        %mul3A_253 = arith.constant 1 : i32
        %mul3A_254 = arith.muli %scan3A_252, %mul3A_253 : i32
        %add3A_255 = arith.constant 0 : i32
        %add3A_256 = arith.addi %add3A_255, %mul3A_254 : i32
        %mul3A_257 = arith.constant 16 : i32
        %mul3A_258 = arith.muli %add3A_256, %mul3A_257 : i32
        %get3A_259 = arith.index_cast %mul3A_258 : i32 to index
        %get3A_260 = tpu.vector_load %arg15[%get3A_259] {strides = array<i32>} : memref<320xf32, #tpu.memory_space<vmem>>, vector<16xf32>,
        %get3A_261 = arith.index_cast %mul3A_258 : i32 to index
        %get3A_262 = tpu.vector_load %arg16[%get3A_261] {strides = array<i32>} : memref<320xf32, #tpu.memory_space<vmem>>, vector<16xf32>,
        %get3A_263 = arith.index_cast %mul3A_258 : i32 to index
        %get3A_264 = tpu.vector_load %arg17[%get3A_263] {strides = array<i32>} : memref<320xf32, #tpu.memory_space<vmem>>, vector<16xf32>,
        %get3A_265 = arith.index_cast %mul3A_258 : i32 to index
        %get3A_266 = tpu.vector_load %arg18[%get3A_265] {strides = array<i32>} : memref<320xf32, #tpu.memory_space<vmem>>, vector<16xf32>,
        %broadcast_in_dim3A = arith.constant 0.000000e+00 : f32
        %broadcast_in_dim3A_267 = vector.broadcast %broadcast_in_dim3A : f32 to vector<16xf32>
        %mul3A_268 = arith.mulf %get3A_260, %get3A_146 : vector<16xf32>
        %mul3A_269 = arith.mulf %get3A_262, %get3A_150 : vector<16xf32>
        %add3A_270 = arith.addf %mul3A_268, %mul3A_269 : vector<16xf32>
        %mul3A_271 = arith.mulf %get3A_264, %get3A_154 : vector<16xf32>
        %add3A_272 = arith.addf %add3A_270, %mul3A_271 : vector<16xf32>
        %mul3A_273 = arith.mulf %get3A_266, %get3A_158 : vector<16xf32>
        %add3A_274 = arith.addf %add3A_272, %mul3A_273 : vector<16xf32>
        %mul3A_275 = arith.mulf %get3A_162, %broadcast_in_dim3A_267 : vector<16xf32>
        %add3A_276 = arith.addf %add3A_274, %mul3A_275 : vector<16xf32>
        %swap3A = arith.index_cast %mul3A_258 : i32 to index
        %swap3A_277 = tpu.vector_load %arg20[%swap3A] {strides = array<i32>} : memref<320xf32, #tpu.memory_space<vmem>>, vector<16xf32>,
        tpu.vector_store %arg20[%swap3A], %add3A_276 {strides = array<i32>} : memref<320xf32, #tpu.memory_space<vmem>>, vector<16xf32>,
      }
      %scan3A_248 = arith.constant 20 : i32
      %mul3A_249 = arith.constant 102400 : i32
      %mul3A_250 = arith.muli %arg0, %mul3A_249 : i32
      %add3A_251 = arith.addi %mul3A_250, %add3A_222 : i32
      "tpu.region"() ({
        %run_scoped3A = tpu.sem_alloc : memref<!tpu.dma_semaphore, #tpu.memory_space<semaphore_mem>>
        %dma_start3A_252 = tpu.memref_slice %arg12[%add3A_251] : memref<204800xf32, #tpu.memory_space<hbm>> -> memref<320xf32, #tpu.memory_space<hbm>>
        %dma_start3A_253 = tpu.memref_slice %arg12[%add3A_251] : memref<204800xf32, #tpu.memory_space<hbm>> -> memref<320xf32, #tpu.memory_space<hbm>>
        tpu.enqueue_dma source(%arg20 : memref<320xf32, #tpu.memory_space<vmem>>) target(%dma_start3A_253 : memref<320xf32, #tpu.memory_space<hbm>>) target_semaphore(%run_scoped3A : memref<!tpu.dma_semaphore, #tpu.memory_space<semaphore_mem>>)
        %dma_wait3A_254 = tpu.memref_slice %arg12[%add3A_251] : memref<204800xf32, #tpu.memory_space<hbm>> -> memref<320xf32, #tpu.memory_space<hbm>>
        %dma_wait3A_255 = tpu.memref_slice %arg12[%add3A_251] : memref<204800xf32, #tpu.memory_space<hbm>> -> memref<320xf32, #tpu.memory_space<hbm>>
        tpu.wait_dma2 semaphore(%run_scoped3A : memref<!tpu.dma_semaphore, #tpu.memory_space<semaphore_mem>>) src(%arg20 : memref<320xf32, #tpu.memory_space<vmem>>) dst(%dma_wait3A_255 : memref<320xf32, #tpu.memory_space<hbm>>)
        tpu.yield
      }) : () -> ()
    }
    %scan3A_167 = arith.constant 20 : i32
    %barrier3A = arith.constant 0 : index
    tpu.barrier barrier_id(%barrier3A)
    %mul3A_168 = arith.constant 102400 : i32
    %mul3A_169 = arith.muli %arg0, %mul3A_168 : i32
    "tpu.region"() ({
      %run_scoped3A = tpu.sem_alloc : memref<!tpu.dma_semaphore, #tpu.memory_space<semaphore_mem>>
      %dma_start3A_215 = tpu.memref_slice %arg12[%mul3A_169] : memref<204800xf32, #tpu.memory_space<hbm>> -> memref<100000xf32, #tpu.memory_space<hbm>>
      %dma_start3A_216 = tpu.memref_slice %arg12[%mul3A_169] : memref<204800xf32, #tpu.memory_space<hbm>> -> memref<100000xf32, #tpu.memory_space<hbm>>
      tpu.enqueue_dma source(%dma_start3A_216 : memref<100000xf32, #tpu.memory_space<hbm>>) target(%arg14 : memref<100000xf32, #tpu.memory_space<vmem>>) target_semaphore(%run_scoped3A : memref<!tpu.dma_semaphore, #tpu.memory_space<semaphore_mem>>)
      %dma_wait3A = tpu.memref_slice %arg12[%mul3A_169] : memref<204800xf32, #tpu.memory_space<hbm>> -> memref<100000xf32, #tpu.memory_space<hbm>>
      %dma_wait3A_217 = tpu.memref_slice %arg12[%mul3A_169] : memref<204800xf32, #tpu.memory_space<hbm>> -> memref<100000xf32, #tpu.memory_space<hbm>>
      tpu.wait_dma2 semaphore(%run_scoped3A : memref<!tpu.dma_semaphore, #tpu.memory_space<semaphore_mem>>) src(%dma_wait3A_217 : memref<100000xf32, #tpu.memory_space<hbm>>) dst(%arg14 : memref<100000xf32, #tpu.memory_space<vmem>>)
      tpu.yield
    }) : () -> ()
    %get3A_170 = arith.constant 0 : i32
    %get3A_171 = arith.index_cast %get3A_170 : i32 to index
    %get3A_172 = arith.constant 0 : index
    %get3A_173 = tpu.vector_load %arg34[%get3A_171, %get3A_172] {strides = array<i32>} : memref<15x16xf32, #tpu.memory_space<vmem>>, vector<16xf32>,
    %get3A_174 = arith.constant 1 : i32
    %get3A_175 = arith.index_cast %get3A_174 : i32 to index
    %get3A_176 = arith.constant 0 : index
    %get3A_177 = tpu.vector_load %arg34[%get3A_175, %get3A_176] {strides = array<i32>} : memref<15x16xf32, #tpu.memory_space<vmem>>, vector<16xf32>,
    %get3A_178 = arith.constant 2 : i32
    %get3A_179 = arith.index_cast %get3A_178 : i32 to index
    %get3A_180 = arith.constant 0 : index
    %get3A_181 = tpu.vector_load %arg34[%get3A_179, %get3A_180] {strides = array<i32>} : memref<15x16xf32, #tpu.memory_space<vmem>>, vector<16xf32>,
    %get3A_182 = arith.constant 3 : i32
    %get3A_183 = arith.index_cast %get3A_182 : i32 to index
    %get3A_184 = arith.constant 0 : index
    %get3A_185 = tpu.vector_load %arg34[%get3A_183, %get3A_184] {strides = array<i32>} : memref<15x16xf32, #tpu.memory_space<vmem>>, vector<16xf32>,
    %get3A_186 = arith.constant 4 : i32
    %get3A_187 = arith.index_cast %get3A_186 : i32 to index
    %get3A_188 = arith.constant 0 : index
    %get3A_189 = tpu.vector_load %arg34[%get3A_187, %get3A_188] {strides = array<i32>} : memref<15x16xf32, #tpu.memory_space<vmem>>, vector<16xf32>,
    %mul3A_190 = arith.constant 100352 : i32
    %mul3A_191 = arith.muli %add3A, %mul3A_190 : i32
    %add3A_192 = arith.constant 0 : i32
    %add3A_193 = arith.addi %mul3A_191, %add3A_192 : i32
    %min3A = arith.constant 3198976 : i32
    %min3A_194 = arith.minsi %add3A_193, %min3A : i32
    %dma_start3A = tpu.memref_slice %arg3[%add3A_193] : memref<3211264xi32, #tpu.memory_space<hbm>> -> memref<1024xi32, #tpu.memory_space<hbm>>
    %dma_start3A_195 = tpu.memref_slice %arg3[%add3A_193] : memref<3211264xi32, #tpu.memory_space<hbm>> -> memref<1024xi32, #tpu.memory_space<hbm>>
    tpu.enqueue_dma source(%dma_start3A_195 : memref<1024xi32, #tpu.memory_space<hbm>>) target(%arg21 : memref<1024xi32, #tpu.memory_space<vmem>>) target_semaphore(%arg36 : memref<!tpu.dma_semaphore, #tpu.memory_space<semaphore_mem>>)
    %dma_start3A_196 = tpu.memref_slice %arg4[%add3A_193] : memref<3211264xi32, #tpu.memory_space<hbm>> -> memref<1024xi32, #tpu.memory_space<hbm>>
    %dma_start3A_197 = tpu.memref_slice %arg4[%add3A_193] : memref<3211264xi32, #tpu.memory_space<hbm>> -> memref<1024xi32, #tpu.memory_space<hbm>>
    tpu.enqueue_dma source(%dma_start3A_197 : memref<1024xi32, #tpu.memory_space<hbm>>) target(%arg22 : memref<1024xi32, #tpu.memory_space<vmem>>) target_semaphore(%arg36 : memref<!tpu.dma_semaphore, #tpu.memory_space<semaphore_mem>>)
    %dma_start3A_198 = tpu.memref_slice %arg5[%min3A_194] : memref<3200000xf32, #tpu.memory_space<hbm>> -> memref<1024xf32, #tpu.memory_space<hbm>>
    %dma_start3A_199 = tpu.memref_slice %arg5[%min3A_194] : memref<3200000xf32, #tpu.memory_space<hbm>> -> memref<1024xf32, #tpu.memory_space<hbm>>
    tpu.enqueue_dma source(%dma_start3A_199 : memref<1024xf32, #tpu.memory_space<hbm>>) target(%arg23 : memref<1024xf32, #tpu.memory_space<vmem>>) target_semaphore(%arg36 : memref<!tpu.dma_semaphore, #tpu.memory_space<semaphore_mem>>)
    %dma_start3A_200 = tpu.memref_slice %arg6[%min3A_194] : memref<3200000xf32, #tpu.memory_space<hbm>> -> memref<1024xf32, #tpu.memory_space<hbm>>
    %dma_start3A_201 = tpu.memref_slice %arg6[%min3A_194] : memref<3200000xf32, #tpu.memory_space<hbm>> -> memref<1024xf32, #tpu.memory_space<hbm>>
    tpu.enqueue_dma source(%dma_start3A_201 : memref<1024xf32, #tpu.memory_space<hbm>>) target(%arg24 : memref<1024xf32, #tpu.memory_space<vmem>>) target_semaphore(%arg36 : memref<!tpu.dma_semaphore, #tpu.memory_space<semaphore_mem>>)
    %dma_start3A_202 = tpu.memref_slice %arg7[%min3A_194] : memref<3200000xf32, #tpu.memory_space<hbm>> -> memref<1024xf32, #tpu.memory_space<hbm>>
    %dma_start3A_203 = tpu.memref_slice %arg7[%min3A_194] : memref<3200000xf32, #tpu.memory_space<hbm>> -> memref<1024xf32, #tpu.memory_space<hbm>>
    tpu.enqueue_dma source(%dma_start3A_203 : memref<1024xf32, #tpu.memory_space<hbm>>) target(%arg25 : memref<1024xf32, #tpu.memory_space<vmem>>) target_semaphore(%arg36 : memref<!tpu.dma_semaphore, #tpu.memory_space<semaphore_mem>>)
    %dma_start3A_204 = tpu.memref_slice %arg8[%min3A_194] : memref<3200000xf32, #tpu.memory_space<hbm>> -> memref<1024xf32, #tpu.memory_space<hbm>>
    %dma_start3A_205 = tpu.memref_slice %arg8[%min3A_194] : memref<3200000xf32, #tpu.memory_space<hbm>> -> memref<1024xf32, #tpu.memory_space<hbm>>
    tpu.enqueue_dma source(%dma_start3A_205 : memref<1024xf32, #tpu.memory_space<hbm>>) target(%arg26 : memref<1024xf32, #tpu.memory_space<vmem>>) target_semaphore(%arg36 : memref<!tpu.dma_semaphore, #tpu.memory_space<semaphore_mem>>)
    %scan3A_206 = arith.constant 0 : i32
    %scan3A_207 = arith.constant 49 : i32
    %scan3A_208 = arith.addi %scan3A_206, %scan3A_207 : i32
    %scan3A_209 = arith.constant 1 : i32
    scf.for %scan3A_215 = %scan3A_206 to %scan3A_208 step %scan3A_209  : i32 {
      %mul3A_216 = arith.constant 1 : i32
      %mul3A_217 = arith.muli %scan3A_215, %mul3A_216 : i32
      %add3A_218 = arith.constant 0 : i32
      %add3A_219 = arith.addi %add3A_218, %mul3A_217 : i32
      %mul3A_220 = arith.constant 2 : i32
      %mul3A_221 = arith.muli %add3A_219, %mul3A_220 : i32
      %add3A_222 = arith.constant 1 : i32
      %add3A_223 = arith.addi %mul3A_221, %add3A_222 : i32
      %mul3A_224 = arith.constant 100352 : i32
      %mul3A_225 = arith.muli %add3A, %mul3A_224 : i32
      %mul3A_226 = arith.constant 1024 : i32
      %mul3A_227 = arith.muli %add3A_223, %mul3A_226 : i32
      %add3A_228 = arith.addi %mul3A_225, %mul3A_227 : i32
      %min3A_229 = arith.constant 3198976 : i32
      %min3A_230 = arith.minsi %add3A_228, %min3A_229 : i32
      %dma_start3A_231 = tpu.memref_slice %arg3[%add3A_228] : memref<3211264xi32, #tpu.memory_space<hbm>> -> memref<1024xi32, #tpu.memory_space<hbm>>
      %dma_start3A_232 = tpu.memref_slice %arg3[%add3A_228] : memref<3211264xi32, #tpu.memory_space<hbm>> -> memref<1024xi32, #tpu.memory_space<hbm>>
      tpu.enqueue_dma source(%dma_start3A_232 : memref<1024xi32, #tpu.memory_space<hbm>>) target(%arg27 : memref<1024xi32, #tpu.memory_space<vmem>>) target_semaphore(%arg37 : memref<!tpu.dma_semaphore, #tpu.memory_space<semaphore_mem>>)
      %dma_start3A_233 = tpu.memref_slice %arg4[%add3A_228] : memref<3211264xi32, #tpu.memory_space<hbm>> -> memref<1024xi32, #tpu.memory_space<hbm>>
      %dma_start3A_234 = tpu.memref_slice %arg4[%add3A_228] : memref<3211264xi32, #tpu.memory_space<hbm>> -> memref<1024xi32, #tpu.memory_space<hbm>>
      tpu.enqueue_dma source(%dma_start3A_234 : memref<1024xi32, #tpu.memory_space<hbm>>) target(%arg28 : memref<1024xi32, #tpu.memory_space<vmem>>) target_semaphore(%arg37 : memref<!tpu.dma_semaphore, #tpu.memory_space<semaphore_mem>>)
      %dma_start3A_235 = tpu.memref_slice %arg5[%min3A_230] : memref<3200000xf32, #tpu.memory_space<hbm>> -> memref<1024xf32, #tpu.memory_space<hbm>>
      %dma_start3A_236 = tpu.memref_slice %arg5[%min3A_230] : memref<3200000xf32, #tpu.memory_space<hbm>> -> memref<1024xf32, #tpu.memory_space<hbm>>
      tpu.enqueue_dma source(%dma_start3A_236 : memref<1024xf32, #tpu.memory_space<hbm>>) target(%arg29 : memref<1024xf32, #tpu.memory_space<vmem>>) target_semaphore(%arg37 : memref<!tpu.dma_semaphore, #tpu.memory_space<semaphore_mem>>)
      %dma_start3A_237 = tpu.memref_slice %arg6[%min3A_230] : memref<3200000xf32, #tpu.memory_space<hbm>> -> memref<1024xf32, #tpu.memory_space<hbm>>
      %dma_start3A_238 = tpu.memref_slice %arg6[%min3A_230] : memref<3200000xf32, #tpu.memory_space<hbm>> -> memref<1024xf32, #tpu.memory_space<hbm>>
      tpu.enqueue_dma source(%dma_start3A_238 : memref<1024xf32, #tpu.memory_space<hbm>>) target(%arg30 : memref<1024xf32, #tpu.memory_space<vmem>>) target_semaphore(%arg37 : memref<!tpu.dma_semaphore, #tpu.memory_space<semaphore_mem>>)
      %dma_start3A_239 = tpu.memref_slice %arg7[%min3A_230] : memref<3200000xf32, #tpu.memory_space<hbm>> -> memref<1024xf32, #tpu.memory_space<hbm>>
      %dma_start3A_240 = tpu.memref_slice %arg7[%min3A_230] : memref<3200000xf32, #tpu.memory_space<hbm>> -> memref<1024xf32, #tpu.memory_space<hbm>>
      tpu.enqueue_dma source(%dma_start3A_240 : memref<1024xf32, #tpu.memory_space<hbm>>) target(%arg31 : memref<1024xf32, #tpu.memory_space<vmem>>) target_semaphore(%arg37 : memref<!tpu.dma_semaphore, #tpu.memory_space<semaphore_mem>>)
      %dma_start3A_241 = tpu.memref_slice %arg8[%min3A_230] : memref<3200000xf32, #tpu.memory_space<hbm>> -> memref<1024xf32, #tpu.memory_space<hbm>>
      %dma_start3A_242 = tpu.memref_slice %arg8[%min3A_230] : memref<3200000xf32, #tpu.memory_space<hbm>> -> memref<1024xf32, #tpu.memory_space<hbm>>
      tpu.enqueue_dma source(%dma_start3A_242 : memref<1024xf32, #tpu.memory_space<hbm>>) target(%arg32 : memref<1024xf32, #tpu.memory_space<vmem>>) target_semaphore(%arg37 : memref<!tpu.dma_semaphore, #tpu.memory_space<semaphore_mem>>)
      %mul3A_243 = arith.constant 100352 : i32
      %mul3A_244 = arith.muli %add3A, %mul3A_243 : i32
      %mul3A_245 = arith.constant 1024 : i32
      %mul3A_246 = arith.muli %mul3A_221, %mul3A_245 : i32
      %add3A_247 = arith.addi %mul3A_244, %mul3A_246 : i32
      %min3A_248 = arith.constant 3198976 : i32
      %min3A_249 = arith.minsi %add3A_247, %min3A_248 : i32
      %dma_wait3A = tpu.memref_slice %arg3[%add3A_247] : memref<3211264xi32, #tpu.memory_space<hbm>> -> memref<1024xi32, #tpu.memory_space<hbm>>
      %dma_wait3A_250 = tpu.memref_slice %arg3[%add3A_247] : memref<3211264xi32, #tpu.memory_space<hbm>> -> memref<1024xi32, #tpu.memory_space<hbm>>
      tpu.wait_dma2 semaphore(%arg36 : memref<!tpu.dma_semaphore, #tpu.memory_space<semaphore_mem>>) src(%dma_wait3A_250 : memref<1024xi32, #tpu.memory_space<hbm>>) dst(%arg21 : memref<1024xi32, #tpu.memory_space<vmem>>)
      %dma_wait3A_251 = tpu.memref_slice %arg4[%add3A_247] : memref<3211264xi32, #tpu.memory_space<hbm>> -> memref<1024xi32, #tpu.memory_space<hbm>>
      %dma_wait3A_252 = tpu.memref_slice %arg4[%add3A_247] : memref<3211264xi32, #tpu.memory_space<hbm>> -> memref<1024xi32, #tpu.memory_space<hbm>>
      tpu.wait_dma2 semaphore(%arg36 : memref<!tpu.dma_semaphore, #tpu.memory_space<semaphore_mem>>) src(%dma_wait3A_252 : memref<1024xi32, #tpu.memory_space<hbm>>) dst(%arg22 : memref<1024xi32, #tpu.memory_space<vmem>>)
      %dma_wait3A_253 = tpu.memref_slice %arg5[%min3A_249] : memref<3200000xf32, #tpu.memory_space<hbm>> -> memref<1024xf32, #tpu.memory_space<hbm>>
      %dma_wait3A_254 = tpu.memref_slice %arg5[%min3A_249] : memref<3200000xf32, #tpu.memory_space<hbm>> -> memref<1024xf32, #tpu.memory_space<hbm>>
      tpu.wait_dma2 semaphore(%arg36 : memref<!tpu.dma_semaphore, #tpu.memory_space<semaphore_mem>>) src(%dma_wait3A_254 : memref<1024xf32, #tpu.memory_space<hbm>>) dst(%arg23 : memref<1024xf32, #tpu.memory_space<vmem>>)
      %dma_wait3A_255 = tpu.memref_slice %arg6[%min3A_249] : memref<3200000xf32, #tpu.memory_space<hbm>> -> memref<1024xf32, #tpu.memory_space<hbm>>
      %dma_wait3A_256 = tpu.memref_slice %arg6[%min3A_249] : memref<3200000xf32, #tpu.memory_space<hbm>> -> memref<1024xf32, #tpu.memory_space<hbm>>
      tpu.wait_dma2 semaphore(%arg36 : memref<!tpu.dma_semaphore, #tpu.memory_space<semaphore_mem>>) src(%dma_wait3A_256 : memref<1024xf32, #tpu.memory_space<hbm>>) dst(%arg24 : memref<1024xf32, #tpu.memory_space<vmem>>)
      %dma_wait3A_257 = tpu.memref_slice %arg7[%min3A_249] : memref<3200000xf32, #tpu.memory_space<hbm>> -> memref<1024xf32, #tpu.memory_space<hbm>>
      %dma_wait3A_258 = tpu.memref_slice %arg7[%min3A_249] : memref<3200000xf32, #tpu.memory_space<hbm>> -> memref<1024xf32, #tpu.memory_space<hbm>>
      tpu.wait_dma2 semaphore(%arg36 : memref<!tpu.dma_semaphore, #tpu.memory_space<semaphore_mem>>) src(%dma_wait3A_258 : memref<1024xf32, #tpu.memory_space<hbm>>) dst(%arg25 : memref<1024xf32, #tpu.memory_space<vmem>>)
      %dma_wait3A_259 = tpu.memref_slice %arg8[%min3A_249] : memref<3200000xf32, #tpu.memory_space<hbm>> -> memref<1024xf32, #tpu.memory_space<hbm>>
      %dma_wait3A_260 = tpu.memref_slice %arg8[%min3A_249] : memref<3200000xf32, #tpu.memory_space<hbm>> -> memref<1024xf32, #tpu.memory_space<hbm>>
      tpu.wait_dma2 semaphore(%arg36 : memref<!tpu.dma_semaphore, #tpu.memory_space<semaphore_mem>>) src(%dma_wait3A_260 : memref<1024xf32, #tpu.memory_space<hbm>>) dst(%arg26 : memref<1024xf32, #tpu.memory_space<vmem>>)
      %scan3A_261 = arith.constant 0 : i32
      %scan3A_262 = arith.constant 64 : i32
      %scan3A_263 = arith.addi %scan3A_261, %scan3A_262 : i32
      %scan3A_264 = arith.constant 1 : i32
      scf.for %scan3A_327 = %scan3A_261 to %scan3A_263 step %scan3A_264  : i32 {
        %mul3A_328 = arith.constant 1 : i32
        %mul3A_329 = arith.muli %scan3A_327, %mul3A_328 : i32
        %add3A_330 = arith.constant 0 : i32
        %add3A_331 = arith.addi %add3A_330, %mul3A_329 : i32
        %mul3A_332 = arith.constant 16 : i32
        %mul3A_333 = arith.muli %add3A_331, %mul3A_332 : i32
        %get3A_334 = arith.index_cast %mul3A_333 : i32 to index
        %get3A_335 = tpu.vector_load %arg21[%get3A_334] {strides = array<i32>} : memref<1024xi32, #tpu.memory_space<vmem>>, vector<16xi32>,
        %gather3A = tpu.vector_load_idx %arg14[%get3A_335] : memref<100000xf32, #tpu.memory_space<vmem>>[vector<16xi32>], vector<16xf32>,
        %get3A_336 = arith.index_cast %mul3A_333 : i32 to index
        %get3A_337 = tpu.vector_load %arg23[%get3A_336] {strides = array<i32>} : memref<1024xf32, #tpu.memory_space<vmem>>, vector<16xf32>,
        %get3A_338 = arith.index_cast %mul3A_333 : i32 to index
        %get3A_339 = tpu.vector_load %arg24[%get3A_338] {strides = array<i32>} : memref<1024xf32, #tpu.memory_space<vmem>>, vector<16xf32>,
        %get3A_340 = arith.index_cast %mul3A_333 : i32 to index
        %get3A_341 = tpu.vector_load %arg25[%get3A_340] {strides = array<i32>} : memref<1024xf32, #tpu.memory_space<vmem>>, vector<16xf32>,
        %get3A_342 = arith.index_cast %mul3A_333 : i32 to index
        %get3A_343 = tpu.vector_load %arg26[%get3A_342] {strides = array<i32>} : memref<1024xf32, #tpu.memory_space<vmem>>, vector<16xf32>,
        %mul3A_344 = arith.mulf %get3A_337, %get3A_173 : vector<16xf32>
        %add3A_345 = arith.addf %gather3A, %mul3A_344 : vector<16xf32>
        %mul3A_346 = arith.mulf %get3A_339, %get3A_177 : vector<16xf32>
        %add3A_347 = arith.addf %add3A_345, %mul3A_346 : vector<16xf32>
        %mul3A_348 = arith.mulf %get3A_341, %get3A_181 : vector<16xf32>
        %add3A_349 = arith.addf %add3A_347, %mul3A_348 : vector<16xf32>
        %mul3A_350 = arith.mulf %get3A_343, %get3A_185 : vector<16xf32>
        %add3A_351 = arith.addf %add3A_349, %mul3A_350 : vector<16xf32>
        %add3A_352 = arith.addf %add3A_351, %get3A_189 : vector<16xf32>
        %swap3A = arith.index_cast %mul3A_333 : i32 to index
        %swap3A_353 = tpu.vector_load %arg33[%swap3A] {strides = array<i32>} : memref<1024xf32, #tpu.memory_space<vmem>>, vector<16xf32>,
        tpu.vector_store %arg33[%swap3A], %add3A_352 {strides = array<i32>} : memref<1024xf32, #tpu.memory_space<vmem>>, vector<16xf32>,
      }
      %scan3A_265 = arith.constant 64 : i32
      %dma_start3A_266 = arith.constant 0 : i32
      %dma_start3A_267 = tpu.memref_slice %arg35[%dma_start3A_266] : memref<102400xf32, #tpu.memory_space<vmem_shared>> -> memref<102400xf32, #tpu.memory_space<vmem_shared>>
      tpu.enqueue_indirect_dma source(%arg33 : memref<1024xf32, #tpu.memory_space<vmem>>) target(%dma_start3A_267 : memref<102400xf32, #tpu.memory_space<vmem_shared>>) offsets(%arg22 : memref<1024xi32, #tpu.memory_space<vmem>>) semaphore(%arg38 : memref<!tpu.dma_semaphore, #tpu.memory_space<semaphore_mem>>) {add = true}
      %dma_wait3A_268 = arith.constant 0 : i32
      %dma_wait3A_269 = tpu.memref_slice %arg35[%dma_wait3A_268] : memref<102400xf32, #tpu.memory_space<vmem_shared>> -> memref<102400xf32, #tpu.memory_space<vmem_shared>>
      tpu.wait_indirect_dma semaphore(%arg38 : memref<!tpu.dma_semaphore, #tpu.memory_space<semaphore_mem>>) src(%arg33 : memref<1024xf32, #tpu.memory_space<vmem>>) dst(%dma_wait3A_269 : memref<102400xf32, #tpu.memory_space<vmem_shared>>)
      %broadcast_in_dim3A = arith.constant 1.000000e+00 : f32
      %broadcast_in_dim3A_270 = vector.broadcast %broadcast_in_dim3A : f32 to vector<16xf32>
      %scan3A_271 = arith.constant 0 : i32
      %scan3A_272 = arith.constant 64 : i32
      %scan3A_273 = arith.addi %scan3A_271, %scan3A_272 : i32
      %scan3A_274 = arith.constant 1 : i32
      scf.for %scan3A_327 = %scan3A_271 to %scan3A_273 step %scan3A_274  : i32 {
        %mul3A_328 = arith.constant 1 : i32
        %mul3A_329 = arith.muli %scan3A_327, %mul3A_328 : i32
        %add3A_330 = arith.constant 0 : i32
        %add3A_331 = arith.addi %add3A_330, %mul3A_329 : i32
        %mul3A_332 = arith.constant 16 : i32
        %mul3A_333 = arith.muli %add3A_331, %mul3A_332 : i32
        %swap3A = arith.index_cast %mul3A_333 : i32 to index
        %swap3A_334 = tpu.vector_load %arg33[%swap3A] {strides = array<i32>} : memref<1024xf32, #tpu.memory_space<vmem>>, vector<16xf32>,
        tpu.vector_store %arg33[%swap3A], %broadcast_in_dim3A_270 {strides = array<i32>} : memref<1024xf32, #tpu.memory_space<vmem>>, vector<16xf32>,
      }
      %scan3A_275 = arith.constant 64 : i32
      %dma_start3A_276 = arith.constant 0 : i32
      %dma_start3A_277 = tpu.memref_slice %arg39[%dma_start3A_276] : memref<102400xf32, #tpu.memory_space<vmem_shared>> -> memref<102400xf32, #tpu.memory_space<vmem_shared>>
      tpu.enqueue_indirect_dma source(%arg33 : memref<1024xf32, #tpu.memory_space<vmem>>) target(%dma_start3A_277 : memref<102400xf32, #tpu.memory_space<vmem_shared>>) offsets(%arg22 : memref<1024xi32, #tpu.memory_space<vmem>>) semaphore(%arg38 : memref<!tpu.dma_semaphore, #tpu.memory_space<semaphore_mem>>) {add = true}
      %dma_wait3A_278 = arith.constant 0 : i32
      %dma_wait3A_279 = tpu.memref_slice %arg35[%dma_wait3A_278] : memref<102400xf32, #tpu.memory_space<vmem_shared>> -> memref<102400xf32, #tpu.memory_space<vmem_shared>>
      tpu.wait_indirect_dma semaphore(%arg38 : memref<!tpu.dma_semaphore, #tpu.memory_space<semaphore_mem>>) src(%arg33 : memref<1024xf32, #tpu.memory_space<vmem>>) dst(%dma_wait3A_279 : memref<102400xf32, #tpu.memory_space<vmem_shared>>)
      %add3A_280 = arith.constant 2 : i32
      %add3A_281 = arith.addi %mul3A_221, %add3A_280 : i32
      %lt3A = arith.constant 98 : i32
      %lt3A_282 = arith.cmpi slt, %add3A_281, %lt3A : i32
      %convert_element_type3A_283 = arith.extui %lt3A_282 : i1 to i32
      %cond3A_284 = arith.constant 0 : i32
      %cond3A_285 = arith.cmpi ne, %convert_element_type3A_283, %cond3A_284 : i32
      scf.if %cond3A_285 {
        %add3A_327 = arith.constant 2 : i32
        %add3A_328 = arith.addi %mul3A_221, %add3A_327 : i32
        %mul3A_329 = arith.constant 100352 : i32
        %mul3A_330 = arith.muli %add3A, %mul3A_329 : i32
        %mul3A_331 = arith.constant 1024 : i32
        %mul3A_332 = arith.muli %add3A_328, %mul3A_331 : i32
        %add3A_333 = arith.addi %mul3A_330, %mul3A_332 : i32
        %min3A_334 = arith.constant 3198976 : i32
        %min3A_335 = arith.minsi %add3A_333, %min3A_334 : i32
        %dma_start3A_336 = tpu.memref_slice %arg3[%add3A_333] : memref<3211264xi32, #tpu.memory_space<hbm>> -> memref<1024xi32, #tpu.memory_space<hbm>>
        %dma_start3A_337 = tpu.memref_slice %arg3[%add3A_333] : memref<3211264xi32, #tpu.memory_space<hbm>> -> memref<1024xi32, #tpu.memory_space<hbm>>
        tpu.enqueue_dma source(%dma_start3A_337 : memref<1024xi32, #tpu.memory_space<hbm>>) target(%arg21 : memref<1024xi32, #tpu.memory_space<vmem>>) target_semaphore(%arg36 : memref<!tpu.dma_semaphore, #tpu.memory_space<semaphore_mem>>)
        %dma_start3A_338 = tpu.memref_slice %arg4[%add3A_333] : memref<3211264xi32, #tpu.memory_space<hbm>> -> memref<1024xi32, #tpu.memory_space<hbm>>
        %dma_start3A_339 = tpu.memref_slice %arg4[%add3A_333] : memref<3211264xi32, #tpu.memory_space<hbm>> -> memref<1024xi32, #tpu.memory_space<hbm>>
        tpu.enqueue_dma source(%dma_start3A_339 : memref<1024xi32, #tpu.memory_space<hbm>>) target(%arg22 : memref<1024xi32, #tpu.memory_space<vmem>>) target_semaphore(%arg36 : memref<!tpu.dma_semaphore, #tpu.memory_space<semaphore_mem>>)
        %dma_start3A_340 = tpu.memref_slice %arg5[%min3A_335] : memref<3200000xf32, #tpu.memory_space<hbm>> -> memref<1024xf32, #tpu.memory_space<hbm>>
        %dma_start3A_341 = tpu.memref_slice %arg5[%min3A_335] : memref<3200000xf32, #tpu.memory_space<hbm>> -> memref<1024xf32, #tpu.memory_space<hbm>>
        tpu.enqueue_dma source(%dma_start3A_341 : memref<1024xf32, #tpu.memory_space<hbm>>) target(%arg23 : memref<1024xf32, #tpu.memory_space<vmem>>) target_semaphore(%arg36 : memref<!tpu.dma_semaphore, #tpu.memory_space<semaphore_mem>>)
        %dma_start3A_342 = tpu.memref_slice %arg6[%min3A_335] : memref<3200000xf32, #tpu.memory_space<hbm>> -> memref<1024xf32, #tpu.memory_space<hbm>>
        %dma_start3A_343 = tpu.memref_slice %arg6[%min3A_335] : memref<3200000xf32, #tpu.memory_space<hbm>> -> memref<1024xf32, #tpu.memory_space<hbm>>
        tpu.enqueue_dma source(%dma_start3A_343 : memref<1024xf32, #tpu.memory_space<hbm>>) target(%arg24 : memref<1024xf32, #tpu.memory_space<vmem>>) target_semaphore(%arg36 : memref<!tpu.dma_semaphore, #tpu.memory_space<semaphore_mem>>)
        %dma_start3A_344 = tpu.memref_slice %arg7[%min3A_335] : memref<3200000xf32, #tpu.memory_space<hbm>> -> memref<1024xf32, #tpu.memory_space<hbm>>
        %dma_start3A_345 = tpu.memref_slice %arg7[%min3A_335] : memref<3200000xf32, #tpu.memory_space<hbm>> -> memref<1024xf32, #tpu.memory_space<hbm>>
        tpu.enqueue_dma source(%dma_start3A_345 : memref<1024xf32, #tpu.memory_space<hbm>>) target(%arg25 : memref<1024xf32, #tpu.memory_space<vmem>>) target_semaphore(%arg36 : memref<!tpu.dma_semaphore, #tpu.memory_space<semaphore_mem>>)
        %dma_start3A_346 = tpu.memref_slice %arg8[%min3A_335] : memref<3200000xf32, #tpu.memory_space<hbm>> -> memref<1024xf32, #tpu.memory_space<hbm>>
        %dma_start3A_347 = tpu.memref_slice %arg8[%min3A_335] : memref<3200000xf32, #tpu.memory_space<hbm>> -> memref<1024xf32, #tpu.memory_space<hbm>>
        tpu.enqueue_dma source(%dma_start3A_347 : memref<1024xf32, #tpu.memory_space<hbm>>) target(%arg26 : memref<1024xf32, #tpu.memory_space<vmem>>) target_semaphore(%arg36 : memref<!tpu.dma_semaphore, #tpu.memory_space<semaphore_mem>>)
      } else {
      }
      %add3A_286 = arith.constant 1 : i32
      %add3A_287 = arith.addi %mul3A_221, %add3A_286 : i32
      %mul3A_288 = arith.constant 100352 : i32
      %mul3A_289 = arith.muli %add3A, %mul3A_288 : i32
      %mul3A_290 = arith.constant 1024 : i32
      %mul3A_291 = arith.muli %add3A_287, %mul3A_290 : i32
      %add3A_292 = arith.addi %mul3A_289, %mul3A_291 : i32
      %min3A_293 = arith.constant 3198976 : i32
      %min3A_294 = arith.minsi %add3A_292, %min3A_293 : i32
      %dma_wait3A_295 = tpu.memref_slice %arg3[%add3A_292] : memref<3211264xi32, #tpu.memory_space<hbm>> -> memref<1024xi32, #tpu.memory_space<hbm>>
      %dma_wait3A_296 = tpu.memref_slice %arg3[%add3A_292] : memref<3211264xi32, #tpu.memory_space<hbm>> -> memref<1024xi32, #tpu.memory_space<hbm>>
      tpu.wait_dma2 semaphore(%arg37 : memref<!tpu.dma_semaphore, #tpu.memory_space<semaphore_mem>>) src(%dma_wait3A_296 : memref<1024xi32, #tpu.memory_space<hbm>>) dst(%arg27 : memref<1024xi32, #tpu.memory_space<vmem>>)
      %dma_wait3A_297 = tpu.memref_slice %arg4[%add3A_292] : memref<3211264xi32, #tpu.memory_space<hbm>> -> memref<1024xi32, #tpu.memory_space<hbm>>
      %dma_wait3A_298 = tpu.memref_slice %arg4[%add3A_292] : memref<3211264xi32, #tpu.memory_space<hbm>> -> memref<1024xi32, #tpu.memory_space<hbm>>
      tpu.wait_dma2 semaphore(%arg37 : memref<!tpu.dma_semaphore, #tpu.memory_space<semaphore_mem>>) src(%dma_wait3A_298 : memref<1024xi32, #tpu.memory_space<hbm>>) dst(%arg28 : memref<1024xi32, #tpu.memory_space<vmem>>)
      %dma_wait3A_299 = tpu.memref_slice %arg5[%min3A_294] : memref<3200000xf32, #tpu.memory_space<hbm>> -> memref<1024xf32, #tpu.memory_space<hbm>>
      %dma_wait3A_300 = tpu.memref_slice %arg5[%min3A_294] : memref<3200000xf32, #tpu.memory_space<hbm>> -> memref<1024xf32, #tpu.memory_space<hbm>>
      tpu.wait_dma2 semaphore(%arg37 : memref<!tpu.dma_semaphore, #tpu.memory_space<semaphore_mem>>) src(%dma_wait3A_300 : memref<1024xf32, #tpu.memory_space<hbm>>) dst(%arg29 : memref<1024xf32, #tpu.memory_space<vmem>>)
      %dma_wait3A_301 = tpu.memref_slice %arg6[%min3A_294] : memref<3200000xf32, #tpu.memory_space<hbm>> -> memref<1024xf32, #tpu.memory_space<hbm>>
      %dma_wait3A_302 = tpu.memref_slice %arg6[%min3A_294] : memref<3200000xf32, #tpu.memory_space<hbm>> -> memref<1024xf32, #tpu.memory_space<hbm>>
      tpu.wait_dma2 semaphore(%arg37 : memref<!tpu.dma_semaphore, #tpu.memory_space<semaphore_mem>>) src(%dma_wait3A_302 : memref<1024xf32, #tpu.memory_space<hbm>>) dst(%arg30 : memref<1024xf32, #tpu.memory_space<vmem>>)
      %dma_wait3A_303 = tpu.memref_slice %arg7[%min3A_294] : memref<3200000xf32, #tpu.memory_space<hbm>> -> memref<1024xf32, #tpu.memory_space<hbm>>
      %dma_wait3A_304 = tpu.memref_slice %arg7[%min3A_294] : memref<3200000xf32, #tpu.memory_space<hbm>> -> memref<1024xf32, #tpu.memory_space<hbm>>
      tpu.wait_dma2 semaphore(%arg37 : memref<!tpu.dma_semaphore, #tpu.memory_space<semaphore_mem>>) src(%dma_wait3A_304 : memref<1024xf32, #tpu.memory_space<hbm>>) dst(%arg31 : memref<1024xf32, #tpu.memory_space<vmem>>)
      %dma_wait3A_305 = tpu.memref_slice %arg8[%min3A_294] : memref<3200000xf32, #tpu.memory_space<hbm>> -> memref<1024xf32, #tpu.memory_space<hbm>>
      %dma_wait3A_306 = tpu.memref_slice %arg8[%min3A_294] : memref<3200000xf32, #tpu.memory_space<hbm>> -> memref<1024xf32, #tpu.memory_space<hbm>>
      tpu.wait_dma2 semaphore(%arg37 : memref<!tpu.dma_semaphore, #tpu.memory_space<semaphore_mem>>) src(%dma_wait3A_306 : memref<1024xf32, #tpu.memory_space<hbm>>) dst(%arg32 : memref<1024xf32, #tpu.memory_space<vmem>>)
      %scan3A_307 = arith.constant 0 : i32
      %scan3A_308 = arith.constant 64 : i32
      %scan3A_309 = arith.addi %scan3A_307, %scan3A_308 : i32
      %scan3A_310 = arith.constant 1 : i32
      scf.for %scan3A_327 = %scan3A_307 to %scan3A_309 step %scan3A_310  : i32 {
        %mul3A_328 = arith.constant 1 : i32
        %mul3A_329 = arith.muli %scan3A_327, %mul3A_328 : i32
        %add3A_330 = arith.constant 0 : i32
        %add3A_331 = arith.addi %add3A_330, %mul3A_329 : i32
        %mul3A_332 = arith.constant 16 : i32
        %mul3A_333 = arith.muli %add3A_331, %mul3A_332 : i32
        %get3A_334 = arith.index_cast %mul3A_333 : i32 to index
        %get3A_335 = tpu.vector_load %arg27[%get3A_334] {strides = array<i32>} : memref<1024xi32, #tpu.memory_space<vmem>>, vector<16xi32>,
        %gather3A = tpu.vector_load_idx %arg14[%get3A_335] : memref<100000xf32, #tpu.memory_space<vmem>>[vector<16xi32>], vector<16xf32>,
        %get3A_336 = arith.index_cast %mul3A_333 : i32 to index
        %get3A_337 = tpu.vector_load %arg29[%get3A_336] {strides = array<i32>} : memref<1024xf32, #tpu.memory_space<vmem>>, vector<16xf32>,
        %get3A_338 = arith.index_cast %mul3A_333 : i32 to index
        %get3A_339 = tpu.vector_load %arg30[%get3A_338] {strides = array<i32>} : memref<1024xf32, #tpu.memory_space<vmem>>, vector<16xf32>,
        %get3A_340 = arith.index_cast %mul3A_333 : i32 to index
        %get3A_341 = tpu.vector_load %arg31[%get3A_340] {strides = array<i32>} : memref<1024xf32, #tpu.memory_space<vmem>>, vector<16xf32>,
        %get3A_342 = arith.index_cast %mul3A_333 : i32 to index
        %get3A_343 = tpu.vector_load %arg32[%get3A_342] {strides = array<i32>} : memref<1024xf32, #tpu.memory_space<vmem>>, vector<16xf32>,
        %mul3A_344 = arith.mulf %get3A_337, %get3A_173 : vector<16xf32>
        %add3A_345 = arith.addf %gather3A, %mul3A_344 : vector<16xf32>
        %mul3A_346 = arith.mulf %get3A_339, %get3A_177 : vector<16xf32>
        %add3A_347 = arith.addf %add3A_345, %mul3A_346 : vector<16xf32>
        %mul3A_348 = arith.mulf %get3A_341, %get3A_181 : vector<16xf32>
        %add3A_349 = arith.addf %add3A_347, %mul3A_348 : vector<16xf32>
        %mul3A_350 = arith.mulf %get3A_343, %get3A_185 : vector<16xf32>
        %add3A_351 = arith.addf %add3A_349, %mul3A_350 : vector<16xf32>
        %add3A_352 = arith.addf %add3A_351, %get3A_189 : vector<16xf32>
        %swap3A = arith.index_cast %mul3A_333 : i32 to index
        %swap3A_353 = tpu.vector_load %arg33[%swap3A] {strides = array<i32>} : memref<1024xf32, #tpu.memory_space<vmem>>, vector<16xf32>,
        tpu.vector_store %arg33[%swap3A], %add3A_352 {strides = array<i32>} : memref<1024xf32, #tpu.memory_space<vmem>>, vector<16xf32>,
      }
      %scan3A_311 = arith.constant 64 : i32
      %dma_start3A_312 = arith.constant 0 : i32
      %dma_start3A_313 = tpu.memref_slice %arg35[%dma_start3A_312] : memref<102400xf32, #tpu.memory_space<vmem_shared>> -> memref<102400xf32, #tpu.memory_space<vmem_shared>>
      tpu.enqueue_indirect_dma source(%arg33 : memref<1024xf32, #tpu.memory_space<vmem>>) target(%dma_start3A_313 : memref<102400xf32, #tpu.memory_space<vmem_shared>>) offsets(%arg28 : memref<1024xi32, #tpu.memory_space<vmem>>) semaphore(%arg38 : memref<!tpu.dma_semaphore, #tpu.memory_space<semaphore_mem>>) {add = true}
      %dma_wait3A_314 = arith.constant 0 : i32
      %dma_wait3A_315 = tpu.memref_slice %arg35[%dma_wait3A_314] : memref<102400xf32, #tpu.memory_space<vmem_shared>> -> memref<102400xf32, #tpu.memory_space<vmem_shared>>
      tpu.wait_indirect_dma semaphore(%arg38 : memref<!tpu.dma_semaphore, #tpu.memory_space<semaphore_mem>>) src(%arg33 : memref<1024xf32, #tpu.memory_space<vmem>>) dst(%dma_wait3A_315 : memref<102400xf32, #tpu.memory_space<vmem_shared>>)
      %broadcast_in_dim3A_316 = arith.constant 1.000000e+00 : f32
      %broadcast_in_dim3A_317 = vector.broadcast %broadcast_in_dim3A_316 : f32 to vector<16xf32>
      %scan3A_318 = arith.constant 0 : i32
      %scan3A_319 = arith.constant 64 : i32
      %scan3A_320 = arith.addi %scan3A_318, %scan3A_319 : i32
      %scan3A_321 = arith.constant 1 : i32
      scf.for %scan3A_327 = %scan3A_318 to %scan3A_320 step %scan3A_321  : i32 {
        %mul3A_328 = arith.constant 1 : i32
        %mul3A_329 = arith.muli %scan3A_327, %mul3A_328 : i32
        %add3A_330 = arith.constant 0 : i32
        %add3A_331 = arith.addi %add3A_330, %mul3A_329 : i32
        %mul3A_332 = arith.constant 16 : i32
        %mul3A_333 = arith.muli %add3A_331, %mul3A_332 : i32
        %swap3A = arith.index_cast %mul3A_333 : i32 to index
        %swap3A_334 = tpu.vector_load %arg33[%swap3A] {strides = array<i32>} : memref<1024xf32, #tpu.memory_space<vmem>>, vector<16xf32>,
        tpu.vector_store %arg33[%swap3A], %broadcast_in_dim3A_317 {strides = array<i32>} : memref<1024xf32, #tpu.memory_space<vmem>>, vector<16xf32>,
      }
      %scan3A_322 = arith.constant 64 : i32
      %dma_start3A_323 = arith.constant 0 : i32
      %dma_start3A_324 = tpu.memref_slice %arg39[%dma_start3A_323] : memref<102400xf32, #tpu.memory_space<vmem_shared>> -> memref<102400xf32, #tpu.memory_space<vmem_shared>>
      tpu.enqueue_indirect_dma source(%arg33 : memref<1024xf32, #tpu.memory_space<vmem>>) target(%dma_start3A_324 : memref<102400xf32, #tpu.memory_space<vmem_shared>>) offsets(%arg28 : memref<1024xi32, #tpu.memory_space<vmem>>) semaphore(%arg38 : memref<!tpu.dma_semaphore, #tpu.memory_space<semaphore_mem>>) {add = true}
      %dma_wait3A_325 = arith.constant 0 : i32
      %dma_wait3A_326 = tpu.memref_slice %arg35[%dma_wait3A_325] : memref<102400xf32, #tpu.memory_space<vmem_shared>> -> memref<102400xf32, #tpu.memory_space<vmem_shared>>
      tpu.wait_indirect_dma semaphore(%arg38 : memref<!tpu.dma_semaphore, #tpu.memory_space<semaphore_mem>>) src(%arg33 : memref<1024xf32, #tpu.memory_space<vmem>>) dst(%dma_wait3A_326 : memref<102400xf32, #tpu.memory_space<vmem_shared>>)
    }
    %scan3A_210 = arith.constant 49 : i32
    %barrier3A_211 = arith.constant 0 : index
    tpu.barrier barrier_id(%barrier3A_211)
    %mul3A_212 = arith.constant 102400 : i32
    %mul3A_213 = arith.muli %arg0, %mul3A_212 : i32
    %add3A_214 = arith.addi %mul3A_213, %mul3A_6 : i32
    "tpu.region"() ({
      %run_scoped3A = tpu.sem_alloc : memref<!tpu.dma_semaphore, #tpu.memory_space<semaphore_mem>>
      %dma_start3A_215 = tpu.memref_slice %arg10[%add3A_214] : memref<204800xf32, #tpu.memory_space<hbm>> -> memref<6400xf32, #tpu.memory_space<hbm>>
      %dma_start3A_216 = tpu.memref_slice %arg35[%mul3A_6] : memref<102400xf32, #tpu.memory_space<vmem_shared>> -> memref<6400xf32, #tpu.memory_space<vmem_shared>>
      tpu.enqueue_dma source(%dma_start3A_216 : memref<6400xf32, #tpu.memory_space<vmem_shared>>) target(%dma_start3A_215 : memref<6400xf32, #tpu.memory_space<hbm>>) target_semaphore(%run_scoped3A : memref<!tpu.dma_semaphore, #tpu.memory_space<semaphore_mem>>)
      %dma_wait3A = tpu.memref_slice %arg10[%add3A_214] : memref<204800xf32, #tpu.memory_space<hbm>> -> memref<6400xf32, #tpu.memory_space<hbm>>
      %dma_wait3A_217 = tpu.memref_slice %arg35[%mul3A_6] : memref<102400xf32, #tpu.memory_space<vmem_shared>> -> memref<6400xf32, #tpu.memory_space<vmem_shared>>
      tpu.wait_dma2 semaphore(%run_scoped3A : memref<!tpu.dma_semaphore, #tpu.memory_space<semaphore_mem>>) src(%dma_wait3A_217 : memref<6400xf32, #tpu.memory_space<vmem_shared>>) dst(%dma_wait3A : memref<6400xf32, #tpu.memory_space<hbm>>)
      tpu.yield
    }) : () -> ()
    "tpu.region"() ({
      %run_scoped3A = tpu.sem_alloc : memref<!tpu.dma_semaphore, #tpu.memory_space<semaphore_mem>>
      %dma_start3A_215 = tpu.memref_slice %arg13[%add3A_214] : memref<204800xf32, #tpu.memory_space<hbm>> -> memref<6400xf32, #tpu.memory_space<hbm>>
      %dma_start3A_216 = tpu.memref_slice %arg39[%mul3A_6] : memref<102400xf32, #tpu.memory_space<vmem_shared>> -> memref<6400xf32, #tpu.memory_space<vmem_shared>>
      tpu.enqueue_dma source(%dma_start3A_216 : memref<6400xf32, #tpu.memory_space<vmem_shared>>) target(%dma_start3A_215 : memref<6400xf32, #tpu.memory_space<hbm>>) target_semaphore(%run_scoped3A : memref<!tpu.dma_semaphore, #tpu.memory_space<semaphore_mem>>)
      %dma_wait3A = tpu.memref_slice %arg13[%add3A_214] : memref<204800xf32, #tpu.memory_space<hbm>> -> memref<6400xf32, #tpu.memory_space<hbm>>
      %dma_wait3A_217 = tpu.memref_slice %arg39[%mul3A_6] : memref<102400xf32, #tpu.memory_space<vmem_shared>> -> memref<6400xf32, #tpu.memory_space<vmem_shared>>
      tpu.wait_dma2 semaphore(%run_scoped3A : memref<!tpu.dma_semaphore, #tpu.memory_space<semaphore_mem>>) src(%dma_wait3A_217 : memref<6400xf32, #tpu.memory_space<vmem_shared>>) dst(%dma_wait3A : memref<6400xf32, #tpu.memory_space<hbm>>)
      tpu.yield
    }) : () -> ()
    return
  }
}

#map = affine_map<(d0, d1) -> (0)>
#map1 = affine_map<(d0, d1) -> (0, 0)>
module attributes {stable_mosaic.version = 14 : i64} {
  func.func @body(%arg0: i32, %arg1: i32, %arg2: memref<409600xf32, #tpu.memory_space<hbm>>, %arg3: memref<102400xf32, #tpu.memory_space<hbm>>, %arg4: memref<204800xf32, #tpu.memory_space<hbm>>, %arg5: memref<204800xf32, #tpu.memory_space<hbm>>, %arg6: memref<3211264xi32, #tpu.memory_space<hbm>>, %arg7: memref<3211264xi32, #tpu.memory_space<hbm>>, %arg8: memref<3200000xf32, #tpu.memory_space<hbm>>, %arg9: memref<3200000xf32, #tpu.memory_space<hbm>>, %arg10: memref<3200000xf32, #tpu.memory_space<hbm>>, %arg11: memref<3200000xf32, #tpu.memory_space<hbm>>, %arg12: memref<15x16xf32, #tpu.memory_space<hbm>>, %arg13: memref<204800xf32, #tpu.memory_space<hbm>>, %arg14: memref<102400xf32, #tpu.memory_space<hbm>>, %arg15: memref<204800xf32, #tpu.memory_space<hbm>>, %arg16: memref<100000xf32, #tpu.memory_space<vmem>>, %arg17: memref<640xf32, #tpu.memory_space<vmem>>, %arg18: memref<640xf32, #tpu.memory_space<vmem>>, %arg19: memref<640xf32, #tpu.memory_space<vmem>>, %arg20: memref<640xf32, #tpu.memory_space<vmem>>, %arg21: memref<640xf32, #tpu.memory_space<vmem>>, %arg22: memref<640xf32, #tpu.memory_space<vmem>>, %arg23: memref<1024xi32, #tpu.memory_space<vmem>>, %arg24: memref<1024xi32, #tpu.memory_space<vmem>>, %arg25: memref<1024xf32, #tpu.memory_space<vmem>>, %arg26: memref<1024xf32, #tpu.memory_space<vmem>>, %arg27: memref<1024xf32, #tpu.memory_space<vmem>>, %arg28: memref<1024xf32, #tpu.memory_space<vmem>>, %arg29: memref<1024xi32, #tpu.memory_space<vmem>>, %arg30: memref<1024xi32, #tpu.memory_space<vmem>>, %arg31: memref<1024xf32, #tpu.memory_space<vmem>>, %arg32: memref<1024xf32, #tpu.memory_space<vmem>>, %arg33: memref<1024xf32, #tpu.memory_space<vmem>>, %arg34: memref<1024xf32, #tpu.memory_space<vmem>>, %arg35: memref<1024xf32, #tpu.memory_space<vmem>>, %arg36: memref<15x16xf32, #tpu.memory_space<vmem>>, %arg37: memref<102400xf32, #tpu.memory_space<vmem_shared>>, %arg38: memref<!tpu.dma_semaphore, #tpu.memory_space<semaphore_mem>>, %arg39: memref<!tpu.dma_semaphore, #tpu.memory_space<semaphore_mem>>, %arg40: memref<!tpu.dma_semaphore, #tpu.memory_space<semaphore_mem>>, %arg41: memref<640xf32, #tpu.memory_space<vmem>>, %arg42: memref<640xf32, #tpu.memory_space<vmem>>, %arg43: memref<640xf32, #tpu.memory_space<vmem>>, %arg44: memref<640xf32, #tpu.memory_space<vmem>>, %arg45: memref<640xf32, #tpu.memory_space<vmem>>) attributes {dimension_semantics = [#tpu.dimension_semantics<core_parallel>, #tpu.dimension_semantics<subcore_parallel>], iteration_bounds = array<i64: 2, 16>, scalar_prefetch = 0 : i64, scratch_operands = 30 : i64, tpu.core_type = #tpu.core_type<sc_vector_subcore>, window_params = [{transform_indices = #map}, {transform_indices = #map}, {transform_indices = #map}, {transform_indices = #map}, {transform_indices = #map}, {transform_indices = #map}, {transform_indices = #map}, {transform_indices = #map}, {transform_indices = #map}, {transform_indices = #map}, {transform_indices = #map1}, {transform_indices = #map}, {transform_indices = #map}, {transform_indices = #map}]} {
    %mul3A = arith.constant 16 : i32
    %mul3A_0 = arith.muli %arg0, %mul3A : i32
    %add3A = arith.addi %mul3A_0, %arg1 : i32
    %iota3A = tpu.iota {dimensions = array<i32: 0>} : vector<16xi32>
    "tpu.region"() ({
      %run_scoped3A = tpu.sem_alloc : memref<!tpu.dma_semaphore, #tpu.memory_space<semaphore_mem>>
      tpu.enqueue_dma source(%arg12 : memref<15x16xf32, #tpu.memory_space<hbm>>) target(%arg36 : memref<15x16xf32, #tpu.memory_space<vmem>>) target_semaphore(%run_scoped3A : memref<!tpu.dma_semaphore, #tpu.memory_space<semaphore_mem>>)
      tpu.wait_dma2 semaphore(%run_scoped3A : memref<!tpu.dma_semaphore, #tpu.memory_space<semaphore_mem>>) src(%arg12 : memref<15x16xf32, #tpu.memory_space<hbm>>) dst(%arg36 : memref<15x16xf32, #tpu.memory_space<vmem>>)
      tpu.yield
    }) : () -> ()
    %scan3A = arith.constant 0 : i32
    %scan3A_1 = arith.constant 40 : i32
    %scan3A_2 = arith.addi %scan3A, %scan3A_1 : i32
    %scan3A_3 = arith.constant 1 : i32
    scf.for %scan3A_118 = %scan3A to %scan3A_2 step %scan3A_3  : i32 {
      %mul3A_119 = arith.constant 1 : i32
      %mul3A_120 = arith.muli %scan3A_118, %mul3A_119 : i32
      %add3A_121 = arith.constant 0 : i32
      %add3A_122 = arith.addi %add3A_121, %mul3A_120 : i32
      %broadcast_in_dim3A = arith.constant 0.000000e+00 : f32
      %broadcast_in_dim3A_123 = vector.broadcast %broadcast_in_dim3A : f32 to vector<16xf32>
      %mul3A_124 = arith.constant 16 : i32
      %mul3A_125 = arith.muli %add3A_122, %mul3A_124 : i32
      %swap3A = arith.index_cast %mul3A_125 : i32 to index
      %swap3A_126 = tpu.vector_load %arg21[%swap3A] {strides = array<i32>} : memref<640xf32, #tpu.memory_space<vmem>>, vector<16xf32>,
      tpu.vector_store %arg21[%swap3A], %broadcast_in_dim3A_123 {strides = array<i32>} : memref<640xf32, #tpu.memory_space<vmem>>, vector<16xf32>,
    }
    %scan3A_4 = arith.constant 40 : i32
    %mul3A_5 = arith.constant 6400 : i32
    %mul3A_6 = arith.muli %arg1, %mul3A_5 : i32
    %add3A_7 = arith.constant 0 : i32
    %add3A_8 = arith.addi %mul3A_6, %add3A_7 : i32
    "tpu.region"() ({
      %run_scoped3A = tpu.sem_alloc : memref<!tpu.dma_semaphore, #tpu.memory_space<semaphore_mem>>
      %dma_start3A_118 = tpu.memref_slice %arg37[%add3A_8] : memref<102400xf32, #tpu.memory_space<vmem_shared>> -> memref<640xf32, #tpu.memory_space<vmem_shared>>
      %dma_start3A_119 = tpu.memref_slice %arg37[%add3A_8] : memref<102400xf32, #tpu.memory_space<vmem_shared>> -> memref<640xf32, #tpu.memory_space<vmem_shared>>
      tpu.enqueue_dma source(%arg21 : memref<640xf32, #tpu.memory_space<vmem>>) target(%dma_start3A_119 : memref<640xf32, #tpu.memory_space<vmem_shared>>) target_semaphore(%run_scoped3A : memref<!tpu.dma_semaphore, #tpu.memory_space<semaphore_mem>>)
      %dma_wait3A = tpu.memref_slice %arg37[%add3A_8] : memref<102400xf32, #tpu.memory_space<vmem_shared>> -> memref<640xf32, #tpu.memory_space<vmem_shared>>
      %dma_wait3A_120 = tpu.memref_slice %arg37[%add3A_8] : memref<102400xf32, #tpu.memory_space<vmem_shared>> -> memref<640xf32, #tpu.memory_space<vmem_shared>>
      tpu.wait_dma2 semaphore(%run_scoped3A : memref<!tpu.dma_semaphore, #tpu.memory_space<semaphore_mem>>) src(%arg21 : memref<640xf32, #tpu.memory_space<vmem>>) dst(%dma_wait3A_120 : memref<640xf32, #tpu.memory_space<vmem_shared>>)
      tpu.yield
    }) : () -> ()
    %add3A_9 = arith.constant 640 : i32
    %add3A_10 = arith.addi %mul3A_6, %add3A_9 : i32
    "tpu.region"() ({
      %run_scoped3A = tpu.sem_alloc : memref<!tpu.dma_semaphore, #tpu.memory_space<semaphore_mem>>
      %dma_start3A_118 = tpu.memref_slice %arg37[%add3A_10] : memref<102400xf32, #tpu.memory_space<vmem_shared>> -> memref<640xf32, #tpu.memory_space<vmem_shared>>
      %dma_start3A_119 = tpu.memref_slice %arg37[%add3A_10] : memref<102400xf32, #tpu.memory_space<vmem_shared>> -> memref<640xf32, #tpu.memory_space<vmem_shared>>
      tpu.enqueue_dma source(%arg21 : memref<640xf32, #tpu.memory_space<vmem>>) target(%dma_start3A_119 : memref<640xf32, #tpu.memory_space<vmem_shared>>) target_semaphore(%run_scoped3A : memref<!tpu.dma_semaphore, #tpu.memory_space<semaphore_mem>>)
      %dma_wait3A = tpu.memref_slice %arg37[%add3A_10] : memref<102400xf32, #tpu.memory_space<vmem_shared>> -> memref<640xf32, #tpu.memory_space<vmem_shared>>
      %dma_wait3A_120 = tpu.memref_slice %arg37[%add3A_10] : memref<102400xf32, #tpu.memory_space<vmem_shared>> -> memref<640xf32, #tpu.memory_space<vmem_shared>>
      tpu.wait_dma2 semaphore(%run_scoped3A : memref<!tpu.dma_semaphore, #tpu.memory_space<semaphore_mem>>) src(%arg21 : memref<640xf32, #tpu.memory_space<vmem>>) dst(%dma_wait3A_120 : memref<640xf32, #tpu.memory_space<vmem_shared>>)
      tpu.yield
    }) : () -> ()
    %add3A_11 = arith.constant 1280 : i32
    %add3A_12 = arith.addi %mul3A_6, %add3A_11 : i32
    "tpu.region"() ({
      %run_scoped3A = tpu.sem_alloc : memref<!tpu.dma_semaphore, #tpu.memory_space<semaphore_mem>>
      %dma_start3A_118 = tpu.memref_slice %arg37[%add3A_12] : memref<102400xf32, #tpu.memory_space<vmem_shared>> -> memref<640xf32, #tpu.memory_space<vmem_shared>>
      %dma_start3A_119 = tpu.memref_slice %arg37[%add3A_12] : memref<102400xf32, #tpu.memory_space<vmem_shared>> -> memref<640xf32, #tpu.memory_space<vmem_shared>>
      tpu.enqueue_dma source(%arg21 : memref<640xf32, #tpu.memory_space<vmem>>) target(%dma_start3A_119 : memref<640xf32, #tpu.memory_space<vmem_shared>>) target_semaphore(%run_scoped3A : memref<!tpu.dma_semaphore, #tpu.memory_space<semaphore_mem>>)
      %dma_wait3A = tpu.memref_slice %arg37[%add3A_12] : memref<102400xf32, #tpu.memory_space<vmem_shared>> -> memref<640xf32, #tpu.memory_space<vmem_shared>>
      %dma_wait3A_120 = tpu.memref_slice %arg37[%add3A_12] : memref<102400xf32, #tpu.memory_space<vmem_shared>> -> memref<640xf32, #tpu.memory_space<vmem_shared>>
      tpu.wait_dma2 semaphore(%run_scoped3A : memref<!tpu.dma_semaphore, #tpu.memory_space<semaphore_mem>>) src(%arg21 : memref<640xf32, #tpu.memory_space<vmem>>) dst(%dma_wait3A_120 : memref<640xf32, #tpu.memory_space<vmem_shared>>)
      tpu.yield
    }) : () -> ()
    %add3A_13 = arith.constant 1920 : i32
    %add3A_14 = arith.addi %mul3A_6, %add3A_13 : i32
    "tpu.region"() ({
      %run_scoped3A = tpu.sem_alloc : memref<!tpu.dma_semaphore, #tpu.memory_space<semaphore_mem>>
      %dma_start3A_118 = tpu.memref_slice %arg37[%add3A_14] : memref<102400xf32, #tpu.memory_space<vmem_shared>> -> memref<640xf32, #tpu.memory_space<vmem_shared>>
      %dma_start3A_119 = tpu.memref_slice %arg37[%add3A_14] : memref<102400xf32, #tpu.memory_space<vmem_shared>> -> memref<640xf32, #tpu.memory_space<vmem_shared>>
      tpu.enqueue_dma source(%arg21 : memref<640xf32, #tpu.memory_space<vmem>>) target(%dma_start3A_119 : memref<640xf32, #tpu.memory_space<vmem_shared>>) target_semaphore(%run_scoped3A : memref<!tpu.dma_semaphore, #tpu.memory_space<semaphore_mem>>)
      %dma_wait3A = tpu.memref_slice %arg37[%add3A_14] : memref<102400xf32, #tpu.memory_space<vmem_shared>> -> memref<640xf32, #tpu.memory_space<vmem_shared>>
      %dma_wait3A_120 = tpu.memref_slice %arg37[%add3A_14] : memref<102400xf32, #tpu.memory_space<vmem_shared>> -> memref<640xf32, #tpu.memory_space<vmem_shared>>
      tpu.wait_dma2 semaphore(%run_scoped3A : memref<!tpu.dma_semaphore, #tpu.memory_space<semaphore_mem>>) src(%arg21 : memref<640xf32, #tpu.memory_space<vmem>>) dst(%dma_wait3A_120 : memref<640xf32, #tpu.memory_space<vmem_shared>>)
      tpu.yield
    }) : () -> ()
    %add3A_15 = arith.constant 2560 : i32
    %add3A_16 = arith.addi %mul3A_6, %add3A_15 : i32
    "tpu.region"() ({
      %run_scoped3A = tpu.sem_alloc : memref<!tpu.dma_semaphore, #tpu.memory_space<semaphore_mem>>
      %dma_start3A_118 = tpu.memref_slice %arg37[%add3A_16] : memref<102400xf32, #tpu.memory_space<vmem_shared>> -> memref<640xf32, #tpu.memory_space<vmem_shared>>
      %dma_start3A_119 = tpu.memref_slice %arg37[%add3A_16] : memref<102400xf32, #tpu.memory_space<vmem_shared>> -> memref<640xf32, #tpu.memory_space<vmem_shared>>
      tpu.enqueue_dma source(%arg21 : memref<640xf32, #tpu.memory_space<vmem>>) target(%dma_start3A_119 : memref<640xf32, #tpu.memory_space<vmem_shared>>) target_semaphore(%run_scoped3A : memref<!tpu.dma_semaphore, #tpu.memory_space<semaphore_mem>>)
      %dma_wait3A = tpu.memref_slice %arg37[%add3A_16] : memref<102400xf32, #tpu.memory_space<vmem_shared>> -> memref<640xf32, #tpu.memory_space<vmem_shared>>
      %dma_wait3A_120 = tpu.memref_slice %arg37[%add3A_16] : memref<102400xf32, #tpu.memory_space<vmem_shared>> -> memref<640xf32, #tpu.memory_space<vmem_shared>>
      tpu.wait_dma2 semaphore(%run_scoped3A : memref<!tpu.dma_semaphore, #tpu.memory_space<semaphore_mem>>) src(%arg21 : memref<640xf32, #tpu.memory_space<vmem>>) dst(%dma_wait3A_120 : memref<640xf32, #tpu.memory_space<vmem_shared>>)
      tpu.yield
    }) : () -> ()
    %add3A_17 = arith.constant 3200 : i32
    %add3A_18 = arith.addi %mul3A_6, %add3A_17 : i32
    "tpu.region"() ({
      %run_scoped3A = tpu.sem_alloc : memref<!tpu.dma_semaphore, #tpu.memory_space<semaphore_mem>>
      %dma_start3A_118 = tpu.memref_slice %arg37[%add3A_18] : memref<102400xf32, #tpu.memory_space<vmem_shared>> -> memref<640xf32, #tpu.memory_space<vmem_shared>>
      %dma_start3A_119 = tpu.memref_slice %arg37[%add3A_18] : memref<102400xf32, #tpu.memory_space<vmem_shared>> -> memref<640xf32, #tpu.memory_space<vmem_shared>>
      tpu.enqueue_dma source(%arg21 : memref<640xf32, #tpu.memory_space<vmem>>) target(%dma_start3A_119 : memref<640xf32, #tpu.memory_space<vmem_shared>>) target_semaphore(%run_scoped3A : memref<!tpu.dma_semaphore, #tpu.memory_space<semaphore_mem>>)
      %dma_wait3A = tpu.memref_slice %arg37[%add3A_18] : memref<102400xf32, #tpu.memory_space<vmem_shared>> -> memref<640xf32, #tpu.memory_space<vmem_shared>>
      %dma_wait3A_120 = tpu.memref_slice %arg37[%add3A_18] : memref<102400xf32, #tpu.memory_space<vmem_shared>> -> memref<640xf32, #tpu.memory_space<vmem_shared>>
      tpu.wait_dma2 semaphore(%run_scoped3A : memref<!tpu.dma_semaphore, #tpu.memory_space<semaphore_mem>>) src(%arg21 : memref<640xf32, #tpu.memory_space<vmem>>) dst(%dma_wait3A_120 : memref<640xf32, #tpu.memory_space<vmem_shared>>)
      tpu.yield
    }) : () -> ()
    %add3A_19 = arith.constant 3840 : i32
    %add3A_20 = arith.addi %mul3A_6, %add3A_19 : i32
    "tpu.region"() ({
      %run_scoped3A = tpu.sem_alloc : memref<!tpu.dma_semaphore, #tpu.memory_space<semaphore_mem>>
      %dma_start3A_118 = tpu.memref_slice %arg37[%add3A_20] : memref<102400xf32, #tpu.memory_space<vmem_shared>> -> memref<640xf32, #tpu.memory_space<vmem_shared>>
      %dma_start3A_119 = tpu.memref_slice %arg37[%add3A_20] : memref<102400xf32, #tpu.memory_space<vmem_shared>> -> memref<640xf32, #tpu.memory_space<vmem_shared>>
      tpu.enqueue_dma source(%arg21 : memref<640xf32, #tpu.memory_space<vmem>>) target(%dma_start3A_119 : memref<640xf32, #tpu.memory_space<vmem_shared>>) target_semaphore(%run_scoped3A : memref<!tpu.dma_semaphore, #tpu.memory_space<semaphore_mem>>)
      %dma_wait3A = tpu.memref_slice %arg37[%add3A_20] : memref<102400xf32, #tpu.memory_space<vmem_shared>> -> memref<640xf32, #tpu.memory_space<vmem_shared>>
      %dma_wait3A_120 = tpu.memref_slice %arg37[%add3A_20] : memref<102400xf32, #tpu.memory_space<vmem_shared>> -> memref<640xf32, #tpu.memory_space<vmem_shared>>
      tpu.wait_dma2 semaphore(%run_scoped3A : memref<!tpu.dma_semaphore, #tpu.memory_space<semaphore_mem>>) src(%arg21 : memref<640xf32, #tpu.memory_space<vmem>>) dst(%dma_wait3A_120 : memref<640xf32, #tpu.memory_space<vmem_shared>>)
      tpu.yield
    }) : () -> ()
    %add3A_21 = arith.constant 4480 : i32
    %add3A_22 = arith.addi %mul3A_6, %add3A_21 : i32
    "tpu.region"() ({
      %run_scoped3A = tpu.sem_alloc : memref<!tpu.dma_semaphore, #tpu.memory_space<semaphore_mem>>
      %dma_start3A_118 = tpu.memref_slice %arg37[%add3A_22] : memref<102400xf32, #tpu.memory_space<vmem_shared>> -> memref<640xf32, #tpu.memory_space<vmem_shared>>
      %dma_start3A_119 = tpu.memref_slice %arg37[%add3A_22] : memref<102400xf32, #tpu.memory_space<vmem_shared>> -> memref<640xf32, #tpu.memory_space<vmem_shared>>
      tpu.enqueue_dma source(%arg21 : memref<640xf32, #tpu.memory_space<vmem>>) target(%dma_start3A_119 : memref<640xf32, #tpu.memory_space<vmem_shared>>) target_semaphore(%run_scoped3A : memref<!tpu.dma_semaphore, #tpu.memory_space<semaphore_mem>>)
      %dma_wait3A = tpu.memref_slice %arg37[%add3A_22] : memref<102400xf32, #tpu.memory_space<vmem_shared>> -> memref<640xf32, #tpu.memory_space<vmem_shared>>
      %dma_wait3A_120 = tpu.memref_slice %arg37[%add3A_22] : memref<102400xf32, #tpu.memory_space<vmem_shared>> -> memref<640xf32, #tpu.memory_space<vmem_shared>>
      tpu.wait_dma2 semaphore(%run_scoped3A : memref<!tpu.dma_semaphore, #tpu.memory_space<semaphore_mem>>) src(%arg21 : memref<640xf32, #tpu.memory_space<vmem>>) dst(%dma_wait3A_120 : memref<640xf32, #tpu.memory_space<vmem_shared>>)
      tpu.yield
    }) : () -> ()
    %add3A_23 = arith.constant 5120 : i32
    %add3A_24 = arith.addi %mul3A_6, %add3A_23 : i32
    "tpu.region"() ({
      %run_scoped3A = tpu.sem_alloc : memref<!tpu.dma_semaphore, #tpu.memory_space<semaphore_mem>>
      %dma_start3A_118 = tpu.memref_slice %arg37[%add3A_24] : memref<102400xf32, #tpu.memory_space<vmem_shared>> -> memref<640xf32, #tpu.memory_space<vmem_shared>>
      %dma_start3A_119 = tpu.memref_slice %arg37[%add3A_24] : memref<102400xf32, #tpu.memory_space<vmem_shared>> -> memref<640xf32, #tpu.memory_space<vmem_shared>>
      tpu.enqueue_dma source(%arg21 : memref<640xf32, #tpu.memory_space<vmem>>) target(%dma_start3A_119 : memref<640xf32, #tpu.memory_space<vmem_shared>>) target_semaphore(%run_scoped3A : memref<!tpu.dma_semaphore, #tpu.memory_space<semaphore_mem>>)
      %dma_wait3A = tpu.memref_slice %arg37[%add3A_24] : memref<102400xf32, #tpu.memory_space<vmem_shared>> -> memref<640xf32, #tpu.memory_space<vmem_shared>>
      %dma_wait3A_120 = tpu.memref_slice %arg37[%add3A_24] : memref<102400xf32, #tpu.memory_space<vmem_shared>> -> memref<640xf32, #tpu.memory_space<vmem_shared>>
      tpu.wait_dma2 semaphore(%run_scoped3A : memref<!tpu.dma_semaphore, #tpu.memory_space<semaphore_mem>>) src(%arg21 : memref<640xf32, #tpu.memory_space<vmem>>) dst(%dma_wait3A_120 : memref<640xf32, #tpu.memory_space<vmem_shared>>)
      tpu.yield
    }) : () -> ()
    %add3A_25 = arith.constant 5760 : i32
    %add3A_26 = arith.addi %mul3A_6, %add3A_25 : i32
    "tpu.region"() ({
      %run_scoped3A = tpu.sem_alloc : memref<!tpu.dma_semaphore, #tpu.memory_space<semaphore_mem>>
      %dma_start3A_118 = tpu.memref_slice %arg37[%add3A_26] : memref<102400xf32, #tpu.memory_space<vmem_shared>> -> memref<640xf32, #tpu.memory_space<vmem_shared>>
      %dma_start3A_119 = tpu.memref_slice %arg37[%add3A_26] : memref<102400xf32, #tpu.memory_space<vmem_shared>> -> memref<640xf32, #tpu.memory_space<vmem_shared>>
      tpu.enqueue_dma source(%arg21 : memref<640xf32, #tpu.memory_space<vmem>>) target(%dma_start3A_119 : memref<640xf32, #tpu.memory_space<vmem_shared>>) target_semaphore(%run_scoped3A : memref<!tpu.dma_semaphore, #tpu.memory_space<semaphore_mem>>)
      %dma_wait3A = tpu.memref_slice %arg37[%add3A_26] : memref<102400xf32, #tpu.memory_space<vmem_shared>> -> memref<640xf32, #tpu.memory_space<vmem_shared>>
      %dma_wait3A_120 = tpu.memref_slice %arg37[%add3A_26] : memref<102400xf32, #tpu.memory_space<vmem_shared>> -> memref<640xf32, #tpu.memory_space<vmem_shared>>
      tpu.wait_dma2 semaphore(%run_scoped3A : memref<!tpu.dma_semaphore, #tpu.memory_space<semaphore_mem>>) src(%arg21 : memref<640xf32, #tpu.memory_space<vmem>>) dst(%dma_wait3A_120 : memref<640xf32, #tpu.memory_space<vmem_shared>>)
      tpu.yield
    }) : () -> ()
    %get3A = arith.constant 5 : i32
    %get3A_27 = arith.index_cast %get3A : i32 to index
    %get3A_28 = arith.constant 0 : index
    %get3A_29 = tpu.vector_load %arg36[%get3A_27, %get3A_28] {strides = array<i32>} : memref<15x16xf32, #tpu.memory_space<vmem>>, vector<16xf32>,
    %get3A_30 = arith.constant 6 : i32
    %get3A_31 = arith.index_cast %get3A_30 : i32 to index
    %get3A_32 = arith.constant 0 : index
    %get3A_33 = tpu.vector_load %arg36[%get3A_31, %get3A_32] {strides = array<i32>} : memref<15x16xf32, #tpu.memory_space<vmem>>, vector<16xf32>,
    %get3A_34 = arith.constant 7 : i32
    %get3A_35 = arith.index_cast %get3A_34 : i32 to index
    %get3A_36 = arith.constant 0 : index
    %get3A_37 = tpu.vector_load %arg36[%get3A_35, %get3A_36] {strides = array<i32>} : memref<15x16xf32, #tpu.memory_space<vmem>>, vector<16xf32>,
    %get3A_38 = arith.constant 8 : i32
    %get3A_39 = arith.index_cast %get3A_38 : i32 to index
    %get3A_40 = arith.constant 0 : index
    %get3A_41 = tpu.vector_load %arg36[%get3A_39, %get3A_40] {strides = array<i32>} : memref<15x16xf32, #tpu.memory_space<vmem>>, vector<16xf32>,
    %get3A_42 = arith.constant 9 : i32
    %get3A_43 = arith.index_cast %get3A_42 : i32 to index
    %get3A_44 = arith.constant 0 : index
    %get3A_45 = tpu.vector_load %arg36[%get3A_43, %get3A_44] {strides = array<i32>} : memref<15x16xf32, #tpu.memory_space<vmem>>, vector<16xf32>,
    %get3A_46 = arith.constant 10 : i32
    %get3A_47 = arith.index_cast %get3A_46 : i32 to index
    %get3A_48 = arith.constant 0 : index
    %get3A_49 = tpu.vector_load %arg36[%get3A_47, %get3A_48] {strides = array<i32>} : memref<15x16xf32, #tpu.memory_space<vmem>>, vector<16xf32>,
    %get3A_50 = arith.constant 11 : i32
    %get3A_51 = arith.index_cast %get3A_50 : i32 to index
    %get3A_52 = arith.constant 0 : index
    %get3A_53 = tpu.vector_load %arg36[%get3A_51, %get3A_52] {strides = array<i32>} : memref<15x16xf32, #tpu.memory_space<vmem>>, vector<16xf32>,
    %get3A_54 = arith.constant 12 : i32
    %get3A_55 = arith.index_cast %get3A_54 : i32 to index
    %get3A_56 = arith.constant 0 : index
    %get3A_57 = tpu.vector_load %arg36[%get3A_55, %get3A_56] {strides = array<i32>} : memref<15x16xf32, #tpu.memory_space<vmem>>, vector<16xf32>,
    %get3A_58 = arith.constant 13 : i32
    %get3A_59 = arith.index_cast %get3A_58 : i32 to index
    %get3A_60 = arith.constant 0 : index
    %get3A_61 = tpu.vector_load %arg36[%get3A_59, %get3A_60] {strides = array<i32>} : memref<15x16xf32, #tpu.memory_space<vmem>>, vector<16xf32>,
    %get3A_62 = arith.constant 14 : i32
    %get3A_63 = arith.index_cast %get3A_62 : i32 to index
    %get3A_64 = arith.constant 0 : index
    %get3A_65 = tpu.vector_load %arg36[%get3A_63, %get3A_64] {strides = array<i32>} : memref<15x16xf32, #tpu.memory_space<vmem>>, vector<16xf32>,
    %scan3A_66 = arith.constant 0 : i32
    %scan3A_67 = arith.constant 10 : i32
    %scan3A_68 = arith.addi %scan3A_66, %scan3A_67 : i32
    %scan3A_69 = arith.constant 1 : i32
    scf.for %scan3A_118 = %scan3A_66 to %scan3A_68 step %scan3A_69  : i32 {
      %mul3A_119 = arith.constant 1 : i32
      %mul3A_120 = arith.muli %scan3A_118, %mul3A_119 : i32
      %add3A_121 = arith.constant 0 : i32
      %add3A_122 = arith.addi %add3A_121, %mul3A_120 : i32
      %mul3A_123 = arith.constant 640 : i32
      %mul3A_124 = arith.muli %add3A_122, %mul3A_123 : i32
      %add3A_125 = arith.addi %mul3A_6, %mul3A_124 : i32
      %add3A_126 = arith.constant 102400 : i32
      %add3A_127 = arith.addi %add3A_126, %add3A_125 : i32
      %add3A_128 = arith.constant 204800 : i32
      %add3A_129 = arith.addi %add3A_128, %add3A_125 : i32
      %add3A_130 = arith.constant 307200 : i32
      %add3A_131 = arith.addi %add3A_130, %add3A_125 : i32
      %add3A_132 = arith.constant 102400 : i32
      %add3A_133 = arith.addi %add3A_132, %add3A_125 : i32
      %add3A_134 = arith.constant 102400 : i32
      %add3A_135 = arith.addi %add3A_134, %add3A_125 : i32
      %dma_start3A_136 = tpu.memref_slice %arg2[%add3A_125] : memref<409600xf32, #tpu.memory_space<hbm>> -> memref<640xf32, #tpu.memory_space<hbm>>
      %dma_start3A_137 = tpu.memref_slice %arg2[%add3A_125] : memref<409600xf32, #tpu.memory_space<hbm>> -> memref<640xf32, #tpu.memory_space<hbm>>
      tpu.enqueue_dma source(%dma_start3A_137 : memref<640xf32, #tpu.memory_space<hbm>>) target(%arg17 : memref<640xf32, #tpu.memory_space<vmem>>) target_semaphore(%arg38 : memref<!tpu.dma_semaphore, #tpu.memory_space<semaphore_mem>>)
      %dma_start3A_138 = tpu.memref_slice %arg2[%add3A_127] : memref<409600xf32, #tpu.memory_space<hbm>> -> memref<640xf32, #tpu.memory_space<hbm>>
      %dma_start3A_139 = tpu.memref_slice %arg2[%add3A_127] : memref<409600xf32, #tpu.memory_space<hbm>> -> memref<640xf32, #tpu.memory_space<hbm>>
      tpu.enqueue_dma source(%dma_start3A_139 : memref<640xf32, #tpu.memory_space<hbm>>) target(%arg18 : memref<640xf32, #tpu.memory_space<vmem>>) target_semaphore(%arg38 : memref<!tpu.dma_semaphore, #tpu.memory_space<semaphore_mem>>)
      %dma_start3A_140 = tpu.memref_slice %arg2[%add3A_129] : memref<409600xf32, #tpu.memory_space<hbm>> -> memref<640xf32, #tpu.memory_space<hbm>>
      %dma_start3A_141 = tpu.memref_slice %arg2[%add3A_129] : memref<409600xf32, #tpu.memory_space<hbm>> -> memref<640xf32, #tpu.memory_space<hbm>>
      tpu.enqueue_dma source(%dma_start3A_141 : memref<640xf32, #tpu.memory_space<hbm>>) target(%arg19 : memref<640xf32, #tpu.memory_space<vmem>>) target_semaphore(%arg38 : memref<!tpu.dma_semaphore, #tpu.memory_space<semaphore_mem>>)
      %dma_start3A_142 = tpu.memref_slice %arg2[%add3A_131] : memref<409600xf32, #tpu.memory_space<hbm>> -> memref<640xf32, #tpu.memory_space<hbm>>
      %dma_start3A_143 = tpu.memref_slice %arg2[%add3A_131] : memref<409600xf32, #tpu.memory_space<hbm>> -> memref<640xf32, #tpu.memory_space<hbm>>
      tpu.enqueue_dma source(%dma_start3A_143 : memref<640xf32, #tpu.memory_space<hbm>>) target(%arg20 : memref<640xf32, #tpu.memory_space<vmem>>) target_semaphore(%arg38 : memref<!tpu.dma_semaphore, #tpu.memory_space<semaphore_mem>>)
      %dma_start3A_144 = tpu.memref_slice %arg3[%add3A_125] : memref<102400xf32, #tpu.memory_space<hbm>> -> memref<640xf32, #tpu.memory_space<hbm>>
      %dma_start3A_145 = tpu.memref_slice %arg3[%add3A_125] : memref<102400xf32, #tpu.memory_space<hbm>> -> memref<640xf32, #tpu.memory_space<hbm>>
      tpu.enqueue_dma source(%dma_start3A_145 : memref<640xf32, #tpu.memory_space<hbm>>) target(%arg41 : memref<640xf32, #tpu.memory_space<vmem>>) target_semaphore(%arg38 : memref<!tpu.dma_semaphore, #tpu.memory_space<semaphore_mem>>)
      %dma_start3A_146 = tpu.memref_slice %arg4[%add3A_125] : memref<204800xf32, #tpu.memory_space<hbm>> -> memref<640xf32, #tpu.memory_space<hbm>>
      %dma_start3A_147 = tpu.memref_slice %arg4[%add3A_125] : memref<204800xf32, #tpu.memory_space<hbm>> -> memref<640xf32, #tpu.memory_space<hbm>>
      tpu.enqueue_dma source(%dma_start3A_147 : memref<640xf32, #tpu.memory_space<hbm>>) target(%arg42 : memref<640xf32, #tpu.memory_space<vmem>>) target_semaphore(%arg38 : memref<!tpu.dma_semaphore, #tpu.memory_space<semaphore_mem>>)
      %dma_start3A_148 = tpu.memref_slice %arg4[%add3A_133] : memref<204800xf32, #tpu.memory_space<hbm>> -> memref<640xf32, #tpu.memory_space<hbm>>
      %dma_start3A_149 = tpu.memref_slice %arg4[%add3A_133] : memref<204800xf32, #tpu.memory_space<hbm>> -> memref<640xf32, #tpu.memory_space<hbm>>
      tpu.enqueue_dma source(%dma_start3A_149 : memref<640xf32, #tpu.memory_space<hbm>>) target(%arg43 : memref<640xf32, #tpu.memory_space<vmem>>) target_semaphore(%arg38 : memref<!tpu.dma_semaphore, #tpu.memory_space<semaphore_mem>>)
      %dma_start3A_150 = tpu.memref_slice %arg5[%add3A_125] : memref<204800xf32, #tpu.memory_space<hbm>> -> memref<640xf32, #tpu.memory_space<hbm>>
      %dma_start3A_151 = tpu.memref_slice %arg5[%add3A_125] : memref<204800xf32, #tpu.memory_space<hbm>> -> memref<640xf32, #tpu.memory_space<hbm>>
      tpu.enqueue_dma source(%dma_start3A_151 : memref<640xf32, #tpu.memory_space<hbm>>) target(%arg44 : memref<640xf32, #tpu.memory_space<vmem>>) target_semaphore(%arg38 : memref<!tpu.dma_semaphore, #tpu.memory_space<semaphore_mem>>)
      %dma_start3A_152 = tpu.memref_slice %arg5[%add3A_135] : memref<204800xf32, #tpu.memory_space<hbm>> -> memref<640xf32, #tpu.memory_space<hbm>>
      %dma_start3A_153 = tpu.memref_slice %arg5[%add3A_135] : memref<204800xf32, #tpu.memory_space<hbm>> -> memref<640xf32, #tpu.memory_space<hbm>>
      tpu.enqueue_dma source(%dma_start3A_153 : memref<640xf32, #tpu.memory_space<hbm>>) target(%arg45 : memref<640xf32, #tpu.memory_space<vmem>>) target_semaphore(%arg38 : memref<!tpu.dma_semaphore, #tpu.memory_space<semaphore_mem>>)
      %dma_wait3A = tpu.memref_slice %arg2[%add3A_125] : memref<409600xf32, #tpu.memory_space<hbm>> -> memref<640xf32, #tpu.memory_space<hbm>>
      %dma_wait3A_154 = tpu.memref_slice %arg2[%add3A_125] : memref<409600xf32, #tpu.memory_space<hbm>> -> memref<640xf32, #tpu.memory_space<hbm>>
      tpu.wait_dma2 semaphore(%arg38 : memref<!tpu.dma_semaphore, #tpu.memory_space<semaphore_mem>>) src(%dma_wait3A_154 : memref<640xf32, #tpu.memory_space<hbm>>) dst(%arg17 : memref<640xf32, #tpu.memory_space<vmem>>)
      %dma_wait3A_155 = tpu.memref_slice %arg2[%add3A_127] : memref<409600xf32, #tpu.memory_space<hbm>> -> memref<640xf32, #tpu.memory_space<hbm>>
      %dma_wait3A_156 = tpu.memref_slice %arg2[%add3A_127] : memref<409600xf32, #tpu.memory_space<hbm>> -> memref<640xf32, #tpu.memory_space<hbm>>
      tpu.wait_dma2 semaphore(%arg38 : memref<!tpu.dma_semaphore, #tpu.memory_space<semaphore_mem>>) src(%dma_wait3A_156 : memref<640xf32, #tpu.memory_space<hbm>>) dst(%arg18 : memref<640xf32, #tpu.memory_space<vmem>>)
      %dma_wait3A_157 = tpu.memref_slice %arg2[%add3A_129] : memref<409600xf32, #tpu.memory_space<hbm>> -> memref<640xf32, #tpu.memory_space<hbm>>
      %dma_wait3A_158 = tpu.memref_slice %arg2[%add3A_129] : memref<409600xf32, #tpu.memory_space<hbm>> -> memref<640xf32, #tpu.memory_space<hbm>>
      tpu.wait_dma2 semaphore(%arg38 : memref<!tpu.dma_semaphore, #tpu.memory_space<semaphore_mem>>) src(%dma_wait3A_158 : memref<640xf32, #tpu.memory_space<hbm>>) dst(%arg19 : memref<640xf32, #tpu.memory_space<vmem>>)
      %dma_wait3A_159 = tpu.memref_slice %arg2[%add3A_131] : memref<409600xf32, #tpu.memory_space<hbm>> -> memref<640xf32, #tpu.memory_space<hbm>>
      %dma_wait3A_160 = tpu.memref_slice %arg2[%add3A_131] : memref<409600xf32, #tpu.memory_space<hbm>> -> memref<640xf32, #tpu.memory_space<hbm>>
      tpu.wait_dma2 semaphore(%arg38 : memref<!tpu.dma_semaphore, #tpu.memory_space<semaphore_mem>>) src(%dma_wait3A_160 : memref<640xf32, #tpu.memory_space<hbm>>) dst(%arg20 : memref<640xf32, #tpu.memory_space<vmem>>)
      %dma_wait3A_161 = tpu.memref_slice %arg3[%add3A_125] : memref<102400xf32, #tpu.memory_space<hbm>> -> memref<640xf32, #tpu.memory_space<hbm>>
      %dma_wait3A_162 = tpu.memref_slice %arg3[%add3A_125] : memref<102400xf32, #tpu.memory_space<hbm>> -> memref<640xf32, #tpu.memory_space<hbm>>
      tpu.wait_dma2 semaphore(%arg38 : memref<!tpu.dma_semaphore, #tpu.memory_space<semaphore_mem>>) src(%dma_wait3A_162 : memref<640xf32, #tpu.memory_space<hbm>>) dst(%arg41 : memref<640xf32, #tpu.memory_space<vmem>>)
      %dma_wait3A_163 = tpu.memref_slice %arg4[%add3A_125] : memref<204800xf32, #tpu.memory_space<hbm>> -> memref<640xf32, #tpu.memory_space<hbm>>
      %dma_wait3A_164 = tpu.memref_slice %arg4[%add3A_125] : memref<204800xf32, #tpu.memory_space<hbm>> -> memref<640xf32, #tpu.memory_space<hbm>>
      tpu.wait_dma2 semaphore(%arg38 : memref<!tpu.dma_semaphore, #tpu.memory_space<semaphore_mem>>) src(%dma_wait3A_164 : memref<640xf32, #tpu.memory_space<hbm>>) dst(%arg42 : memref<640xf32, #tpu.memory_space<vmem>>)
      %dma_wait3A_165 = tpu.memref_slice %arg4[%add3A_133] : memref<204800xf32, #tpu.memory_space<hbm>> -> memref<640xf32, #tpu.memory_space<hbm>>
      %dma_wait3A_166 = tpu.memref_slice %arg4[%add3A_133] : memref<204800xf32, #tpu.memory_space<hbm>> -> memref<640xf32, #tpu.memory_space<hbm>>
      tpu.wait_dma2 semaphore(%arg38 : memref<!tpu.dma_semaphore, #tpu.memory_space<semaphore_mem>>) src(%dma_wait3A_166 : memref<640xf32, #tpu.memory_space<hbm>>) dst(%arg43 : memref<640xf32, #tpu.memory_space<vmem>>)
      %dma_wait3A_167 = tpu.memref_slice %arg5[%add3A_125] : memref<204800xf32, #tpu.memory_space<hbm>> -> memref<640xf32, #tpu.memory_space<hbm>>
      %dma_wait3A_168 = tpu.memref_slice %arg5[%add3A_125] : memref<204800xf32, #tpu.memory_space<hbm>> -> memref<640xf32, #tpu.memory_space<hbm>>
      tpu.wait_dma2 semaphore(%arg38 : memref<!tpu.dma_semaphore, #tpu.memory_space<semaphore_mem>>) src(%dma_wait3A_168 : memref<640xf32, #tpu.memory_space<hbm>>) dst(%arg44 : memref<640xf32, #tpu.memory_space<vmem>>)
      %dma_wait3A_169 = tpu.memref_slice %arg5[%add3A_135] : memref<204800xf32, #tpu.memory_space<hbm>> -> memref<640xf32, #tpu.memory_space<hbm>>
      %dma_wait3A_170 = tpu.memref_slice %arg5[%add3A_135] : memref<204800xf32, #tpu.memory_space<hbm>> -> memref<640xf32, #tpu.memory_space<hbm>>
      tpu.wait_dma2 semaphore(%arg38 : memref<!tpu.dma_semaphore, #tpu.memory_space<semaphore_mem>>) src(%dma_wait3A_170 : memref<640xf32, #tpu.memory_space<hbm>>) dst(%arg45 : memref<640xf32, #tpu.memory_space<vmem>>)
      %scan3A_171 = arith.constant 0 : i32
      %scan3A_172 = arith.constant 40 : i32
      %scan3A_173 = arith.addi %scan3A_171, %scan3A_172 : i32
      %scan3A_174 = arith.constant 1 : i32
      scf.for %scan3A_181 = %scan3A_171 to %scan3A_173 step %scan3A_174  : i32 {
        %mul3A_182 = arith.constant 1 : i32
        %mul3A_183 = arith.muli %scan3A_181, %mul3A_182 : i32
        %add3A_184 = arith.constant 0 : i32
        %add3A_185 = arith.addi %add3A_184, %mul3A_183 : i32
        %mul3A_186 = arith.constant 16 : i32
        %mul3A_187 = arith.muli %add3A_185, %mul3A_186 : i32
        %get3A_188 = arith.index_cast %mul3A_187 : i32 to index
        %get3A_189 = tpu.vector_load %arg17[%get3A_188] {strides = array<i32>} : memref<640xf32, #tpu.memory_space<vmem>>, vector<16xf32>,
        %get3A_190 = arith.index_cast %mul3A_187 : i32 to index
        %get3A_191 = tpu.vector_load %arg18[%get3A_190] {strides = array<i32>} : memref<640xf32, #tpu.memory_space<vmem>>, vector<16xf32>,
        %get3A_192 = arith.index_cast %mul3A_187 : i32 to index
        %get3A_193 = tpu.vector_load %arg19[%get3A_192] {strides = array<i32>} : memref<640xf32, #tpu.memory_space<vmem>>, vector<16xf32>,
        %get3A_194 = arith.index_cast %mul3A_187 : i32 to index
        %get3A_195 = tpu.vector_load %arg20[%get3A_194] {strides = array<i32>} : memref<640xf32, #tpu.memory_space<vmem>>, vector<16xf32>,
        %get3A_196 = arith.index_cast %mul3A_187 : i32 to index
        %get3A_197 = tpu.vector_load %arg41[%get3A_196] {strides = array<i32>} : memref<640xf32, #tpu.memory_space<vmem>>, vector<16xf32>,
        %mul3A_198 = arith.mulf %get3A_189, %get3A_49 : vector<16xf32>
        %mul3A_199 = arith.mulf %get3A_191, %get3A_53 : vector<16xf32>
        %add3A_200 = arith.addf %mul3A_198, %mul3A_199 : vector<16xf32>
        %mul3A_201 = arith.mulf %get3A_193, %get3A_57 : vector<16xf32>
        %add3A_202 = arith.addf %add3A_200, %mul3A_201 : vector<16xf32>
        %mul3A_203 = arith.mulf %get3A_195, %get3A_61 : vector<16xf32>
        %add3A_204 = arith.addf %add3A_202, %mul3A_203 : vector<16xf32>
        %mul3A_205 = arith.mulf %get3A_65, %get3A_197 : vector<16xf32>
        %add3A_206 = arith.addf %add3A_204, %mul3A_205 : vector<16xf32>
        %get3A_207 = arith.index_cast %mul3A_187 : i32 to index
        %get3A_208 = tpu.vector_load %arg42[%get3A_207] {strides = array<i32>} : memref<640xf32, #tpu.memory_space<vmem>>, vector<16xf32>,
        %add3A_209 = arith.addf %get3A_197, %get3A_208 : vector<16xf32>
        %get3A_210 = arith.index_cast %mul3A_187 : i32 to index
        %get3A_211 = tpu.vector_load %arg43[%get3A_210] {strides = array<i32>} : memref<640xf32, #tpu.memory_space<vmem>>, vector<16xf32>,
        %add3A_212 = arith.addf %add3A_209, %get3A_211 : vector<16xf32>
        %get3A_213 = arith.index_cast %mul3A_187 : i32 to index
        %get3A_214 = tpu.vector_load %arg44[%get3A_213] {strides = array<i32>} : memref<640xf32, #tpu.memory_space<vmem>>, vector<16xf32>,
        %get3A_215 = arith.index_cast %mul3A_187 : i32 to index
        %get3A_216 = tpu.vector_load %arg45[%get3A_215] {strides = array<i32>} : memref<640xf32, #tpu.memory_space<vmem>>, vector<16xf32>,
        %add3A_217 = arith.addf %get3A_214, %get3A_216 : vector<16xf32>
        %mul3A_218 = arith.mulf %add3A_217, %add3A_206 : vector<16xf32>
        %add3A_219 = arith.addf %add3A_212, %mul3A_218 : vector<16xf32>
        %swap3A = arith.index_cast %mul3A_187 : i32 to index
        %swap3A_220 = tpu.vector_load %arg21[%swap3A] {strides = array<i32>} : memref<640xf32, #tpu.memory_space<vmem>>, vector<16xf32>,
        tpu.vector_store %arg21[%swap3A], %add3A_219 {strides = array<i32>} : memref<640xf32, #tpu.memory_space<vmem>>, vector<16xf32>,
        %mul3A_221 = arith.mulf %get3A_189, %get3A_29 : vector<16xf32>
        %mul3A_222 = arith.mulf %get3A_191, %get3A_33 : vector<16xf32>
        %add3A_223 = arith.addf %mul3A_221, %mul3A_222 : vector<16xf32>
        %mul3A_224 = arith.mulf %get3A_193, %get3A_37 : vector<16xf32>
        %add3A_225 = arith.addf %add3A_223, %mul3A_224 : vector<16xf32>
        %mul3A_226 = arith.mulf %get3A_195, %get3A_41 : vector<16xf32>
        %add3A_227 = arith.addf %add3A_225, %mul3A_226 : vector<16xf32>
        %mul3A_228 = arith.mulf %get3A_45, %add3A_219 : vector<16xf32>
        %add3A_229 = arith.addf %add3A_227, %mul3A_228 : vector<16xf32>
        %swap3A_230 = arith.index_cast %mul3A_187 : i32 to index
        %swap3A_231 = tpu.vector_load %arg22[%swap3A_230] {strides = array<i32>} : memref<640xf32, #tpu.memory_space<vmem>>, vector<16xf32>,
        tpu.vector_store %arg22[%swap3A_230], %add3A_229 {strides = array<i32>} : memref<640xf32, #tpu.memory_space<vmem>>, vector<16xf32>,
      }
      %scan3A_175 = arith.constant 40 : i32
      %eq3A = arith.constant 0 : i32
      %eq3A_176 = arith.cmpi eq, %arg0, %eq3A : i32
      %convert_element_type3A = arith.extui %eq3A_176 : i1 to i32
      %cond3A = arith.constant 0 : i32
      %cond3A_177 = arith.cmpi ne, %convert_element_type3A, %cond3A : i32
      scf.if %cond3A_177 {
        "tpu.region"() ({
          %run_scoped3A = tpu.sem_alloc : memref<!tpu.dma_semaphore, #tpu.memory_space<semaphore_mem>>
          %dma_start3A_181 = tpu.memref_slice %arg14[%add3A_125] : memref<102400xf32, #tpu.memory_space<hbm>> -> memref<640xf32, #tpu.memory_space<hbm>>
          %dma_start3A_182 = tpu.memref_slice %arg14[%add3A_125] : memref<102400xf32, #tpu.memory_space<hbm>> -> memref<640xf32, #tpu.memory_space<hbm>>
          tpu.enqueue_dma source(%arg21 : memref<640xf32, #tpu.memory_space<vmem>>) target(%dma_start3A_182 : memref<640xf32, #tpu.memory_space<hbm>>) target_semaphore(%run_scoped3A : memref<!tpu.dma_semaphore, #tpu.memory_space<semaphore_mem>>)
          %dma_wait3A_183 = tpu.memref_slice %arg14[%add3A_125] : memref<102400xf32, #tpu.memory_space<hbm>> -> memref<640xf32, #tpu.memory_space<hbm>>
          %dma_wait3A_184 = tpu.memref_slice %arg14[%add3A_125] : memref<102400xf32, #tpu.memory_space<hbm>> -> memref<640xf32, #tpu.memory_space<hbm>>
          tpu.wait_dma2 semaphore(%run_scoped3A : memref<!tpu.dma_semaphore, #tpu.memory_space<semaphore_mem>>) src(%arg21 : memref<640xf32, #tpu.memory_space<vmem>>) dst(%dma_wait3A_184 : memref<640xf32, #tpu.memory_space<hbm>>)
          tpu.yield
        }) : () -> ()
      } else {
      }
      %mul3A_178 = arith.constant 102400 : i32
      %mul3A_179 = arith.muli %arg0, %mul3A_178 : i32
      %add3A_180 = arith.addi %mul3A_179, %add3A_125 : i32
      "tpu.region"() ({
        %run_scoped3A = tpu.sem_alloc : memref<!tpu.dma_semaphore, #tpu.memory_space<semaphore_mem>>
        %dma_start3A_181 = tpu.memref_slice %arg15[%add3A_180] : memref<204800xf32, #tpu.memory_space<hbm>> -> memref<640xf32, #tpu.memory_space<hbm>>
        %dma_start3A_182 = tpu.memref_slice %arg15[%add3A_180] : memref<204800xf32, #tpu.memory_space<hbm>> -> memref<640xf32, #tpu.memory_space<hbm>>
        tpu.enqueue_dma source(%arg22 : memref<640xf32, #tpu.memory_space<vmem>>) target(%dma_start3A_182 : memref<640xf32, #tpu.memory_space<hbm>>) target_semaphore(%run_scoped3A : memref<!tpu.dma_semaphore, #tpu.memory_space<semaphore_mem>>)
        %dma_wait3A_183 = tpu.memref_slice %arg15[%add3A_180] : memref<204800xf32, #tpu.memory_space<hbm>> -> memref<640xf32, #tpu.memory_space<hbm>>
        %dma_wait3A_184 = tpu.memref_slice %arg15[%add3A_180] : memref<204800xf32, #tpu.memory_space<hbm>> -> memref<640xf32, #tpu.memory_space<hbm>>
        tpu.wait_dma2 semaphore(%run_scoped3A : memref<!tpu.dma_semaphore, #tpu.memory_space<semaphore_mem>>) src(%arg22 : memref<640xf32, #tpu.memory_space<vmem>>) dst(%dma_wait3A_184 : memref<640xf32, #tpu.memory_space<hbm>>)
        tpu.yield
      }) : () -> ()
    }
    %scan3A_70 = arith.constant 10 : i32
    %barrier3A = arith.constant 0 : index
    tpu.barrier barrier_id(%barrier3A)
    %mul3A_71 = arith.constant 102400 : i32
    %mul3A_72 = arith.muli %arg0, %mul3A_71 : i32
    "tpu.region"() ({
      %run_scoped3A = tpu.sem_alloc : memref<!tpu.dma_semaphore, #tpu.memory_space<semaphore_mem>>
      %dma_start3A_118 = tpu.memref_slice %arg15[%mul3A_72] : memref<204800xf32, #tpu.memory_space<hbm>> -> memref<100000xf32, #tpu.memory_space<hbm>>
      %dma_start3A_119 = tpu.memref_slice %arg15[%mul3A_72] : memref<204800xf32, #tpu.memory_space<hbm>> -> memref<100000xf32, #tpu.memory_space<hbm>>
      tpu.enqueue_dma source(%dma_start3A_119 : memref<100000xf32, #tpu.memory_space<hbm>>) target(%arg16 : memref<100000xf32, #tpu.memory_space<vmem>>) target_semaphore(%run_scoped3A : memref<!tpu.dma_semaphore, #tpu.memory_space<semaphore_mem>>)
      %dma_wait3A = tpu.memref_slice %arg15[%mul3A_72] : memref<204800xf32, #tpu.memory_space<hbm>> -> memref<100000xf32, #tpu.memory_space<hbm>>
      %dma_wait3A_120 = tpu.memref_slice %arg15[%mul3A_72] : memref<204800xf32, #tpu.memory_space<hbm>> -> memref<100000xf32, #tpu.memory_space<hbm>>
      tpu.wait_dma2 semaphore(%run_scoped3A : memref<!tpu.dma_semaphore, #tpu.memory_space<semaphore_mem>>) src(%dma_wait3A_120 : memref<100000xf32, #tpu.memory_space<hbm>>) dst(%arg16 : memref<100000xf32, #tpu.memory_space<vmem>>)
      tpu.yield
    }) : () -> ()
    %get3A_73 = arith.constant 0 : i32
    %get3A_74 = arith.index_cast %get3A_73 : i32 to index
    %get3A_75 = arith.constant 0 : index
    %get3A_76 = tpu.vector_load %arg36[%get3A_74, %get3A_75] {strides = array<i32>} : memref<15x16xf32, #tpu.memory_space<vmem>>, vector<16xf32>,
    %get3A_77 = arith.constant 1 : i32
    %get3A_78 = arith.index_cast %get3A_77 : i32 to index
    %get3A_79 = arith.constant 0 : index
    %get3A_80 = tpu.vector_load %arg36[%get3A_78, %get3A_79] {strides = array<i32>} : memref<15x16xf32, #tpu.memory_space<vmem>>, vector<16xf32>,
    %get3A_81 = arith.constant 2 : i32
    %get3A_82 = arith.index_cast %get3A_81 : i32 to index
    %get3A_83 = arith.constant 0 : index
    %get3A_84 = tpu.vector_load %arg36[%get3A_82, %get3A_83] {strides = array<i32>} : memref<15x16xf32, #tpu.memory_space<vmem>>, vector<16xf32>,
    %get3A_85 = arith.constant 3 : i32
    %get3A_86 = arith.index_cast %get3A_85 : i32 to index
    %get3A_87 = arith.constant 0 : index
    %get3A_88 = tpu.vector_load %arg36[%get3A_86, %get3A_87] {strides = array<i32>} : memref<15x16xf32, #tpu.memory_space<vmem>>, vector<16xf32>,
    %get3A_89 = arith.constant 4 : i32
    %get3A_90 = arith.index_cast %get3A_89 : i32 to index
    %get3A_91 = arith.constant 0 : index
    %get3A_92 = tpu.vector_load %arg36[%get3A_90, %get3A_91] {strides = array<i32>} : memref<15x16xf32, #tpu.memory_space<vmem>>, vector<16xf32>,
    %mul3A_93 = arith.constant 100352 : i32
    %mul3A_94 = arith.muli %add3A, %mul3A_93 : i32
    %add3A_95 = arith.constant 0 : i32
    %add3A_96 = arith.addi %mul3A_94, %add3A_95 : i32
    %min3A = arith.constant 3198976 : i32
    %min3A_97 = arith.minsi %add3A_96, %min3A : i32
    %dma_start3A = tpu.memref_slice %arg6[%add3A_96] : memref<3211264xi32, #tpu.memory_space<hbm>> -> memref<1024xi32, #tpu.memory_space<hbm>>
    %dma_start3A_98 = tpu.memref_slice %arg6[%add3A_96] : memref<3211264xi32, #tpu.memory_space<hbm>> -> memref<1024xi32, #tpu.memory_space<hbm>>
    tpu.enqueue_dma source(%dma_start3A_98 : memref<1024xi32, #tpu.memory_space<hbm>>) target(%arg23 : memref<1024xi32, #tpu.memory_space<vmem>>) target_semaphore(%arg38 : memref<!tpu.dma_semaphore, #tpu.memory_space<semaphore_mem>>)
    %dma_start3A_99 = tpu.memref_slice %arg7[%add3A_96] : memref<3211264xi32, #tpu.memory_space<hbm>> -> memref<1024xi32, #tpu.memory_space<hbm>>
    %dma_start3A_100 = tpu.memref_slice %arg7[%add3A_96] : memref<3211264xi32, #tpu.memory_space<hbm>> -> memref<1024xi32, #tpu.memory_space<hbm>>
    tpu.enqueue_dma source(%dma_start3A_100 : memref<1024xi32, #tpu.memory_space<hbm>>) target(%arg24 : memref<1024xi32, #tpu.memory_space<vmem>>) target_semaphore(%arg38 : memref<!tpu.dma_semaphore, #tpu.memory_space<semaphore_mem>>)
    %dma_start3A_101 = tpu.memref_slice %arg8[%min3A_97] : memref<3200000xf32, #tpu.memory_space<hbm>> -> memref<1024xf32, #tpu.memory_space<hbm>>
    %dma_start3A_102 = tpu.memref_slice %arg8[%min3A_97] : memref<3200000xf32, #tpu.memory_space<hbm>> -> memref<1024xf32, #tpu.memory_space<hbm>>
    tpu.enqueue_dma source(%dma_start3A_102 : memref<1024xf32, #tpu.memory_space<hbm>>) target(%arg25 : memref<1024xf32, #tpu.memory_space<vmem>>) target_semaphore(%arg38 : memref<!tpu.dma_semaphore, #tpu.memory_space<semaphore_mem>>)
    %dma_start3A_103 = tpu.memref_slice %arg9[%min3A_97] : memref<3200000xf32, #tpu.memory_space<hbm>> -> memref<1024xf32, #tpu.memory_space<hbm>>
    %dma_start3A_104 = tpu.memref_slice %arg9[%min3A_97] : memref<3200000xf32, #tpu.memory_space<hbm>> -> memref<1024xf32, #tpu.memory_space<hbm>>
    tpu.enqueue_dma source(%dma_start3A_104 : memref<1024xf32, #tpu.memory_space<hbm>>) target(%arg26 : memref<1024xf32, #tpu.memory_space<vmem>>) target_semaphore(%arg38 : memref<!tpu.dma_semaphore, #tpu.memory_space<semaphore_mem>>)
    %dma_start3A_105 = tpu.memref_slice %arg10[%min3A_97] : memref<3200000xf32, #tpu.memory_space<hbm>> -> memref<1024xf32, #tpu.memory_space<hbm>>
    %dma_start3A_106 = tpu.memref_slice %arg10[%min3A_97] : memref<3200000xf32, #tpu.memory_space<hbm>> -> memref<1024xf32, #tpu.memory_space<hbm>>
    tpu.enqueue_dma source(%dma_start3A_106 : memref<1024xf32, #tpu.memory_space<hbm>>) target(%arg27 : memref<1024xf32, #tpu.memory_space<vmem>>) target_semaphore(%arg38 : memref<!tpu.dma_semaphore, #tpu.memory_space<semaphore_mem>>)
    %dma_start3A_107 = tpu.memref_slice %arg11[%min3A_97] : memref<3200000xf32, #tpu.memory_space<hbm>> -> memref<1024xf32, #tpu.memory_space<hbm>>
    %dma_start3A_108 = tpu.memref_slice %arg11[%min3A_97] : memref<3200000xf32, #tpu.memory_space<hbm>> -> memref<1024xf32, #tpu.memory_space<hbm>>
    tpu.enqueue_dma source(%dma_start3A_108 : memref<1024xf32, #tpu.memory_space<hbm>>) target(%arg28 : memref<1024xf32, #tpu.memory_space<vmem>>) target_semaphore(%arg38 : memref<!tpu.dma_semaphore, #tpu.memory_space<semaphore_mem>>)
    %scan3A_109 = arith.constant 0 : i32
    %scan3A_110 = arith.constant 49 : i32
    %scan3A_111 = arith.addi %scan3A_109, %scan3A_110 : i32
    %scan3A_112 = arith.constant 1 : i32
    scf.for %scan3A_118 = %scan3A_109 to %scan3A_111 step %scan3A_112  : i32 {
      %mul3A_119 = arith.constant 1 : i32
      %mul3A_120 = arith.muli %scan3A_118, %mul3A_119 : i32
      %add3A_121 = arith.constant 0 : i32
      %add3A_122 = arith.addi %add3A_121, %mul3A_120 : i32
      %mul3A_123 = arith.constant 2 : i32
      %mul3A_124 = arith.muli %add3A_122, %mul3A_123 : i32
      %add3A_125 = arith.constant 1 : i32
      %add3A_126 = arith.addi %mul3A_124, %add3A_125 : i32
      %mul3A_127 = arith.constant 100352 : i32
      %mul3A_128 = arith.muli %add3A, %mul3A_127 : i32
      %mul3A_129 = arith.constant 1024 : i32
      %mul3A_130 = arith.muli %add3A_126, %mul3A_129 : i32
      %add3A_131 = arith.addi %mul3A_128, %mul3A_130 : i32
      %min3A_132 = arith.constant 3198976 : i32
      %min3A_133 = arith.minsi %add3A_131, %min3A_132 : i32
      %dma_start3A_134 = tpu.memref_slice %arg6[%add3A_131] : memref<3211264xi32, #tpu.memory_space<hbm>> -> memref<1024xi32, #tpu.memory_space<hbm>>
      %dma_start3A_135 = tpu.memref_slice %arg6[%add3A_131] : memref<3211264xi32, #tpu.memory_space<hbm>> -> memref<1024xi32, #tpu.memory_space<hbm>>
      tpu.enqueue_dma source(%dma_start3A_135 : memref<1024xi32, #tpu.memory_space<hbm>>) target(%arg29 : memref<1024xi32, #tpu.memory_space<vmem>>) target_semaphore(%arg39 : memref<!tpu.dma_semaphore, #tpu.memory_space<semaphore_mem>>)
      %dma_start3A_136 = tpu.memref_slice %arg7[%add3A_131] : memref<3211264xi32, #tpu.memory_space<hbm>> -> memref<1024xi32, #tpu.memory_space<hbm>>
      %dma_start3A_137 = tpu.memref_slice %arg7[%add3A_131] : memref<3211264xi32, #tpu.memory_space<hbm>> -> memref<1024xi32, #tpu.memory_space<hbm>>
      tpu.enqueue_dma source(%dma_start3A_137 : memref<1024xi32, #tpu.memory_space<hbm>>) target(%arg30 : memref<1024xi32, #tpu.memory_space<vmem>>) target_semaphore(%arg39 : memref<!tpu.dma_semaphore, #tpu.memory_space<semaphore_mem>>)
      %dma_start3A_138 = tpu.memref_slice %arg8[%min3A_133] : memref<3200000xf32, #tpu.memory_space<hbm>> -> memref<1024xf32, #tpu.memory_space<hbm>>
      %dma_start3A_139 = tpu.memref_slice %arg8[%min3A_133] : memref<3200000xf32, #tpu.memory_space<hbm>> -> memref<1024xf32, #tpu.memory_space<hbm>>
      tpu.enqueue_dma source(%dma_start3A_139 : memref<1024xf32, #tpu.memory_space<hbm>>) target(%arg31 : memref<1024xf32, #tpu.memory_space<vmem>>) target_semaphore(%arg39 : memref<!tpu.dma_semaphore, #tpu.memory_space<semaphore_mem>>)
      %dma_start3A_140 = tpu.memref_slice %arg9[%min3A_133] : memref<3200000xf32, #tpu.memory_space<hbm>> -> memref<1024xf32, #tpu.memory_space<hbm>>
      %dma_start3A_141 = tpu.memref_slice %arg9[%min3A_133] : memref<3200000xf32, #tpu.memory_space<hbm>> -> memref<1024xf32, #tpu.memory_space<hbm>>
      tpu.enqueue_dma source(%dma_start3A_141 : memref<1024xf32, #tpu.memory_space<hbm>>) target(%arg32 : memref<1024xf32, #tpu.memory_space<vmem>>) target_semaphore(%arg39 : memref<!tpu.dma_semaphore, #tpu.memory_space<semaphore_mem>>)
      %dma_start3A_142 = tpu.memref_slice %arg10[%min3A_133] : memref<3200000xf32, #tpu.memory_space<hbm>> -> memref<1024xf32, #tpu.memory_space<hbm>>
      %dma_start3A_143 = tpu.memref_slice %arg10[%min3A_133] : memref<3200000xf32, #tpu.memory_space<hbm>> -> memref<1024xf32, #tpu.memory_space<hbm>>
      tpu.enqueue_dma source(%dma_start3A_143 : memref<1024xf32, #tpu.memory_space<hbm>>) target(%arg33 : memref<1024xf32, #tpu.memory_space<vmem>>) target_semaphore(%arg39 : memref<!tpu.dma_semaphore, #tpu.memory_space<semaphore_mem>>)
      %dma_start3A_144 = tpu.memref_slice %arg11[%min3A_133] : memref<3200000xf32, #tpu.memory_space<hbm>> -> memref<1024xf32, #tpu.memory_space<hbm>>
      %dma_start3A_145 = tpu.memref_slice %arg11[%min3A_133] : memref<3200000xf32, #tpu.memory_space<hbm>> -> memref<1024xf32, #tpu.memory_space<hbm>>
      tpu.enqueue_dma source(%dma_start3A_145 : memref<1024xf32, #tpu.memory_space<hbm>>) target(%arg34 : memref<1024xf32, #tpu.memory_space<vmem>>) target_semaphore(%arg39 : memref<!tpu.dma_semaphore, #tpu.memory_space<semaphore_mem>>)
      %mul3A_146 = arith.constant 100352 : i32
      %mul3A_147 = arith.muli %add3A, %mul3A_146 : i32
      %mul3A_148 = arith.constant 1024 : i32
      %mul3A_149 = arith.muli %mul3A_124, %mul3A_148 : i32
      %add3A_150 = arith.addi %mul3A_147, %mul3A_149 : i32
      %min3A_151 = arith.constant 3198976 : i32
      %min3A_152 = arith.minsi %add3A_150, %min3A_151 : i32
      %dma_wait3A = tpu.memref_slice %arg6[%add3A_150] : memref<3211264xi32, #tpu.memory_space<hbm>> -> memref<1024xi32, #tpu.memory_space<hbm>>
      %dma_wait3A_153 = tpu.memref_slice %arg6[%add3A_150] : memref<3211264xi32, #tpu.memory_space<hbm>> -> memref<1024xi32, #tpu.memory_space<hbm>>
      tpu.wait_dma2 semaphore(%arg38 : memref<!tpu.dma_semaphore, #tpu.memory_space<semaphore_mem>>) src(%dma_wait3A_153 : memref<1024xi32, #tpu.memory_space<hbm>>) dst(%arg23 : memref<1024xi32, #tpu.memory_space<vmem>>)
      %dma_wait3A_154 = tpu.memref_slice %arg7[%add3A_150] : memref<3211264xi32, #tpu.memory_space<hbm>> -> memref<1024xi32, #tpu.memory_space<hbm>>
      %dma_wait3A_155 = tpu.memref_slice %arg7[%add3A_150] : memref<3211264xi32, #tpu.memory_space<hbm>> -> memref<1024xi32, #tpu.memory_space<hbm>>
      tpu.wait_dma2 semaphore(%arg38 : memref<!tpu.dma_semaphore, #tpu.memory_space<semaphore_mem>>) src(%dma_wait3A_155 : memref<1024xi32, #tpu.memory_space<hbm>>) dst(%arg24 : memref<1024xi32, #tpu.memory_space<vmem>>)
      %dma_wait3A_156 = tpu.memref_slice %arg8[%min3A_152] : memref<3200000xf32, #tpu.memory_space<hbm>> -> memref<1024xf32, #tpu.memory_space<hbm>>
      %dma_wait3A_157 = tpu.memref_slice %arg8[%min3A_152] : memref<3200000xf32, #tpu.memory_space<hbm>> -> memref<1024xf32, #tpu.memory_space<hbm>>
      tpu.wait_dma2 semaphore(%arg38 : memref<!tpu.dma_semaphore, #tpu.memory_space<semaphore_mem>>) src(%dma_wait3A_157 : memref<1024xf32, #tpu.memory_space<hbm>>) dst(%arg25 : memref<1024xf32, #tpu.memory_space<vmem>>)
      %dma_wait3A_158 = tpu.memref_slice %arg9[%min3A_152] : memref<3200000xf32, #tpu.memory_space<hbm>> -> memref<1024xf32, #tpu.memory_space<hbm>>
      %dma_wait3A_159 = tpu.memref_slice %arg9[%min3A_152] : memref<3200000xf32, #tpu.memory_space<hbm>> -> memref<1024xf32, #tpu.memory_space<hbm>>
      tpu.wait_dma2 semaphore(%arg38 : memref<!tpu.dma_semaphore, #tpu.memory_space<semaphore_mem>>) src(%dma_wait3A_159 : memref<1024xf32, #tpu.memory_space<hbm>>) dst(%arg26 : memref<1024xf32, #tpu.memory_space<vmem>>)
      %dma_wait3A_160 = tpu.memref_slice %arg10[%min3A_152] : memref<3200000xf32, #tpu.memory_space<hbm>> -> memref<1024xf32, #tpu.memory_space<hbm>>
      %dma_wait3A_161 = tpu.memref_slice %arg10[%min3A_152] : memref<3200000xf32, #tpu.memory_space<hbm>> -> memref<1024xf32, #tpu.memory_space<hbm>>
      tpu.wait_dma2 semaphore(%arg38 : memref<!tpu.dma_semaphore, #tpu.memory_space<semaphore_mem>>) src(%dma_wait3A_161 : memref<1024xf32, #tpu.memory_space<hbm>>) dst(%arg27 : memref<1024xf32, #tpu.memory_space<vmem>>)
      %dma_wait3A_162 = tpu.memref_slice %arg11[%min3A_152] : memref<3200000xf32, #tpu.memory_space<hbm>> -> memref<1024xf32, #tpu.memory_space<hbm>>
      %dma_wait3A_163 = tpu.memref_slice %arg11[%min3A_152] : memref<3200000xf32, #tpu.memory_space<hbm>> -> memref<1024xf32, #tpu.memory_space<hbm>>
      tpu.wait_dma2 semaphore(%arg38 : memref<!tpu.dma_semaphore, #tpu.memory_space<semaphore_mem>>) src(%dma_wait3A_163 : memref<1024xf32, #tpu.memory_space<hbm>>) dst(%arg28 : memref<1024xf32, #tpu.memory_space<vmem>>)
      %scan3A_164 = arith.constant 0 : i32
      %scan3A_165 = arith.constant 64 : i32
      %scan3A_166 = arith.addi %scan3A_164, %scan3A_165 : i32
      %scan3A_167 = arith.constant 1 : i32
      scf.for %scan3A_207 = %scan3A_164 to %scan3A_166 step %scan3A_167  : i32 {
        %mul3A_208 = arith.constant 1 : i32
        %mul3A_209 = arith.muli %scan3A_207, %mul3A_208 : i32
        %add3A_210 = arith.constant 0 : i32
        %add3A_211 = arith.addi %add3A_210, %mul3A_209 : i32
        %mul3A_212 = arith.constant 16 : i32
        %mul3A_213 = arith.muli %add3A_211, %mul3A_212 : i32
        %get3A_214 = arith.index_cast %mul3A_213 : i32 to index
        %get3A_215 = tpu.vector_load %arg23[%get3A_214] {strides = array<i32>} : memref<1024xi32, #tpu.memory_space<vmem>>, vector<16xi32>,
        %gather3A = tpu.vector_load_idx %arg16[%get3A_215] : memref<100000xf32, #tpu.memory_space<vmem>>[vector<16xi32>], vector<16xf32>,
        %get3A_216 = arith.index_cast %mul3A_213 : i32 to index
        %get3A_217 = tpu.vector_load %arg25[%get3A_216] {strides = array<i32>} : memref<1024xf32, #tpu.memory_space<vmem>>, vector<16xf32>,
        %get3A_218 = arith.index_cast %mul3A_213 : i32 to index
        %get3A_219 = tpu.vector_load %arg26[%get3A_218] {strides = array<i32>} : memref<1024xf32, #tpu.memory_space<vmem>>, vector<16xf32>,
        %get3A_220 = arith.index_cast %mul3A_213 : i32 to index
        %get3A_221 = tpu.vector_load %arg27[%get3A_220] {strides = array<i32>} : memref<1024xf32, #tpu.memory_space<vmem>>, vector<16xf32>,
        %get3A_222 = arith.index_cast %mul3A_213 : i32 to index
        %get3A_223 = tpu.vector_load %arg28[%get3A_222] {strides = array<i32>} : memref<1024xf32, #tpu.memory_space<vmem>>, vector<16xf32>,
        %mul3A_224 = arith.mulf %get3A_217, %get3A_76 : vector<16xf32>
        %add3A_225 = arith.addf %gather3A, %mul3A_224 : vector<16xf32>
        %mul3A_226 = arith.mulf %get3A_219, %get3A_80 : vector<16xf32>
        %add3A_227 = arith.addf %add3A_225, %mul3A_226 : vector<16xf32>
        %mul3A_228 = arith.mulf %get3A_221, %get3A_84 : vector<16xf32>
        %add3A_229 = arith.addf %add3A_227, %mul3A_228 : vector<16xf32>
        %mul3A_230 = arith.mulf %get3A_223, %get3A_88 : vector<16xf32>
        %add3A_231 = arith.addf %add3A_229, %mul3A_230 : vector<16xf32>
        %add3A_232 = arith.addf %add3A_231, %get3A_92 : vector<16xf32>
        %swap3A = arith.index_cast %mul3A_213 : i32 to index
        %swap3A_233 = tpu.vector_load %arg35[%swap3A] {strides = array<i32>} : memref<1024xf32, #tpu.memory_space<vmem>>, vector<16xf32>,
        tpu.vector_store %arg35[%swap3A], %add3A_232 {strides = array<i32>} : memref<1024xf32, #tpu.memory_space<vmem>>, vector<16xf32>,
      }
      %scan3A_168 = arith.constant 64 : i32
      %dma_start3A_169 = arith.constant 0 : i32
      %dma_start3A_170 = tpu.memref_slice %arg37[%dma_start3A_169] : memref<102400xf32, #tpu.memory_space<vmem_shared>> -> memref<102400xf32, #tpu.memory_space<vmem_shared>>
      tpu.enqueue_indirect_dma source(%arg35 : memref<1024xf32, #tpu.memory_space<vmem>>) target(%dma_start3A_170 : memref<102400xf32, #tpu.memory_space<vmem_shared>>) offsets(%arg24 : memref<1024xi32, #tpu.memory_space<vmem>>) semaphore(%arg40 : memref<!tpu.dma_semaphore, #tpu.memory_space<semaphore_mem>>) {add = true}
      %dma_wait3A_171 = arith.constant 0 : i32
      %dma_wait3A_172 = tpu.memref_slice %arg37[%dma_wait3A_171] : memref<102400xf32, #tpu.memory_space<vmem_shared>> -> memref<102400xf32, #tpu.memory_space<vmem_shared>>
      tpu.wait_indirect_dma semaphore(%arg40 : memref<!tpu.dma_semaphore, #tpu.memory_space<semaphore_mem>>) src(%arg35 : memref<1024xf32, #tpu.memory_space<vmem>>) dst(%dma_wait3A_172 : memref<102400xf32, #tpu.memory_space<vmem_shared>>)
      %add3A_173 = arith.constant 2 : i32
      %add3A_174 = arith.addi %mul3A_124, %add3A_173 : i32
      %lt3A = arith.constant 98 : i32
      %lt3A_175 = arith.cmpi slt, %add3A_174, %lt3A : i32
      %convert_element_type3A = arith.extui %lt3A_175 : i1 to i32
      %cond3A = arith.constant 0 : i32
      %cond3A_176 = arith.cmpi ne, %convert_element_type3A, %cond3A : i32
      scf.if %cond3A_176 {
        %add3A_207 = arith.constant 2 : i32
        %add3A_208 = arith.addi %mul3A_124, %add3A_207 : i32
        %mul3A_209 = arith.constant 100352 : i32
        %mul3A_210 = arith.muli %add3A, %mul3A_209 : i32
        %mul3A_211 = arith.constant 1024 : i32
        %mul3A_212 = arith.muli %add3A_208, %mul3A_211 : i32
        %add3A_213 = arith.addi %mul3A_210, %mul3A_212 : i32
        %min3A_214 = arith.constant 3198976 : i32
        %min3A_215 = arith.minsi %add3A_213, %min3A_214 : i32
        %dma_start3A_216 = tpu.memref_slice %arg6[%add3A_213] : memref<3211264xi32, #tpu.memory_space<hbm>> -> memref<1024xi32, #tpu.memory_space<hbm>>
        %dma_start3A_217 = tpu.memref_slice %arg6[%add3A_213] : memref<3211264xi32, #tpu.memory_space<hbm>> -> memref<1024xi32, #tpu.memory_space<hbm>>
        tpu.enqueue_dma source(%dma_start3A_217 : memref<1024xi32, #tpu.memory_space<hbm>>) target(%arg23 : memref<1024xi32, #tpu.memory_space<vmem>>) target_semaphore(%arg38 : memref<!tpu.dma_semaphore, #tpu.memory_space<semaphore_mem>>)
        %dma_start3A_218 = tpu.memref_slice %arg7[%add3A_213] : memref<3211264xi32, #tpu.memory_space<hbm>> -> memref<1024xi32, #tpu.memory_space<hbm>>
        %dma_start3A_219 = tpu.memref_slice %arg7[%add3A_213] : memref<3211264xi32, #tpu.memory_space<hbm>> -> memref<1024xi32, #tpu.memory_space<hbm>>
        tpu.enqueue_dma source(%dma_start3A_219 : memref<1024xi32, #tpu.memory_space<hbm>>) target(%arg24 : memref<1024xi32, #tpu.memory_space<vmem>>) target_semaphore(%arg38 : memref<!tpu.dma_semaphore, #tpu.memory_space<semaphore_mem>>)
        %dma_start3A_220 = tpu.memref_slice %arg8[%min3A_215] : memref<3200000xf32, #tpu.memory_space<hbm>> -> memref<1024xf32, #tpu.memory_space<hbm>>
        %dma_start3A_221 = tpu.memref_slice %arg8[%min3A_215] : memref<3200000xf32, #tpu.memory_space<hbm>> -> memref<1024xf32, #tpu.memory_space<hbm>>
        tpu.enqueue_dma source(%dma_start3A_221 : memref<1024xf32, #tpu.memory_space<hbm>>) target(%arg25 : memref<1024xf32, #tpu.memory_space<vmem>>) target_semaphore(%arg38 : memref<!tpu.dma_semaphore, #tpu.memory_space<semaphore_mem>>)
        %dma_start3A_222 = tpu.memref_slice %arg9[%min3A_215] : memref<3200000xf32, #tpu.memory_space<hbm>> -> memref<1024xf32, #tpu.memory_space<hbm>>
        %dma_start3A_223 = tpu.memref_slice %arg9[%min3A_215] : memref<3200000xf32, #tpu.memory_space<hbm>> -> memref<1024xf32, #tpu.memory_space<hbm>>
        tpu.enqueue_dma source(%dma_start3A_223 : memref<1024xf32, #tpu.memory_space<hbm>>) target(%arg26 : memref<1024xf32, #tpu.memory_space<vmem>>) target_semaphore(%arg38 : memref<!tpu.dma_semaphore, #tpu.memory_space<semaphore_mem>>)
        %dma_start3A_224 = tpu.memref_slice %arg10[%min3A_215] : memref<3200000xf32, #tpu.memory_space<hbm>> -> memref<1024xf32, #tpu.memory_space<hbm>>
        %dma_start3A_225 = tpu.memref_slice %arg10[%min3A_215] : memref<3200000xf32, #tpu.memory_space<hbm>> -> memref<1024xf32, #tpu.memory_space<hbm>>
        tpu.enqueue_dma source(%dma_start3A_225 : memref<1024xf32, #tpu.memory_space<hbm>>) target(%arg27 : memref<1024xf32, #tpu.memory_space<vmem>>) target_semaphore(%arg38 : memref<!tpu.dma_semaphore, #tpu.memory_space<semaphore_mem>>)
        %dma_start3A_226 = tpu.memref_slice %arg11[%min3A_215] : memref<3200000xf32, #tpu.memory_space<hbm>> -> memref<1024xf32, #tpu.memory_space<hbm>>
        %dma_start3A_227 = tpu.memref_slice %arg11[%min3A_215] : memref<3200000xf32, #tpu.memory_space<hbm>> -> memref<1024xf32, #tpu.memory_space<hbm>>
        tpu.enqueue_dma source(%dma_start3A_227 : memref<1024xf32, #tpu.memory_space<hbm>>) target(%arg28 : memref<1024xf32, #tpu.memory_space<vmem>>) target_semaphore(%arg38 : memref<!tpu.dma_semaphore, #tpu.memory_space<semaphore_mem>>)
      } else {
      }
      %add3A_177 = arith.constant 1 : i32
      %add3A_178 = arith.addi %mul3A_124, %add3A_177 : i32
      %mul3A_179 = arith.constant 100352 : i32
      %mul3A_180 = arith.muli %add3A, %mul3A_179 : i32
      %mul3A_181 = arith.constant 1024 : i32
      %mul3A_182 = arith.muli %add3A_178, %mul3A_181 : i32
      %add3A_183 = arith.addi %mul3A_180, %mul3A_182 : i32
      %min3A_184 = arith.constant 3198976 : i32
      %min3A_185 = arith.minsi %add3A_183, %min3A_184 : i32
      %dma_wait3A_186 = tpu.memref_slice %arg6[%add3A_183] : memref<3211264xi32, #tpu.memory_space<hbm>> -> memref<1024xi32, #tpu.memory_space<hbm>>
      %dma_wait3A_187 = tpu.memref_slice %arg6[%add3A_183] : memref<3211264xi32, #tpu.memory_space<hbm>> -> memref<1024xi32, #tpu.memory_space<hbm>>
      tpu.wait_dma2 semaphore(%arg39 : memref<!tpu.dma_semaphore, #tpu.memory_space<semaphore_mem>>) src(%dma_wait3A_187 : memref<1024xi32, #tpu.memory_space<hbm>>) dst(%arg29 : memref<1024xi32, #tpu.memory_space<vmem>>)
      %dma_wait3A_188 = tpu.memref_slice %arg7[%add3A_183] : memref<3211264xi32, #tpu.memory_space<hbm>> -> memref<1024xi32, #tpu.memory_space<hbm>>
      %dma_wait3A_189 = tpu.memref_slice %arg7[%add3A_183] : memref<3211264xi32, #tpu.memory_space<hbm>> -> memref<1024xi32, #tpu.memory_space<hbm>>
      tpu.wait_dma2 semaphore(%arg39 : memref<!tpu.dma_semaphore, #tpu.memory_space<semaphore_mem>>) src(%dma_wait3A_189 : memref<1024xi32, #tpu.memory_space<hbm>>) dst(%arg30 : memref<1024xi32, #tpu.memory_space<vmem>>)
      %dma_wait3A_190 = tpu.memref_slice %arg8[%min3A_185] : memref<3200000xf32, #tpu.memory_space<hbm>> -> memref<1024xf32, #tpu.memory_space<hbm>>
      %dma_wait3A_191 = tpu.memref_slice %arg8[%min3A_185] : memref<3200000xf32, #tpu.memory_space<hbm>> -> memref<1024xf32, #tpu.memory_space<hbm>>
      tpu.wait_dma2 semaphore(%arg39 : memref<!tpu.dma_semaphore, #tpu.memory_space<semaphore_mem>>) src(%dma_wait3A_191 : memref<1024xf32, #tpu.memory_space<hbm>>) dst(%arg31 : memref<1024xf32, #tpu.memory_space<vmem>>)
      %dma_wait3A_192 = tpu.memref_slice %arg9[%min3A_185] : memref<3200000xf32, #tpu.memory_space<hbm>> -> memref<1024xf32, #tpu.memory_space<hbm>>
      %dma_wait3A_193 = tpu.memref_slice %arg9[%min3A_185] : memref<3200000xf32, #tpu.memory_space<hbm>> -> memref<1024xf32, #tpu.memory_space<hbm>>
      tpu.wait_dma2 semaphore(%arg39 : memref<!tpu.dma_semaphore, #tpu.memory_space<semaphore_mem>>) src(%dma_wait3A_193 : memref<1024xf32, #tpu.memory_space<hbm>>) dst(%arg32 : memref<1024xf32, #tpu.memory_space<vmem>>)
      %dma_wait3A_194 = tpu.memref_slice %arg10[%min3A_185] : memref<3200000xf32, #tpu.memory_space<hbm>> -> memref<1024xf32, #tpu.memory_space<hbm>>
      %dma_wait3A_195 = tpu.memref_slice %arg10[%min3A_185] : memref<3200000xf32, #tpu.memory_space<hbm>> -> memref<1024xf32, #tpu.memory_space<hbm>>
      tpu.wait_dma2 semaphore(%arg39 : memref<!tpu.dma_semaphore, #tpu.memory_space<semaphore_mem>>) src(%dma_wait3A_195 : memref<1024xf32, #tpu.memory_space<hbm>>) dst(%arg33 : memref<1024xf32, #tpu.memory_space<vmem>>)
      %dma_wait3A_196 = tpu.memref_slice %arg11[%min3A_185] : memref<3200000xf32, #tpu.memory_space<hbm>> -> memref<1024xf32, #tpu.memory_space<hbm>>
      %dma_wait3A_197 = tpu.memref_slice %arg11[%min3A_185] : memref<3200000xf32, #tpu.memory_space<hbm>> -> memref<1024xf32, #tpu.memory_space<hbm>>
      tpu.wait_dma2 semaphore(%arg39 : memref<!tpu.dma_semaphore, #tpu.memory_space<semaphore_mem>>) src(%dma_wait3A_197 : memref<1024xf32, #tpu.memory_space<hbm>>) dst(%arg34 : memref<1024xf32, #tpu.memory_space<vmem>>)
      %scan3A_198 = arith.constant 0 : i32
      %scan3A_199 = arith.constant 64 : i32
      %scan3A_200 = arith.addi %scan3A_198, %scan3A_199 : i32
      %scan3A_201 = arith.constant 1 : i32
      scf.for %scan3A_207 = %scan3A_198 to %scan3A_200 step %scan3A_201  : i32 {
        %mul3A_208 = arith.constant 1 : i32
        %mul3A_209 = arith.muli %scan3A_207, %mul3A_208 : i32
        %add3A_210 = arith.constant 0 : i32
        %add3A_211 = arith.addi %add3A_210, %mul3A_209 : i32
        %mul3A_212 = arith.constant 16 : i32
        %mul3A_213 = arith.muli %add3A_211, %mul3A_212 : i32
        %get3A_214 = arith.index_cast %mul3A_213 : i32 to index
        %get3A_215 = tpu.vector_load %arg29[%get3A_214] {strides = array<i32>} : memref<1024xi32, #tpu.memory_space<vmem>>, vector<16xi32>,
        %gather3A = tpu.vector_load_idx %arg16[%get3A_215] : memref<100000xf32, #tpu.memory_space<vmem>>[vector<16xi32>], vector<16xf32>,
        %get3A_216 = arith.index_cast %mul3A_213 : i32 to index
        %get3A_217 = tpu.vector_load %arg31[%get3A_216] {strides = array<i32>} : memref<1024xf32, #tpu.memory_space<vmem>>, vector<16xf32>,
        %get3A_218 = arith.index_cast %mul3A_213 : i32 to index
        %get3A_219 = tpu.vector_load %arg32[%get3A_218] {strides = array<i32>} : memref<1024xf32, #tpu.memory_space<vmem>>, vector<16xf32>,
        %get3A_220 = arith.index_cast %mul3A_213 : i32 to index
        %get3A_221 = tpu.vector_load %arg33[%get3A_220] {strides = array<i32>} : memref<1024xf32, #tpu.memory_space<vmem>>, vector<16xf32>,
        %get3A_222 = arith.index_cast %mul3A_213 : i32 to index
        %get3A_223 = tpu.vector_load %arg34[%get3A_222] {strides = array<i32>} : memref<1024xf32, #tpu.memory_space<vmem>>, vector<16xf32>,
        %mul3A_224 = arith.mulf %get3A_217, %get3A_76 : vector<16xf32>
        %add3A_225 = arith.addf %gather3A, %mul3A_224 : vector<16xf32>
        %mul3A_226 = arith.mulf %get3A_219, %get3A_80 : vector<16xf32>
        %add3A_227 = arith.addf %add3A_225, %mul3A_226 : vector<16xf32>
        %mul3A_228 = arith.mulf %get3A_221, %get3A_84 : vector<16xf32>
        %add3A_229 = arith.addf %add3A_227, %mul3A_228 : vector<16xf32>
        %mul3A_230 = arith.mulf %get3A_223, %get3A_88 : vector<16xf32>
        %add3A_231 = arith.addf %add3A_229, %mul3A_230 : vector<16xf32>
        %add3A_232 = arith.addf %add3A_231, %get3A_92 : vector<16xf32>
        %swap3A = arith.index_cast %mul3A_213 : i32 to index
        %swap3A_233 = tpu.vector_load %arg35[%swap3A] {strides = array<i32>} : memref<1024xf32, #tpu.memory_space<vmem>>, vector<16xf32>,
        tpu.vector_store %arg35[%swap3A], %add3A_232 {strides = array<i32>} : memref<1024xf32, #tpu.memory_space<vmem>>, vector<16xf32>,
      }
      %scan3A_202 = arith.constant 64 : i32
      %dma_start3A_203 = arith.constant 0 : i32
      %dma_start3A_204 = tpu.memref_slice %arg37[%dma_start3A_203] : memref<102400xf32, #tpu.memory_space<vmem_shared>> -> memref<102400xf32, #tpu.memory_space<vmem_shared>>
      tpu.enqueue_indirect_dma source(%arg35 : memref<1024xf32, #tpu.memory_space<vmem>>) target(%dma_start3A_204 : memref<102400xf32, #tpu.memory_space<vmem_shared>>) offsets(%arg30 : memref<1024xi32, #tpu.memory_space<vmem>>) semaphore(%arg40 : memref<!tpu.dma_semaphore, #tpu.memory_space<semaphore_mem>>) {add = true}
      %dma_wait3A_205 = arith.constant 0 : i32
      %dma_wait3A_206 = tpu.memref_slice %arg37[%dma_wait3A_205] : memref<102400xf32, #tpu.memory_space<vmem_shared>> -> memref<102400xf32, #tpu.memory_space<vmem_shared>>
      tpu.wait_indirect_dma semaphore(%arg40 : memref<!tpu.dma_semaphore, #tpu.memory_space<semaphore_mem>>) src(%arg35 : memref<1024xf32, #tpu.memory_space<vmem>>) dst(%dma_wait3A_206 : memref<102400xf32, #tpu.memory_space<vmem_shared>>)
    }
    %scan3A_113 = arith.constant 49 : i32
    %barrier3A_114 = arith.constant 0 : index
    tpu.barrier barrier_id(%barrier3A_114)
    %mul3A_115 = arith.constant 102400 : i32
    %mul3A_116 = arith.muli %arg0, %mul3A_115 : i32
    %add3A_117 = arith.addi %mul3A_116, %mul3A_6 : i32
    "tpu.region"() ({
      %run_scoped3A = tpu.sem_alloc : memref<!tpu.dma_semaphore, #tpu.memory_space<semaphore_mem>>
      %dma_start3A_118 = tpu.memref_slice %arg13[%add3A_117] : memref<204800xf32, #tpu.memory_space<hbm>> -> memref<6400xf32, #tpu.memory_space<hbm>>
      %dma_start3A_119 = tpu.memref_slice %arg37[%mul3A_6] : memref<102400xf32, #tpu.memory_space<vmem_shared>> -> memref<6400xf32, #tpu.memory_space<vmem_shared>>
      tpu.enqueue_dma source(%dma_start3A_119 : memref<6400xf32, #tpu.memory_space<vmem_shared>>) target(%dma_start3A_118 : memref<6400xf32, #tpu.memory_space<hbm>>) target_semaphore(%run_scoped3A : memref<!tpu.dma_semaphore, #tpu.memory_space<semaphore_mem>>)
      %dma_wait3A = tpu.memref_slice %arg13[%add3A_117] : memref<204800xf32, #tpu.memory_space<hbm>> -> memref<6400xf32, #tpu.memory_space<hbm>>
      %dma_wait3A_120 = tpu.memref_slice %arg37[%mul3A_6] : memref<102400xf32, #tpu.memory_space<vmem_shared>> -> memref<6400xf32, #tpu.memory_space<vmem_shared>>
      tpu.wait_dma2 semaphore(%run_scoped3A : memref<!tpu.dma_semaphore, #tpu.memory_space<semaphore_mem>>) src(%dma_wait3A_120 : memref<6400xf32, #tpu.memory_space<vmem_shared>>) dst(%dma_wait3A : memref<6400xf32, #tpu.memory_space<hbm>>)
      tpu.yield
    }) : () -> ()
    return
  }
}

#map = affine_map<(d0, d1) -> (0)>
#map1 = affine_map<(d0, d1) -> (0, 0)>
module attributes {stable_mosaic.version = 14 : i64} {
  func.func @body(%arg0: i32, %arg1: i32, %arg2: memref<409600xf32, #tpu.memory_space<hbm>>, %arg3: memref<102400xf32, #tpu.memory_space<hbm>>, %arg4: memref<204800xf32, #tpu.memory_space<hbm>>, %arg5: memref<204800xf32, #tpu.memory_space<hbm>>, %arg6: memref<15x16xf32, #tpu.memory_space<hbm>>, %arg7: memref<409600xf32, #tpu.memory_space<hbm>>, %arg8: memref<1280xf32, #tpu.memory_space<vmem>>, %arg9: memref<320xf32, #tpu.memory_space<vmem>>, %arg10: memref<320xf32, #tpu.memory_space<vmem>>, %arg11: memref<320xf32, #tpu.memory_space<vmem>>, %arg12: memref<320xf32, #tpu.memory_space<vmem>>, %arg13: memref<320xf32, #tpu.memory_space<vmem>>, %arg14: memref<320xf32, #tpu.memory_space<vmem>>, %arg15: memref<1280xf32, #tpu.memory_space<vmem>>, %arg16: memref<15x16xf32, #tpu.memory_space<vmem>>) attributes {dimension_semantics = [#tpu.dimension_semantics<core_parallel>, #tpu.dimension_semantics<subcore_parallel>], iteration_bounds = array<i64: 2, 16>, scalar_prefetch = 0 : i64, scratch_operands = 9 : i64, tpu.core_type = #tpu.core_type<sc_vector_subcore>, window_params = [{transform_indices = #map}, {transform_indices = #map}, {transform_indices = #map}, {transform_indices = #map}, {transform_indices = #map1}, {transform_indices = #map}]} {
    %mul3A = arith.constant 16 : i32
    %mul3A_0 = arith.muli %arg0, %mul3A : i32
    %add3A = arith.addi %mul3A_0, %arg1 : i32
    %iota3A = tpu.iota {dimensions = array<i32: 0>} : vector<16xi32>
    "tpu.region"() ({
      %run_scoped3A = tpu.sem_alloc : memref<!tpu.dma_semaphore, #tpu.memory_space<semaphore_mem>>
      tpu.enqueue_dma source(%arg6 : memref<15x16xf32, #tpu.memory_space<hbm>>) target(%arg16 : memref<15x16xf32, #tpu.memory_space<vmem>>) target_semaphore(%run_scoped3A : memref<!tpu.dma_semaphore, #tpu.memory_space<semaphore_mem>>)
      tpu.wait_dma2 semaphore(%run_scoped3A : memref<!tpu.dma_semaphore, #tpu.memory_space<semaphore_mem>>) src(%arg6 : memref<15x16xf32, #tpu.memory_space<hbm>>) dst(%arg16 : memref<15x16xf32, #tpu.memory_space<vmem>>)
      tpu.yield
    }) : () -> ()
    %get3A = arith.constant 10 : i32
    %get3A_1 = arith.index_cast %get3A : i32 to index
    %get3A_2 = arith.constant 0 : index
    %get3A_3 = tpu.vector_load %arg16[%get3A_1, %get3A_2] {strides = array<i32>} : memref<15x16xf32, #tpu.memory_space<vmem>>, vector<16xf32>,
    %get3A_4 = arith.constant 11 : i32
    %get3A_5 = arith.index_cast %get3A_4 : i32 to index
    %get3A_6 = arith.constant 0 : index
    %get3A_7 = tpu.vector_load %arg16[%get3A_5, %get3A_6] {strides = array<i32>} : memref<15x16xf32, #tpu.memory_space<vmem>>, vector<16xf32>,
    %get3A_8 = arith.constant 12 : i32
    %get3A_9 = arith.index_cast %get3A_8 : i32 to index
    %get3A_10 = arith.constant 0 : index
    %get3A_11 = tpu.vector_load %arg16[%get3A_9, %get3A_10] {strides = array<i32>} : memref<15x16xf32, #tpu.memory_space<vmem>>, vector<16xf32>,
    %get3A_12 = arith.constant 13 : i32
    %get3A_13 = arith.index_cast %get3A_12 : i32 to index
    %get3A_14 = arith.constant 0 : index
    %get3A_15 = tpu.vector_load %arg16[%get3A_13, %get3A_14] {strides = array<i32>} : memref<15x16xf32, #tpu.memory_space<vmem>>, vector<16xf32>,
    %get3A_16 = arith.constant 14 : i32
    %get3A_17 = arith.index_cast %get3A_16 : i32 to index
    %get3A_18 = arith.constant 0 : index
    %get3A_19 = tpu.vector_load %arg16[%get3A_17, %get3A_18] {strides = array<i32>} : memref<15x16xf32, #tpu.memory_space<vmem>>, vector<16xf32>,
    %mul3A_20 = arith.constant 3200 : i32
    %mul3A_21 = arith.muli %add3A, %mul3A_20 : i32
    %scan3A = arith.constant 0 : i32
    %scan3A_22 = arith.constant 10 : i32
    %scan3A_23 = arith.addi %scan3A, %scan3A_22 : i32
    %scan3A_24 = arith.constant 1 : i32
    scf.for %scan3A_26 = %scan3A to %scan3A_23 step %scan3A_24  : i32 {
      %mul3A_27 = arith.constant 1 : i32
      %mul3A_28 = arith.muli %scan3A_26, %mul3A_27 : i32
      %add3A_29 = arith.constant 0 : i32
      %add3A_30 = arith.addi %add3A_29, %mul3A_28 : i32
      %mul3A_31 = arith.constant 320 : i32
      %mul3A_32 = arith.muli %add3A_30, %mul3A_31 : i32
      %add3A_33 = arith.addi %mul3A_21, %mul3A_32 : i32
      %mul3A_34 = arith.constant 4 : i32
      %mul3A_35 = arith.muli %mul3A_34, %add3A_33 : i32
      "tpu.region"() ({
        %run_scoped3A = tpu.sem_alloc : memref<!tpu.dma_semaphore, #tpu.memory_space<semaphore_mem>>
        %dma_start3A = tpu.memref_slice %arg2[%mul3A_35] : memref<409600xf32, #tpu.memory_space<hbm>> -> memref<1280xf32, #tpu.memory_space<hbm>>
        %dma_start3A_52 = tpu.memref_slice %arg2[%mul3A_35] : memref<409600xf32, #tpu.memory_space<hbm>> -> memref<1280xf32, #tpu.memory_space<hbm>>
        tpu.enqueue_dma source(%dma_start3A_52 : memref<1280xf32, #tpu.memory_space<hbm>>) target(%arg8 : memref<1280xf32, #tpu.memory_space<vmem>>) target_semaphore(%run_scoped3A : memref<!tpu.dma_semaphore, #tpu.memory_space<semaphore_mem>>)
        %dma_wait3A = tpu.memref_slice %arg2[%mul3A_35] : memref<409600xf32, #tpu.memory_space<hbm>> -> memref<1280xf32, #tpu.memory_space<hbm>>
        %dma_wait3A_53 = tpu.memref_slice %arg2[%mul3A_35] : memref<409600xf32, #tpu.memory_space<hbm>> -> memref<1280xf32, #tpu.memory_space<hbm>>
        tpu.wait_dma2 semaphore(%run_scoped3A : memref<!tpu.dma_semaphore, #tpu.memory_space<semaphore_mem>>) src(%dma_wait3A_53 : memref<1280xf32, #tpu.memory_space<hbm>>) dst(%arg8 : memref<1280xf32, #tpu.memory_space<vmem>>)
        tpu.yield
      }) : () -> ()
      "tpu.region"() ({
        %run_scoped3A = tpu.sem_alloc : memref<!tpu.dma_semaphore, #tpu.memory_space<semaphore_mem>>
        %dma_start3A = tpu.memref_slice %arg3[%add3A_33] : memref<102400xf32, #tpu.memory_space<hbm>> -> memref<320xf32, #tpu.memory_space<hbm>>
        %dma_start3A_52 = tpu.memref_slice %arg3[%add3A_33] : memref<102400xf32, #tpu.memory_space<hbm>> -> memref<320xf32, #tpu.memory_space<hbm>>
        tpu.enqueue_dma source(%dma_start3A_52 : memref<320xf32, #tpu.memory_space<hbm>>) target(%arg9 : memref<320xf32, #tpu.memory_space<vmem>>) target_semaphore(%run_scoped3A : memref<!tpu.dma_semaphore, #tpu.memory_space<semaphore_mem>>)
        %dma_wait3A = tpu.memref_slice %arg3[%add3A_33] : memref<102400xf32, #tpu.memory_space<hbm>> -> memref<320xf32, #tpu.memory_space<hbm>>
        %dma_wait3A_53 = tpu.memref_slice %arg3[%add3A_33] : memref<102400xf32, #tpu.memory_space<hbm>> -> memref<320xf32, #tpu.memory_space<hbm>>
        tpu.wait_dma2 semaphore(%run_scoped3A : memref<!tpu.dma_semaphore, #tpu.memory_space<semaphore_mem>>) src(%dma_wait3A_53 : memref<320xf32, #tpu.memory_space<hbm>>) dst(%arg9 : memref<320xf32, #tpu.memory_space<vmem>>)
        tpu.yield
      }) : () -> ()
      "tpu.region"() ({
        %run_scoped3A = tpu.sem_alloc : memref<!tpu.dma_semaphore, #tpu.memory_space<semaphore_mem>>
        %dma_start3A = tpu.memref_slice %arg4[%add3A_33] : memref<204800xf32, #tpu.memory_space<hbm>> -> memref<320xf32, #tpu.memory_space<hbm>>
        %dma_start3A_52 = tpu.memref_slice %arg4[%add3A_33] : memref<204800xf32, #tpu.memory_space<hbm>> -> memref<320xf32, #tpu.memory_space<hbm>>
        tpu.enqueue_dma source(%dma_start3A_52 : memref<320xf32, #tpu.memory_space<hbm>>) target(%arg10 : memref<320xf32, #tpu.memory_space<vmem>>) target_semaphore(%run_scoped3A : memref<!tpu.dma_semaphore, #tpu.memory_space<semaphore_mem>>)
        %dma_wait3A = tpu.memref_slice %arg4[%add3A_33] : memref<204800xf32, #tpu.memory_space<hbm>> -> memref<320xf32, #tpu.memory_space<hbm>>
        %dma_wait3A_53 = tpu.memref_slice %arg4[%add3A_33] : memref<204800xf32, #tpu.memory_space<hbm>> -> memref<320xf32, #tpu.memory_space<hbm>>
        tpu.wait_dma2 semaphore(%run_scoped3A : memref<!tpu.dma_semaphore, #tpu.memory_space<semaphore_mem>>) src(%dma_wait3A_53 : memref<320xf32, #tpu.memory_space<hbm>>) dst(%arg10 : memref<320xf32, #tpu.memory_space<vmem>>)
        tpu.yield
      }) : () -> ()
      %add3A_36 = arith.constant 102400 : i32
      %add3A_37 = arith.addi %add3A_36, %add3A_33 : i32
      "tpu.region"() ({
        %run_scoped3A = tpu.sem_alloc : memref<!tpu.dma_semaphore, #tpu.memory_space<semaphore_mem>>
        %dma_start3A = tpu.memref_slice %arg4[%add3A_37] : memref<204800xf32, #tpu.memory_space<hbm>> -> memref<320xf32, #tpu.memory_space<hbm>>
        %dma_start3A_52 = tpu.memref_slice %arg4[%add3A_37] : memref<204800xf32, #tpu.memory_space<hbm>> -> memref<320xf32, #tpu.memory_space<hbm>>
        tpu.enqueue_dma source(%dma_start3A_52 : memref<320xf32, #tpu.memory_space<hbm>>) target(%arg11 : memref<320xf32, #tpu.memory_space<vmem>>) target_semaphore(%run_scoped3A : memref<!tpu.dma_semaphore, #tpu.memory_space<semaphore_mem>>)
        %dma_wait3A = tpu.memref_slice %arg4[%add3A_37] : memref<204800xf32, #tpu.memory_space<hbm>> -> memref<320xf32, #tpu.memory_space<hbm>>
        %dma_wait3A_53 = tpu.memref_slice %arg4[%add3A_37] : memref<204800xf32, #tpu.memory_space<hbm>> -> memref<320xf32, #tpu.memory_space<hbm>>
        tpu.wait_dma2 semaphore(%run_scoped3A : memref<!tpu.dma_semaphore, #tpu.memory_space<semaphore_mem>>) src(%dma_wait3A_53 : memref<320xf32, #tpu.memory_space<hbm>>) dst(%arg11 : memref<320xf32, #tpu.memory_space<vmem>>)
        tpu.yield
      }) : () -> ()
      "tpu.region"() ({
        %run_scoped3A = tpu.sem_alloc : memref<!tpu.dma_semaphore, #tpu.memory_space<semaphore_mem>>
        %dma_start3A = tpu.memref_slice %arg5[%add3A_33] : memref<204800xf32, #tpu.memory_space<hbm>> -> memref<320xf32, #tpu.memory_space<hbm>>
        %dma_start3A_52 = tpu.memref_slice %arg5[%add3A_33] : memref<204800xf32, #tpu.memory_space<hbm>> -> memref<320xf32, #tpu.memory_space<hbm>>
        tpu.enqueue_dma source(%dma_start3A_52 : memref<320xf32, #tpu.memory_space<hbm>>) target(%arg12 : memref<320xf32, #tpu.memory_space<vmem>>) target_semaphore(%run_scoped3A : memref<!tpu.dma_semaphore, #tpu.memory_space<semaphore_mem>>)
        %dma_wait3A = tpu.memref_slice %arg5[%add3A_33] : memref<204800xf32, #tpu.memory_space<hbm>> -> memref<320xf32, #tpu.memory_space<hbm>>
        %dma_wait3A_53 = tpu.memref_slice %arg5[%add3A_33] : memref<204800xf32, #tpu.memory_space<hbm>> -> memref<320xf32, #tpu.memory_space<hbm>>
        tpu.wait_dma2 semaphore(%run_scoped3A : memref<!tpu.dma_semaphore, #tpu.memory_space<semaphore_mem>>) src(%dma_wait3A_53 : memref<320xf32, #tpu.memory_space<hbm>>) dst(%arg12 : memref<320xf32, #tpu.memory_space<vmem>>)
        tpu.yield
      }) : () -> ()
      %add3A_38 = arith.constant 102400 : i32
      %add3A_39 = arith.addi %add3A_38, %add3A_33 : i32
      "tpu.region"() ({
        %run_scoped3A = tpu.sem_alloc : memref<!tpu.dma_semaphore, #tpu.memory_space<semaphore_mem>>
        %dma_start3A = tpu.memref_slice %arg5[%add3A_39] : memref<204800xf32, #tpu.memory_space<hbm>> -> memref<320xf32, #tpu.memory_space<hbm>>
        %dma_start3A_52 = tpu.memref_slice %arg5[%add3A_39] : memref<204800xf32, #tpu.memory_space<hbm>> -> memref<320xf32, #tpu.memory_space<hbm>>
        tpu.enqueue_dma source(%dma_start3A_52 : memref<320xf32, #tpu.memory_space<hbm>>) target(%arg13 : memref<320xf32, #tpu.memory_space<vmem>>) target_semaphore(%run_scoped3A : memref<!tpu.dma_semaphore, #tpu.memory_space<semaphore_mem>>)
        %dma_wait3A = tpu.memref_slice %arg5[%add3A_39] : memref<204800xf32, #tpu.memory_space<hbm>> -> memref<320xf32, #tpu.memory_space<hbm>>
        %dma_wait3A_53 = tpu.memref_slice %arg5[%add3A_39] : memref<204800xf32, #tpu.memory_space<hbm>> -> memref<320xf32, #tpu.memory_space<hbm>>
        tpu.wait_dma2 semaphore(%run_scoped3A : memref<!tpu.dma_semaphore, #tpu.memory_space<semaphore_mem>>) src(%dma_wait3A_53 : memref<320xf32, #tpu.memory_space<hbm>>) dst(%arg13 : memref<320xf32, #tpu.memory_space<vmem>>)
        tpu.yield
      }) : () -> ()
      %scan3A_40 = arith.constant 0 : i32
      %scan3A_41 = arith.constant 20 : i32
      %scan3A_42 = arith.addi %scan3A_40, %scan3A_41 : i32
      %scan3A_43 = arith.constant 1 : i32
      scf.for %scan3A_52 = %scan3A_40 to %scan3A_42 step %scan3A_43  : i32 {
        %mul3A_53 = arith.constant 1 : i32
        %mul3A_54 = arith.muli %scan3A_52, %mul3A_53 : i32
        %add3A_55 = arith.constant 0 : i32
        %add3A_56 = arith.addi %add3A_55, %mul3A_54 : i32
        %mul3A_57 = arith.constant 16 : i32
        %mul3A_58 = arith.muli %add3A_56, %mul3A_57 : i32
        %add3A_59 = vector.broadcast %mul3A_58 : i32 to vector<16xi32>
        %add3A_60 = arith.addi %iota3A, %add3A_59 : vector<16xi32>
        %mul3A_61 = arith.constant 4 : i32
        %mul3A_62 = vector.broadcast %mul3A_61 : i32 to vector<16xi32>
        %mul3A_63 = arith.muli %add3A_60, %mul3A_62 : vector<16xi32>
        %gather3A = tpu.vector_load_idx %arg8[%mul3A_63] : memref<1280xf32, #tpu.memory_space<vmem>>[vector<16xi32>], vector<16xf32>,
        %add3A_64 = arith.constant 1 : i32
        %add3A_65 = vector.broadcast %add3A_64 : i32 to vector<16xi32>
        %add3A_66 = arith.addi %mul3A_63, %add3A_65 : vector<16xi32>
        %gather3A_67 = tpu.vector_load_idx %arg8[%add3A_66] : memref<1280xf32, #tpu.memory_space<vmem>>[vector<16xi32>], vector<16xf32>,
        %add3A_68 = arith.constant 2 : i32
        %add3A_69 = vector.broadcast %add3A_68 : i32 to vector<16xi32>
        %add3A_70 = arith.addi %mul3A_63, %add3A_69 : vector<16xi32>
        %gather3A_71 = tpu.vector_load_idx %arg8[%add3A_70] : memref<1280xf32, #tpu.memory_space<vmem>>[vector<16xi32>], vector<16xf32>,
        %add3A_72 = arith.constant 3 : i32
        %add3A_73 = vector.broadcast %add3A_72 : i32 to vector<16xi32>
        %add3A_74 = arith.addi %mul3A_63, %add3A_73 : vector<16xi32>
        %gather3A_75 = tpu.vector_load_idx %arg8[%add3A_74] : memref<1280xf32, #tpu.memory_space<vmem>>[vector<16xi32>], vector<16xf32>,
        %get3A_76 = arith.index_cast %mul3A_58 : i32 to index
        %get3A_77 = tpu.vector_load %arg9[%get3A_76] {strides = array<i32>} : memref<320xf32, #tpu.memory_space<vmem>>, vector<16xf32>,
        %mul3A_78 = arith.mulf %gather3A, %get3A_3 : vector<16xf32>
        %mul3A_79 = arith.mulf %gather3A_67, %get3A_7 : vector<16xf32>
        %add3A_80 = arith.addf %mul3A_78, %mul3A_79 : vector<16xf32>
        %mul3A_81 = arith.mulf %gather3A_71, %get3A_11 : vector<16xf32>
        %add3A_82 = arith.addf %add3A_80, %mul3A_81 : vector<16xf32>
        %mul3A_83 = arith.mulf %gather3A_75, %get3A_15 : vector<16xf32>
        %add3A_84 = arith.addf %add3A_82, %mul3A_83 : vector<16xf32>
        %mul3A_85 = arith.mulf %get3A_19, %get3A_77 : vector<16xf32>
        %add3A_86 = arith.addf %add3A_84, %mul3A_85 : vector<16xf32>
        %get3A_87 = arith.index_cast %mul3A_58 : i32 to index
        %get3A_88 = tpu.vector_load %arg10[%get3A_87] {strides = array<i32>} : memref<320xf32, #tpu.memory_space<vmem>>, vector<16xf32>,
        %add3A_89 = arith.addf %get3A_77, %get3A_88 : vector<16xf32>
        %get3A_90 = arith.index_cast %mul3A_58 : i32 to index
        %get3A_91 = tpu.vector_load %arg11[%get3A_90] {strides = array<i32>} : memref<320xf32, #tpu.memory_space<vmem>>, vector<16xf32>,
        %add3A_92 = arith.addf %add3A_89, %get3A_91 : vector<16xf32>
        %get3A_93 = arith.index_cast %mul3A_58 : i32 to index
        %get3A_94 = tpu.vector_load %arg12[%get3A_93] {strides = array<i32>} : memref<320xf32, #tpu.memory_space<vmem>>, vector<16xf32>,
        %get3A_95 = arith.index_cast %mul3A_58 : i32 to index
        %get3A_96 = tpu.vector_load %arg13[%get3A_95] {strides = array<i32>} : memref<320xf32, #tpu.memory_space<vmem>>, vector<16xf32>,
        %add3A_97 = arith.addf %get3A_94, %get3A_96 : vector<16xf32>
        %mul3A_98 = arith.mulf %add3A_97, %add3A_86 : vector<16xf32>
        %add3A_99 = arith.addf %add3A_92, %mul3A_98 : vector<16xf32>
        %swap3A = arith.index_cast %mul3A_58 : i32 to index
        %swap3A_100 = tpu.vector_load %arg14[%swap3A] {strides = array<i32>} : memref<320xf32, #tpu.memory_space<vmem>>, vector<16xf32>,
        tpu.vector_store %arg14[%swap3A], %add3A_99 {strides = array<i32>} : memref<320xf32, #tpu.memory_space<vmem>>, vector<16xf32>,
      }
      %scan3A_44 = arith.constant 20 : i32
      %scan3A_45 = arith.constant 0 : i32
      %scan3A_46 = arith.constant 20 : i32
      %scan3A_47 = arith.addi %scan3A_45, %scan3A_46 : i32
      %scan3A_48 = arith.constant 1 : i32
      scf.for %scan3A_52 = %scan3A_45 to %scan3A_47 step %scan3A_48  : i32 {
        %mul3A_53 = arith.constant 1 : i32
        %mul3A_54 = arith.muli %scan3A_52, %mul3A_53 : i32
        %add3A_55 = arith.constant 0 : i32
        %add3A_56 = arith.addi %add3A_55, %mul3A_54 : i32
        %mul3A_57 = arith.constant 64 : i32
        %mul3A_58 = arith.muli %add3A_56, %mul3A_57 : i32
        %add3A_59 = arith.constant 0 : i32
        %add3A_60 = arith.addi %mul3A_58, %add3A_59 : i32
        %mul3A_61 = arith.constant 16 : i32
        %mul3A_62 = arith.muli %add3A_56, %mul3A_61 : i32
        %add3A_63 = arith.constant 0 : i32
        %add3A_64 = arith.addi %mul3A_62, %add3A_63 : i32
        %shift_right_arithmetic3A = arith.constant 2 : i32
        %shift_right_arithmetic3A_65 = vector.broadcast %shift_right_arithmetic3A : i32 to vector<16xi32>
        %shift_right_arithmetic3A_66 = arith.shrsi %iota3A, %shift_right_arithmetic3A_65 : vector<16xi32>
        %add3A_67 = vector.broadcast %add3A_64 : i32 to vector<16xi32>
        %add3A_68 = arith.addi %add3A_67, %shift_right_arithmetic3A_66 : vector<16xi32>
        %gather3A = tpu.vector_load_idx %arg14[%add3A_68] : memref<320xf32, #tpu.memory_space<vmem>>[vector<16xi32>], vector<16xf32>,
        %get3A_69 = arith.index_cast %add3A_60 : i32 to index
        %get3A_70 = tpu.vector_load %arg8[%get3A_69] {strides = array<i32>} : memref<1280xf32, #tpu.memory_space<vmem>>, vector<16xf32>,
        %add3A_71 = arith.addf %get3A_70, %gather3A : vector<16xf32>
        %swap3A = arith.index_cast %add3A_60 : i32 to index
        %swap3A_72 = tpu.vector_load %arg15[%swap3A] {strides = array<i32>} : memref<1280xf32, #tpu.memory_space<vmem>>, vector<16xf32>,
        tpu.vector_store %arg15[%swap3A], %add3A_71 {strides = array<i32>} : memref<1280xf32, #tpu.memory_space<vmem>>, vector<16xf32>,
        %mul3A_73 = arith.constant 64 : i32
        %mul3A_74 = arith.muli %add3A_56, %mul3A_73 : i32
        %add3A_75 = arith.constant 16 : i32
        %add3A_76 = arith.addi %mul3A_74, %add3A_75 : i32
        %mul3A_77 = arith.constant 16 : i32
        %mul3A_78 = arith.muli %add3A_56, %mul3A_77 : i32
        %add3A_79 = arith.constant 4 : i32
        %add3A_80 = arith.addi %mul3A_78, %add3A_79 : i32
        %shift_right_arithmetic3A_81 = arith.constant 2 : i32
        %shift_right_arithmetic3A_82 = vector.broadcast %shift_right_arithmetic3A_81 : i32 to vector<16xi32>
        %shift_right_arithmetic3A_83 = arith.shrsi %iota3A, %shift_right_arithmetic3A_82 : vector<16xi32>
        %add3A_84 = vector.broadcast %add3A_80 : i32 to vector<16xi32>
        %add3A_85 = arith.addi %add3A_84, %shift_right_arithmetic3A_83 : vector<16xi32>
        %gather3A_86 = tpu.vector_load_idx %arg14[%add3A_85] : memref<320xf32, #tpu.memory_space<vmem>>[vector<16xi32>], vector<16xf32>,
        %get3A_87 = arith.index_cast %add3A_76 : i32 to index
        %get3A_88 = tpu.vector_load %arg8[%get3A_87] {strides = array<i32>} : memref<1280xf32, #tpu.memory_space<vmem>>, vector<16xf32>,
        %add3A_89 = arith.addf %get3A_88, %gather3A_86 : vector<16xf32>
        %swap3A_90 = arith.index_cast %add3A_76 : i32 to index
        %swap3A_91 = tpu.vector_load %arg15[%swap3A_90] {strides = array<i32>} : memref<1280xf32, #tpu.memory_space<vmem>>, vector<16xf32>,
        tpu.vector_store %arg15[%swap3A_90], %add3A_89 {strides = array<i32>} : memref<1280xf32, #tpu.memory_space<vmem>>, vector<16xf32>,
        %mul3A_92 = arith.constant 64 : i32
        %mul3A_93 = arith.muli %add3A_56, %mul3A_92 : i32
        %add3A_94 = arith.constant 32 : i32
        %add3A_95 = arith.addi %mul3A_93, %add3A_94 : i32
        %mul3A_96 = arith.constant 16 : i32
        %mul3A_97 = arith.muli %add3A_56, %mul3A_96 : i32
        %add3A_98 = arith.constant 8 : i32
        %add3A_99 = arith.addi %mul3A_97, %add3A_98 : i32
        %shift_right_arithmetic3A_100 = arith.constant 2 : i32
        %shift_right_arithmetic3A_101 = vector.broadcast %shift_right_arithmetic3A_100 : i32 to vector<16xi32>
        %shift_right_arithmetic3A_102 = arith.shrsi %iota3A, %shift_right_arithmetic3A_101 : vector<16xi32>
        %add3A_103 = vector.broadcast %add3A_99 : i32 to vector<16xi32>
        %add3A_104 = arith.addi %add3A_103, %shift_right_arithmetic3A_102 : vector<16xi32>
        %gather3A_105 = tpu.vector_load_idx %arg14[%add3A_104] : memref<320xf32, #tpu.memory_space<vmem>>[vector<16xi32>], vector<16xf32>,
        %get3A_106 = arith.index_cast %add3A_95 : i32 to index
        %get3A_107 = tpu.vector_load %arg8[%get3A_106] {strides = array<i32>} : memref<1280xf32, #tpu.memory_space<vmem>>, vector<16xf32>,
        %add3A_108 = arith.addf %get3A_107, %gather3A_105 : vector<16xf32>
        %swap3A_109 = arith.index_cast %add3A_95 : i32 to index
        %swap3A_110 = tpu.vector_load %arg15[%swap3A_109] {strides = array<i32>} : memref<1280xf32, #tpu.memory_space<vmem>>, vector<16xf32>,
        tpu.vector_store %arg15[%swap3A_109], %add3A_108 {strides = array<i32>} : memref<1280xf32, #tpu.memory_space<vmem>>, vector<16xf32>,
        %mul3A_111 = arith.constant 64 : i32
        %mul3A_112 = arith.muli %add3A_56, %mul3A_111 : i32
        %add3A_113 = arith.constant 48 : i32
        %add3A_114 = arith.addi %mul3A_112, %add3A_113 : i32
        %mul3A_115 = arith.constant 16 : i32
        %mul3A_116 = arith.muli %add3A_56, %mul3A_115 : i32
        %add3A_117 = arith.constant 12 : i32
        %add3A_118 = arith.addi %mul3A_116, %add3A_117 : i32
        %shift_right_arithmetic3A_119 = arith.constant 2 : i32
        %shift_right_arithmetic3A_120 = vector.broadcast %shift_right_arithmetic3A_119 : i32 to vector<16xi32>
        %shift_right_arithmetic3A_121 = arith.shrsi %iota3A, %shift_right_arithmetic3A_120 : vector<16xi32>
        %add3A_122 = vector.broadcast %add3A_118 : i32 to vector<16xi32>
        %add3A_123 = arith.addi %add3A_122, %shift_right_arithmetic3A_121 : vector<16xi32>
        %gather3A_124 = tpu.vector_load_idx %arg14[%add3A_123] : memref<320xf32, #tpu.memory_space<vmem>>[vector<16xi32>], vector<16xf32>,
        %get3A_125 = arith.index_cast %add3A_114 : i32 to index
        %get3A_126 = tpu.vector_load %arg8[%get3A_125] {strides = array<i32>} : memref<1280xf32, #tpu.memory_space<vmem>>, vector<16xf32>,
        %add3A_127 = arith.addf %get3A_126, %gather3A_124 : vector<16xf32>
        %swap3A_128 = arith.index_cast %add3A_114 : i32 to index
        %swap3A_129 = tpu.vector_load %arg15[%swap3A_128] {strides = array<i32>} : memref<1280xf32, #tpu.memory_space<vmem>>, vector<16xf32>,
        tpu.vector_store %arg15[%swap3A_128], %add3A_127 {strides = array<i32>} : memref<1280xf32, #tpu.memory_space<vmem>>, vector<16xf32>,
      }
      %scan3A_49 = arith.constant 20 : i32
      %mul3A_50 = arith.constant 4 : i32
      %mul3A_51 = arith.muli %mul3A_50, %add3A_33 : i32
      "tpu.region"() ({
        %run_scoped3A = tpu.sem_alloc : memref<!tpu.dma_semaphore, #tpu.memory_space<semaphore_mem>>
        %dma_start3A = tpu.memref_slice %arg7[%mul3A_51] : memref<409600xf32, #tpu.memory_space<hbm>> -> memref<1280xf32, #tpu.memory_space<hbm>>
        %dma_start3A_52 = tpu.memref_slice %arg7[%mul3A_51] : memref<409600xf32, #tpu.memory_space<hbm>> -> memref<1280xf32, #tpu.memory_space<hbm>>
        tpu.enqueue_dma source(%arg15 : memref<1280xf32, #tpu.memory_space<vmem>>) target(%dma_start3A_52 : memref<1280xf32, #tpu.memory_space<hbm>>) target_semaphore(%run_scoped3A : memref<!tpu.dma_semaphore, #tpu.memory_space<semaphore_mem>>)
        %dma_wait3A = tpu.memref_slice %arg7[%mul3A_51] : memref<409600xf32, #tpu.memory_space<hbm>> -> memref<1280xf32, #tpu.memory_space<hbm>>
        %dma_wait3A_53 = tpu.memref_slice %arg7[%mul3A_51] : memref<409600xf32, #tpu.memory_space<hbm>> -> memref<1280xf32, #tpu.memory_space<hbm>>
        tpu.wait_dma2 semaphore(%run_scoped3A : memref<!tpu.dma_semaphore, #tpu.memory_space<semaphore_mem>>) src(%arg15 : memref<1280xf32, #tpu.memory_space<vmem>>) dst(%dma_wait3A_53 : memref<1280xf32, #tpu.memory_space<hbm>>)
        tpu.yield
      }) : () -> ()
    }
    %scan3A_25 = arith.constant 10 : i32
    return
  }
}

#map = affine_map<(d0, d1) -> (0)>
#map1 = affine_map<(d0, d1) -> (0, 0)>
module attributes {stable_mosaic.version = 14 : i64} {
  func.func @body(%arg0: i32, %arg1: i32, %arg2: memref<409600xf32, #tpu.memory_space<hbm>>, %arg3: memref<102400xf32, #tpu.memory_space<hbm>>, %arg4: memref<204800xf32, #tpu.memory_space<hbm>>, %arg5: memref<204800xf32, #tpu.memory_space<hbm>>, %arg6: memref<3211264xi32, #tpu.memory_space<hbm>>, %arg7: memref<3211264xi32, #tpu.memory_space<hbm>>, %arg8: memref<3200000xf32, #tpu.memory_space<hbm>>, %arg9: memref<3200000xf32, #tpu.memory_space<hbm>>, %arg10: memref<3200000xf32, #tpu.memory_space<hbm>>, %arg11: memref<3200000xf32, #tpu.memory_space<hbm>>, %arg12: memref<15x16xf32, #tpu.memory_space<hbm>>, %arg13: memref<204800xf32, #tpu.memory_space<hbm>>, %arg14: memref<102400xf32, #tpu.memory_space<hbm>>, %arg15: memref<204800xf32, #tpu.memory_space<hbm>>, %arg16: memref<100000xf32, #tpu.memory_space<vmem>>, %arg17: memref<640xf32, #tpu.memory_space<vmem>>, %arg18: memref<640xf32, #tpu.memory_space<vmem>>, %arg19: memref<640xf32, #tpu.memory_space<vmem>>, %arg20: memref<640xf32, #tpu.memory_space<vmem>>, %arg21: memref<640xf32, #tpu.memory_space<vmem>>, %arg22: memref<640xf32, #tpu.memory_space<vmem>>, %arg23: memref<1024xi32, #tpu.memory_space<vmem>>, %arg24: memref<1024xi32, #tpu.memory_space<vmem>>, %arg25: memref<1024xf32, #tpu.memory_space<vmem>>, %arg26: memref<1024xf32, #tpu.memory_space<vmem>>, %arg27: memref<1024xf32, #tpu.memory_space<vmem>>, %arg28: memref<1024xf32, #tpu.memory_space<vmem>>, %arg29: memref<1024xi32, #tpu.memory_space<vmem>>, %arg30: memref<1024xi32, #tpu.memory_space<vmem>>, %arg31: memref<1024xf32, #tpu.memory_space<vmem>>, %arg32: memref<1024xf32, #tpu.memory_space<vmem>>, %arg33: memref<1024xf32, #tpu.memory_space<vmem>>, %arg34: memref<1024xf32, #tpu.memory_space<vmem>>, %arg35: memref<1024xf32, #tpu.memory_space<vmem>>, %arg36: memref<15x16xf32, #tpu.memory_space<vmem>>, %arg37: memref<102400xf32, #tpu.memory_space<vmem_shared>>, %arg38: memref<!tpu.dma_semaphore, #tpu.memory_space<semaphore_mem>>, %arg39: memref<!tpu.dma_semaphore, #tpu.memory_space<semaphore_mem>>, %arg40: memref<!tpu.dma_semaphore, #tpu.memory_space<semaphore_mem>>, %arg41: memref<640xf32, #tpu.memory_space<vmem>>, %arg42: memref<640xf32, #tpu.memory_space<vmem>>, %arg43: memref<640xf32, #tpu.memory_space<vmem>>, %arg44: memref<640xf32, #tpu.memory_space<vmem>>, %arg45: memref<640xf32, #tpu.memory_space<vmem>>) attributes {dimension_semantics = [#tpu.dimension_semantics<core_parallel>, #tpu.dimension_semantics<subcore_parallel>], iteration_bounds = array<i64: 2, 16>, scalar_prefetch = 0 : i64, scratch_operands = 30 : i64, tpu.core_type = #tpu.core_type<sc_vector_subcore>, window_params = [{transform_indices = #map}, {transform_indices = #map}, {transform_indices = #map}, {transform_indices = #map}, {transform_indices = #map}, {transform_indices = #map}, {transform_indices = #map}, {transform_indices = #map}, {transform_indices = #map}, {transform_indices = #map}, {transform_indices = #map1}, {transform_indices = #map}, {transform_indices = #map}, {transform_indices = #map}]} {
    %mul3A = arith.constant 16 : i32
    %mul3A_0 = arith.muli %arg0, %mul3A : i32
    %add3A = arith.addi %mul3A_0, %arg1 : i32
    %iota3A = tpu.iota {dimensions = array<i32: 0>} : vector<16xi32>
    "tpu.region"() ({
      %run_scoped3A = tpu.sem_alloc : memref<!tpu.dma_semaphore, #tpu.memory_space<semaphore_mem>>
      tpu.enqueue_dma source(%arg12 : memref<15x16xf32, #tpu.memory_space<hbm>>) target(%arg36 : memref<15x16xf32, #tpu.memory_space<vmem>>) target_semaphore(%run_scoped3A : memref<!tpu.dma_semaphore, #tpu.memory_space<semaphore_mem>>)
      tpu.wait_dma2 semaphore(%run_scoped3A : memref<!tpu.dma_semaphore, #tpu.memory_space<semaphore_mem>>) src(%arg12 : memref<15x16xf32, #tpu.memory_space<hbm>>) dst(%arg36 : memref<15x16xf32, #tpu.memory_space<vmem>>)
      tpu.yield
    }) : () -> ()
    %scan3A = arith.constant 0 : i32
    %scan3A_1 = arith.constant 40 : i32
    %scan3A_2 = arith.addi %scan3A, %scan3A_1 : i32
    %scan3A_3 = arith.constant 1 : i32
    scf.for %scan3A_118 = %scan3A to %scan3A_2 step %scan3A_3  : i32 {
      %mul3A_119 = arith.constant 1 : i32
      %mul3A_120 = arith.muli %scan3A_118, %mul3A_119 : i32
      %add3A_121 = arith.constant 0 : i32
      %add3A_122 = arith.addi %add3A_121, %mul3A_120 : i32
      %broadcast_in_dim3A = arith.constant 0.000000e+00 : f32
      %broadcast_in_dim3A_123 = vector.broadcast %broadcast_in_dim3A : f32 to vector<16xf32>
      %mul3A_124 = arith.constant 16 : i32
      %mul3A_125 = arith.muli %add3A_122, %mul3A_124 : i32
      %swap3A = arith.index_cast %mul3A_125 : i32 to index
      %swap3A_126 = tpu.vector_load %arg21[%swap3A] {strides = array<i32>} : memref<640xf32, #tpu.memory_space<vmem>>, vector<16xf32>,
      tpu.vector_store %arg21[%swap3A], %broadcast_in_dim3A_123 {strides = array<i32>} : memref<640xf32, #tpu.memory_space<vmem>>, vector<16xf32>,
    }
    %scan3A_4 = arith.constant 40 : i32
    %mul3A_5 = arith.constant 6400 : i32
    %mul3A_6 = arith.muli %arg1, %mul3A_5 : i32
    %add3A_7 = arith.constant 0 : i32
    %add3A_8 = arith.addi %mul3A_6, %add3A_7 : i32
    "tpu.region"() ({
      %run_scoped3A = tpu.sem_alloc : memref<!tpu.dma_semaphore, #tpu.memory_space<semaphore_mem>>
      %dma_start3A_118 = tpu.memref_slice %arg37[%add3A_8] : memref<102400xf32, #tpu.memory_space<vmem_shared>> -> memref<640xf32, #tpu.memory_space<vmem_shared>>
      %dma_start3A_119 = tpu.memref_slice %arg37[%add3A_8] : memref<102400xf32, #tpu.memory_space<vmem_shared>> -> memref<640xf32, #tpu.memory_space<vmem_shared>>
      tpu.enqueue_dma source(%arg21 : memref<640xf32, #tpu.memory_space<vmem>>) target(%dma_start3A_119 : memref<640xf32, #tpu.memory_space<vmem_shared>>) target_semaphore(%run_scoped3A : memref<!tpu.dma_semaphore, #tpu.memory_space<semaphore_mem>>)
      %dma_wait3A = tpu.memref_slice %arg37[%add3A_8] : memref<102400xf32, #tpu.memory_space<vmem_shared>> -> memref<640xf32, #tpu.memory_space<vmem_shared>>
      %dma_wait3A_120 = tpu.memref_slice %arg37[%add3A_8] : memref<102400xf32, #tpu.memory_space<vmem_shared>> -> memref<640xf32, #tpu.memory_space<vmem_shared>>
      tpu.wait_dma2 semaphore(%run_scoped3A : memref<!tpu.dma_semaphore, #tpu.memory_space<semaphore_mem>>) src(%arg21 : memref<640xf32, #tpu.memory_space<vmem>>) dst(%dma_wait3A_120 : memref<640xf32, #tpu.memory_space<vmem_shared>>)
      tpu.yield
    }) : () -> ()
    %add3A_9 = arith.constant 640 : i32
    %add3A_10 = arith.addi %mul3A_6, %add3A_9 : i32
    "tpu.region"() ({
      %run_scoped3A = tpu.sem_alloc : memref<!tpu.dma_semaphore, #tpu.memory_space<semaphore_mem>>
      %dma_start3A_118 = tpu.memref_slice %arg37[%add3A_10] : memref<102400xf32, #tpu.memory_space<vmem_shared>> -> memref<640xf32, #tpu.memory_space<vmem_shared>>
      %dma_start3A_119 = tpu.memref_slice %arg37[%add3A_10] : memref<102400xf32, #tpu.memory_space<vmem_shared>> -> memref<640xf32, #tpu.memory_space<vmem_shared>>
      tpu.enqueue_dma source(%arg21 : memref<640xf32, #tpu.memory_space<vmem>>) target(%dma_start3A_119 : memref<640xf32, #tpu.memory_space<vmem_shared>>) target_semaphore(%run_scoped3A : memref<!tpu.dma_semaphore, #tpu.memory_space<semaphore_mem>>)
      %dma_wait3A = tpu.memref_slice %arg37[%add3A_10] : memref<102400xf32, #tpu.memory_space<vmem_shared>> -> memref<640xf32, #tpu.memory_space<vmem_shared>>
      %dma_wait3A_120 = tpu.memref_slice %arg37[%add3A_10] : memref<102400xf32, #tpu.memory_space<vmem_shared>> -> memref<640xf32, #tpu.memory_space<vmem_shared>>
      tpu.wait_dma2 semaphore(%run_scoped3A : memref<!tpu.dma_semaphore, #tpu.memory_space<semaphore_mem>>) src(%arg21 : memref<640xf32, #tpu.memory_space<vmem>>) dst(%dma_wait3A_120 : memref<640xf32, #tpu.memory_space<vmem_shared>>)
      tpu.yield
    }) : () -> ()
    %add3A_11 = arith.constant 1280 : i32
    %add3A_12 = arith.addi %mul3A_6, %add3A_11 : i32
    "tpu.region"() ({
      %run_scoped3A = tpu.sem_alloc : memref<!tpu.dma_semaphore, #tpu.memory_space<semaphore_mem>>
      %dma_start3A_118 = tpu.memref_slice %arg37[%add3A_12] : memref<102400xf32, #tpu.memory_space<vmem_shared>> -> memref<640xf32, #tpu.memory_space<vmem_shared>>
      %dma_start3A_119 = tpu.memref_slice %arg37[%add3A_12] : memref<102400xf32, #tpu.memory_space<vmem_shared>> -> memref<640xf32, #tpu.memory_space<vmem_shared>>
      tpu.enqueue_dma source(%arg21 : memref<640xf32, #tpu.memory_space<vmem>>) target(%dma_start3A_119 : memref<640xf32, #tpu.memory_space<vmem_shared>>) target_semaphore(%run_scoped3A : memref<!tpu.dma_semaphore, #tpu.memory_space<semaphore_mem>>)
      %dma_wait3A = tpu.memref_slice %arg37[%add3A_12] : memref<102400xf32, #tpu.memory_space<vmem_shared>> -> memref<640xf32, #tpu.memory_space<vmem_shared>>
      %dma_wait3A_120 = tpu.memref_slice %arg37[%add3A_12] : memref<102400xf32, #tpu.memory_space<vmem_shared>> -> memref<640xf32, #tpu.memory_space<vmem_shared>>
      tpu.wait_dma2 semaphore(%run_scoped3A : memref<!tpu.dma_semaphore, #tpu.memory_space<semaphore_mem>>) src(%arg21 : memref<640xf32, #tpu.memory_space<vmem>>) dst(%dma_wait3A_120 : memref<640xf32, #tpu.memory_space<vmem_shared>>)
      tpu.yield
    }) : () -> ()
    %add3A_13 = arith.constant 1920 : i32
    %add3A_14 = arith.addi %mul3A_6, %add3A_13 : i32
    "tpu.region"() ({
      %run_scoped3A = tpu.sem_alloc : memref<!tpu.dma_semaphore, #tpu.memory_space<semaphore_mem>>
      %dma_start3A_118 = tpu.memref_slice %arg37[%add3A_14] : memref<102400xf32, #tpu.memory_space<vmem_shared>> -> memref<640xf32, #tpu.memory_space<vmem_shared>>
      %dma_start3A_119 = tpu.memref_slice %arg37[%add3A_14] : memref<102400xf32, #tpu.memory_space<vmem_shared>> -> memref<640xf32, #tpu.memory_space<vmem_shared>>
      tpu.enqueue_dma source(%arg21 : memref<640xf32, #tpu.memory_space<vmem>>) target(%dma_start3A_119 : memref<640xf32, #tpu.memory_space<vmem_shared>>) target_semaphore(%run_scoped3A : memref<!tpu.dma_semaphore, #tpu.memory_space<semaphore_mem>>)
      %dma_wait3A = tpu.memref_slice %arg37[%add3A_14] : memref<102400xf32, #tpu.memory_space<vmem_shared>> -> memref<640xf32, #tpu.memory_space<vmem_shared>>
      %dma_wait3A_120 = tpu.memref_slice %arg37[%add3A_14] : memref<102400xf32, #tpu.memory_space<vmem_shared>> -> memref<640xf32, #tpu.memory_space<vmem_shared>>
      tpu.wait_dma2 semaphore(%run_scoped3A : memref<!tpu.dma_semaphore, #tpu.memory_space<semaphore_mem>>) src(%arg21 : memref<640xf32, #tpu.memory_space<vmem>>) dst(%dma_wait3A_120 : memref<640xf32, #tpu.memory_space<vmem_shared>>)
      tpu.yield
    }) : () -> ()
    %add3A_15 = arith.constant 2560 : i32
    %add3A_16 = arith.addi %mul3A_6, %add3A_15 : i32
    "tpu.region"() ({
      %run_scoped3A = tpu.sem_alloc : memref<!tpu.dma_semaphore, #tpu.memory_space<semaphore_mem>>
      %dma_start3A_118 = tpu.memref_slice %arg37[%add3A_16] : memref<102400xf32, #tpu.memory_space<vmem_shared>> -> memref<640xf32, #tpu.memory_space<vmem_shared>>
      %dma_start3A_119 = tpu.memref_slice %arg37[%add3A_16] : memref<102400xf32, #tpu.memory_space<vmem_shared>> -> memref<640xf32, #tpu.memory_space<vmem_shared>>
      tpu.enqueue_dma source(%arg21 : memref<640xf32, #tpu.memory_space<vmem>>) target(%dma_start3A_119 : memref<640xf32, #tpu.memory_space<vmem_shared>>) target_semaphore(%run_scoped3A : memref<!tpu.dma_semaphore, #tpu.memory_space<semaphore_mem>>)
      %dma_wait3A = tpu.memref_slice %arg37[%add3A_16] : memref<102400xf32, #tpu.memory_space<vmem_shared>> -> memref<640xf32, #tpu.memory_space<vmem_shared>>
      %dma_wait3A_120 = tpu.memref_slice %arg37[%add3A_16] : memref<102400xf32, #tpu.memory_space<vmem_shared>> -> memref<640xf32, #tpu.memory_space<vmem_shared>>
      tpu.wait_dma2 semaphore(%run_scoped3A : memref<!tpu.dma_semaphore, #tpu.memory_space<semaphore_mem>>) src(%arg21 : memref<640xf32, #tpu.memory_space<vmem>>) dst(%dma_wait3A_120 : memref<640xf32, #tpu.memory_space<vmem_shared>>)
      tpu.yield
    }) : () -> ()
    %add3A_17 = arith.constant 3200 : i32
    %add3A_18 = arith.addi %mul3A_6, %add3A_17 : i32
    "tpu.region"() ({
      %run_scoped3A = tpu.sem_alloc : memref<!tpu.dma_semaphore, #tpu.memory_space<semaphore_mem>>
      %dma_start3A_118 = tpu.memref_slice %arg37[%add3A_18] : memref<102400xf32, #tpu.memory_space<vmem_shared>> -> memref<640xf32, #tpu.memory_space<vmem_shared>>
      %dma_start3A_119 = tpu.memref_slice %arg37[%add3A_18] : memref<102400xf32, #tpu.memory_space<vmem_shared>> -> memref<640xf32, #tpu.memory_space<vmem_shared>>
      tpu.enqueue_dma source(%arg21 : memref<640xf32, #tpu.memory_space<vmem>>) target(%dma_start3A_119 : memref<640xf32, #tpu.memory_space<vmem_shared>>) target_semaphore(%run_scoped3A : memref<!tpu.dma_semaphore, #tpu.memory_space<semaphore_mem>>)
      %dma_wait3A = tpu.memref_slice %arg37[%add3A_18] : memref<102400xf32, #tpu.memory_space<vmem_shared>> -> memref<640xf32, #tpu.memory_space<vmem_shared>>
      %dma_wait3A_120 = tpu.memref_slice %arg37[%add3A_18] : memref<102400xf32, #tpu.memory_space<vmem_shared>> -> memref<640xf32, #tpu.memory_space<vmem_shared>>
      tpu.wait_dma2 semaphore(%run_scoped3A : memref<!tpu.dma_semaphore, #tpu.memory_space<semaphore_mem>>) src(%arg21 : memref<640xf32, #tpu.memory_space<vmem>>) dst(%dma_wait3A_120 : memref<640xf32, #tpu.memory_space<vmem_shared>>)
      tpu.yield
    }) : () -> ()
    %add3A_19 = arith.constant 3840 : i32
    %add3A_20 = arith.addi %mul3A_6, %add3A_19 : i32
    "tpu.region"() ({
      %run_scoped3A = tpu.sem_alloc : memref<!tpu.dma_semaphore, #tpu.memory_space<semaphore_mem>>
      %dma_start3A_118 = tpu.memref_slice %arg37[%add3A_20] : memref<102400xf32, #tpu.memory_space<vmem_shared>> -> memref<640xf32, #tpu.memory_space<vmem_shared>>
      %dma_start3A_119 = tpu.memref_slice %arg37[%add3A_20] : memref<102400xf32, #tpu.memory_space<vmem_shared>> -> memref<640xf32, #tpu.memory_space<vmem_shared>>
      tpu.enqueue_dma source(%arg21 : memref<640xf32, #tpu.memory_space<vmem>>) target(%dma_start3A_119 : memref<640xf32, #tpu.memory_space<vmem_shared>>) target_semaphore(%run_scoped3A : memref<!tpu.dma_semaphore, #tpu.memory_space<semaphore_mem>>)
      %dma_wait3A = tpu.memref_slice %arg37[%add3A_20] : memref<102400xf32, #tpu.memory_space<vmem_shared>> -> memref<640xf32, #tpu.memory_space<vmem_shared>>
      %dma_wait3A_120 = tpu.memref_slice %arg37[%add3A_20] : memref<102400xf32, #tpu.memory_space<vmem_shared>> -> memref<640xf32, #tpu.memory_space<vmem_shared>>
      tpu.wait_dma2 semaphore(%run_scoped3A : memref<!tpu.dma_semaphore, #tpu.memory_space<semaphore_mem>>) src(%arg21 : memref<640xf32, #tpu.memory_space<vmem>>) dst(%dma_wait3A_120 : memref<640xf32, #tpu.memory_space<vmem_shared>>)
      tpu.yield
    }) : () -> ()
    %add3A_21 = arith.constant 4480 : i32
    %add3A_22 = arith.addi %mul3A_6, %add3A_21 : i32
    "tpu.region"() ({
      %run_scoped3A = tpu.sem_alloc : memref<!tpu.dma_semaphore, #tpu.memory_space<semaphore_mem>>
      %dma_start3A_118 = tpu.memref_slice %arg37[%add3A_22] : memref<102400xf32, #tpu.memory_space<vmem_shared>> -> memref<640xf32, #tpu.memory_space<vmem_shared>>
      %dma_start3A_119 = tpu.memref_slice %arg37[%add3A_22] : memref<102400xf32, #tpu.memory_space<vmem_shared>> -> memref<640xf32, #tpu.memory_space<vmem_shared>>
      tpu.enqueue_dma source(%arg21 : memref<640xf32, #tpu.memory_space<vmem>>) target(%dma_start3A_119 : memref<640xf32, #tpu.memory_space<vmem_shared>>) target_semaphore(%run_scoped3A : memref<!tpu.dma_semaphore, #tpu.memory_space<semaphore_mem>>)
      %dma_wait3A = tpu.memref_slice %arg37[%add3A_22] : memref<102400xf32, #tpu.memory_space<vmem_shared>> -> memref<640xf32, #tpu.memory_space<vmem_shared>>
      %dma_wait3A_120 = tpu.memref_slice %arg37[%add3A_22] : memref<102400xf32, #tpu.memory_space<vmem_shared>> -> memref<640xf32, #tpu.memory_space<vmem_shared>>
      tpu.wait_dma2 semaphore(%run_scoped3A : memref<!tpu.dma_semaphore, #tpu.memory_space<semaphore_mem>>) src(%arg21 : memref<640xf32, #tpu.memory_space<vmem>>) dst(%dma_wait3A_120 : memref<640xf32, #tpu.memory_space<vmem_shared>>)
      tpu.yield
    }) : () -> ()
    %add3A_23 = arith.constant 5120 : i32
    %add3A_24 = arith.addi %mul3A_6, %add3A_23 : i32
    "tpu.region"() ({
      %run_scoped3A = tpu.sem_alloc : memref<!tpu.dma_semaphore, #tpu.memory_space<semaphore_mem>>
      %dma_start3A_118 = tpu.memref_slice %arg37[%add3A_24] : memref<102400xf32, #tpu.memory_space<vmem_shared>> -> memref<640xf32, #tpu.memory_space<vmem_shared>>
      %dma_start3A_119 = tpu.memref_slice %arg37[%add3A_24] : memref<102400xf32, #tpu.memory_space<vmem_shared>> -> memref<640xf32, #tpu.memory_space<vmem_shared>>
      tpu.enqueue_dma source(%arg21 : memref<640xf32, #tpu.memory_space<vmem>>) target(%dma_start3A_119 : memref<640xf32, #tpu.memory_space<vmem_shared>>) target_semaphore(%run_scoped3A : memref<!tpu.dma_semaphore, #tpu.memory_space<semaphore_mem>>)
      %dma_wait3A = tpu.memref_slice %arg37[%add3A_24] : memref<102400xf32, #tpu.memory_space<vmem_shared>> -> memref<640xf32, #tpu.memory_space<vmem_shared>>
      %dma_wait3A_120 = tpu.memref_slice %arg37[%add3A_24] : memref<102400xf32, #tpu.memory_space<vmem_shared>> -> memref<640xf32, #tpu.memory_space<vmem_shared>>
      tpu.wait_dma2 semaphore(%run_scoped3A : memref<!tpu.dma_semaphore, #tpu.memory_space<semaphore_mem>>) src(%arg21 : memref<640xf32, #tpu.memory_space<vmem>>) dst(%dma_wait3A_120 : memref<640xf32, #tpu.memory_space<vmem_shared>>)
      tpu.yield
    }) : () -> ()
    %add3A_25 = arith.constant 5760 : i32
    %add3A_26 = arith.addi %mul3A_6, %add3A_25 : i32
    "tpu.region"() ({
      %run_scoped3A = tpu.sem_alloc : memref<!tpu.dma_semaphore, #tpu.memory_space<semaphore_mem>>
      %dma_start3A_118 = tpu.memref_slice %arg37[%add3A_26] : memref<102400xf32, #tpu.memory_space<vmem_shared>> -> memref<640xf32, #tpu.memory_space<vmem_shared>>
      %dma_start3A_119 = tpu.memref_slice %arg37[%add3A_26] : memref<102400xf32, #tpu.memory_space<vmem_shared>> -> memref<640xf32, #tpu.memory_space<vmem_shared>>
      tpu.enqueue_dma source(%arg21 : memref<640xf32, #tpu.memory_space<vmem>>) target(%dma_start3A_119 : memref<640xf32, #tpu.memory_space<vmem_shared>>) target_semaphore(%run_scoped3A : memref<!tpu.dma_semaphore, #tpu.memory_space<semaphore_mem>>)
      %dma_wait3A = tpu.memref_slice %arg37[%add3A_26] : memref<102400xf32, #tpu.memory_space<vmem_shared>> -> memref<640xf32, #tpu.memory_space<vmem_shared>>
      %dma_wait3A_120 = tpu.memref_slice %arg37[%add3A_26] : memref<102400xf32, #tpu.memory_space<vmem_shared>> -> memref<640xf32, #tpu.memory_space<vmem_shared>>
      tpu.wait_dma2 semaphore(%run_scoped3A : memref<!tpu.dma_semaphore, #tpu.memory_space<semaphore_mem>>) src(%arg21 : memref<640xf32, #tpu.memory_space<vmem>>) dst(%dma_wait3A_120 : memref<640xf32, #tpu.memory_space<vmem_shared>>)
      tpu.yield
    }) : () -> ()
    %get3A = arith.constant 5 : i32
    %get3A_27 = arith.index_cast %get3A : i32 to index
    %get3A_28 = arith.constant 0 : index
    %get3A_29 = tpu.vector_load %arg36[%get3A_27, %get3A_28] {strides = array<i32>} : memref<15x16xf32, #tpu.memory_space<vmem>>, vector<16xf32>,
    %get3A_30 = arith.constant 6 : i32
    %get3A_31 = arith.index_cast %get3A_30 : i32 to index
    %get3A_32 = arith.constant 0 : index
    %get3A_33 = tpu.vector_load %arg36[%get3A_31, %get3A_32] {strides = array<i32>} : memref<15x16xf32, #tpu.memory_space<vmem>>, vector<16xf32>,
    %get3A_34 = arith.constant 7 : i32
    %get3A_35 = arith.index_cast %get3A_34 : i32 to index
    %get3A_36 = arith.constant 0 : index
    %get3A_37 = tpu.vector_load %arg36[%get3A_35, %get3A_36] {strides = array<i32>} : memref<15x16xf32, #tpu.memory_space<vmem>>, vector<16xf32>,
    %get3A_38 = arith.constant 8 : i32
    %get3A_39 = arith.index_cast %get3A_38 : i32 to index
    %get3A_40 = arith.constant 0 : index
    %get3A_41 = tpu.vector_load %arg36[%get3A_39, %get3A_40] {strides = array<i32>} : memref<15x16xf32, #tpu.memory_space<vmem>>, vector<16xf32>,
    %get3A_42 = arith.constant 9 : i32
    %get3A_43 = arith.index_cast %get3A_42 : i32 to index
    %get3A_44 = arith.constant 0 : index
    %get3A_45 = tpu.vector_load %arg36[%get3A_43, %get3A_44] {strides = array<i32>} : memref<15x16xf32, #tpu.memory_space<vmem>>, vector<16xf32>,
    %get3A_46 = arith.constant 10 : i32
    %get3A_47 = arith.index_cast %get3A_46 : i32 to index
    %get3A_48 = arith.constant 0 : index
    %get3A_49 = tpu.vector_load %arg36[%get3A_47, %get3A_48] {strides = array<i32>} : memref<15x16xf32, #tpu.memory_space<vmem>>, vector<16xf32>,
    %get3A_50 = arith.constant 11 : i32
    %get3A_51 = arith.index_cast %get3A_50 : i32 to index
    %get3A_52 = arith.constant 0 : index
    %get3A_53 = tpu.vector_load %arg36[%get3A_51, %get3A_52] {strides = array<i32>} : memref<15x16xf32, #tpu.memory_space<vmem>>, vector<16xf32>,
    %get3A_54 = arith.constant 12 : i32
    %get3A_55 = arith.index_cast %get3A_54 : i32 to index
    %get3A_56 = arith.constant 0 : index
    %get3A_57 = tpu.vector_load %arg36[%get3A_55, %get3A_56] {strides = array<i32>} : memref<15x16xf32, #tpu.memory_space<vmem>>, vector<16xf32>,
    %get3A_58 = arith.constant 13 : i32
    %get3A_59 = arith.index_cast %get3A_58 : i32 to index
    %get3A_60 = arith.constant 0 : index
    %get3A_61 = tpu.vector_load %arg36[%get3A_59, %get3A_60] {strides = array<i32>} : memref<15x16xf32, #tpu.memory_space<vmem>>, vector<16xf32>,
    %get3A_62 = arith.constant 14 : i32
    %get3A_63 = arith.index_cast %get3A_62 : i32 to index
    %get3A_64 = arith.constant 0 : index
    %get3A_65 = tpu.vector_load %arg36[%get3A_63, %get3A_64] {strides = array<i32>} : memref<15x16xf32, #tpu.memory_space<vmem>>, vector<16xf32>,
    %scan3A_66 = arith.constant 0 : i32
    %scan3A_67 = arith.constant 10 : i32
    %scan3A_68 = arith.addi %scan3A_66, %scan3A_67 : i32
    %scan3A_69 = arith.constant 1 : i32
    scf.for %scan3A_118 = %scan3A_66 to %scan3A_68 step %scan3A_69  : i32 {
      %mul3A_119 = arith.constant 1 : i32
      %mul3A_120 = arith.muli %scan3A_118, %mul3A_119 : i32
      %add3A_121 = arith.constant 0 : i32
      %add3A_122 = arith.addi %add3A_121, %mul3A_120 : i32
      %mul3A_123 = arith.constant 640 : i32
      %mul3A_124 = arith.muli %add3A_122, %mul3A_123 : i32
      %add3A_125 = arith.addi %mul3A_6, %mul3A_124 : i32
      %add3A_126 = arith.constant 102400 : i32
      %add3A_127 = arith.addi %add3A_126, %add3A_125 : i32
      %add3A_128 = arith.constant 204800 : i32
      %add3A_129 = arith.addi %add3A_128, %add3A_125 : i32
      %add3A_130 = arith.constant 307200 : i32
      %add3A_131 = arith.addi %add3A_130, %add3A_125 : i32
      %add3A_132 = arith.constant 102400 : i32
      %add3A_133 = arith.addi %add3A_132, %add3A_125 : i32
      %add3A_134 = arith.constant 102400 : i32
      %add3A_135 = arith.addi %add3A_134, %add3A_125 : i32
      %dma_start3A_136 = tpu.memref_slice %arg2[%add3A_125] : memref<409600xf32, #tpu.memory_space<hbm>> -> memref<640xf32, #tpu.memory_space<hbm>>
      %dma_start3A_137 = tpu.memref_slice %arg2[%add3A_125] : memref<409600xf32, #tpu.memory_space<hbm>> -> memref<640xf32, #tpu.memory_space<hbm>>
      tpu.enqueue_dma source(%dma_start3A_137 : memref<640xf32, #tpu.memory_space<hbm>>) target(%arg17 : memref<640xf32, #tpu.memory_space<vmem>>) target_semaphore(%arg38 : memref<!tpu.dma_semaphore, #tpu.memory_space<semaphore_mem>>)
      %dma_start3A_138 = tpu.memref_slice %arg2[%add3A_127] : memref<409600xf32, #tpu.memory_space<hbm>> -> memref<640xf32, #tpu.memory_space<hbm>>
      %dma_start3A_139 = tpu.memref_slice %arg2[%add3A_127] : memref<409600xf32, #tpu.memory_space<hbm>> -> memref<640xf32, #tpu.memory_space<hbm>>
      tpu.enqueue_dma source(%dma_start3A_139 : memref<640xf32, #tpu.memory_space<hbm>>) target(%arg18 : memref<640xf32, #tpu.memory_space<vmem>>) target_semaphore(%arg38 : memref<!tpu.dma_semaphore, #tpu.memory_space<semaphore_mem>>)
      %dma_start3A_140 = tpu.memref_slice %arg2[%add3A_129] : memref<409600xf32, #tpu.memory_space<hbm>> -> memref<640xf32, #tpu.memory_space<hbm>>
      %dma_start3A_141 = tpu.memref_slice %arg2[%add3A_129] : memref<409600xf32, #tpu.memory_space<hbm>> -> memref<640xf32, #tpu.memory_space<hbm>>
      tpu.enqueue_dma source(%dma_start3A_141 : memref<640xf32, #tpu.memory_space<hbm>>) target(%arg19 : memref<640xf32, #tpu.memory_space<vmem>>) target_semaphore(%arg38 : memref<!tpu.dma_semaphore, #tpu.memory_space<semaphore_mem>>)
      %dma_start3A_142 = tpu.memref_slice %arg2[%add3A_131] : memref<409600xf32, #tpu.memory_space<hbm>> -> memref<640xf32, #tpu.memory_space<hbm>>
      %dma_start3A_143 = tpu.memref_slice %arg2[%add3A_131] : memref<409600xf32, #tpu.memory_space<hbm>> -> memref<640xf32, #tpu.memory_space<hbm>>
      tpu.enqueue_dma source(%dma_start3A_143 : memref<640xf32, #tpu.memory_space<hbm>>) target(%arg20 : memref<640xf32, #tpu.memory_space<vmem>>) target_semaphore(%arg38 : memref<!tpu.dma_semaphore, #tpu.memory_space<semaphore_mem>>)
      %dma_start3A_144 = tpu.memref_slice %arg3[%add3A_125] : memref<102400xf32, #tpu.memory_space<hbm>> -> memref<640xf32, #tpu.memory_space<hbm>>
      %dma_start3A_145 = tpu.memref_slice %arg3[%add3A_125] : memref<102400xf32, #tpu.memory_space<hbm>> -> memref<640xf32, #tpu.memory_space<hbm>>
      tpu.enqueue_dma source(%dma_start3A_145 : memref<640xf32, #tpu.memory_space<hbm>>) target(%arg41 : memref<640xf32, #tpu.memory_space<vmem>>) target_semaphore(%arg38 : memref<!tpu.dma_semaphore, #tpu.memory_space<semaphore_mem>>)
      %dma_start3A_146 = tpu.memref_slice %arg4[%add3A_125] : memref<204800xf32, #tpu.memory_space<hbm>> -> memref<640xf32, #tpu.memory_space<hbm>>
      %dma_start3A_147 = tpu.memref_slice %arg4[%add3A_125] : memref<204800xf32, #tpu.memory_space<hbm>> -> memref<640xf32, #tpu.memory_space<hbm>>
      tpu.enqueue_dma source(%dma_start3A_147 : memref<640xf32, #tpu.memory_space<hbm>>) target(%arg42 : memref<640xf32, #tpu.memory_space<vmem>>) target_semaphore(%arg38 : memref<!tpu.dma_semaphore, #tpu.memory_space<semaphore_mem>>)
      %dma_start3A_148 = tpu.memref_slice %arg4[%add3A_133] : memref<204800xf32, #tpu.memory_space<hbm>> -> memref<640xf32, #tpu.memory_space<hbm>>
      %dma_start3A_149 = tpu.memref_slice %arg4[%add3A_133] : memref<204800xf32, #tpu.memory_space<hbm>> -> memref<640xf32, #tpu.memory_space<hbm>>
      tpu.enqueue_dma source(%dma_start3A_149 : memref<640xf32, #tpu.memory_space<hbm>>) target(%arg43 : memref<640xf32, #tpu.memory_space<vmem>>) target_semaphore(%arg38 : memref<!tpu.dma_semaphore, #tpu.memory_space<semaphore_mem>>)
      %dma_start3A_150 = tpu.memref_slice %arg5[%add3A_125] : memref<204800xf32, #tpu.memory_space<hbm>> -> memref<640xf32, #tpu.memory_space<hbm>>
      %dma_start3A_151 = tpu.memref_slice %arg5[%add3A_125] : memref<204800xf32, #tpu.memory_space<hbm>> -> memref<640xf32, #tpu.memory_space<hbm>>
      tpu.enqueue_dma source(%dma_start3A_151 : memref<640xf32, #tpu.memory_space<hbm>>) target(%arg44 : memref<640xf32, #tpu.memory_space<vmem>>) target_semaphore(%arg38 : memref<!tpu.dma_semaphore, #tpu.memory_space<semaphore_mem>>)
      %dma_start3A_152 = tpu.memref_slice %arg5[%add3A_135] : memref<204800xf32, #tpu.memory_space<hbm>> -> memref<640xf32, #tpu.memory_space<hbm>>
      %dma_start3A_153 = tpu.memref_slice %arg5[%add3A_135] : memref<204800xf32, #tpu.memory_space<hbm>> -> memref<640xf32, #tpu.memory_space<hbm>>
      tpu.enqueue_dma source(%dma_start3A_153 : memref<640xf32, #tpu.memory_space<hbm>>) target(%arg45 : memref<640xf32, #tpu.memory_space<vmem>>) target_semaphore(%arg38 : memref<!tpu.dma_semaphore, #tpu.memory_space<semaphore_mem>>)
      %dma_wait3A = tpu.memref_slice %arg2[%add3A_125] : memref<409600xf32, #tpu.memory_space<hbm>> -> memref<640xf32, #tpu.memory_space<hbm>>
      %dma_wait3A_154 = tpu.memref_slice %arg2[%add3A_125] : memref<409600xf32, #tpu.memory_space<hbm>> -> memref<640xf32, #tpu.memory_space<hbm>>
      tpu.wait_dma2 semaphore(%arg38 : memref<!tpu.dma_semaphore, #tpu.memory_space<semaphore_mem>>) src(%dma_wait3A_154 : memref<640xf32, #tpu.memory_space<hbm>>) dst(%arg17 : memref<640xf32, #tpu.memory_space<vmem>>)
      %dma_wait3A_155 = tpu.memref_slice %arg2[%add3A_127] : memref<409600xf32, #tpu.memory_space<hbm>> -> memref<640xf32, #tpu.memory_space<hbm>>
      %dma_wait3A_156 = tpu.memref_slice %arg2[%add3A_127] : memref<409600xf32, #tpu.memory_space<hbm>> -> memref<640xf32, #tpu.memory_space<hbm>>
      tpu.wait_dma2 semaphore(%arg38 : memref<!tpu.dma_semaphore, #tpu.memory_space<semaphore_mem>>) src(%dma_wait3A_156 : memref<640xf32, #tpu.memory_space<hbm>>) dst(%arg18 : memref<640xf32, #tpu.memory_space<vmem>>)
      %dma_wait3A_157 = tpu.memref_slice %arg2[%add3A_129] : memref<409600xf32, #tpu.memory_space<hbm>> -> memref<640xf32, #tpu.memory_space<hbm>>
      %dma_wait3A_158 = tpu.memref_slice %arg2[%add3A_129] : memref<409600xf32, #tpu.memory_space<hbm>> -> memref<640xf32, #tpu.memory_space<hbm>>
      tpu.wait_dma2 semaphore(%arg38 : memref<!tpu.dma_semaphore, #tpu.memory_space<semaphore_mem>>) src(%dma_wait3A_158 : memref<640xf32, #tpu.memory_space<hbm>>) dst(%arg19 : memref<640xf32, #tpu.memory_space<vmem>>)
      %dma_wait3A_159 = tpu.memref_slice %arg2[%add3A_131] : memref<409600xf32, #tpu.memory_space<hbm>> -> memref<640xf32, #tpu.memory_space<hbm>>
      %dma_wait3A_160 = tpu.memref_slice %arg2[%add3A_131] : memref<409600xf32, #tpu.memory_space<hbm>> -> memref<640xf32, #tpu.memory_space<hbm>>
      tpu.wait_dma2 semaphore(%arg38 : memref<!tpu.dma_semaphore, #tpu.memory_space<semaphore_mem>>) src(%dma_wait3A_160 : memref<640xf32, #tpu.memory_space<hbm>>) dst(%arg20 : memref<640xf32, #tpu.memory_space<vmem>>)
      %dma_wait3A_161 = tpu.memref_slice %arg3[%add3A_125] : memref<102400xf32, #tpu.memory_space<hbm>> -> memref<640xf32, #tpu.memory_space<hbm>>
      %dma_wait3A_162 = tpu.memref_slice %arg3[%add3A_125] : memref<102400xf32, #tpu.memory_space<hbm>> -> memref<640xf32, #tpu.memory_space<hbm>>
      tpu.wait_dma2 semaphore(%arg38 : memref<!tpu.dma_semaphore, #tpu.memory_space<semaphore_mem>>) src(%dma_wait3A_162 : memref<640xf32, #tpu.memory_space<hbm>>) dst(%arg41 : memref<640xf32, #tpu.memory_space<vmem>>)
      %dma_wait3A_163 = tpu.memref_slice %arg4[%add3A_125] : memref<204800xf32, #tpu.memory_space<hbm>> -> memref<640xf32, #tpu.memory_space<hbm>>
      %dma_wait3A_164 = tpu.memref_slice %arg4[%add3A_125] : memref<204800xf32, #tpu.memory_space<hbm>> -> memref<640xf32, #tpu.memory_space<hbm>>
      tpu.wait_dma2 semaphore(%arg38 : memref<!tpu.dma_semaphore, #tpu.memory_space<semaphore_mem>>) src(%dma_wait3A_164 : memref<640xf32, #tpu.memory_space<hbm>>) dst(%arg42 : memref<640xf32, #tpu.memory_space<vmem>>)
      %dma_wait3A_165 = tpu.memref_slice %arg4[%add3A_133] : memref<204800xf32, #tpu.memory_space<hbm>> -> memref<640xf32, #tpu.memory_space<hbm>>
      %dma_wait3A_166 = tpu.memref_slice %arg4[%add3A_133] : memref<204800xf32, #tpu.memory_space<hbm>> -> memref<640xf32, #tpu.memory_space<hbm>>
      tpu.wait_dma2 semaphore(%arg38 : memref<!tpu.dma_semaphore, #tpu.memory_space<semaphore_mem>>) src(%dma_wait3A_166 : memref<640xf32, #tpu.memory_space<hbm>>) dst(%arg43 : memref<640xf32, #tpu.memory_space<vmem>>)
      %dma_wait3A_167 = tpu.memref_slice %arg5[%add3A_125] : memref<204800xf32, #tpu.memory_space<hbm>> -> memref<640xf32, #tpu.memory_space<hbm>>
      %dma_wait3A_168 = tpu.memref_slice %arg5[%add3A_125] : memref<204800xf32, #tpu.memory_space<hbm>> -> memref<640xf32, #tpu.memory_space<hbm>>
      tpu.wait_dma2 semaphore(%arg38 : memref<!tpu.dma_semaphore, #tpu.memory_space<semaphore_mem>>) src(%dma_wait3A_168 : memref<640xf32, #tpu.memory_space<hbm>>) dst(%arg44 : memref<640xf32, #tpu.memory_space<vmem>>)
      %dma_wait3A_169 = tpu.memref_slice %arg5[%add3A_135] : memref<204800xf32, #tpu.memory_space<hbm>> -> memref<640xf32, #tpu.memory_space<hbm>>
      %dma_wait3A_170 = tpu.memref_slice %arg5[%add3A_135] : memref<204800xf32, #tpu.memory_space<hbm>> -> memref<640xf32, #tpu.memory_space<hbm>>
      tpu.wait_dma2 semaphore(%arg38 : memref<!tpu.dma_semaphore, #tpu.memory_space<semaphore_mem>>) src(%dma_wait3A_170 : memref<640xf32, #tpu.memory_space<hbm>>) dst(%arg45 : memref<640xf32, #tpu.memory_space<vmem>>)
      %scan3A_171 = arith.constant 0 : i32
      %scan3A_172 = arith.constant 40 : i32
      %scan3A_173 = arith.addi %scan3A_171, %scan3A_172 : i32
      %scan3A_174 = arith.constant 1 : i32
      scf.for %scan3A_181 = %scan3A_171 to %scan3A_173 step %scan3A_174  : i32 {
        %mul3A_182 = arith.constant 1 : i32
        %mul3A_183 = arith.muli %scan3A_181, %mul3A_182 : i32
        %add3A_184 = arith.constant 0 : i32
        %add3A_185 = arith.addi %add3A_184, %mul3A_183 : i32
        %mul3A_186 = arith.constant 16 : i32
        %mul3A_187 = arith.muli %add3A_185, %mul3A_186 : i32
        %get3A_188 = arith.index_cast %mul3A_187 : i32 to index
        %get3A_189 = tpu.vector_load %arg17[%get3A_188] {strides = array<i32>} : memref<640xf32, #tpu.memory_space<vmem>>, vector<16xf32>,
        %get3A_190 = arith.index_cast %mul3A_187 : i32 to index
        %get3A_191 = tpu.vector_load %arg18[%get3A_190] {strides = array<i32>} : memref<640xf32, #tpu.memory_space<vmem>>, vector<16xf32>,
        %get3A_192 = arith.index_cast %mul3A_187 : i32 to index
        %get3A_193 = tpu.vector_load %arg19[%get3A_192] {strides = array<i32>} : memref<640xf32, #tpu.memory_space<vmem>>, vector<16xf32>,
        %get3A_194 = arith.index_cast %mul3A_187 : i32 to index
        %get3A_195 = tpu.vector_load %arg20[%get3A_194] {strides = array<i32>} : memref<640xf32, #tpu.memory_space<vmem>>, vector<16xf32>,
        %get3A_196 = arith.index_cast %mul3A_187 : i32 to index
        %get3A_197 = tpu.vector_load %arg41[%get3A_196] {strides = array<i32>} : memref<640xf32, #tpu.memory_space<vmem>>, vector<16xf32>,
        %mul3A_198 = arith.mulf %get3A_189, %get3A_49 : vector<16xf32>
        %mul3A_199 = arith.mulf %get3A_191, %get3A_53 : vector<16xf32>
        %add3A_200 = arith.addf %mul3A_198, %mul3A_199 : vector<16xf32>
        %mul3A_201 = arith.mulf %get3A_193, %get3A_57 : vector<16xf32>
        %add3A_202 = arith.addf %add3A_200, %mul3A_201 : vector<16xf32>
        %mul3A_203 = arith.mulf %get3A_195, %get3A_61 : vector<16xf32>
        %add3A_204 = arith.addf %add3A_202, %mul3A_203 : vector<16xf32>
        %mul3A_205 = arith.mulf %get3A_65, %get3A_197 : vector<16xf32>
        %add3A_206 = arith.addf %add3A_204, %mul3A_205 : vector<16xf32>
        %get3A_207 = arith.index_cast %mul3A_187 : i32 to index
        %get3A_208 = tpu.vector_load %arg42[%get3A_207] {strides = array<i32>} : memref<640xf32, #tpu.memory_space<vmem>>, vector<16xf32>,
        %add3A_209 = arith.addf %get3A_197, %get3A_208 : vector<16xf32>
        %get3A_210 = arith.index_cast %mul3A_187 : i32 to index
        %get3A_211 = tpu.vector_load %arg43[%get3A_210] {strides = array<i32>} : memref<640xf32, #tpu.memory_space<vmem>>, vector<16xf32>,
        %add3A_212 = arith.addf %add3A_209, %get3A_211 : vector<16xf32>
        %get3A_213 = arith.index_cast %mul3A_187 : i32 to index
        %get3A_214 = tpu.vector_load %arg44[%get3A_213] {strides = array<i32>} : memref<640xf32, #tpu.memory_space<vmem>>, vector<16xf32>,
        %get3A_215 = arith.index_cast %mul3A_187 : i32 to index
        %get3A_216 = tpu.vector_load %arg45[%get3A_215] {strides = array<i32>} : memref<640xf32, #tpu.memory_space<vmem>>, vector<16xf32>,
        %add3A_217 = arith.addf %get3A_214, %get3A_216 : vector<16xf32>
        %mul3A_218 = arith.mulf %add3A_217, %add3A_206 : vector<16xf32>
        %add3A_219 = arith.addf %add3A_212, %mul3A_218 : vector<16xf32>
        %swap3A = arith.index_cast %mul3A_187 : i32 to index
        %swap3A_220 = tpu.vector_load %arg21[%swap3A] {strides = array<i32>} : memref<640xf32, #tpu.memory_space<vmem>>, vector<16xf32>,
        tpu.vector_store %arg21[%swap3A], %add3A_219 {strides = array<i32>} : memref<640xf32, #tpu.memory_space<vmem>>, vector<16xf32>,
        %mul3A_221 = arith.mulf %get3A_189, %get3A_29 : vector<16xf32>
        %mul3A_222 = arith.mulf %get3A_191, %get3A_33 : vector<16xf32>
        %add3A_223 = arith.addf %mul3A_221, %mul3A_222 : vector<16xf32>
        %mul3A_224 = arith.mulf %get3A_193, %get3A_37 : vector<16xf32>
        %add3A_225 = arith.addf %add3A_223, %mul3A_224 : vector<16xf32>
        %mul3A_226 = arith.mulf %get3A_195, %get3A_41 : vector<16xf32>
        %add3A_227 = arith.addf %add3A_225, %mul3A_226 : vector<16xf32>
        %mul3A_228 = arith.mulf %get3A_45, %add3A_219 : vector<16xf32>
        %add3A_229 = arith.addf %add3A_227, %mul3A_228 : vector<16xf32>
        %swap3A_230 = arith.index_cast %mul3A_187 : i32 to index
        %swap3A_231 = tpu.vector_load %arg22[%swap3A_230] {strides = array<i32>} : memref<640xf32, #tpu.memory_space<vmem>>, vector<16xf32>,
        tpu.vector_store %arg22[%swap3A_230], %add3A_229 {strides = array<i32>} : memref<640xf32, #tpu.memory_space<vmem>>, vector<16xf32>,
      }
      %scan3A_175 = arith.constant 40 : i32
      %eq3A = arith.constant 0 : i32
      %eq3A_176 = arith.cmpi eq, %arg0, %eq3A : i32
      %convert_element_type3A = arith.extui %eq3A_176 : i1 to i32
      %cond3A = arith.constant 0 : i32
      %cond3A_177 = arith.cmpi ne, %convert_element_type3A, %cond3A : i32
      scf.if %cond3A_177 {
        "tpu.region"() ({
          %run_scoped3A = tpu.sem_alloc : memref<!tpu.dma_semaphore, #tpu.memory_space<semaphore_mem>>
          %dma_start3A_181 = tpu.memref_slice %arg14[%add3A_125] : memref<102400xf32, #tpu.memory_space<hbm>> -> memref<640xf32, #tpu.memory_space<hbm>>
          %dma_start3A_182 = tpu.memref_slice %arg14[%add3A_125] : memref<102400xf32, #tpu.memory_space<hbm>> -> memref<640xf32, #tpu.memory_space<hbm>>
          tpu.enqueue_dma source(%arg21 : memref<640xf32, #tpu.memory_space<vmem>>) target(%dma_start3A_182 : memref<640xf32, #tpu.memory_space<hbm>>) target_semaphore(%run_scoped3A : memref<!tpu.dma_semaphore, #tpu.memory_space<semaphore_mem>>)
          %dma_wait3A_183 = tpu.memref_slice %arg14[%add3A_125] : memref<102400xf32, #tpu.memory_space<hbm>> -> memref<640xf32, #tpu.memory_space<hbm>>
          %dma_wait3A_184 = tpu.memref_slice %arg14[%add3A_125] : memref<102400xf32, #tpu.memory_space<hbm>> -> memref<640xf32, #tpu.memory_space<hbm>>
          tpu.wait_dma2 semaphore(%run_scoped3A : memref<!tpu.dma_semaphore, #tpu.memory_space<semaphore_mem>>) src(%arg21 : memref<640xf32, #tpu.memory_space<vmem>>) dst(%dma_wait3A_184 : memref<640xf32, #tpu.memory_space<hbm>>)
          tpu.yield
        }) : () -> ()
      } else {
      }
      %mul3A_178 = arith.constant 102400 : i32
      %mul3A_179 = arith.muli %arg0, %mul3A_178 : i32
      %add3A_180 = arith.addi %mul3A_179, %add3A_125 : i32
      "tpu.region"() ({
        %run_scoped3A = tpu.sem_alloc : memref<!tpu.dma_semaphore, #tpu.memory_space<semaphore_mem>>
        %dma_start3A_181 = tpu.memref_slice %arg15[%add3A_180] : memref<204800xf32, #tpu.memory_space<hbm>> -> memref<640xf32, #tpu.memory_space<hbm>>
        %dma_start3A_182 = tpu.memref_slice %arg15[%add3A_180] : memref<204800xf32, #tpu.memory_space<hbm>> -> memref<640xf32, #tpu.memory_space<hbm>>
        tpu.enqueue_dma source(%arg22 : memref<640xf32, #tpu.memory_space<vmem>>) target(%dma_start3A_182 : memref<640xf32, #tpu.memory_space<hbm>>) target_semaphore(%run_scoped3A : memref<!tpu.dma_semaphore, #tpu.memory_space<semaphore_mem>>)
        %dma_wait3A_183 = tpu.memref_slice %arg15[%add3A_180] : memref<204800xf32, #tpu.memory_space<hbm>> -> memref<640xf32, #tpu.memory_space<hbm>>
        %dma_wait3A_184 = tpu.memref_slice %arg15[%add3A_180] : memref<204800xf32, #tpu.memory_space<hbm>> -> memref<640xf32, #tpu.memory_space<hbm>>
        tpu.wait_dma2 semaphore(%run_scoped3A : memref<!tpu.dma_semaphore, #tpu.memory_space<semaphore_mem>>) src(%arg22 : memref<640xf32, #tpu.memory_space<vmem>>) dst(%dma_wait3A_184 : memref<640xf32, #tpu.memory_space<hbm>>)
        tpu.yield
      }) : () -> ()
    }
    %scan3A_70 = arith.constant 10 : i32
    %barrier3A = arith.constant 0 : index
    tpu.barrier barrier_id(%barrier3A)
    %mul3A_71 = arith.constant 102400 : i32
    %mul3A_72 = arith.muli %arg0, %mul3A_71 : i32
    "tpu.region"() ({
      %run_scoped3A = tpu.sem_alloc : memref<!tpu.dma_semaphore, #tpu.memory_space<semaphore_mem>>
      %dma_start3A_118 = tpu.memref_slice %arg15[%mul3A_72] : memref<204800xf32, #tpu.memory_space<hbm>> -> memref<100000xf32, #tpu.memory_space<hbm>>
      %dma_start3A_119 = tpu.memref_slice %arg15[%mul3A_72] : memref<204800xf32, #tpu.memory_space<hbm>> -> memref<100000xf32, #tpu.memory_space<hbm>>
      tpu.enqueue_dma source(%dma_start3A_119 : memref<100000xf32, #tpu.memory_space<hbm>>) target(%arg16 : memref<100000xf32, #tpu.memory_space<vmem>>) target_semaphore(%run_scoped3A : memref<!tpu.dma_semaphore, #tpu.memory_space<semaphore_mem>>)
      %dma_wait3A = tpu.memref_slice %arg15[%mul3A_72] : memref<204800xf32, #tpu.memory_space<hbm>> -> memref<100000xf32, #tpu.memory_space<hbm>>
      %dma_wait3A_120 = tpu.memref_slice %arg15[%mul3A_72] : memref<204800xf32, #tpu.memory_space<hbm>> -> memref<100000xf32, #tpu.memory_space<hbm>>
      tpu.wait_dma2 semaphore(%run_scoped3A : memref<!tpu.dma_semaphore, #tpu.memory_space<semaphore_mem>>) src(%dma_wait3A_120 : memref<100000xf32, #tpu.memory_space<hbm>>) dst(%arg16 : memref<100000xf32, #tpu.memory_space<vmem>>)
      tpu.yield
    }) : () -> ()
    %get3A_73 = arith.constant 0 : i32
    %get3A_74 = arith.index_cast %get3A_73 : i32 to index
    %get3A_75 = arith.constant 0 : index
    %get3A_76 = tpu.vector_load %arg36[%get3A_74, %get3A_75] {strides = array<i32>} : memref<15x16xf32, #tpu.memory_space<vmem>>, vector<16xf32>,
    %get3A_77 = arith.constant 1 : i32
    %get3A_78 = arith.index_cast %get3A_77 : i32 to index
    %get3A_79 = arith.constant 0 : index
    %get3A_80 = tpu.vector_load %arg36[%get3A_78, %get3A_79] {strides = array<i32>} : memref<15x16xf32, #tpu.memory_space<vmem>>, vector<16xf32>,
    %get3A_81 = arith.constant 2 : i32
    %get3A_82 = arith.index_cast %get3A_81 : i32 to index
    %get3A_83 = arith.constant 0 : index
    %get3A_84 = tpu.vector_load %arg36[%get3A_82, %get3A_83] {strides = array<i32>} : memref<15x16xf32, #tpu.memory_space<vmem>>, vector<16xf32>,
    %get3A_85 = arith.constant 3 : i32
    %get3A_86 = arith.index_cast %get3A_85 : i32 to index
    %get3A_87 = arith.constant 0 : index
    %get3A_88 = tpu.vector_load %arg36[%get3A_86, %get3A_87] {strides = array<i32>} : memref<15x16xf32, #tpu.memory_space<vmem>>, vector<16xf32>,
    %get3A_89 = arith.constant 4 : i32
    %get3A_90 = arith.index_cast %get3A_89 : i32 to index
    %get3A_91 = arith.constant 0 : index
    %get3A_92 = tpu.vector_load %arg36[%get3A_90, %get3A_91] {strides = array<i32>} : memref<15x16xf32, #tpu.memory_space<vmem>>, vector<16xf32>,
    %mul3A_93 = arith.constant 100352 : i32
    %mul3A_94 = arith.muli %add3A, %mul3A_93 : i32
    %add3A_95 = arith.constant 0 : i32
    %add3A_96 = arith.addi %mul3A_94, %add3A_95 : i32
    %min3A = arith.constant 3198976 : i32
    %min3A_97 = arith.minsi %add3A_96, %min3A : i32
    %dma_start3A = tpu.memref_slice %arg6[%add3A_96] : memref<3211264xi32, #tpu.memory_space<hbm>> -> memref<1024xi32, #tpu.memory_space<hbm>>
    %dma_start3A_98 = tpu.memref_slice %arg6[%add3A_96] : memref<3211264xi32, #tpu.memory_space<hbm>> -> memref<1024xi32, #tpu.memory_space<hbm>>
    tpu.enqueue_dma source(%dma_start3A_98 : memref<1024xi32, #tpu.memory_space<hbm>>) target(%arg23 : memref<1024xi32, #tpu.memory_space<vmem>>) target_semaphore(%arg38 : memref<!tpu.dma_semaphore, #tpu.memory_space<semaphore_mem>>)
    %dma_start3A_99 = tpu.memref_slice %arg7[%add3A_96] : memref<3211264xi32, #tpu.memory_space<hbm>> -> memref<1024xi32, #tpu.memory_space<hbm>>
    %dma_start3A_100 = tpu.memref_slice %arg7[%add3A_96] : memref<3211264xi32, #tpu.memory_space<hbm>> -> memref<1024xi32, #tpu.memory_space<hbm>>
    tpu.enqueue_dma source(%dma_start3A_100 : memref<1024xi32, #tpu.memory_space<hbm>>) target(%arg24 : memref<1024xi32, #tpu.memory_space<vmem>>) target_semaphore(%arg38 : memref<!tpu.dma_semaphore, #tpu.memory_space<semaphore_mem>>)
    %dma_start3A_101 = tpu.memref_slice %arg8[%min3A_97] : memref<3200000xf32, #tpu.memory_space<hbm>> -> memref<1024xf32, #tpu.memory_space<hbm>>
    %dma_start3A_102 = tpu.memref_slice %arg8[%min3A_97] : memref<3200000xf32, #tpu.memory_space<hbm>> -> memref<1024xf32, #tpu.memory_space<hbm>>
    tpu.enqueue_dma source(%dma_start3A_102 : memref<1024xf32, #tpu.memory_space<hbm>>) target(%arg25 : memref<1024xf32, #tpu.memory_space<vmem>>) target_semaphore(%arg38 : memref<!tpu.dma_semaphore, #tpu.memory_space<semaphore_mem>>)
    %dma_start3A_103 = tpu.memref_slice %arg9[%min3A_97] : memref<3200000xf32, #tpu.memory_space<hbm>> -> memref<1024xf32, #tpu.memory_space<hbm>>
    %dma_start3A_104 = tpu.memref_slice %arg9[%min3A_97] : memref<3200000xf32, #tpu.memory_space<hbm>> -> memref<1024xf32, #tpu.memory_space<hbm>>
    tpu.enqueue_dma source(%dma_start3A_104 : memref<1024xf32, #tpu.memory_space<hbm>>) target(%arg26 : memref<1024xf32, #tpu.memory_space<vmem>>) target_semaphore(%arg38 : memref<!tpu.dma_semaphore, #tpu.memory_space<semaphore_mem>>)
    %dma_start3A_105 = tpu.memref_slice %arg10[%min3A_97] : memref<3200000xf32, #tpu.memory_space<hbm>> -> memref<1024xf32, #tpu.memory_space<hbm>>
    %dma_start3A_106 = tpu.memref_slice %arg10[%min3A_97] : memref<3200000xf32, #tpu.memory_space<hbm>> -> memref<1024xf32, #tpu.memory_space<hbm>>
    tpu.enqueue_dma source(%dma_start3A_106 : memref<1024xf32, #tpu.memory_space<hbm>>) target(%arg27 : memref<1024xf32, #tpu.memory_space<vmem>>) target_semaphore(%arg38 : memref<!tpu.dma_semaphore, #tpu.memory_space<semaphore_mem>>)
    %dma_start3A_107 = tpu.memref_slice %arg11[%min3A_97] : memref<3200000xf32, #tpu.memory_space<hbm>> -> memref<1024xf32, #tpu.memory_space<hbm>>
    %dma_start3A_108 = tpu.memref_slice %arg11[%min3A_97] : memref<3200000xf32, #tpu.memory_space<hbm>> -> memref<1024xf32, #tpu.memory_space<hbm>>
    tpu.enqueue_dma source(%dma_start3A_108 : memref<1024xf32, #tpu.memory_space<hbm>>) target(%arg28 : memref<1024xf32, #tpu.memory_space<vmem>>) target_semaphore(%arg38 : memref<!tpu.dma_semaphore, #tpu.memory_space<semaphore_mem>>)
    %scan3A_109 = arith.constant 0 : i32
    %scan3A_110 = arith.constant 49 : i32
    %scan3A_111 = arith.addi %scan3A_109, %scan3A_110 : i32
    %scan3A_112 = arith.constant 1 : i32
    scf.for %scan3A_118 = %scan3A_109 to %scan3A_111 step %scan3A_112  : i32 {
      %mul3A_119 = arith.constant 1 : i32
      %mul3A_120 = arith.muli %scan3A_118, %mul3A_119 : i32
      %add3A_121 = arith.constant 0 : i32
      %add3A_122 = arith.addi %add3A_121, %mul3A_120 : i32
      %mul3A_123 = arith.constant 2 : i32
      %mul3A_124 = arith.muli %add3A_122, %mul3A_123 : i32
      %add3A_125 = arith.constant 1 : i32
      %add3A_126 = arith.addi %mul3A_124, %add3A_125 : i32
      %mul3A_127 = arith.constant 100352 : i32
      %mul3A_128 = arith.muli %add3A, %mul3A_127 : i32
      %mul3A_129 = arith.constant 1024 : i32
      %mul3A_130 = arith.muli %add3A_126, %mul3A_129 : i32
      %add3A_131 = arith.addi %mul3A_128, %mul3A_130 : i32
      %min3A_132 = arith.constant 3198976 : i32
      %min3A_133 = arith.minsi %add3A_131, %min3A_132 : i32
      %dma_start3A_134 = tpu.memref_slice %arg6[%add3A_131] : memref<3211264xi32, #tpu.memory_space<hbm>> -> memref<1024xi32, #tpu.memory_space<hbm>>
      %dma_start3A_135 = tpu.memref_slice %arg6[%add3A_131] : memref<3211264xi32, #tpu.memory_space<hbm>> -> memref<1024xi32, #tpu.memory_space<hbm>>
      tpu.enqueue_dma source(%dma_start3A_135 : memref<1024xi32, #tpu.memory_space<hbm>>) target(%arg29 : memref<1024xi32, #tpu.memory_space<vmem>>) target_semaphore(%arg39 : memref<!tpu.dma_semaphore, #tpu.memory_space<semaphore_mem>>)
      %dma_start3A_136 = tpu.memref_slice %arg7[%add3A_131] : memref<3211264xi32, #tpu.memory_space<hbm>> -> memref<1024xi32, #tpu.memory_space<hbm>>
      %dma_start3A_137 = tpu.memref_slice %arg7[%add3A_131] : memref<3211264xi32, #tpu.memory_space<hbm>> -> memref<1024xi32, #tpu.memory_space<hbm>>
      tpu.enqueue_dma source(%dma_start3A_137 : memref<1024xi32, #tpu.memory_space<hbm>>) target(%arg30 : memref<1024xi32, #tpu.memory_space<vmem>>) target_semaphore(%arg39 : memref<!tpu.dma_semaphore, #tpu.memory_space<semaphore_mem>>)
      %dma_start3A_138 = tpu.memref_slice %arg8[%min3A_133] : memref<3200000xf32, #tpu.memory_space<hbm>> -> memref<1024xf32, #tpu.memory_space<hbm>>
      %dma_start3A_139 = tpu.memref_slice %arg8[%min3A_133] : memref<3200000xf32, #tpu.memory_space<hbm>> -> memref<1024xf32, #tpu.memory_space<hbm>>
      tpu.enqueue_dma source(%dma_start3A_139 : memref<1024xf32, #tpu.memory_space<hbm>>) target(%arg31 : memref<1024xf32, #tpu.memory_space<vmem>>) target_semaphore(%arg39 : memref<!tpu.dma_semaphore, #tpu.memory_space<semaphore_mem>>)
      %dma_start3A_140 = tpu.memref_slice %arg9[%min3A_133] : memref<3200000xf32, #tpu.memory_space<hbm>> -> memref<1024xf32, #tpu.memory_space<hbm>>
      %dma_start3A_141 = tpu.memref_slice %arg9[%min3A_133] : memref<3200000xf32, #tpu.memory_space<hbm>> -> memref<1024xf32, #tpu.memory_space<hbm>>
      tpu.enqueue_dma source(%dma_start3A_141 : memref<1024xf32, #tpu.memory_space<hbm>>) target(%arg32 : memref<1024xf32, #tpu.memory_space<vmem>>) target_semaphore(%arg39 : memref<!tpu.dma_semaphore, #tpu.memory_space<semaphore_mem>>)
      %dma_start3A_142 = tpu.memref_slice %arg10[%min3A_133] : memref<3200000xf32, #tpu.memory_space<hbm>> -> memref<1024xf32, #tpu.memory_space<hbm>>
      %dma_start3A_143 = tpu.memref_slice %arg10[%min3A_133] : memref<3200000xf32, #tpu.memory_space<hbm>> -> memref<1024xf32, #tpu.memory_space<hbm>>
      tpu.enqueue_dma source(%dma_start3A_143 : memref<1024xf32, #tpu.memory_space<hbm>>) target(%arg33 : memref<1024xf32, #tpu.memory_space<vmem>>) target_semaphore(%arg39 : memref<!tpu.dma_semaphore, #tpu.memory_space<semaphore_mem>>)
      %dma_start3A_144 = tpu.memref_slice %arg11[%min3A_133] : memref<3200000xf32, #tpu.memory_space<hbm>> -> memref<1024xf32, #tpu.memory_space<hbm>>
      %dma_start3A_145 = tpu.memref_slice %arg11[%min3A_133] : memref<3200000xf32, #tpu.memory_space<hbm>> -> memref<1024xf32, #tpu.memory_space<hbm>>
      tpu.enqueue_dma source(%dma_start3A_145 : memref<1024xf32, #tpu.memory_space<hbm>>) target(%arg34 : memref<1024xf32, #tpu.memory_space<vmem>>) target_semaphore(%arg39 : memref<!tpu.dma_semaphore, #tpu.memory_space<semaphore_mem>>)
      %mul3A_146 = arith.constant 100352 : i32
      %mul3A_147 = arith.muli %add3A, %mul3A_146 : i32
      %mul3A_148 = arith.constant 1024 : i32
      %mul3A_149 = arith.muli %mul3A_124, %mul3A_148 : i32
      %add3A_150 = arith.addi %mul3A_147, %mul3A_149 : i32
      %min3A_151 = arith.constant 3198976 : i32
      %min3A_152 = arith.minsi %add3A_150, %min3A_151 : i32
      %dma_wait3A = tpu.memref_slice %arg6[%add3A_150] : memref<3211264xi32, #tpu.memory_space<hbm>> -> memref<1024xi32, #tpu.memory_space<hbm>>
      %dma_wait3A_153 = tpu.memref_slice %arg6[%add3A_150] : memref<3211264xi32, #tpu.memory_space<hbm>> -> memref<1024xi32, #tpu.memory_space<hbm>>
      tpu.wait_dma2 semaphore(%arg38 : memref<!tpu.dma_semaphore, #tpu.memory_space<semaphore_mem>>) src(%dma_wait3A_153 : memref<1024xi32, #tpu.memory_space<hbm>>) dst(%arg23 : memref<1024xi32, #tpu.memory_space<vmem>>)
      %dma_wait3A_154 = tpu.memref_slice %arg7[%add3A_150] : memref<3211264xi32, #tpu.memory_space<hbm>> -> memref<1024xi32, #tpu.memory_space<hbm>>
      %dma_wait3A_155 = tpu.memref_slice %arg7[%add3A_150] : memref<3211264xi32, #tpu.memory_space<hbm>> -> memref<1024xi32, #tpu.memory_space<hbm>>
      tpu.wait_dma2 semaphore(%arg38 : memref<!tpu.dma_semaphore, #tpu.memory_space<semaphore_mem>>) src(%dma_wait3A_155 : memref<1024xi32, #tpu.memory_space<hbm>>) dst(%arg24 : memref<1024xi32, #tpu.memory_space<vmem>>)
      %dma_wait3A_156 = tpu.memref_slice %arg8[%min3A_152] : memref<3200000xf32, #tpu.memory_space<hbm>> -> memref<1024xf32, #tpu.memory_space<hbm>>
      %dma_wait3A_157 = tpu.memref_slice %arg8[%min3A_152] : memref<3200000xf32, #tpu.memory_space<hbm>> -> memref<1024xf32, #tpu.memory_space<hbm>>
      tpu.wait_dma2 semaphore(%arg38 : memref<!tpu.dma_semaphore, #tpu.memory_space<semaphore_mem>>) src(%dma_wait3A_157 : memref<1024xf32, #tpu.memory_space<hbm>>) dst(%arg25 : memref<1024xf32, #tpu.memory_space<vmem>>)
      %dma_wait3A_158 = tpu.memref_slice %arg9[%min3A_152] : memref<3200000xf32, #tpu.memory_space<hbm>> -> memref<1024xf32, #tpu.memory_space<hbm>>
      %dma_wait3A_159 = tpu.memref_slice %arg9[%min3A_152] : memref<3200000xf32, #tpu.memory_space<hbm>> -> memref<1024xf32, #tpu.memory_space<hbm>>
      tpu.wait_dma2 semaphore(%arg38 : memref<!tpu.dma_semaphore, #tpu.memory_space<semaphore_mem>>) src(%dma_wait3A_159 : memref<1024xf32, #tpu.memory_space<hbm>>) dst(%arg26 : memref<1024xf32, #tpu.memory_space<vmem>>)
      %dma_wait3A_160 = tpu.memref_slice %arg10[%min3A_152] : memref<3200000xf32, #tpu.memory_space<hbm>> -> memref<1024xf32, #tpu.memory_space<hbm>>
      %dma_wait3A_161 = tpu.memref_slice %arg10[%min3A_152] : memref<3200000xf32, #tpu.memory_space<hbm>> -> memref<1024xf32, #tpu.memory_space<hbm>>
      tpu.wait_dma2 semaphore(%arg38 : memref<!tpu.dma_semaphore, #tpu.memory_space<semaphore_mem>>) src(%dma_wait3A_161 : memref<1024xf32, #tpu.memory_space<hbm>>) dst(%arg27 : memref<1024xf32, #tpu.memory_space<vmem>>)
      %dma_wait3A_162 = tpu.memref_slice %arg11[%min3A_152] : memref<3200000xf32, #tpu.memory_space<hbm>> -> memref<1024xf32, #tpu.memory_space<hbm>>
      %dma_wait3A_163 = tpu.memref_slice %arg11[%min3A_152] : memref<3200000xf32, #tpu.memory_space<hbm>> -> memref<1024xf32, #tpu.memory_space<hbm>>
      tpu.wait_dma2 semaphore(%arg38 : memref<!tpu.dma_semaphore, #tpu.memory_space<semaphore_mem>>) src(%dma_wait3A_163 : memref<1024xf32, #tpu.memory_space<hbm>>) dst(%arg28 : memref<1024xf32, #tpu.memory_space<vmem>>)
      %scan3A_164 = arith.constant 0 : i32
      %scan3A_165 = arith.constant 64 : i32
      %scan3A_166 = arith.addi %scan3A_164, %scan3A_165 : i32
      %scan3A_167 = arith.constant 1 : i32
      scf.for %scan3A_207 = %scan3A_164 to %scan3A_166 step %scan3A_167  : i32 {
        %mul3A_208 = arith.constant 1 : i32
        %mul3A_209 = arith.muli %scan3A_207, %mul3A_208 : i32
        %add3A_210 = arith.constant 0 : i32
        %add3A_211 = arith.addi %add3A_210, %mul3A_209 : i32
        %mul3A_212 = arith.constant 16 : i32
        %mul3A_213 = arith.muli %add3A_211, %mul3A_212 : i32
        %get3A_214 = arith.index_cast %mul3A_213 : i32 to index
        %get3A_215 = tpu.vector_load %arg23[%get3A_214] {strides = array<i32>} : memref<1024xi32, #tpu.memory_space<vmem>>, vector<16xi32>,
        %gather3A = tpu.vector_load_idx %arg16[%get3A_215] : memref<100000xf32, #tpu.memory_space<vmem>>[vector<16xi32>], vector<16xf32>,
        %get3A_216 = arith.index_cast %mul3A_213 : i32 to index
        %get3A_217 = tpu.vector_load %arg25[%get3A_216] {strides = array<i32>} : memref<1024xf32, #tpu.memory_space<vmem>>, vector<16xf32>,
        %get3A_218 = arith.index_cast %mul3A_213 : i32 to index
        %get3A_219 = tpu.vector_load %arg26[%get3A_218] {strides = array<i32>} : memref<1024xf32, #tpu.memory_space<vmem>>, vector<16xf32>,
        %get3A_220 = arith.index_cast %mul3A_213 : i32 to index
        %get3A_221 = tpu.vector_load %arg27[%get3A_220] {strides = array<i32>} : memref<1024xf32, #tpu.memory_space<vmem>>, vector<16xf32>,
        %get3A_222 = arith.index_cast %mul3A_213 : i32 to index
        %get3A_223 = tpu.vector_load %arg28[%get3A_222] {strides = array<i32>} : memref<1024xf32, #tpu.memory_space<vmem>>, vector<16xf32>,
        %mul3A_224 = arith.mulf %get3A_217, %get3A_76 : vector<16xf32>
        %add3A_225 = arith.addf %gather3A, %mul3A_224 : vector<16xf32>
        %mul3A_226 = arith.mulf %get3A_219, %get3A_80 : vector<16xf32>
        %add3A_227 = arith.addf %add3A_225, %mul3A_226 : vector<16xf32>
        %mul3A_228 = arith.mulf %get3A_221, %get3A_84 : vector<16xf32>
        %add3A_229 = arith.addf %add3A_227, %mul3A_228 : vector<16xf32>
        %mul3A_230 = arith.mulf %get3A_223, %get3A_88 : vector<16xf32>
        %add3A_231 = arith.addf %add3A_229, %mul3A_230 : vector<16xf32>
        %add3A_232 = arith.addf %add3A_231, %get3A_92 : vector<16xf32>
        %swap3A = arith.index_cast %mul3A_213 : i32 to index
        %swap3A_233 = tpu.vector_load %arg35[%swap3A] {strides = array<i32>} : memref<1024xf32, #tpu.memory_space<vmem>>, vector<16xf32>,
        tpu.vector_store %arg35[%swap3A], %add3A_232 {strides = array<i32>} : memref<1024xf32, #tpu.memory_space<vmem>>, vector<16xf32>,
      }
      %scan3A_168 = arith.constant 64 : i32
      %dma_start3A_169 = arith.constant 0 : i32
      %dma_start3A_170 = tpu.memref_slice %arg37[%dma_start3A_169] : memref<102400xf32, #tpu.memory_space<vmem_shared>> -> memref<102400xf32, #tpu.memory_space<vmem_shared>>
      tpu.enqueue_indirect_dma source(%arg35 : memref<1024xf32, #tpu.memory_space<vmem>>) target(%dma_start3A_170 : memref<102400xf32, #tpu.memory_space<vmem_shared>>) offsets(%arg24 : memref<1024xi32, #tpu.memory_space<vmem>>) semaphore(%arg40 : memref<!tpu.dma_semaphore, #tpu.memory_space<semaphore_mem>>) {add = true}
      %dma_wait3A_171 = arith.constant 0 : i32
      %dma_wait3A_172 = tpu.memref_slice %arg37[%dma_wait3A_171] : memref<102400xf32, #tpu.memory_space<vmem_shared>> -> memref<102400xf32, #tpu.memory_space<vmem_shared>>
      tpu.wait_indirect_dma semaphore(%arg40 : memref<!tpu.dma_semaphore, #tpu.memory_space<semaphore_mem>>) src(%arg35 : memref<1024xf32, #tpu.memory_space<vmem>>) dst(%dma_wait3A_172 : memref<102400xf32, #tpu.memory_space<vmem_shared>>)
      %add3A_173 = arith.constant 2 : i32
      %add3A_174 = arith.addi %mul3A_124, %add3A_173 : i32
      %lt3A = arith.constant 98 : i32
      %lt3A_175 = arith.cmpi slt, %add3A_174, %lt3A : i32
      %convert_element_type3A = arith.extui %lt3A_175 : i1 to i32
      %cond3A = arith.constant 0 : i32
      %cond3A_176 = arith.cmpi ne, %convert_element_type3A, %cond3A : i32
      scf.if %cond3A_176 {
        %add3A_207 = arith.constant 2 : i32
        %add3A_208 = arith.addi %mul3A_124, %add3A_207 : i32
        %mul3A_209 = arith.constant 100352 : i32
        %mul3A_210 = arith.muli %add3A, %mul3A_209 : i32
        %mul3A_211 = arith.constant 1024 : i32
        %mul3A_212 = arith.muli %add3A_208, %mul3A_211 : i32
        %add3A_213 = arith.addi %mul3A_210, %mul3A_212 : i32
        %min3A_214 = arith.constant 3198976 : i32
        %min3A_215 = arith.minsi %add3A_213, %min3A_214 : i32
        %dma_start3A_216 = tpu.memref_slice %arg6[%add3A_213] : memref<3211264xi32, #tpu.memory_space<hbm>> -> memref<1024xi32, #tpu.memory_space<hbm>>
        %dma_start3A_217 = tpu.memref_slice %arg6[%add3A_213] : memref<3211264xi32, #tpu.memory_space<hbm>> -> memref<1024xi32, #tpu.memory_space<hbm>>
        tpu.enqueue_dma source(%dma_start3A_217 : memref<1024xi32, #tpu.memory_space<hbm>>) target(%arg23 : memref<1024xi32, #tpu.memory_space<vmem>>) target_semaphore(%arg38 : memref<!tpu.dma_semaphore, #tpu.memory_space<semaphore_mem>>)
        %dma_start3A_218 = tpu.memref_slice %arg7[%add3A_213] : memref<3211264xi32, #tpu.memory_space<hbm>> -> memref<1024xi32, #tpu.memory_space<hbm>>
        %dma_start3A_219 = tpu.memref_slice %arg7[%add3A_213] : memref<3211264xi32, #tpu.memory_space<hbm>> -> memref<1024xi32, #tpu.memory_space<hbm>>
        tpu.enqueue_dma source(%dma_start3A_219 : memref<1024xi32, #tpu.memory_space<hbm>>) target(%arg24 : memref<1024xi32, #tpu.memory_space<vmem>>) target_semaphore(%arg38 : memref<!tpu.dma_semaphore, #tpu.memory_space<semaphore_mem>>)
        %dma_start3A_220 = tpu.memref_slice %arg8[%min3A_215] : memref<3200000xf32, #tpu.memory_space<hbm>> -> memref<1024xf32, #tpu.memory_space<hbm>>
        %dma_start3A_221 = tpu.memref_slice %arg8[%min3A_215] : memref<3200000xf32, #tpu.memory_space<hbm>> -> memref<1024xf32, #tpu.memory_space<hbm>>
        tpu.enqueue_dma source(%dma_start3A_221 : memref<1024xf32, #tpu.memory_space<hbm>>) target(%arg25 : memref<1024xf32, #tpu.memory_space<vmem>>) target_semaphore(%arg38 : memref<!tpu.dma_semaphore, #tpu.memory_space<semaphore_mem>>)
        %dma_start3A_222 = tpu.memref_slice %arg9[%min3A_215] : memref<3200000xf32, #tpu.memory_space<hbm>> -> memref<1024xf32, #tpu.memory_space<hbm>>
        %dma_start3A_223 = tpu.memref_slice %arg9[%min3A_215] : memref<3200000xf32, #tpu.memory_space<hbm>> -> memref<1024xf32, #tpu.memory_space<hbm>>
        tpu.enqueue_dma source(%dma_start3A_223 : memref<1024xf32, #tpu.memory_space<hbm>>) target(%arg26 : memref<1024xf32, #tpu.memory_space<vmem>>) target_semaphore(%arg38 : memref<!tpu.dma_semaphore, #tpu.memory_space<semaphore_mem>>)
        %dma_start3A_224 = tpu.memref_slice %arg10[%min3A_215] : memref<3200000xf32, #tpu.memory_space<hbm>> -> memref<1024xf32, #tpu.memory_space<hbm>>
        %dma_start3A_225 = tpu.memref_slice %arg10[%min3A_215] : memref<3200000xf32, #tpu.memory_space<hbm>> -> memref<1024xf32, #tpu.memory_space<hbm>>
        tpu.enqueue_dma source(%dma_start3A_225 : memref<1024xf32, #tpu.memory_space<hbm>>) target(%arg27 : memref<1024xf32, #tpu.memory_space<vmem>>) target_semaphore(%arg38 : memref<!tpu.dma_semaphore, #tpu.memory_space<semaphore_mem>>)
        %dma_start3A_226 = tpu.memref_slice %arg11[%min3A_215] : memref<3200000xf32, #tpu.memory_space<hbm>> -> memref<1024xf32, #tpu.memory_space<hbm>>
        %dma_start3A_227 = tpu.memref_slice %arg11[%min3A_215] : memref<3200000xf32, #tpu.memory_space<hbm>> -> memref<1024xf32, #tpu.memory_space<hbm>>
        tpu.enqueue_dma source(%dma_start3A_227 : memref<1024xf32, #tpu.memory_space<hbm>>) target(%arg28 : memref<1024xf32, #tpu.memory_space<vmem>>) target_semaphore(%arg38 : memref<!tpu.dma_semaphore, #tpu.memory_space<semaphore_mem>>)
      } else {
      }
      %add3A_177 = arith.constant 1 : i32
      %add3A_178 = arith.addi %mul3A_124, %add3A_177 : i32
      %mul3A_179 = arith.constant 100352 : i32
      %mul3A_180 = arith.muli %add3A, %mul3A_179 : i32
      %mul3A_181 = arith.constant 1024 : i32
      %mul3A_182 = arith.muli %add3A_178, %mul3A_181 : i32
      %add3A_183 = arith.addi %mul3A_180, %mul3A_182 : i32
      %min3A_184 = arith.constant 3198976 : i32
      %min3A_185 = arith.minsi %add3A_183, %min3A_184 : i32
      %dma_wait3A_186 = tpu.memref_slice %arg6[%add3A_183] : memref<3211264xi32, #tpu.memory_space<hbm>> -> memref<1024xi32, #tpu.memory_space<hbm>>
      %dma_wait3A_187 = tpu.memref_slice %arg6[%add3A_183] : memref<3211264xi32, #tpu.memory_space<hbm>> -> memref<1024xi32, #tpu.memory_space<hbm>>
      tpu.wait_dma2 semaphore(%arg39 : memref<!tpu.dma_semaphore, #tpu.memory_space<semaphore_mem>>) src(%dma_wait3A_187 : memref<1024xi32, #tpu.memory_space<hbm>>) dst(%arg29 : memref<1024xi32, #tpu.memory_space<vmem>>)
      %dma_wait3A_188 = tpu.memref_slice %arg7[%add3A_183] : memref<3211264xi32, #tpu.memory_space<hbm>> -> memref<1024xi32, #tpu.memory_space<hbm>>
      %dma_wait3A_189 = tpu.memref_slice %arg7[%add3A_183] : memref<3211264xi32, #tpu.memory_space<hbm>> -> memref<1024xi32, #tpu.memory_space<hbm>>
      tpu.wait_dma2 semaphore(%arg39 : memref<!tpu.dma_semaphore, #tpu.memory_space<semaphore_mem>>) src(%dma_wait3A_189 : memref<1024xi32, #tpu.memory_space<hbm>>) dst(%arg30 : memref<1024xi32, #tpu.memory_space<vmem>>)
      %dma_wait3A_190 = tpu.memref_slice %arg8[%min3A_185] : memref<3200000xf32, #tpu.memory_space<hbm>> -> memref<1024xf32, #tpu.memory_space<hbm>>
      %dma_wait3A_191 = tpu.memref_slice %arg8[%min3A_185] : memref<3200000xf32, #tpu.memory_space<hbm>> -> memref<1024xf32, #tpu.memory_space<hbm>>
      tpu.wait_dma2 semaphore(%arg39 : memref<!tpu.dma_semaphore, #tpu.memory_space<semaphore_mem>>) src(%dma_wait3A_191 : memref<1024xf32, #tpu.memory_space<hbm>>) dst(%arg31 : memref<1024xf32, #tpu.memory_space<vmem>>)
      %dma_wait3A_192 = tpu.memref_slice %arg9[%min3A_185] : memref<3200000xf32, #tpu.memory_space<hbm>> -> memref<1024xf32, #tpu.memory_space<hbm>>
      %dma_wait3A_193 = tpu.memref_slice %arg9[%min3A_185] : memref<3200000xf32, #tpu.memory_space<hbm>> -> memref<1024xf32, #tpu.memory_space<hbm>>
      tpu.wait_dma2 semaphore(%arg39 : memref<!tpu.dma_semaphore, #tpu.memory_space<semaphore_mem>>) src(%dma_wait3A_193 : memref<1024xf32, #tpu.memory_space<hbm>>) dst(%arg32 : memref<1024xf32, #tpu.memory_space<vmem>>)
      %dma_wait3A_194 = tpu.memref_slice %arg10[%min3A_185] : memref<3200000xf32, #tpu.memory_space<hbm>> -> memref<1024xf32, #tpu.memory_space<hbm>>
      %dma_wait3A_195 = tpu.memref_slice %arg10[%min3A_185] : memref<3200000xf32, #tpu.memory_space<hbm>> -> memref<1024xf32, #tpu.memory_space<hbm>>
      tpu.wait_dma2 semaphore(%arg39 : memref<!tpu.dma_semaphore, #tpu.memory_space<semaphore_mem>>) src(%dma_wait3A_195 : memref<1024xf32, #tpu.memory_space<hbm>>) dst(%arg33 : memref<1024xf32, #tpu.memory_space<vmem>>)
      %dma_wait3A_196 = tpu.memref_slice %arg11[%min3A_185] : memref<3200000xf32, #tpu.memory_space<hbm>> -> memref<1024xf32, #tpu.memory_space<hbm>>
      %dma_wait3A_197 = tpu.memref_slice %arg11[%min3A_185] : memref<3200000xf32, #tpu.memory_space<hbm>> -> memref<1024xf32, #tpu.memory_space<hbm>>
      tpu.wait_dma2 semaphore(%arg39 : memref<!tpu.dma_semaphore, #tpu.memory_space<semaphore_mem>>) src(%dma_wait3A_197 : memref<1024xf32, #tpu.memory_space<hbm>>) dst(%arg34 : memref<1024xf32, #tpu.memory_space<vmem>>)
      %scan3A_198 = arith.constant 0 : i32
      %scan3A_199 = arith.constant 64 : i32
      %scan3A_200 = arith.addi %scan3A_198, %scan3A_199 : i32
      %scan3A_201 = arith.constant 1 : i32
      scf.for %scan3A_207 = %scan3A_198 to %scan3A_200 step %scan3A_201  : i32 {
        %mul3A_208 = arith.constant 1 : i32
        %mul3A_209 = arith.muli %scan3A_207, %mul3A_208 : i32
        %add3A_210 = arith.constant 0 : i32
        %add3A_211 = arith.addi %add3A_210, %mul3A_209 : i32
        %mul3A_212 = arith.constant 16 : i32
        %mul3A_213 = arith.muli %add3A_211, %mul3A_212 : i32
        %get3A_214 = arith.index_cast %mul3A_213 : i32 to index
        %get3A_215 = tpu.vector_load %arg29[%get3A_214] {strides = array<i32>} : memref<1024xi32, #tpu.memory_space<vmem>>, vector<16xi32>,
        %gather3A = tpu.vector_load_idx %arg16[%get3A_215] : memref<100000xf32, #tpu.memory_space<vmem>>[vector<16xi32>], vector<16xf32>,
        %get3A_216 = arith.index_cast %mul3A_213 : i32 to index
        %get3A_217 = tpu.vector_load %arg31[%get3A_216] {strides = array<i32>} : memref<1024xf32, #tpu.memory_space<vmem>>, vector<16xf32>,
        %get3A_218 = arith.index_cast %mul3A_213 : i32 to index
        %get3A_219 = tpu.vector_load %arg32[%get3A_218] {strides = array<i32>} : memref<1024xf32, #tpu.memory_space<vmem>>, vector<16xf32>,
        %get3A_220 = arith.index_cast %mul3A_213 : i32 to index
        %get3A_221 = tpu.vector_load %arg33[%get3A_220] {strides = array<i32>} : memref<1024xf32, #tpu.memory_space<vmem>>, vector<16xf32>,
        %get3A_222 = arith.index_cast %mul3A_213 : i32 to index
        %get3A_223 = tpu.vector_load %arg34[%get3A_222] {strides = array<i32>} : memref<1024xf32, #tpu.memory_space<vmem>>, vector<16xf32>,
        %mul3A_224 = arith.mulf %get3A_217, %get3A_76 : vector<16xf32>
        %add3A_225 = arith.addf %gather3A, %mul3A_224 : vector<16xf32>
        %mul3A_226 = arith.mulf %get3A_219, %get3A_80 : vector<16xf32>
        %add3A_227 = arith.addf %add3A_225, %mul3A_226 : vector<16xf32>
        %mul3A_228 = arith.mulf %get3A_221, %get3A_84 : vector<16xf32>
        %add3A_229 = arith.addf %add3A_227, %mul3A_228 : vector<16xf32>
        %mul3A_230 = arith.mulf %get3A_223, %get3A_88 : vector<16xf32>
        %add3A_231 = arith.addf %add3A_229, %mul3A_230 : vector<16xf32>
        %add3A_232 = arith.addf %add3A_231, %get3A_92 : vector<16xf32>
        %swap3A = arith.index_cast %mul3A_213 : i32 to index
        %swap3A_233 = tpu.vector_load %arg35[%swap3A] {strides = array<i32>} : memref<1024xf32, #tpu.memory_space<vmem>>, vector<16xf32>,
        tpu.vector_store %arg35[%swap3A], %add3A_232 {strides = array<i32>} : memref<1024xf32, #tpu.memory_space<vmem>>, vector<16xf32>,
      }
      %scan3A_202 = arith.constant 64 : i32
      %dma_start3A_203 = arith.constant 0 : i32
      %dma_start3A_204 = tpu.memref_slice %arg37[%dma_start3A_203] : memref<102400xf32, #tpu.memory_space<vmem_shared>> -> memref<102400xf32, #tpu.memory_space<vmem_shared>>
      tpu.enqueue_indirect_dma source(%arg35 : memref<1024xf32, #tpu.memory_space<vmem>>) target(%dma_start3A_204 : memref<102400xf32, #tpu.memory_space<vmem_shared>>) offsets(%arg30 : memref<1024xi32, #tpu.memory_space<vmem>>) semaphore(%arg40 : memref<!tpu.dma_semaphore, #tpu.memory_space<semaphore_mem>>) {add = true}
      %dma_wait3A_205 = arith.constant 0 : i32
      %dma_wait3A_206 = tpu.memref_slice %arg37[%dma_wait3A_205] : memref<102400xf32, #tpu.memory_space<vmem_shared>> -> memref<102400xf32, #tpu.memory_space<vmem_shared>>
      tpu.wait_indirect_dma semaphore(%arg40 : memref<!tpu.dma_semaphore, #tpu.memory_space<semaphore_mem>>) src(%arg35 : memref<1024xf32, #tpu.memory_space<vmem>>) dst(%dma_wait3A_206 : memref<102400xf32, #tpu.memory_space<vmem_shared>>)
    }
    %scan3A_113 = arith.constant 49 : i32
    %barrier3A_114 = arith.constant 0 : index
    tpu.barrier barrier_id(%barrier3A_114)
    %mul3A_115 = arith.constant 102400 : i32
    %mul3A_116 = arith.muli %arg0, %mul3A_115 : i32
    %add3A_117 = arith.addi %mul3A_116, %mul3A_6 : i32
    "tpu.region"() ({
      %run_scoped3A = tpu.sem_alloc : memref<!tpu.dma_semaphore, #tpu.memory_space<semaphore_mem>>
      %dma_start3A_118 = tpu.memref_slice %arg13[%add3A_117] : memref<204800xf32, #tpu.memory_space<hbm>> -> memref<6400xf32, #tpu.memory_space<hbm>>
      %dma_start3A_119 = tpu.memref_slice %arg37[%mul3A_6] : memref<102400xf32, #tpu.memory_space<vmem_shared>> -> memref<6400xf32, #tpu.memory_space<vmem_shared>>
      tpu.enqueue_dma source(%dma_start3A_119 : memref<6400xf32, #tpu.memory_space<vmem_shared>>) target(%dma_start3A_118 : memref<6400xf32, #tpu.memory_space<hbm>>) target_semaphore(%run_scoped3A : memref<!tpu.dma_semaphore, #tpu.memory_space<semaphore_mem>>)
      %dma_wait3A = tpu.memref_slice %arg13[%add3A_117] : memref<204800xf32, #tpu.memory_space<hbm>> -> memref<6400xf32, #tpu.memory_space<hbm>>
      %dma_wait3A_120 = tpu.memref_slice %arg37[%mul3A_6] : memref<102400xf32, #tpu.memory_space<vmem_shared>> -> memref<6400xf32, #tpu.memory_space<vmem_shared>>
      tpu.wait_dma2 semaphore(%run_scoped3A : memref<!tpu.dma_semaphore, #tpu.memory_space<semaphore_mem>>) src(%dma_wait3A_120 : memref<6400xf32, #tpu.memory_space<vmem_shared>>) dst(%dma_wait3A : memref<6400xf32, #tpu.memory_space<hbm>>)
      tpu.yield
    }) : () -> ()
    return
  }
}

</mosaic_0001>

<sc_bundles>
// kernel: kernel.12.cloned.1.call-start
scs
__scs_entry_jumppad:
0x0: {  	(pc) =	sbr.rel $0x88, $3  }
0x1: {  	(tag) =	ssettag $0x0;
	lr =	simm.s32 $0x1  }
0x2: {  	[smem:$0x3F9A] =	sst lr;
	_ =	strace $0xD0000000  }
0x3: {  	_ = 	snop  }
0x4: {  	_ = 	snop  }
0x5: {  	_ = 	snop  }
0x6: {  	_ = 	snop  }
0x7: {  	_ = 	snop  }
__scs_overlays_trampoline_lowered:
0x8: {  	[smem:$0x3FA9] =	sst s0  }
0x9: {  	[smem:$0x3FAA] =	sst s1  }
0xa: {  	[smem:$0x3FAB] =	sst s2  }
0xb: {  	[smem:$0x3FAC] =	sst s3  }
0xc: {  	[smem:$0x3FAD] =	sst s4  }
0xd: {  	[smem:$0x3FAE] =	sst s5  }
0xe: {  	[smem:$0x3FAF] =	sst s6  }
0xf: {  	[smem:$0x3FB0] =	sst s7  }
0x10: {  	[smem:$0x3FB1] =	sst s8  }
0x11: {  	[smem:$0x3FB2] =	sst s9;
	s0 =	simm.s32 @!p0 $0x0  }
0x12: {  	s1 =	sld [smem:$0x3F98];
	s0 =	simm.s32 @p0 $0x1  }
0x13: {  	[smem:$0x3FB3] =	sst s0;
	s0 =	simm.s32 @!p1 $0x0  }
0x14: {  	s2 =	sld [smem:$0x3F97];
	s0 =	simm.s32 @p1 $0x1  }
0x15: {  	[smem:$0x3FB4] =	sst s0;
	s0 =	simm.s32 @!p2 $0x0  }
0x16: {  	s3 =	sld [smem:$0x3FDB];
	s0 =	simm.s32 @p2 $0x1  }
0x17: {  	s4 =	simm.s32 $0x1BF5;
	[smem:$0x3FB6] =	sst s0  }
0x18: {  	s0 =	sld [smem:$0x3F99];
	_ =	swait.ge [sflag:s4], $0x0  }
0x19: {  	s7 =	sld [smem:$0x3F9A]  }
0x1a: {  	s8 =	sadd.s32 $0xFFFFE003, lr  }
0x1b: {  	s9 =	sadd.s32 $0xFFFFFEF7, lr;
	s5 =	simm.s32 $0xFFFFFFFF;
	p2 =	slt.u32 s8, $0xFFFFF086  }
0x1c: {  	p1 =	slt.u32 s9, $0xF7A;
	s5 =	simm.s32 @!p2 $0x0  }
0x1d: {  	s5 =	simm.s32 @p1 $0x1;
	p0 =	seq.s32 s7, s2  }
0x1e: {  	s7 =	smul.u32 @!p0 $0xF7A, s2;
	p2 =	seq.s32 @!p0 s5, $0x0  }
0x1f: {  	s9 =	smul.u32 $0xF7A, s1;
	s8 =	simm.s32 @!p0 $0x1BF5;
	p2 =	por !p2, p0  }
0x20: {  	[sflag:s8] =	ssyncset.s32 @!p0 $0xFFFFF086;
	s6 =	sadd.s32 @!p0 s3, s7;
	s7 =	simm.s32 @!p0 $0x108  }
0x21: {  	s3 =	sadd.s32 s3, s9;
	s6 =	sadd.s32 @!p0 $0x88, s6;
	s7 =	simm.s32 @p2 $0x1082  }
0x22: {  	[simem:s7], [sflag:s8] =	dma.local @!p0 [hbm:s6], $0xF7A  }
0x23: {  	s9 =	sor.u32 $0xD0000000, s2;
	s6 =	simm.s32 $0x108;
	_ =	swait.ge @!p0 [sflag:s8], $0x0  }
0x24: {  	s3 =	sadd.s32 $0x88, s3;
	s6 =	simm.s32 @!p1 $0x1082;
	[sflag:s4] =	ssyncset.s32 $0xFFFFF086  }
0x25: {  	[simem:s6], [sflag:s4] =	dma.local [hbm:s3], $0xF7A  }
0x26: {  	[smem:$0x3F9A] =	sst s1;
	(tag) =	ssettag s2;
	_ =	strace s9  }
0x27: {  	s1 =	sld [smem:$0x3FAA]  }
0x28: {  	s2 =	sld [smem:$0x3FAB]  }
0x29: {  	s4 =	sld [smem:$0x3FAD]  }
0x2a: {  	p0 =	seq.s32 s5, $0x0;
	s5 =	sld [smem:$0x3FAE]  }
0x2b: {  	s6 =	sld [smem:$0x3FAF]  }
0x2c: {  	s7 =	sld [smem:$0x3FB0]  }
0x2d: {  	s3 =	simm.s32 $0x108;
	s8 =	sld [smem:$0x3FB1]  }
0x2e: {  	s3 =	simm.s32 @!p0 $0x1082;
	s9 =	sld [smem:$0x3FB2]  }
0x2f: {  	lr =	sadd.s32 s0, s3;
	s0 =	sld [smem:$0x3FA9]  }
0x30: {  	s3 =	sld [smem:$0x3FAC]  }
0x31: {  	[smem:$0x3FB5] =	sst s10  }
0x32: {  	s10 =	sld [smem:$0x3FB3];
	_ =	sdelay $0x3  }
0x33: {  	p0 =	seq.s32 s10, $0x1;
	s10 =	sld [smem:$0x3FB5];
	_ =	sdelay $0x3  }
0x34: {  	[smem:$0x3FB5] =	sst s10  }
0x35: {  	s10 =	sld [smem:$0x3FB4];
	_ =	sdelay $0x3  }
0x36: {  	p1 =	seq.s32 s10, $0x1;
	s10 =	sld [smem:$0x3FB5];
	_ =	sdelay $0x3  }
0x37: {  	[smem:$0x3FB5] =	sst s10  }
0x38: {  	s10 =	sld [smem:$0x3FB6]  }
0x39: {  	_ = 	snop;
	(pc) =	sbr.ind lr, $3  }
0x3a: {  	_ = 	snop  }
0x3b: {  	_ = 	snop  }
0x3c: {  	p2 =	seq.s32 s10, $0x1;
	s10 =	sld [smem:$0x3FB5]  }
0x3d: {  	_ =	shalt  }
0x3e: {  	_ =	shalt  }
0x3f: {  	_ =	shalt  }
0x40: {  	_ =	shalt  }
0x41: {  	_ =	shalt  }
0x42: {  	_ =	shalt  }
0x43: {  	_ =	shalt  }
0x44: {  	_ =	shalt  }
0x45: {  	_ =	shalt  }
0x46: {  	_ =	shalt  }
0x47: {  	_ =	shalt  }
0x48: {  	_ =	shalt  }
0x49: {  	_ =	shalt  }
0x4a: {  	_ =	shalt  }
0x4b: {  	_ =	shalt  }
0x4c: {  	_ =	shalt  }
0x4d: {  	_ =	shalt  }
0x4e: {  	_ =	shalt  }
0x4f: {  	_ =	shalt  }
0x50: {  	_ =	shalt  }
0x51: {  	_ =	shalt  }
0x52: {  	_ =	shalt  }
0x53: {  	_ =	shalt  }
0x54: {  	_ =	shalt  }
0x55: {  	_ =	shalt  }
0x56: {  	_ =	shalt  }
0x57: {  	_ =	shalt  }
0x58: {  	_ =	shalt  }
0x59: {  	_ =	shalt  }
0x5a: {  	_ =	shalt  }
0x5b: {  	_ =	shalt  }
0x5c: {  	_ =	shalt  }
0x5d: {  	_ =	shalt  }
0x5e: {  	_ =	shalt  }
0x5f: {  	_ =	shalt  }
0x60: {  	_ =	shalt  }
0x61: {  	_ =	shalt  }
0x62: {  	_ =	shalt  }
0x63: {  	_ =	shalt  }
0x64: {  	_ =	shalt  }
0x65: {  	_ =	shalt  }
0x66: {  	_ =	shalt  }
0x67: {  	_ =	shalt  }
0x68: {  	_ =	shalt  }
0x69: {  	_ =	shalt  }
0x6a: {  	_ =	shalt  }
0x6b: {  	_ =	shalt  }
0x6c: {  	_ =	shalt  }
0x6d: {  	_ =	shalt  }
0x6e: {  	_ =	shalt  }
0x6f: {  	_ =	shalt  }
0x70: {  	_ =	shalt  }
0x71: {  	_ =	shalt  }
0x72: {  	_ =	shalt  }
0x73: {  	_ =	shalt  }
0x74: {  	_ =	shalt  }
0x75: {  	_ =	shalt  }
0x76: {  	_ =	shalt  }
0x77: {  	_ =	shalt  }
0x78: {  	_ =	shalt  }
0x79: {  	_ =	shalt  }
0x7a: {  	_ =	shalt  }
0x7b: {  	_ =	shalt  }
0x7c: {  	_ =	shalt  }
0x7d: {  	_ =	shalt  }
0x7e: {  	_ =	shalt  }
0x7f: {  	_ =	shalt  }
0x80: {  	_ =	shalt  }
0x81: {  	_ =	shalt  }
0x82: {  	_ =	shalt  }
0x83: {  	_ =	shalt  }
0x84: {  	_ =	shalt  }
0x85: {  	_ =	shalt  }
0x86: {  	_ =	shalt  }
0x87: {  	_ =	shalt  }
.Lfunc_end0:
.L_simem_size_0:
called_computation.2_lowered:
.L_overlay_start_0:
0x88: {  	s2 =	sld [smem:$0x3FD9]  }
0x89: {  	s3 =	sld [smem:$0x3FFE];
	_ =	sdelay $0x1  }
0x8a: {  	s1 =	srdreg.scid  }
0x8b: {  	s0 =	sand.u32 $0x1, s1  }
0x8c: {  	s17 =	sshll.u32 s0, $0xA;
	s2 =	sadd.s32 s3, s2  }
0x8d: {  	s2 =	sadd.s32 s2, s17  }
0x8e: {  	[smem:$0x3FC1] =	sst s2  }
0x8f: {  	_ = 	snop  }
0x90: {  	s2 =	sld [smem:$0x3FC5]  }
0x91: {  	s18 =	sld [smem:$0x3FD0];
	(tm) =	ssettm $0x1  }
0x92: {  	s4 =	sld [smem:$0x3FFB];
	_ =	sdelay $0x3  }
0x93: {  	_ =	strace s4  }
0x94: {  	s4 =	sld [smem:$0x3FFC];
	_ =	sdelay $0x3  }
0x95: {  	_ =	strace s4  }
0x96: {  	s4 =	sld [smem:$0x3FFD];
	_ =	sdelay $0x3  }
0x97: {  	_ =	strace s4  }
0x98: {  	_ =	strace $0x8FFFFFFF  }
0x99: {  	s19 =	sld [smem:$0x3FDB];
	_ =	sdelay $0x1  }
0x9a: {  	s5 =	simm.s32 $_scs_section_size  }
0x9b: {  	s6 =	simm.s32 $_size__tile_overlayer_lowered;
	s7 =	simm.s32 $_tile_overlayer_lowered  }
0x9c: {  	s22 =	simm.s32 $0x1BFF;
	s21 =	sshll.u32 s7, $0x1;
	s4 =	sadd.s32 s5, s19  }
0x9d: {  	s8 =	simm.s32 $0x0;
	s20 =	sshll.u32 s6, $0x1;
	s6 =	sadd.s32 s21, s4  }
0x9e: {  	[timem:s8], [sflag:s22] =	dma.local [hbm:s6], s20  }
0x9f: {  	_ =	swait.ge [sflag:s22], s20  }
0xa0: {  	s5 =	ssub.s32 $0x0, s20;
	[sflag:s22] =	ssyncset.done $0x0  }
0xa1: {  	[sflag:s22] =	ssyncadd.s32 s5;
	_ =	sdelay $0x1  }
0xa2: {  	s23 =	simm.s32 $0x1B8B  }
0xa3: {  	_ =	swait.ge [sflag:s23], $0x1  }
0xa4: {  	[sflag:s23] =	ssyncset.done $0x0  }
0xa5: {  	s25 =	simm.s32 $0x1B8E;
	s24 =	sld [smem:$0x3FFE];
	[sflag:s23] =	ssyncadd.s32 $0xFFFFFFFF  }
0xa6: {  	s26 =	simm.s32 $execute0_lowered;
	[smem:$0x3FD2] =	sst s25  }
0xa7: {  	s6 =	sshll.u32 s26, $0x1;
	_ =	strace $0x8000004C;
	[dreg:$0x1] =	wrdreg $0xFFFFFFFF  }
0xa8: {  	s28 =	simm.s32 $_size_execute0_lowered;
	s4 =	sadd.s32 s4, s6;
	[dreg:$0x0] =	wrdreg $0x0  }
0xa9: {  	s6 =	sshll.u32 s28, $0x1;
	[dreg:$0x2] =	wrdreg s4  }
0xaa: {  	[dreg:$0x3] =	wrdreg s6  }
0xab: {  	[dreg:$0x4] =	wrdreg $0xC0  }
0xac: {  	_ =	task [dreg:s8], $0x5FFFF  }
0xad: {  	[dreg:$0x1] =	wrdreg $0xFFFFFFFF  }
0xae: {  	[dreg:$0x0] =	wrdreg $0x60  }
0xaf: {  	[dreg:$0x2] =	wrdreg s24  }
0xb0: {  	[dreg:$0x3] =	wrdreg s2  }
0xb1: {  	[dreg:$0x4] =	wrdreg s18  }
0xb2: {  	[dreg:$0x5] =	wrdreg $0x1D2000  }
0xb3: {  	[dreg:$0x6] =	wrdreg $0x9  }
0xb4: {  	_ =	task.clear_ibuf [dreg:s8], $0x7FFFF;
	_ =	strace $0x9000004C  }
0xb5: {  	s29 =	simm.s32 $0x9;
	_ =	strace $0x8000004E  }
0xb6: {  	_ =	swait.ge [sflag:s29], $0x1  }
0xb7: {  	[sflag:s29] =	ssyncadd.s32 $0xFFFFFFFF  }
0xb8: {  	_ =	strace $0x9000004E  }
0xb9: {  	_ =	sfence  }
0xba: {  	s30 =	sld [smem:$0x0];
	_ =	sdelay $0x2  }
0xbb: {  	s31 =	sshll.u32 s1, $0xD;
	s1 =	sshrl.u32 s1, $0x2  }
0xbc: {  	s3 =	sand.u32 $0x4000, s31;
	s1 =	sadd.s32 s1, s30  }
0xbd: {  	s0 =	sor.u32 s3, s0;
	s1 =	sshll.u32 s1, $0x11  }
0xbe: {  	s0 =	sor.u32 s1, s0  }
0xbf: {  	s0 =	sadd.s32 $0x8F2B, s0  }
0xc0: {  	[sflag:s0] =	ssyncadd.remote.s32 $0x1  }
0xc1: {  	_ =	sfence.sel $0xFFFF  }
0xc2: {  	[dreg:$0x0] =	wrdreg $0xFFFFFFFF;
	(pc) =	sbr.abs _section_cstart, $3  }
0xc3: {  	[dreg:$0x1] =	wrdreg $0xFFFFFFFF  }
0xc4: {  	_ =	task.clear_ibuf [dreg:s8], $0x2FFFF;
	_ =	strace $0x9FFFFFFF  }
0xc5: {  	(tm) =	ssettm $0x7FFFFFFF  }
tec
execute0_lowered:
.L_overlay_start_1:
0x0: {  	(tag) =	ssettag $0x1  }
0x1: {  	s0 =	rddreg [dreg:$0x0]  }
0x2: {  	s21 =	rddreg [dreg:$0x1]  }
0x3: {  	s1 =	rddreg [dreg:$0x2]  }
0x4: {  	s22 =	rddreg [dreg:$0x3]  }
0x5: {  	s3 =	simm.s32 $0x0;
	s11 =	srdreg.scid;
	s2 =	sadd.s32 $0x213C00, s0  }
0x6: {  	s30 =	stileid.u32;
	s5 =	sadd.s32 $0x20D800, s0;
	s6 =	sadd.s32 $0x204E00, s0  }
0x7: {  	[smem:$0x7FF] =	sst s3;
	s7 =	sadd.s32 $0x137600, s0;
	s8 =	sadd.s32 $0x5400, s0  }
0x8: {  	s9 =	sadd.s32 $0x199600, s0;
	s10 =	sadd.s32 $0xD5400, s0;
	s12 =	sadd.s32 $0x73800, s0  }
0x9: {  	s13 =	sadd.s32 $0x11C00, s0;
	s28 =	sadd.s32 $0x137000, s0;
	s11 =	sand.u32 $0x1, s11  }
0xa: {  	s4 =	sadd.s32 $0x201A00, s0;
	_ =	strace $0x8000004D;
	[dreg:$0x5] =	wrdreg s2  }
0xb: {  	s16 =	smul.u32 $0x1900, s30;
	s18 =	sadd.s32 $0x1FB600, s0;
	[dreg:$0x6] =	wrdreg s28  }
0xc: {  	s14 =	sshll.u32 s11, $0x4;
	s20 =	ssub.s32 $0x2, s11;
	s17 =	smul.u32 $0x19000, s11  }
0xd: {  	[dreg:$0x1a] =	wrdreg s4;
	s14 =	sor.u32 s30, s14;
	s15 =	sshrl.u32 s20, $0x1  }
0xe: {  	s19 =	smul.u32 $0x18800, s14;
	s23 =	sshrl.u32 s17, $0x3;
	s14 =	sadd.s32 s16, s22  }
0xf: {  	s0 =	ssub.s32 s20, s15;
	s25 =	sadd.s32 s18, s23;
	[dreg:$0xf] =	wrdreg s14  }
0x10: {  	s0 =	smax.u32 s0, $0x1;
	[dreg:$0x7] =	wrdreg s25  }
0x11: {  	s24 =	sadd.s32 s16, s17;
	s23 =	sadd.s32 $0xA00, s14;
	[dreg:$0x10] =	wrdreg s0  }
0x12: {  	s20 =	sshrl.u32 s24, $0x3;
	s24 =	sadd.s32 $0xC80, s14;
	[dreg:$0x14] =	wrdreg s23  }
0x13: {  	s1 =	sadd.s32 s1, s20;
	[dreg:$0x15] =	wrdreg s24  }
0x14: {  	s20 =	sadd.s32 $0x280, s14;
	[dreg:$0x8] =	wrdreg s1  }
0x15: {  	s26 =	sshrl.u32 s19, $0x3;
	s25 =	sadd.s32 $0xF00, s14;
	[dreg:$0x11] =	wrdreg s20  }
0x16: {  	s28 =	sadd.s32 s7, s26;
	[dreg:$0x16] =	wrdreg s25  }
0x17: {  	s31 =	simm.s32 $0x1B200;
	s30 =	sadd.s32 s9, s26;
	[dreg:$0x9] =	wrdreg s28  }
0x18: {  	s29 =	simm.s32 $0x2;
	s2 =	sadd.s32 s10, s26;
	[dreg:$0xa] =	wrdreg s30  }
0x19: {  	p0 =	sne.s32 s11, $0x0;
	s4 =	sadd.s32 s12, s26;
	[dreg:$0xb] =	wrdreg s2  }
0x1a: {  	s24 =	simm.s32 $0x1;
	s11 =	sadd.s32 s13, s26;
	[dreg:$0xc] =	wrdreg s4  }
0x1b: {  	s23 =	simm.s32 $0x3;
	s15 =	sadd.s32 s21, s26;
	[dreg:$0xd] =	wrdreg s11  }
0x1c: {  	s26 =	sadd.s32 $0x1180, s14;
	s25 =	sadd.s32 $0x800, s19;
	[dreg:$0xe] =	wrdreg s15  }
0x1d: {  	s2 =	smov.u32 s21;
	s21 =	sadd.s32 $0x500, s14;
	[dreg:$0x17] =	wrdreg s26  }
0x1e: {  	s4 =	smov.u32 s22;
	s22 =	sadd.s32 $0x780, s14;
	[dreg:$0x12] =	wrdreg s21  }
0x1f: {  	s1 =	simm.s32 $0x0;
	s28 =	sadd.s32 $0x1400, s14;
	[dreg:$0x13] =	wrdreg s22  }
0x20: {  	s30 =	sadd.s32 $0x1680, s14;
	s26 =	simm.s32 $0x4;
	[dreg:$0x18] =	wrdreg s28  }
0x21: {  	v0 =	vimm.f32 $0.0e+00;
	[dreg:$0x19] =	wrdreg s30;
	s21 =	simm.s32 $0x400;
	s22 =	simm.s32 $0x1C600  }
.LBB2_1:
0x22: {  	[dreg:$0x1b] =	wrdreg s1  }
0x23: {  	s0 =	rddreg [dreg:$0x6];
	s15 =	simm.s32 $0x1CA00  }
0x24: {  	[tilespmem:s15], [sflag:$0x4] =	stream.linear.gather [hbm4b:s0+s3], $0x780, $0x38;
	[tilespmem:$0x1F780] =	vst v63  }
0x25: {  	_ =	swait.ge [sflag:s26], $0x780  }
0x26: {  	[sflag:s26] =	ssyncset.done $0x0  }
0x27: {  	[sflag:s26] =	ssyncadd.s32 $0xFFFFF880  }
0x28: {  	[tilespmem:$0x19100] =	vst v0  }
0x29: {  	[tilespmem:$0x19110] =	vst v0  }
0x2a: {  	[tilespmem:$0x19120] =	vst v0  }
0x2b: {  	[tilespmem:$0x19130] =	vst v0  }
0x2c: {  	[tilespmem:$0x19140] =	vst v0  }
0x2d: {  	[tilespmem:$0x19150] =	vst v0  }
0x2e: {  	[tilespmem:$0x19160] =	vst v0  }
0x2f: {  	[tilespmem:$0x19170] =	vst v0  }
0x30: {  	[tilespmem:$0x19180] =	vst v0  }
0x31: {  	[tilespmem:$0x19190] =	vst v0  }
0x32: {  	[tilespmem:$0x191A0] =	vst v0  }
0x33: {  	[tilespmem:$0x191B0] =	vst v0  }
0x34: {  	[tilespmem:$0x191C0] =	vst v0  }
0x35: {  	[tilespmem:$0x191D0] =	vst v0  }
0x36: {  	[tilespmem:$0x191E0] =	vst v0  }
0x37: {  	[tilespmem:$0x191F0] =	vst v0  }
0x38: {  	[tilespmem:$0x19200] =	vst v0  }
0x39: {  	[tilespmem:$0x19210] =	vst v0  }
0x3a: {  	[tilespmem:$0x19220] =	vst v0  }
0x3b: {  	[tilespmem:$0x19230] =	vst v0  }
0x3c: {  	[tilespmem:$0x19240] =	vst v0  }
0x3d: {  	[tilespmem:$0x19250] =	vst v0  }
0x3e: {  	[tilespmem:$0x19260] =	vst v0  }
0x3f: {  	[tilespmem:$0x19270] =	vst v0  }
0x40: {  	[tilespmem:$0x19280] =	vst v0  }
0x41: {  	[tilespmem:$0x19290] =	vst v0  }
0x42: {  	[tilespmem:$0x192A0] =	vst v0  }
0x43: {  	[tilespmem:$0x192B0] =	vst v0  }
0x44: {  	[tilespmem:$0x192C0] =	vst v0  }
0x45: {  	[tilespmem:$0x192D0] =	vst v0  }
0x46: {  	[tilespmem:$0x192E0] =	vst v0  }
0x47: {  	[tilespmem:$0x192F0] =	vst v0  }
0x48: {  	[tilespmem:$0x19300] =	vst v0  }
0x49: {  	[tilespmem:$0x19310] =	vst v0  }
0x4a: {  	[tilespmem:$0x19320] =	vst v0  }
0x4b: {  	[tilespmem:$0x19330] =	vst v0  }
0x4c: {  	[tilespmem:$0x19340] =	vst v0  }
0x4d: {  	[tilespmem:$0x19350] =	vst v0  }
0x4e: {  	[tilespmem:$0x19360] =	vst v0  }
0x4f: {  	s1 =	simm.s32 $0x19100;
	[tilespmem:$0x19370] =	vst v0  }
0x50: {  	[spmem:s14] =	stream.linear.scatter [tilespmem:s1], [sflag:$0x4], $0x280, $0x38;
	[tilespmem:$0x1F780] =	vst v63  }
0x51: {  	_ =	swait.ge [sflag:s26], $0x280  }
0x52: {  	[sflag:s26] =	ssyncset.done $0x0  }
0x53: {  	s20 =	rddreg [dreg:$0x11];
	[sflag:s26] =	ssyncadd.s32 $0xFFFFFD80  }
0x54: {  	[spmem:s20] =	stream.linear.scatter [tilespmem:s1], [sflag:$0x4], $0x280, $0x38;
	[tilespmem:$0x1F780] =	vst v63  }
0x55: {  	_ =	swait.ge [sflag:s26], $0x280  }
0x56: {  	[sflag:s26] =	ssyncset.done $0x0  }
0x57: {  	s28 =	rddreg [dreg:$0x12];
	[sflag:s26] =	ssyncadd.s32 $0xFFFFFD80  }
0x58: {  	[spmem:s28] =	stream.linear.scatter [tilespmem:s1], [sflag:$0x4], $0x280, $0x38;
	[tilespmem:$0x1F780] =	vst v63  }
0x59: {  	_ =	swait.ge [sflag:s26], $0x280  }
0x5a: {  	[sflag:s26] =	ssyncset.done $0x0  }
0x5b: {  	s30 =	rddreg [dreg:$0x13];
	[sflag:s26] =	ssyncadd.s32 $0xFFFFFD80  }
0x5c: {  	[spmem:s30] =	stream.linear.scatter [tilespmem:s1], [sflag:$0x4], $0x280, $0x38;
	[tilespmem:$0x1F780] =	vst v63  }
0x5d: {  	_ =	swait.ge [sflag:s26], $0x280  }
0x5e: {  	[sflag:s26] =	ssyncset.done $0x0  }
0x5f: {  	s11 =	rddreg [dreg:$0x14];
	[sflag:s26] =	ssyncadd.s32 $0xFFFFFD80  }
0x60: {  	[spmem:s11] =	stream.linear.scatter [tilespmem:s1], [sflag:$0x4], $0x280, $0x38;
	[tilespmem:$0x1F780] =	vst v63  }
0x61: {  	_ =	swait.ge [sflag:s26], $0x280  }
0x62: {  	[sflag:s26] =	ssyncset.done $0x0  }
0x63: {  	s14 =	rddreg [dreg:$0x15];
	[sflag:s26] =	ssyncadd.s32 $0xFFFFFD80  }
0x64: {  	[spmem:s14] =	stream.linear.scatter [tilespmem:s1], [sflag:$0x4], $0x280, $0x38;
	[tilespmem:$0x1F780] =	vst v63  }
0x65: {  	_ =	swait.ge [sflag:s26], $0x280  }
0x66: {  	[sflag:s26] =	ssyncset.done $0x0  }
0x67: {  	s15 =	rddreg [dreg:$0x16];
	[sflag:s26] =	ssyncadd.s32 $0xFFFFFD80  }
0x68: {  	[spmem:s15] =	stream.linear.scatter [tilespmem:s1], [sflag:$0x4], $0x280, $0x38;
	[tilespmem:$0x1F780] =	vst v63  }
0x69: {  	_ =	swait.ge [sflag:s26], $0x280  }
0x6a: {  	[sflag:s26] =	ssyncset.done $0x0  }
0x6b: {  	s20 =	rddreg [dreg:$0x17];
	[sflag:s26] =	ssyncadd.s32 $0xFFFFFD80  }
0x6c: {  	[spmem:s20] =	stream.linear.scatter [tilespmem:s1], [sflag:$0x4], $0x280, $0x38;
	[tilespmem:$0x1F780] =	vst v63  }
0x6d: {  	_ =	swait.ge [sflag:s26], $0x280  }
0x6e: {  	[sflag:s26] =	ssyncset.done $0x0  }
0x6f: {  	s28 =	rddreg [dreg:$0x18];
	[sflag:s26] =	ssyncadd.s32 $0xFFFFFD80  }
0x70: {  	[spmem:s28] =	stream.linear.scatter [tilespmem:s1], [sflag:$0x4], $0x280, $0x38;
	[tilespmem:$0x1F780] =	vst v63  }
0x71: {  	_ =	swait.ge [sflag:s26], $0x280  }
0x72: {  	[sflag:s26] =	ssyncset.done $0x0  }
0x73: {  	s30 =	rddreg [dreg:$0x19];
	[sflag:s26] =	ssyncadd.s32 $0xFFFFFD80  }
0x74: {  	[spmem:s30] =	stream.linear.scatter [tilespmem:s1], [sflag:$0x4], $0x280, $0x38;
	[tilespmem:$0x1F780] =	vst v63  }
0x75: {  	_ =	swait.ge [sflag:s26], $0x280  }
0x76: {  	[sflag:s26] =	ssyncset.done $0x0  }
0x77: {  	[sflag:s26] =	ssyncadd.s32 $0xFFFFFD80  }
0x78: {  	v1 =	vld [tilespmem:$0x1CC80]  }
0x79: {  	v2 =	vld [tilespmem:$0x1CD00]  }
0x7a: {  	v3 =	vld [tilespmem:$0x1CD80]  }
0x7b: {  	v4 =	vld [tilespmem:$0x1CE00]  }
0x7c: {  	v5 =	vld [tilespmem:$0x1CE80]  }
0x7d: {  	v9 =	vld [tilespmem:$0x1D080]  }
0x7e: {  	v6 =	vld [tilespmem:$0x1CF00]  }
0x7f: {  	v10 =	vld [tilespmem:$0x1D100]  }
0x80: {  	v7 =	vld [tilespmem:$0x1CF80]  }
0x81: {  	s0 =	simm.s32 $0x0;
	v8 =	vld [tilespmem:$0x1D000]  }
.LBB2_2:
0x82: {  	s1 =	smul.u32 $0x280, s0;
	_ =	sdelay $0x1  }
0x83: {  	s30 =	sadd.s32 s16, s1  }
0x84: {  	s11 =	sshrl.u32 s30, $0x3  }
0x85: {  	s14 =	simm.s32 $0x0;
	s20 =	simm.s32 $0x18700;
	s1 =	sadd.s32 s8, s11  }
0x86: {  	[tilespmem:s20], [sflag:$0x1] =	stream.linear.gather [hbm4b:s1+s14], $0x280, $0x38;
	[tilespmem:$0x1F780] =	vst v63  }
0x87: {  	s20 =	sadd.s32 $0x3200, s11  }
0x88: {  	s15 =	simm.s32 $0x18980;
	s28 =	sadd.s32 s8, s20  }
0x89: {  	[tilespmem:s15], [sflag:$0x1] =	stream.linear.gather [hbm4b:s28+s14], $0x280, $0x38;
	[tilespmem:$0x1F780] =	vst v63  }
0x8a: {  	s28 =	sadd.s32 $0x6400, s1;
	s15 =	simm.s32 $0x18C00  }
0x8b: {  	[tilespmem:s15], [sflag:$0x1] =	stream.linear.gather [hbm4b:s28+s14], $0x280, $0x38;
	[tilespmem:$0x1F780] =	vst v63  }
0x8c: {  	s1 =	sadd.s32 $0x9600, s1;
	s15 =	simm.s32 $0x18E80  }
0x8d: {  	[tilespmem:s15], [sflag:$0x1] =	stream.linear.gather [hbm4b:s1+s14], $0x280, $0x38;
	[tilespmem:$0x1F780] =	vst v63  }
0x8e: {  	s15 =	rddreg [dreg:$0x5]  }
0x8f: {  	s1 =	sadd.s32 s15, s11;
	s15 =	simm.s32 $0x1EB00  }
0x90: {  	[tilespmem:s15], [sflag:$0x1] =	stream.linear.gather [hbm4b:s1+s14], $0x280, $0x38;
	[tilespmem:$0x1F780] =	vst v63  }
0x91: {  	s1 =	sadd.s32 s5, s11;
	s15 =	simm.s32 $0x1ED80  }
0x92: {  	[tilespmem:s15], [sflag:$0x1] =	stream.linear.gather [hbm4b:s1+s14], $0x280, $0x38;
	[tilespmem:$0x1F780] =	vst v63  }
0x93: {  	s1 =	sadd.s32 s5, s20;
	s15 =	simm.s32 $0x1F000  }
0x94: {  	[tilespmem:s15], [sflag:$0x1] =	stream.linear.gather [hbm4b:s1+s14], $0x280, $0x38;
	[tilespmem:$0x1F780] =	vst v63  }
0x95: {  	s1 =	sadd.s32 s6, s11;
	s15 =	simm.s32 $0x1F280  }
0x96: {  	[tilespmem:s15], [sflag:$0x1] =	stream.linear.gather [hbm4b:s1+s14], $0x280, $0x38;
	[tilespmem:$0x1F780] =	vst v63  }
0x97: {  	s15 =	sadd.s32 s6, s20;
	s20 =	simm.s32 $0x1F500  }
0x98: {  	[tilespmem:s20], [sflag:$0x1] =	stream.linear.gather [hbm4b:s15+s14], $0x280, $0x38;
	[tilespmem:$0x1F780] =	vst v63  }
0x99: {  	_ =	swait.ge [sflag:s24], $0x280  }
0x9a: {  	[sflag:s24] =	ssyncset.done $0x0  }
0x9b: {  	[sflag:s24] =	ssyncadd.s32 $0xFFFFFD80  }
0x9c: {  	_ =	swait.ge [sflag:s24], $0x280  }
0x9d: {  	[sflag:s24] =	ssyncset.done $0x0  }
0x9e: {  	[sflag:s24] =	ssyncadd.s32 $0xFFFFFD80  }
0x9f: {  	_ =	swait.ge [sflag:s24], $0x280  }
0xa0: {  	[sflag:s24] =	ssyncset.done $0x0  }
0xa1: {  	[sflag:s24] =	ssyncadd.s32 $0xFFFFFD80  }
0xa2: {  	_ =	swait.ge [sflag:s24], $0x280  }
0xa3: {  	[sflag:s24] =	ssyncset.done $0x0  }
0xa4: {  	[sflag:s24] =	ssyncadd.s32 $0xFFFFFD80  }
0xa5: {  	_ =	swait.ge [sflag:s24], $0x280  }
0xa6: {  	[sflag:s24] =	ssyncset.done $0x0  }
0xa7: {  	[sflag:s24] =	ssyncadd.s32 $0xFFFFFD80  }
0xa8: {  	_ =	swait.ge [sflag:s24], $0x280  }
0xa9: {  	[sflag:s24] =	ssyncset.done $0x0  }
0xaa: {  	[sflag:s24] =	ssyncadd.s32 $0xFFFFFD80  }
0xab: {  	_ =	swait.ge [sflag:s24], $0x280  }
0xac: {  	[sflag:s24] =	ssyncset.done $0x0  }
0xad: {  	[sflag:s24] =	ssyncadd.s32 $0xFFFFFD80  }
0xae: {  	_ =	swait.ge [sflag:s24], $0x280  }
0xaf: {  	[sflag:s24] =	ssyncset.done $0x0  }
0xb0: {  	[sflag:s24] =	ssyncadd.s32 $0xFFFFFD80  }
0xb1: {  	_ =	swait.ge [sflag:s24], $0x280  }
0xb2: {  	[sflag:s24] =	ssyncset.done $0x0  }
0xb3: {  	s28 =	simm.s32 $0x0;
	[sflag:s24] =	ssyncadd.s32 $0xFFFFFD80  }
0xb4: {  	v16 =	vld [tilespmem:s28+$0x18700]  }
0xb5: {  	v17 =	vld [tilespmem:s28+$0x18980];
	_ =	sdelay $0x1  }
0xb6: {  	v13 =	vld [tilespmem:s28+$0x18C00]  }
0xb7: {  	v14 =	vld [tilespmem:s28+$0x1ED80]  }
0xb8: {  	v24 =	vld [tilespmem:s28+$0x18E80]  }
0xb9: {  	v18 =	vld [tilespmem:s28+$0x1F280];
	v11 =	vmul.f32 v16, v6;
	v12 =	vmul.f32 v17, v7  }
0xba: {  	v19 =	vld [tilespmem:s28+$0x1EB00]  }
0xbb: {  	s14 =	simm.s32 $0x10;
	v21 =	vld [tilespmem:s28+$0x1F500];
	v20 =	vmul.f32 v13, v8;
	v15 =	vadd.f32 v12, v11  }
0xbc: {  	v11 =	vld [tilespmem:s14+$0x18700]  }
0xbd: {  	v22 =	vmul.f32 v24, v9;
	v12 =	vld [tilespmem:s14+$0x18980];
	v20 =	vadd.f32 v20, v15  }
0xbe: {  	v23 =	vld [tilespmem:s28+$0x1F000]  }
0xbf: {  	v15 =	vld [tilespmem:s14+$0x18C00];
	v20 =	vadd.f32 v22, v20;
	v22 =	vmul.f32 v19, v10  }
0xc0: {  	v21 =	vadd.f32 v21, v18;
	v25 =	vmul.f32 v13, v3;
	v13 =	vld [tilespmem:s14+$0x18E80];
	v16 =	vmul.f32 v16, v1  }
0xc1: {  	v18 =	vld [tilespmem:s14+$0x1EB00];
	v19 =	vadd.f32 v14, v19;
	v20 =	vadd.f32 v22, v20;
	v22 =	vmul.f32 v17, v2  }
0xc2: {  	v14 =	vld [tilespmem:s14+$0x1ED80];
	v26 =	vmul.f32 v11, v6;
	v27 =	vmul.f32 v12, v7  }
0xc3: {  	v17 =	vld [tilespmem:s14+$0x1F280];
	v23 =	vadd.f32 v23, v19;
	v28 =	vmul.f32 v21, v20;
	v29 =	vadd.f32 v22, v16  }
0xc4: {  	s20 =	simm.s32 $0x20;
	v19 =	vld [tilespmem:s14+$0x1F500];
	v20 =	vadd.f32 v27, v26;
	v21 =	vmul.f32 v15, v8  }
0xc5: {  	s1 =	simm.s32 $0xC0;
	v24 =	vmul.f32 v24, v4;
	v16 =	vld [tilespmem:s20+$0x18700];
	v22 =	vadd.f32 v28, v23;
	v23 =	vadd.f32 v25, v29  }
.LBB2_3:
0xc6: {  	p1 =	sne.s32 s1, $0x9C0;
	v25 =	vld [tilespmem:s20+$0x18980];
	v20 =	vadd.f32 v21, v20;
	v21 =	vmul.f32 v13, v9;
	v26 =	vmov v13  }
0xc7: {  	v27 =	vld [tilespmem:s14+$0x1F000];
	[tilespmem:s28+$0x19100] =	vst v22;
	v13 =	vadd.f32 v24, v23;
	v22 =	vmul.f32 v22, v5  }
0xc8: {  	v23 =	vld [tilespmem:s20+$0x18C00];
	v20 =	vadd.f32 v21, v20;
	v21 =	vmul.f32 v18, v10;
	v24 =	vadd.f32 v14, v18  }
0xc9: {  	v28 =	vmul.f32 v15, v3;
	v14 =	vld [tilespmem:s20+$0x1ED80];
	v19 =	vadd.f32 v19, v17;
	v15 =	vadd.f32 v22, v13  }
.Ltmp0:
0xca: {  	v22 =	vmul.f32 v12, v2;
	v13 =	vld [tilespmem:s20+$0x18E80];
	v20 =	vadd.f32 v21, v20;
	v21 =	vmul.f32 v11, v1;
	v11 =	vmovc v16;
	(pc) =	sbr.rel @p1 .LBB2_3-.Ltmp0, $4  }
0xcb: {  	v16 =	vmul.f32 v11, v6;
	v29 =	vmul.f32 v25, v7;
	v17 =	vld [tilespmem:s20+$0x1F280];
	[tilespmem:s28+$0x19380] =	vst v15;
	v12 =	vmov v25;
	s28 =	smov.u32 s14;
	s14 =	smov.u32 s20  }
0xcc: {  	v18 =	vld [tilespmem:s14+$0x1EB00];
	v24 =	vadd.f32 v27, v24;
	v25 =	vmul.f32 v19, v20;
	v27 =	vadd.f32 v22, v21  }
0xcd: {  	s20 =	sshra.s32 s1, $0x2;
	v20 =	vadd.f32 v29, v16;
	v21 =	vmul.f32 v23, v8;
	v19 =	vld [tilespmem:s14+$0x1F500];
	v15 =	vmov v23  }
0xce: {  	s1 =	sadd.s32 $0x40, s1;
	v16 =	vld [tilespmem:s20+$0x18700];
	v22 =	vadd.f32 v25, v24;
	v23 =	vadd.f32 v28, v27;
	v24 =	vmul.f32 v26, v4  }
0xcf: {  	v25 =	vld [tilespmem:s20+$0x18980]  }
0xd0: {  	v26 =	vld [tilespmem:s14+$0x1F000];
	[tilespmem:s28+$0x19100] =	vst v22;
	v23 =	vadd.f32 v24, v23;
	v39 =	vmul.f32 v22, v5  }
0xd1: {  	v40 =	vld [tilespmem:s20+$0x18C00]  }
0xd2: {  	v27 =	vld [tilespmem:s20+$0x1ED80];
	v22 =	vadd.f32 v39, v23  }
0xd3: {  	v20 =	vadd.f32 v21, v20;
	v41 =	vmul.f32 v13, v9;
	v42 =	vld [tilespmem:s20+$0x18E80]  }
0xd4: {  	v29 =	vld [tilespmem:s20+$0x1F280];
	v43 =	vmul.f32 v16, v6;
	[tilespmem:s28+$0x19380] =	vst v22;
	v44 =	vmul.f32 v25, v7  }
0xd5: {  	v28 =	vmul.f32 v18, v10;
	v20 =	vadd.f32 v41, v20;
	v45 =	vld [tilespmem:s20+$0x1EB00]  }
0xd6: {  	v14 =	vadd.f32 v14, v18;
	v47 =	vadd.f32 v44, v43;
	v48 =	vmul.f32 v40, v8  }
0xd7: {  	v11 =	vmul.f32 v11, v1;
	v17 =	vadd.f32 v19, v17;
	v46 =	vadd.f32 v28, v20;
	v49 =	vld [tilespmem:s20+$0x1F500]  }
0xd8: {  	v12 =	vmul.f32 v12, v2;
	v51 =	vmul.f32 v42, v9;
	v50 =	vadd.f32 v48, v47  }
0xd9: {  	v15 =	vmul.f32 v15, v3;
	v14 =	vadd.f32 v26, v14;
	v17 =	vmul.f32 v17, v46;
	v52 =	vld [tilespmem:s20+$0x1F000]  }
0xda: {  	v11 =	vadd.f32 v12, v11;
	v53 =	vadd.f32 v51, v50;
	v54 =	vmul.f32 v45, v10  }
0xdb: {  	v56 =	vmul.f32 v16, v1;
	v14 =	vadd.f32 v17, v14;
	v18 =	vadd.f32 v27, v45  }
0xdc: {  	v57 =	vmul.f32 v25, v2;
	v55 =	vadd.f32 v49, v29;
	v17 =	vadd.f32 v54, v53  }
0xdd: {  	v58 =	vmul.f32 v13, v4;
	v11 =	vadd.f32 v15, v11;
	v59 =	vmul.f32 v40, v3  }
0xde: {  	v16 =	vadd.f32 v57, v56;
	v12 =	vadd.f32 v52, v18;
	v17 =	vmul.f32 v55, v17  }
0xdf: {  	v11 =	vadd.f32 v58, v11;
	v61 =	vmul.f32 v42, v4  }
0xe0: {  	v15 =	vadd.f32 v59, v16;
	v60 =	vmul.f32 v14, v5;
	v12 =	vadd.f32 v17, v12;
	_ =	sdelay $0x1  }
0xe1: {  	v62 =	vadd.f32 v61, v15;
	v11 =	vadd.f32 v60, v11;
	v63 =	vmul.f32 v12, v5  }
0xe2: {  	[tilespmem:s14+$0x19100] =	vst v14  }
0xe3: {  	[tilespmem:s14+$0x19380] =	vst v11;
	v11 =	vadd.f32 v63, v62  }
0xe4: {  	s1 =	rddreg [dreg:$0x1a];
	[tilespmem:s20+$0x19100] =	vst v12  }
0xe5: {  	s1 =	sadd.s32 @!p0 s1, s11;
	s11 =	simm.s32 @!p0 $0x0;
	s14 =	simm.s32 @!p0 $0x19100;
	[tilespmem:s20+$0x19380] =	vst v11  }
0xe6: {  	[hbm4b:s1+s11] =	stream.linear.scatter @!p0 [tilespmem:s14], [sflag:$0x4], $0x280, $0x38;
	[tilespmem:$0x1F780] =	vst v63  }
0xe7: {  	s0 =	sadd.s32 $0x1, s0;
	s1 =	simm.s32 @!p0 $0x4  }
0xe8: {  	p1 =	sne.s32 s0, $0xA;
	s20 =	sadd.s32 s17, s30;
	_ =	swait.ge @!p0 [sflag:s1], $0x280  }
0xe9: {  	s30 =	simm.s32 $0x19380;
	s11 =	sshrl.u32 s20, $0x3;
	[sflag:s1] =	ssyncset.done @!p0 $0x0  }
.Ltmp1:
0xea: {  	s28 =	sadd.s32 s18, s11;
	[sflag:s1] =	ssyncadd.s32 @!p0 $0xFFFFFD80;
	(pc) =	sbr.rel @p1 .LBB2_2-.Ltmp1, $4  }
0xeb: {  	[hbm4b:s28+s3] =	stream.linear.scatter [tilespmem:s30], [sflag:$0x4], $0x280, $0x38;
	[tilespmem:$0x1F780] =	vst v63  }
0xec: {  	_ =	swait.ge [sflag:s26], $0x280  }
0xed: {  	[sflag:s26] =	ssyncset.done $0x0  }
0xee: {  	[sflag:s26] =	ssyncadd.s32 $0xFFFFFD80  }
0xef: {  	[bflag:$0x0] =	sbarrier.arrive $0xFFFF  }
0xf0: {  	s30 =	simm.s32 $0x0;
	s0 =	rddreg [dreg:$0x7]  }
0xf1: {  	[tilespmem:s30], [sflag:$0x4] =	stream.linear.gather [hbm4b:s0+s30], $0x186A0, $0x38;
	[tilespmem:$0x1F780] =	vst v63  }
0xf2: {  	_ =	swait.ge [sflag:s26], $0x186A0  }
0xf3: {  	[sflag:s26] =	ssyncset.done $0x0  }
0xf4: {  	[sflag:s26] =	ssyncadd.s32 $0xFFFE7960  }
0xf5: {  	v1 =	vld [tilespmem:$0x1CA00]  }
0xf6: {  	v2 =	vld [tilespmem:$0x1CA80]  }
0xf7: {  	v3 =	vld [tilespmem:$0x1CB00]  }
0xf8: {  	s1 =	simm.s32 $0x19600;
	s28 =	rddreg [dreg:$0x9];
	v4 =	vld [tilespmem:$0x1CB80]  }
0xf9: {  	v5 =	vld [tilespmem:$0x1CC00];
	[tilespmem:s1], [sflag:$0x1] =	stream.linear.gather [hbm4b:s28+s30], $0x400, $0x38  }
0xfa: {  	s15 =	simm.s32 $0x19A00;
	s1 =	rddreg [dreg:$0xa]  }
0xfb: {  	[tilespmem:s15], [sflag:$0x1] =	stream.linear.gather [hbm4b:s1+s30], $0x400, $0x38;
	[tilespmem:$0x1F780] =	vst v63  }
0xfc: {  	s14 =	simm.s32 $0x19E00;
	s11 =	rddreg [dreg:$0xb]  }
0xfd: {  	[tilespmem:s14], [sflag:$0x1] =	stream.linear.gather [hbm4b:s11+s30], $0x400, $0x38;
	[tilespmem:$0x1F780] =	vst v63  }
0xfe: {  	s20 =	rddreg [dreg:$0xc];
	s28 =	simm.s32 $0x1A200  }
0xff: {  	[tilespmem:s28], [sflag:$0x1] =	stream.linear.gather [hbm4b:s20+s30], $0x400, $0x38;
	[tilespmem:$0x1F780] =	vst v63  }
0x100: {  	s11 =	rddreg [dreg:$0xd];
	s14 =	simm.s32 $0x1A600  }
0x101: {  	[tilespmem:s14], [sflag:$0x1] =	stream.linear.gather [hbm4b:s11+s30], $0x400, $0x38;
	[tilespmem:$0x1F780] =	vst v63  }
0x102: {  	s0 =	simm.s32 $0x0;
	s20 =	rddreg [dreg:$0xe];
	s28 =	simm.s32 $0x1AA00  }
0x103: {  	[tilespmem:s28], [sflag:$0x1] =	stream.linear.gather [hbm4b:s20+s30], $0x400, $0x38;
	[tilespmem:$0x1F780] =	vst v63  }
.LBB2_6:
0x104: {  	s11 =	sshll.u32 s0, $0xB  }
0x105: {  	s1 =	sadd.s32 s11, s19  }
0x106: {  	s1 =	sadd.s32 $0x400, s1  }
0x107: {  	s14 =	sshrl.u32 s1, $0x3  }
0x108: {  	s28 =	simm.s32 $0x1AE00;
	s1 =	smin.u32 s1, $0x30D000;
	s20 =	sadd.s32 s7, s14  }
0x109: {  	[tilespmem:s28], [sflag:$0x2] =	stream.linear.gather [hbm4b:s20+s30], $0x400, $0x38;
	[tilespmem:$0x1F780] =	vst v63  }
0x10a: {  	s14 =	sadd.s32 s9, s14;
	s1 =	sshrl.u32 s1, $0x3  }
0x10b: {  	[tilespmem:s31], [sflag:$0x2] =	stream.linear.gather [hbm4b:s14+s30], $0x400, $0x38;
	[tilespmem:$0x1F780] =	vst v63  }
0x10c: {  	s20 =	sadd.s32 s10, s1;
	s28 =	simm.s32 $0x1B600  }
0x10d: {  	[tilespmem:s28], [sflag:$0x2] =	stream.linear.gather [hbm4b:s20+s30], $0x400, $0x38;
	[tilespmem:$0x1F780] =	vst v63  }
0x10e: {  	s20 =	sadd.s32 s12, s1;
	s28 =	simm.s32 $0x1BA00  }
0x10f: {  	[tilespmem:s28], [sflag:$0x2] =	stream.linear.gather [hbm4b:s20+s30], $0x400, $0x38;
	[tilespmem:$0x1F780] =	vst v63  }
0x110: {  	s20 =	sadd.s32 s13, s1;
	s28 =	simm.s32 $0x1BE00  }
0x111: {  	[tilespmem:s28], [sflag:$0x2] =	stream.linear.gather [hbm4b:s20+s30], $0x400, $0x38;
	[tilespmem:$0x1F780] =	vst v63  }
0x112: {  	s1 =	sadd.s32 s2, s1;
	s28 =	simm.s32 $0x1C200  }
0x113: {  	[tilespmem:s28], [sflag:$0x2] =	stream.linear.gather [hbm4b:s1+s30], $0x400, $0x38;
	[tilespmem:$0x1F780] =	vst v63  }
0x114: {  	_ =	swait.ge [sflag:s24], $0x400  }
0x115: {  	[sflag:s24] =	ssyncset.done $0x0  }
0x116: {  	[sflag:s24] =	ssyncadd.s32 $0xFFFFFC00  }
0x117: {  	_ =	swait.ge [sflag:s24], $0x400  }
0x118: {  	[sflag:s24] =	ssyncset.done $0x0  }
0x119: {  	[sflag:s24] =	ssyncadd.s32 $0xFFFFFC00  }
0x11a: {  	_ =	swait.ge [sflag:s24], $0x400  }
0x11b: {  	[sflag:s24] =	ssyncset.done $0x0  }
0x11c: {  	[sflag:s24] =	ssyncadd.s32 $0xFFFFFC00  }
0x11d: {  	_ =	swait.ge [sflag:s24], $0x400  }
0x11e: {  	[sflag:s24] =	ssyncset.done $0x0  }
0x11f: {  	[sflag:s24] =	ssyncadd.s32 $0xFFFFFC00  }
0x120: {  	_ =	swait.ge [sflag:s24], $0x400  }
0x121: {  	[sflag:s24] =	ssyncset.done $0x0  }
0x122: {  	[sflag:s24] =	ssyncadd.s32 $0xFFFFFC00  }
0x123: {  	_ =	swait.ge [sflag:s24], $0x400  }
0x124: {  	[sflag:s24] =	ssyncset.done $0x0  }
0x125: {  	s14 =	simm.s32 $0x0;
	[sflag:s24] =	ssyncadd.s32 $0xFFFFFC00  }
0x126: {  	v6 =	vld [tilespmem:s14+$0x19600];
	_ =	sdelay $0x5  }
0x127: {  	v7 =	vld [tilespmem:s14+$0x19E00];
	_ =	sdelay $0x1  }
0x128: {  	v6 =	vld.idx.msk [tilespmem:v6+s3+$0x0], $0xffff  }
0x129: {  	v8 =	vld [tilespmem:s14+$0x1A200];
	_ =	sdelay $0x1  }
0x12a: {  	v9 =	vld [tilespmem:s14+$0x1A600];
	v7 =	vmul.f32 v7, v1;
	_ =	sdelay $0x1  }
0x12b: {  	v7 =	vadd.f32 v7, v6;
	v6 =	vld [tilespmem:s14+$0x1AA00]  }
0x12c: {  	v8 =	vmul.f32 v8, v2;
	_ =	sdelay $0x1  }
0x12d: {  	s20 =	simm.s32 $0x80;
	s1 =	simm.s32 $0x10;
	v7 =	vadd.f32 v8, v7;
	v8 =	vmul.f32 v9, v3  }
.LBB2_7:
0x12e: {  	p1 =	sne.s32 s20, $0xFC0;
	v9 =	vld [tilespmem:s1+$0x19600]  }
0x12f: {  	v7 =	vadd.f32 v8, v7;
	v6 =	vmul.f32 v6, v4;
	_ =	sdelay $0x1  }
0x130: {  	v6 =	vadd.f32 v6, v7;
	_ =	sdelay $0x1  }
0x131: {  	v6 =	vadd.f32 v6, v5;
	_ =	sdelay $0x1  }
0x132: {  	v7 =	vld [tilespmem:s1+$0x19E00];
	[tilespmem:s14+$0x1C600] =	vst v6;
	s14 =	smov.u32 s1  }
0x133: {  	v8 =	vld.idx.msk [tilespmem:v9+s3+$0x0], $0xffff  }
0x134: {  	v9 =	vld [tilespmem:s14+$0x1A200];
	_ =	sdelay $0x1  }
0x135: {  	v10 =	vld [tilespmem:s14+$0x1A600]  }
.Ltmp2:
0x136: {  	v7 =	vmul.f32 v7, v1;
	(pc) =	sbr.rel @p1 .LBB2_7-.Ltmp2, $3  }
0x137: {  	v6 =	vld [tilespmem:s14+$0x1AA00]  }
0x138: {  	v7 =	vadd.f32 v7, v8;
	v8 =	vmul.f32 v9, v2;
	_ =	sdelay $0x1  }
0x139: {  	s1 =	sshra.s32 s20, $0x2;
	s20 =	sadd.s32 $0x40, s20;
	v7 =	vadd.f32 v8, v7;
	v8 =	vmul.f32 v10, v3  }
0x13a: {  	v9 =	vld [tilespmem:s1+$0x19600]  }
0x13b: {  	v7 =	vadd.f32 v8, v7;
	v6 =	vmul.f32 v6, v4;
	_ =	sdelay $0x1  }
0x13c: {  	v6 =	vadd.f32 v6, v7;
	_ =	sdelay $0x1  }
0x13d: {  	v6 =	vadd.f32 v6, v5;
	_ =	sdelay $0x1  }
0x13e: {  	v7 =	vld [tilespmem:s1+$0x19E00];
	[tilespmem:s14+$0x1C600] =	vst v6  }
0x13f: {  	v6 =	vld.idx.msk [tilespmem:v9+s3+$0x0], $0xffff  }
0x140: {  	v8 =	vld [tilespmem:s1+$0x1A200];
	_ =	sdelay $0x1  }
0x141: {  	v9 =	vld [tilespmem:s1+$0x1A600]  }
0x142: {  	v7 =	vmul.f32 v7, v1  }
0x143: {  	v10 =	vld [tilespmem:s1+$0x1AA00]  }
0x144: {  	v6 =	vadd.f32 v7, v6;
	v7 =	vmul.f32 v8, v2;
	_ =	sdelay $0x1  }
0x145: {  	v6 =	vadd.f32 v7, v6;
	v7 =	vmul.f32 v9, v3;
	_ =	sdelay $0x1  }
0x146: {  	v6 =	vadd.f32 v7, v6;
	v7 =	vmul.f32 v10, v4;
	_ =	sdelay $0x1  }
0x147: {  	v6 =	vadd.f32 v7, v6;
	_ =	sdelay $0x1  }
0x148: {  	v6 =	vadd.f32 v6, v5;
	_ =	sdelay $0x1  }
0x149: {  	p1 =	seq.s32 s0, $0x30;
	[tilespmem:s1+$0x1C600] =	vst v6  }
0x14a: {  	[spmem:s4] =	stream.indirect.scatter.add.f32 [tilespmem:s22], [sflag:$0x3], $0x1, s15, s21, $0xb8;
	[tilespmem:$0x1F780] =	vst v63  }
0x14b: {  	s20 =	simm.s32 @!p1 $0x0;
	s1 =	sadd.s32 @!p1 s11, s25;
	_ =	swait.ge [sflag:s23], $0x400  }
0x14c: {  	s28 =	simm.s32 @!p1 $0x19600;
	s11 =	sshrl.u32 @!p1 s1, $0x3;
	[sflag:s23] =	ssyncset.done $0x0  }
0x14d: {  	s1 =	smin.u32 @!p1 s1, $0x30D000;
	s14 =	sadd.s32 @!p1 s7, s11;
	[sflag:s23] =	ssyncadd.s32 $0xFFFFFC00  }
0x14e: {  	[tilespmem:s28], [sflag:$0x1] =	stream.linear.gather @!p1 [hbm4b:s14+s20], $0x400, $0x38;
	[tilespmem:$0x1F780] =	vst v63  }
0x14f: {  	s11 =	sadd.s32 @!p1 s9, s11;
	s1 =	sshrl.u32 @!p1 s1, $0x3;
	s14 =	simm.s32 @!p1 $0x19A00  }
0x150: {  	[tilespmem:s14], [sflag:$0x1] =	stream.linear.gather @!p1 [hbm4b:s11+s20], $0x400, $0x38;
	[tilespmem:$0x1F780] =	vst v63  }
0x151: {  	s11 =	sadd.s32 @!p1 s10, s1;
	s14 =	simm.s32 @!p1 $0x19E00  }
0x152: {  	[tilespmem:s14], [sflag:$0x1] =	stream.linear.gather @!p1 [hbm4b:s11+s20], $0x400, $0x38;
	[tilespmem:$0x1F780] =	vst v63  }
0x153: {  	s11 =	sadd.s32 @!p1 s12, s1;
	s14 =	simm.s32 @!p1 $0x1A200  }
0x154: {  	[tilespmem:s14], [sflag:$0x1] =	stream.linear.gather @!p1 [hbm4b:s11+s20], $0x400, $0x38;
	[tilespmem:$0x1F780] =	vst v63  }
0x155: {  	s11 =	sadd.s32 @!p1 s13, s1;
	s14 =	simm.s32 @!p1 $0x1A600  }
0x156: {  	[tilespmem:s14], [sflag:$0x1] =	stream.linear.gather @!p1 [hbm4b:s11+s20], $0x400, $0x38;
	[tilespmem:$0x1F780] =	vst v63  }
0x157: {  	s1 =	sadd.s32 @!p1 s2, s1;
	s11 =	simm.s32 @!p1 $0x1AA00  }
0x158: {  	[tilespmem:s11], [sflag:$0x1] =	stream.linear.gather @!p1 [hbm4b:s1+s20], $0x400, $0x38;
	[tilespmem:$0x1F780] =	vst v63  }
0x159: {  	_ =	swait.ge [sflag:s29], $0x400  }
0x15a: {  	[sflag:s29] =	ssyncset.done $0x0  }
0x15b: {  	[sflag:s29] =	ssyncadd.s32 $0xFFFFFC00  }
0x15c: {  	_ =	swait.ge [sflag:s29], $0x400  }
0x15d: {  	[sflag:s29] =	ssyncset.done $0x0  }
0x15e: {  	[sflag:s29] =	ssyncadd.s32 $0xFFFFFC00  }
0x15f: {  	_ =	swait.ge [sflag:s29], $0x400  }
0x160: {  	[sflag:s29] =	ssyncset.done $0x0  }
0x161: {  	[sflag:s29] =	ssyncadd.s32 $0xFFFFFC00  }
0x162: {  	_ =	swait.ge [sflag:s29], $0x400  }
0x163: {  	[sflag:s29] =	ssyncset.done $0x0  }
0x164: {  	[sflag:s29] =	ssyncadd.s32 $0xFFFFFC00  }
0x165: {  	_ =	swait.ge [sflag:s29], $0x400  }
0x166: {  	[sflag:s29] =	ssyncset.done $0x0  }
0x167: {  	[sflag:s29] =	ssyncadd.s32 $0xFFFFFC00  }
0x168: {  	_ =	swait.ge [sflag:s29], $0x400  }
0x169: {  	[sflag:s29] =	ssyncset.done $0x0  }
0x16a: {  	s11 =	simm.s32 $0x0;
	[sflag:s29] =	ssyncadd.s32 $0xFFFFFC00  }
0x16b: {  	v6 =	vld [tilespmem:s11+$0x1AE00];
	_ =	sdelay $0x5  }
0x16c: {  	v7 =	vld [tilespmem:s11+$0x1B600];
	_ =	sdelay $0x1  }
0x16d: {  	v6 =	vld.idx.msk [tilespmem:v6+s3+$0x0], $0xffff  }
0x16e: {  	v8 =	vld [tilespmem:s11+$0x1BA00];
	_ =	sdelay $0x1  }
0x16f: {  	v9 =	vld [tilespmem:s11+$0x1BE00];
	v7 =	vmul.f32 v7, v1;
	_ =	sdelay $0x1  }
0x170: {  	v7 =	vadd.f32 v7, v6;
	v6 =	vld [tilespmem:s11+$0x1C200]  }
0x171: {  	v8 =	vmul.f32 v8, v2;
	_ =	sdelay $0x1  }
0x172: {  	s14 =	simm.s32 $0x80;
	s1 =	simm.s32 $0x10;
	v7 =	vadd.f32 v8, v7;
	v8 =	vmul.f32 v9, v3  }
.LBB2_9:
0x173: {  	p1 =	sne.s32 s14, $0xFC0;
	v9 =	vld [tilespmem:s1+$0x1AE00]  }
0x174: {  	v7 =	vadd.f32 v8, v7;
	v6 =	vmul.f32 v6, v4;
	_ =	sdelay $0x1  }
0x175: {  	v6 =	vadd.f32 v6, v7;
	_ =	sdelay $0x1  }
0x176: {  	v6 =	vadd.f32 v6, v5;
	_ =	sdelay $0x1  }
0x177: {  	v7 =	vld [tilespmem:s1+$0x1B600];
	[tilespmem:s11+$0x1C600] =	vst v6;
	s11 =	smov.u32 s1  }
0x178: {  	v8 =	vld.idx.msk [tilespmem:v9+s3+$0x0], $0xffff  }
0x179: {  	v9 =	vld [tilespmem:s11+$0x1BA00];
	_ =	sdelay $0x1  }
0x17a: {  	v10 =	vld [tilespmem:s11+$0x1BE00]  }
.Ltmp3:
0x17b: {  	v7 =	vmul.f32 v7, v1;
	(pc) =	sbr.rel @p1 .LBB2_9-.Ltmp3, $3  }
0x17c: {  	v6 =	vld [tilespmem:s11+$0x1C200]  }
0x17d: {  	v7 =	vadd.f32 v7, v8;
	v8 =	vmul.f32 v9, v2;
	_ =	sdelay $0x1  }
0x17e: {  	s1 =	sshra.s32 s14, $0x2;
	s14 =	sadd.s32 $0x40, s14;
	v7 =	vadd.f32 v8, v7;
	v8 =	vmul.f32 v10, v3  }
0x17f: {  	v9 =	vld [tilespmem:s1+$0x1AE00]  }
0x180: {  	v7 =	vadd.f32 v8, v7;
	v6 =	vmul.f32 v6, v4;
	_ =	sdelay $0x1  }
0x181: {  	v6 =	vadd.f32 v6, v7;
	_ =	sdelay $0x1  }
0x182: {  	v6 =	vadd.f32 v6, v5;
	_ =	sdelay $0x1  }
0x183: {  	v7 =	vld [tilespmem:s1+$0x1B600];
	[tilespmem:s11+$0x1C600] =	vst v6  }
0x184: {  	v6 =	vld.idx.msk [tilespmem:v9+s3+$0x0], $0xffff  }
0x185: {  	v62 =	vld [tilespmem:s1+$0x1BA00];
	_ =	sdelay $0x1  }
0x186: {  	v63 =	vld [tilespmem:s1+$0x1BE00]  }
0x187: {  	v7 =	vmul.f32 v7, v1  }
0x188: {  	v10 =	vld [tilespmem:s1+$0x1C200]  }
0x189: {  	v6 =	vadd.f32 v7, v6;
	v7 =	vmul.f32 v62, v2;
	_ =	sdelay $0x1  }
0x18a: {  	v6 =	vadd.f32 v7, v6;
	v7 =	vmul.f32 v63, v3;
	_ =	sdelay $0x1  }
0x18b: {  	v6 =	vadd.f32 v7, v6;
	v7 =	vmul.f32 v10, v4;
	_ =	sdelay $0x1  }
0x18c: {  	v6 =	vadd.f32 v7, v6;
	_ =	sdelay $0x1  }
0x18d: {  	s0 =	sadd.s32 $0x1, s0;
	v6 =	vadd.f32 v6, v5  }
0x18e: {  	p1 =	sne.s32 s0, $0x31  }
.Ltmp4:
0x18f: {  	[tilespmem:s1+$0x1C600] =	vst v6;
	(pc) =	sbr.rel @p1 .LBB2_6-.Ltmp4, $4  }
0x190: {  	[spmem:s4] =	stream.indirect.scatter.add.f32 [tilespmem:s22], [sflag:$0x3], $0x1, s31, s21, $0xb8;
	[tilespmem:$0x1F780] =	vst v63  }
0x191: {  	_ =	swait.ge [sflag:s23], $0x400  }
0x192: {  	[sflag:s23] =	ssyncset.done $0x0  }
0x193: {  	[sflag:s23] =	ssyncadd.s32 $0xFFFFFC00  }
0x194: {  	s0 =	stileid.u32;
	[bflag:$0x0] =	sbarrier.arrive $0xFFFF  }
0x195: {  	s0 =	sshll.u32 s0, $0x6;
	s14 =	rddreg [dreg:$0xf]  }
0x196: {  	s11 =	rddreg [dreg:$0x8];
	s0 =	sor.u32 $0x1C04, s0;
	s1 =	sshrl.u32 s14, $0x3  }
0x197: {  	[hbm:s11], [sflag:s0] =	dma.local [spmem:s1], $0x320  }
0x198: {  	_ =	swait.ge [sflag:s26], $0x320  }
0x199: {  	s28 =	rddreg [dreg:$0x1b]  }
0x19a: {  	s30 =	rddreg [dreg:$0x10];
	s1 =	sadd.s32 $0x1, s28  }
0x19b: {  	p1 =	sne.s32 s1, s30  }
.Ltmp5:
0x19c: {  	_ = 	snop;
	(pc) =	sbr.rel @p1 .LBB2_1-.Ltmp5, $3  }
0x19d: {  	_ =	sdelay $0x1  }
0x19e: {  	[sflag:s26] =	ssyncset.done $0x0  }
0x19f: {  	[sflag:s26] =	ssyncadd.s32 $0xFFFFFCE0  }
0x1a0: {  	_ =	sfence.sel $0x180000  }
0x1a1: {  	[bflag:$0x0] =	sbarrier.arrive $0xFFFF  }
0x1a2: {  	_ =	strace $0x9000004D  }
0x1a3: {  	s0 =	stileid.u32;
	[bflag:$0x2] =	sbarrier.arrive $0xFFFF  }
0x1a4: {  	p0 =	sne.s32 s0, $0x0;
	s0 =	rddreg [dreg:$0x4]  }
0x1a5: {  	s0 =	sadd.s32 @!p0 $0x100000, s0  }
0x1a6: {  	[sflag:s0] =	ssyncadd.tile.s32 @!p0 $0x1;
	_ =	shalt  }
.Lfunc_end2:
_tile_overlayer_lowered:
.L_overlay_start_2:
0x1a7: {  	(tag) =	ssettag $0x2  }
0x1a8: {  	s0 =	rddreg [dreg:$0x0];
	s2 =	stileid.u32  }
0x1a9: {  	s1 =	rddreg [dreg:$0x1];
	p0 =	sne.s32 s2, $0x0  }
0x1aa: {  	s3 =	rddreg [dreg:$0x2];
	[bflag:$0x3] =	sbarrier.arrive $0xFFFF;
	s2 =	simm.s32 @!p0 $0x1C04  }
0x1ab: {  	[timem:s3], [sflag:s2] =	dma.local @!p0 [hbm:s0], s1  }
0x1ac: {  	s0 =	simm.s32 @!p0 $0x4  }
0x1ad: {  	_ =	swait.ge @!p0 [sflag:s0], s1  }
0x1ae: {  	s1 =	ssub.s32 @!p0 $0x0, s1;
	[sflag:s0] =	ssyncset.done @!p0 $0x0  }
0x1af: {  	[sflag:s0] =	ssyncadd.s32 @!p0 s1  }
0x1b0: {  	[bflag:$0x3] =	sbarrier.arrive $0xFFFF  }
0x1b1: {  	_ =	shalt  }

// kernel: kernel.15.cloned.1.call-start
scs
__scs_entry_jumppad:
0x0: {  	(pc) =	sbr.rel $0x88, $3  }
0x1: {  	(tag) =	ssettag $0x0;
	lr =	simm.s32 $0x1  }
0x2: {  	[smem:$0x3F9A] =	sst lr;
	_ =	strace $0xD0000000  }
0x3: {  	_ = 	snop  }
0x4: {  	_ = 	snop  }
0x5: {  	_ = 	snop  }
0x6: {  	_ = 	snop  }
0x7: {  	_ = 	snop  }
__scs_overlays_trampoline_lowered:
0x8: {  	[smem:$0x3FA9] =	sst s0  }
0x9: {  	[smem:$0x3FAA] =	sst s1  }
0xa: {  	[smem:$0x3FAB] =	sst s2  }
0xb: {  	[smem:$0x3FAC] =	sst s3  }
0xc: {  	[smem:$0x3FAD] =	sst s4  }
0xd: {  	[smem:$0x3FAE] =	sst s5  }
0xe: {  	[smem:$0x3FAF] =	sst s6  }
0xf: {  	[smem:$0x3FB0] =	sst s7  }
0x10: {  	[smem:$0x3FB1] =	sst s8  }
0x11: {  	[smem:$0x3FB2] =	sst s9;
	s0 =	simm.s32 @!p0 $0x0  }
0x12: {  	s1 =	sld [smem:$0x3F98];
	s0 =	simm.s32 @p0 $0x1  }
0x13: {  	[smem:$0x3FB3] =	sst s0;
	s0 =	simm.s32 @!p1 $0x0  }
0x14: {  	s2 =	sld [smem:$0x3F97];
	s0 =	simm.s32 @p1 $0x1  }
0x15: {  	[smem:$0x3FB4] =	sst s0;
	s0 =	simm.s32 @!p2 $0x0  }
0x16: {  	s3 =	sld [smem:$0x3FDB];
	s0 =	simm.s32 @p2 $0x1  }
0x17: {  	s4 =	simm.s32 $0x1BF5;
	[smem:$0x3FB6] =	sst s0  }
0x18: {  	s0 =	sld [smem:$0x3F99];
	_ =	swait.ge [sflag:s4], $0x0  }
0x19: {  	s7 =	sld [smem:$0x3F9A]  }
0x1a: {  	s8 =	sadd.s32 $0xFFFFE003, lr  }
0x1b: {  	s9 =	sadd.s32 $0xFFFFFEF7, lr;
	s5 =	simm.s32 $0xFFFFFFFF;
	p2 =	slt.u32 s8, $0xFFFFF086  }
0x1c: {  	p1 =	slt.u32 s9, $0xF7A;
	s5 =	simm.s32 @!p2 $0x0  }
0x1d: {  	s5 =	simm.s32 @p1 $0x1;
	p0 =	seq.s32 s7, s2  }
0x1e: {  	s7 =	smul.u32 @!p0 $0xF7A, s2;
	p2 =	seq.s32 @!p0 s5, $0x0  }
0x1f: {  	s9 =	smul.u32 $0xF7A, s1;
	s8 =	simm.s32 @!p0 $0x1BF5;
	p2 =	por !p2, p0  }
0x20: {  	[sflag:s8] =	ssyncset.s32 @!p0 $0xFFFFF086;
	s6 =	sadd.s32 @!p0 s3, s7;
	s7 =	simm.s32 @!p0 $0x108  }
0x21: {  	s3 =	sadd.s32 s3, s9;
	s6 =	sadd.s32 @!p0 $0x88, s6;
	s7 =	simm.s32 @p2 $0x1082  }
0x22: {  	[simem:s7], [sflag:s8] =	dma.local @!p0 [hbm:s6], $0xF7A  }
0x23: {  	s9 =	sor.u32 $0xD0000000, s2;
	s6 =	simm.s32 $0x108;
	_ =	swait.ge @!p0 [sflag:s8], $0x0  }
0x24: {  	s3 =	sadd.s32 $0x88, s3;
	s6 =	simm.s32 @!p1 $0x1082;
	[sflag:s4] =	ssyncset.s32 $0xFFFFF086  }
0x25: {  	[simem:s6], [sflag:s4] =	dma.local [hbm:s3], $0xF7A  }
0x26: {  	[smem:$0x3F9A] =	sst s1;
	(tag) =	ssettag s2;
	_ =	strace s9  }
0x27: {  	s1 =	sld [smem:$0x3FAA]  }
0x28: {  	s2 =	sld [smem:$0x3FAB]  }
0x29: {  	s4 =	sld [smem:$0x3FAD]  }
0x2a: {  	p0 =	seq.s32 s5, $0x0;
	s5 =	sld [smem:$0x3FAE]  }
0x2b: {  	s6 =	sld [smem:$0x3FAF]  }
0x2c: {  	s7 =	sld [smem:$0x3FB0]  }
0x2d: {  	s3 =	simm.s32 $0x108;
	s8 =	sld [smem:$0x3FB1]  }
0x2e: {  	s3 =	simm.s32 @!p0 $0x1082;
	s9 =	sld [smem:$0x3FB2]  }
0x2f: {  	lr =	sadd.s32 s0, s3;
	s0 =	sld [smem:$0x3FA9]  }
0x30: {  	s3 =	sld [smem:$0x3FAC]  }
0x31: {  	[smem:$0x3FB5] =	sst s10  }
0x32: {  	s10 =	sld [smem:$0x3FB3];
	_ =	sdelay $0x3  }
0x33: {  	p0 =	seq.s32 s10, $0x1;
	s10 =	sld [smem:$0x3FB5];
	_ =	sdelay $0x3  }
0x34: {  	[smem:$0x3FB5] =	sst s10  }
0x35: {  	s10 =	sld [smem:$0x3FB4];
	_ =	sdelay $0x3  }
0x36: {  	p1 =	seq.s32 s10, $0x1;
	s10 =	sld [smem:$0x3FB5];
	_ =	sdelay $0x3  }
0x37: {  	[smem:$0x3FB5] =	sst s10  }
0x38: {  	s10 =	sld [smem:$0x3FB6]  }
0x39: {  	_ = 	snop;
	(pc) =	sbr.ind lr, $3  }
0x3a: {  	_ = 	snop  }
0x3b: {  	_ = 	snop  }
0x3c: {  	p2 =	seq.s32 s10, $0x1;
	s10 =	sld [smem:$0x3FB5]  }
0x3d: {  	_ =	shalt  }
0x3e: {  	_ =	shalt  }
0x3f: {  	_ =	shalt  }
0x40: {  	_ =	shalt  }
0x41: {  	_ =	shalt  }
0x42: {  	_ =	shalt  }
0x43: {  	_ =	shalt  }
0x44: {  	_ =	shalt  }
0x45: {  	_ =	shalt  }
0x46: {  	_ =	shalt  }
0x47: {  	_ =	shalt  }
0x48: {  	_ =	shalt  }
0x49: {  	_ =	shalt  }
0x4a: {  	_ =	shalt  }
0x4b: {  	_ =	shalt  }
0x4c: {  	_ =	shalt  }
0x4d: {  	_ =	shalt  }
0x4e: {  	_ =	shalt  }
0x4f: {  	_ =	shalt  }
0x50: {  	_ =	shalt  }
0x51: {  	_ =	shalt  }
0x52: {  	_ =	shalt  }
0x53: {  	_ =	shalt  }
0x54: {  	_ =	shalt  }
0x55: {  	_ =	shalt  }
0x56: {  	_ =	shalt  }
0x57: {  	_ =	shalt  }
0x58: {  	_ =	shalt  }
0x59: {  	_ =	shalt  }
0x5a: {  	_ =	shalt  }
0x5b: {  	_ =	shalt  }
0x5c: {  	_ =	shalt  }
0x5d: {  	_ =	shalt  }
0x5e: {  	_ =	shalt  }
0x5f: {  	_ =	shalt  }
0x60: {  	_ =	shalt  }
0x61: {  	_ =	shalt  }
0x62: {  	_ =	shalt  }
0x63: {  	_ =	shalt  }
0x64: {  	_ =	shalt  }
0x65: {  	_ =	shalt  }
0x66: {  	_ =	shalt  }
0x67: {  	_ =	shalt  }
0x68: {  	_ =	shalt  }
0x69: {  	_ =	shalt  }
0x6a: {  	_ =	shalt  }
0x6b: {  	_ =	shalt  }
0x6c: {  	_ =	shalt  }
0x6d: {  	_ =	shalt  }
0x6e: {  	_ =	shalt  }
0x6f: {  	_ =	shalt  }
0x70: {  	_ =	shalt  }
0x71: {  	_ =	shalt  }
0x72: {  	_ =	shalt  }
0x73: {  	_ =	shalt  }
0x74: {  	_ =	shalt  }
0x75: {  	_ =	shalt  }
0x76: {  	_ =	shalt  }
0x77: {  	_ =	shalt  }
0x78: {  	_ =	shalt  }
0x79: {  	_ =	shalt  }
0x7a: {  	_ =	shalt  }
0x7b: {  	_ =	shalt  }
0x7c: {  	_ =	shalt  }
0x7d: {  	_ =	shalt  }
0x7e: {  	_ =	shalt  }
0x7f: {  	_ =	shalt  }
0x80: {  	_ =	shalt  }
0x81: {  	_ =	shalt  }
0x82: {  	_ =	shalt  }
0x83: {  	_ =	shalt  }
0x84: {  	_ =	shalt  }
0x85: {  	_ =	shalt  }
0x86: {  	_ =	shalt  }
0x87: {  	_ =	shalt  }
.Lfunc_end0:
.L_simem_size_0:
called_computation.3_lowered:
.L_overlay_start_0:
0x88: {  	s2 =	sld [smem:$0x3FD9]  }
0x89: {  	s3 =	sld [smem:$0x3FFE];
	_ =	sdelay $0x1  }
0x8a: {  	s1 =	srdreg.scid  }
0x8b: {  	s0 =	sand.u32 $0x1, s1  }
0x8c: {  	s17 =	sshll.u32 s0, $0xA;
	s2 =	sadd.s32 s3, s2  }
0x8d: {  	s2 =	sadd.s32 s2, s17  }
0x8e: {  	[smem:$0x3FC1] =	sst s2  }
0x8f: {  	_ = 	snop  }
0x90: {  	s2 =	sld [smem:$0x3FD0];
	(tm) =	ssettm $0x1  }
0x91: {  	s18 =	sld [smem:$0x3FFB];
	_ =	sdelay $0x3  }
0x92: {  	_ =	strace s18  }
0x93: {  	s3 =	sld [smem:$0x3FFC];
	_ =	sdelay $0x3  }
0x94: {  	_ =	strace s3  }
0x95: {  	s3 =	sld [smem:$0x3FFD];
	_ =	sdelay $0x3  }
0x96: {  	_ =	strace s3  }
0x97: {  	_ =	strace $0x8FFFFFFF  }
0x98: {  	s19 =	sld [smem:$0x3FDB];
	_ =	sdelay $0x1  }
0x99: {  	s4 =	simm.s32 $_scs_section_size  }
0x9a: {  	s5 =	simm.s32 $_size__tile_overlayer_lowered;
	s6 =	simm.s32 $_tile_overlayer_lowered  }
0x9b: {  	s22 =	simm.s32 $0x1BFF;
	s21 =	sshll.u32 s6, $0x1;
	s3 =	sadd.s32 s4, s19  }
0x9c: {  	s7 =	simm.s32 $0x0;
	s20 =	sshll.u32 s5, $0x1;
	s5 =	sadd.s32 s21, s3  }
0x9d: {  	[timem:s7], [sflag:s22] =	dma.local [hbm:s5], s20  }
0x9e: {  	_ =	swait.ge [sflag:s22], s20  }
0x9f: {  	s4 =	ssub.s32 $0x0, s20;
	[sflag:s22] =	ssyncset.done $0x0  }
0xa0: {  	[sflag:s22] =	ssyncadd.s32 s4;
	_ =	sdelay $0x1  }
0xa1: {  	s23 =	simm.s32 $0x1B8B  }
0xa2: {  	_ =	swait.ge [sflag:s23], $0x1  }
0xa3: {  	[sflag:s23] =	ssyncset.done $0x0  }
0xa4: {  	s25 =	simm.s32 $0x1B8E;
	s24 =	sld [smem:$0x3FFE];
	[sflag:s23] =	ssyncadd.s32 $0xFFFFFFFF  }
0xa5: {  	s26 =	simm.s32 $execute0_lowered;
	[smem:$0x3FD2] =	sst s25  }
0xa6: {  	s5 =	sshll.u32 s26, $0x1;
	_ =	strace $0x8000004F;
	[dreg:$0x1] =	wrdreg $0xFFFFFFFF  }
0xa7: {  	s28 =	simm.s32 $_size_execute0_lowered;
	s3 =	sadd.s32 s3, s5;
	[dreg:$0x0] =	wrdreg $0x0  }
0xa8: {  	s5 =	sshll.u32 s28, $0x1;
	[dreg:$0x2] =	wrdreg s3  }
0xa9: {  	[dreg:$0x3] =	wrdreg s5  }
0xaa: {  	[dreg:$0x4] =	wrdreg $0xC0  }
0xab: {  	_ =	task [dreg:s7], $0x5FFFF  }
0xac: {  	[dreg:$0x1] =	wrdreg $0xFFFFFFFF  }
0xad: {  	[dreg:$0x0] =	wrdreg $0x60  }
0xae: {  	[dreg:$0x2] =	wrdreg s24  }
0xaf: {  	[dreg:$0x3] =	wrdreg s2  }
0xb0: {  	[dreg:$0x4] =	wrdreg $0x9  }
0xb1: {  	_ =	task.clear_ibuf [dreg:s7], $0x5FFFF;
	_ =	strace $0x9000004F  }
0xb2: {  	s29 =	simm.s32 $0x9;
	_ =	strace $0x80000051  }
0xb3: {  	_ =	swait.ge [sflag:s29], $0x1  }
0xb4: {  	[sflag:s29] =	ssyncadd.s32 $0xFFFFFFFF  }
0xb5: {  	_ =	strace $0x90000051  }
0xb6: {  	_ =	sfence  }
0xb7: {  	s30 =	sld [smem:$0x0];
	_ =	sdelay $0x2  }
0xb8: {  	s31 =	sshll.u32 s1, $0xD;
	s1 =	sshrl.u32 s1, $0x2  }
0xb9: {  	s3 =	sand.u32 $0x4000, s31;
	s1 =	sadd.s32 s1, s30  }
0xba: {  	s0 =	sor.u32 s3, s0;
	s1 =	sshll.u32 s1, $0x11  }
0xbb: {  	s0 =	sor.u32 s1, s0  }
0xbc: {  	s0 =	sadd.s32 $0x8F2B, s0  }
0xbd: {  	[sflag:s0] =	ssyncadd.remote.s32 $0x1  }
0xbe: {  	_ =	sfence.sel $0xFFFF  }
0xbf: {  	[dreg:$0x0] =	wrdreg $0xFFFFFFFF;
	(pc) =	sbr.abs _section_cstart, $3  }
0xc0: {  	[dreg:$0x1] =	wrdreg $0xFFFFFFFF  }
0xc1: {  	_ =	task.clear_ibuf [dreg:s7], $0x2FFFF;
	_ =	strace $0x9FFFFFFF  }
0xc2: {  	(tm) =	ssettm $0x7FFFFFFF  }
0xc3: {  	_ =	shalt  }
tec
execute0_lowered:
.L_overlay_start_1:
0x0: {  	(tag) =	ssettag $0x1  }
0x1: {  	s8 =	rddreg [dreg:$0x0]  }
0x2: {  	s1 =	rddreg [dreg:$0x1]  }
0x3: {  	s0 =	rddreg [dreg:$0x2];
	s2 =	simm.s32 $0x0;
	s4 =	srdreg.scid  }
0x4: {  	s12 =	simm.s32 $0x1;
	s13 =	simm.s32 $0xC80;
	s14 =	simm.s32 $0xE00  }
0x5: {  	s15 =	simm.s32 $0x0;
	[smem:$0x7FF] =	sst s2;
	s3 =	sadd.s32 $0x216E00, s8  }
0x6: {  	s5 =	sadd.s32 $0x201A00, s8;
	s6 =	sadd.s32 $0x204E00, s8;
	s7 =	sand.u32 $0x1, s4  }
0x7: {  	s4 =	stileid.u32;
	_ =	strace $0x80000050;
	s9 =	ssub.s32 $0x2, s7  }
0x8: {  	s10 =	sshll.u32 s7, $0x4;
	s7 =	sadd.s32 $0x204C00, s8;
	s11 =	sshrl.u32 s9, $0x1  }
0x9: {  	v1 =	vlaneseq.u32;
	s8 =	sadd.s32 $0x2600, s8;
	s10 =	sor.u32 s4, s10;
	s11 =	ssub.s32 s9, s11  }
0xa: {  	v0 =	vmul.u32 $0x4, v1;
	v1 =	vshrl.u32 v1, $0x2;
	s9 =	smul.u32 $0xC80, s10;
	s10 =	smax.u32 s11, $0x1;
	s11 =	simm.s32 $0x1300  }
.LBB2_1:
0xb: {  	[tilespmem:s11], [sflag:$0x1] =	stream.linear.gather [hbm4b:s7+s2], $0x780, $0x38;
	[tilespmem:$0x1B00] =	vst v63  }
0xc: {  	_ =	swait.ge [sflag:s12], $0x780  }
0xd: {  	[sflag:s12] =	ssyncset.done $0x0  }
0xe: {  	[sflag:s12] =	ssyncadd.s32 $0xFFFFF880  }
0xf: {  	v2 =	vld [tilespmem:$0x1800]  }
0x10: {  	v3 =	vld [tilespmem:$0x1880]  }
0x11: {  	v4 =	vld [tilespmem:$0x1900]  }
0x12: {  	v5 =	vld [tilespmem:$0x1980]  }
0x13: {  	s16 =	simm.s32 $0x0;
	v6 =	vld [tilespmem:$0x1A00]  }
.LBB2_2:
0x14: {  	s17 =	smul.u32 $0x140, s16;
	_ =	sdelay $0x1  }
0x15: {  	s18 =	sadd.s32 s9, s17  }
0x16: {  	s17 =	sshrl.u32 s18, $0x1  }
0x17: {  	s20 =	simm.s32 $0x0;
	s19 =	sadd.s32 s3, s17  }
0x18: {  	[tilespmem:s20], [sflag:$0x1] =	stream.linear.gather [hbm4b:s19+s20], $0x500, $0x38;
	[tilespmem:$0x1B00] =	vst v63  }
0x19: {  	_ =	swait.ge [sflag:s12], $0x500  }
0x1a: {  	s18 =	sshrl.u32 s18, $0x3;
	[sflag:s12] =	ssyncset.done $0x0  }
0x1b: {  	s21 =	simm.s32 $0x500;
	s23 =	sadd.s32 s5, s18;
	[sflag:s12] =	ssyncadd.s32 $0xFFFFFB00  }
0x1c: {  	[tilespmem:s21], [sflag:$0x1] =	stream.linear.gather [hbm4b:s23+s20], $0x140, $0x38;
	[tilespmem:$0x1B00] =	vst v63  }
0x1d: {  	_ =	swait.ge [sflag:s12], $0x140  }
0x1e: {  	[sflag:s12] =	ssyncset.done $0x0  }
0x1f: {  	s22 =	simm.s32 $0x680;
	s24 =	sadd.s32 s1, s18;
	[sflag:s12] =	ssyncadd.s32 $0xFFFFFEC0  }
0x20: {  	[tilespmem:s22], [sflag:$0x1] =	stream.linear.gather [hbm4b:s24+s20], $0x140, $0x38;
	[tilespmem:$0x1B00] =	vst v63  }
0x21: {  	_ =	swait.ge [sflag:s12], $0x140  }
0x22: {  	s25 =	sadd.s32 $0x3200, s18;
	[sflag:s12] =	ssyncset.done $0x0  }
0x23: {  	s23 =	sadd.s32 s1, s25;
	s24 =	simm.s32 $0x800;
	[sflag:s12] =	ssyncadd.s32 $0xFFFFFEC0  }
0x24: {  	[tilespmem:s24], [sflag:$0x1] =	stream.linear.gather [hbm4b:s23+s20], $0x140, $0x38;
	[tilespmem:$0x1B00] =	vst v63  }
0x25: {  	_ =	swait.ge [sflag:s12], $0x140  }
0x26: {  	[sflag:s12] =	ssyncset.done $0x0  }
0x27: {  	s26 =	simm.s32 $0x980;
	s18 =	sadd.s32 s6, s18;
	[sflag:s12] =	ssyncadd.s32 $0xFFFFFEC0  }
0x28: {  	[tilespmem:s26], [sflag:$0x1] =	stream.linear.gather [hbm4b:s18+s20], $0x140, $0x38;
	[tilespmem:$0x1B00] =	vst v63  }
0x29: {  	v7 =	vmov s20;
	_ =	swait.ge [sflag:s12], $0x140  }
0x2a: {  	v7 =	vshll.u32 v7, $0x2;
	[sflag:s12] =	ssyncset.done $0x0  }
0x2b: {  	s29 =	simm.s32 $0xB00;
	v7 =	vor.u32 v0, v7;
	s28 =	sadd.s32 s6, s25;
	[sflag:s12] =	ssyncadd.s32 $0xFFFFFEC0  }
0x2c: {  	v8 =	vor.u32 $0x1, v7;
	[tilespmem:s29], [sflag:$0x1] =	stream.linear.gather [hbm4b:s28+s20], $0x140, $0x38;
	[tilespmem:$0x1B00] =	vst v63  }
0x2d: {  	_ =	swait.ge [sflag:s12], $0x140  }
0x2e: {  	v9 =	vor.u32 $0x2, v7;
	[sflag:s12] =	ssyncset.done $0x0  }
0x2f: {  	[sflag:s12] =	ssyncadd.s32 $0xFFFFFEC0  }
0x30: {  	v10 =	vld.idx.msk [tilespmem:v7+s2+$0x0], $0xffff;
	v7 =	vor.u32 $0x3, v7  }
0x31: {  	v8 =	vld.idx.msk [tilespmem:v8+s2+$0x0], $0xffff;
	_ =	sdelay $0x1  }
0x32: {  	v9 =	vld.idx.msk [tilespmem:v9+s2+$0x0], $0xffff;
	_ =	sdelay $0x1  }
0x33: {  	v7 =	vld.idx.msk [tilespmem:v7+s2+$0x0], $0xffff  }
0x34: {  	v11 =	vld [tilespmem:s26+$0x0];
	v10 =	vmul.f32 v10, v2;
	v8 =	vmul.f32 v8, v3  }
0x35: {  	v12 =	vld [tilespmem:s21+$0x0]  }
0x36: {  	v9 =	vmul.f32 v9, v4;
	v8 =	vadd.f32 v8, v10;
	v10 =	vld [tilespmem:s29+$0x0]  }
0x37: {  	v13 =	vld [tilespmem:s22+$0x0]  }
0x38: {  	v8 =	vadd.f32 v9, v8;
	v7 =	vmul.f32 v7, v5  }
0x39: {  	v9 =	vld [tilespmem:s24+$0x0]  }
0x3a: {  	v7 =	vadd.f32 v7, v8;
	v8 =	vmul.f32 v12, v6  }
0x3b: {  	s30 =	simm.s32 $0x10;
	v10 =	vadd.f32 v10, v11  }
0x3c: {  	v11 =	vmov s30;
	v7 =	vadd.f32 v8, v7;
	v8 =	vadd.f32 v13, v12  }
0x3d: {  	v11 =	vshll.u32 v11, $0x2  }
0x3e: {  	v11 =	vor.u32 v0, v11;
	v8 =	vadd.f32 v9, v8;
	v7 =	vmul.f32 v10, v7  }
0x3f: {  	v9 =	vor.u32 $0x1, v11  }
0x40: {  	v7 =	vadd.f32 v7, v8  }
0x41: {  	s18 =	simm.s32 $0xC80;
	v8 =	vor.u32 $0x2, v11  }
0x42: {  	[tilespmem:s18+$0x0] =	vst v7  }
0x43: {  	v10 =	vor.u32 $0x3, v11;
	v7 =	vld.idx.msk [tilespmem:v11+s2+$0x0], $0xffff  }
0x44: {  	v9 =	vld.idx.msk [tilespmem:v9+s2+$0x0], $0xffff;
	_ =	sdelay $0x1  }
0x45: {  	v8 =	vld.idx.msk [tilespmem:v8+s2+$0x0], $0xffff;
	_ =	sdelay $0x1  }
0x46: {  	v10 =	vld.idx.msk [tilespmem:v10+s2+$0x0], $0xffff  }
0x47: {  	s19 =	simm.s32 $0x990;
	v7 =	vmul.f32 v7, v2;
	v9 =	vmul.f32 v9, v3  }
0x48: {  	s20 =	simm.s32 $0x510;
	v11 =	vld [tilespmem:s19+$0x0]  }
0x49: {  	s21 =	simm.s32 $0xB10;
	v62 =	vld [tilespmem:s20+$0x0];
	v7 =	vadd.f32 v9, v7;
	v8 =	vmul.f32 v8, v4  }
0x4a: {  	s22 =	simm.s32 $0x690;
	v9 =	vld [tilespmem:s21+$0x0]  }
0x4b: {  	v63 =	vld [tilespmem:s22+$0x0];
	v7 =	vadd.f32 v8, v7;
	v8 =	vmul.f32 v10, v5  }
0x4c: {  	s23 =	simm.s32 $0x810  }
0x4d: {  	v14 =	vadd.f32 v8, v7;
	v7 =	vld [tilespmem:s23+$0x0]  }
0x4e: {  	v15 =	vmul.f32 v62, v6  }
0x4f: {  	s31 =	simm.s32 $0x20;
	v8 =	vadd.f32 v9, v11  }
0x50: {  	s24 =	simm.s32 $0x30;
	v10 =	vmov s31;
	v11 =	vadd.f32 v63, v62;
	v9 =	vadd.f32 v15, v14  }
.LBB2_3:
0x51: {  	p0 =	sne.s32 s24, $0x130;
	v10 =	vshll.u32 v10, $0x2  }
0x52: {  	v10 =	vor.u32 v0, v10;
	v7 =	vadd.f32 v7, v11;
	v8 =	vmul.f32 v8, v9  }
0x53: {  	v9 =	vor.u32 $0x1, v10  }
0x54: {  	v7 =	vadd.f32 v8, v7  }
0x55: {  	s18 =	sadd.s32 $0x10, s18;
	v8 =	vor.u32 $0x2, v10  }
0x56: {  	[tilespmem:s18+$0x0] =	vst v7  }
0x57: {  	v7 =	vld.idx.msk [tilespmem:v10+s2+$0x0], $0xffff;
	v10 =	vor.u32 $0x3, v10  }
0x58: {  	v9 =	vld.idx.msk [tilespmem:v9+s2+$0x0], $0xffff;
	_ =	sdelay $0x1  }
0x59: {  	v8 =	vld.idx.msk [tilespmem:v8+s2+$0x0], $0xffff;
	_ =	sdelay $0x1  }
0x5a: {  	v10 =	vld.idx.msk [tilespmem:v10+s2+$0x0], $0xffff  }
0x5b: {  	s19 =	sadd.s32 $0x10, s19  }
0x5c: {  	s20 =	sadd.s32 $0x10, s20;
	v7 =	vmul.f32 v7, v2;
	v9 =	vmul.f32 v9, v3;
	v11 =	vld [tilespmem:s19+$0x0]  }
0x5d: {  	s21 =	sadd.s32 $0x10, s21;
	v12 =	vld [tilespmem:s20+$0x0]  }
0x5e: {  	s22 =	sadd.s32 $0x10, s22;
	v7 =	vadd.f32 v9, v7;
	v8 =	vmul.f32 v8, v4;
	v9 =	vld [tilespmem:s21+$0x0]  }
0x5f: {  	v13 =	vld [tilespmem:s22+$0x0]  }
.Ltmp0:
0x60: {  	s23 =	sadd.s32 $0x10, s23;
	v8 =	vadd.f32 v8, v7;
	v10 =	vmul.f32 v10, v5;
	(pc) =	sbr.rel @p0 .LBB2_3-.Ltmp0, $4  }
0x61: {  	v7 =	vld [tilespmem:s23+$0x0]  }
0x62: {  	v14 =	vadd.f32 v10, v8;
	v15 =	vmul.f32 v12, v6  }
0x63: {  	v8 =	vadd.f32 v9, v11  }
0x64: {  	v10 =	vmov s24;
	s24 =	sadd.s32 $0x10, s24;
	v9 =	vadd.f32 v15, v14;
	v11 =	vadd.f32 v13, v12  }
0x65: {  	v10 =	vshll.u32 v10, $0x2  }
0x66: {  	v10 =	vor.u32 v0, v10;
	v7 =	vadd.f32 v7, v11;
	v8 =	vmul.f32 v8, v9  }
0x67: {  	v9 =	vor.u32 $0x1, v10  }
0x68: {  	v7 =	vadd.f32 v8, v7  }
0x69: {  	s18 =	sadd.s32 $0x10, s18;
	v8 =	vor.u32 $0x2, v10  }
0x6a: {  	[tilespmem:s18+$0x0] =	vst v7  }
0x6b: {  	v7 =	vld.idx.msk [tilespmem:v10+s2+$0x0], $0xffff;
	v10 =	vor.u32 $0x3, v10  }
0x6c: {  	v9 =	vld.idx.msk [tilespmem:v9+s2+$0x0], $0xffff;
	_ =	sdelay $0x1  }
0x6d: {  	v8 =	vld.idx.msk [tilespmem:v8+s2+$0x0], $0xffff;
	_ =	sdelay $0x1  }
0x6e: {  	s19 =	sadd.s32 $0x10, s19;
	v10 =	vld.idx.msk [tilespmem:v10+s2+$0x0], $0xffff  }
0x6f: {  	s20 =	sadd.s32 $0x10, s20;
	v11 =	vld [tilespmem:s19+$0x0];
	v7 =	vmul.f32 v7, v2;
	v9 =	vmul.f32 v9, v3  }
0x70: {  	s24 =	sadd.s32 $0x10, s21;
	v12 =	vld [tilespmem:s20+$0x0]  }
0x71: {  	s25 =	sadd.s32 $0x10, s22;
	v8 =	vmul.f32 v8, v4;
	v7 =	vadd.f32 v9, v7;
	v9 =	vld [tilespmem:s24+$0x0]  }
0x72: {  	v13 =	vld [tilespmem:s25+$0x0]  }
0x73: {  	s26 =	sadd.s32 $0x10, s23;
	v7 =	vadd.f32 v8, v7;
	v8 =	vmul.f32 v10, v5  }
0x74: {  	v10 =	vld [tilespmem:s26+$0x0]  }
0x75: {  	v7 =	vadd.f32 v8, v7;
	v8 =	vmul.f32 v12, v6  }
0x76: {  	v9 =	vadd.f32 v9, v11  }
0x77: {  	v7 =	vadd.f32 v8, v7;
	v8 =	vadd.f32 v13, v12  }
0x78: {  	s28 =	simm.s32 $0x0  }
0x79: {  	v8 =	vadd.f32 v10, v8;
	v7 =	vmul.f32 v9, v7;
	v9 =	vor.u32 s28, v1;
	_ =	sdelay $0x1  }
0x7a: {  	v7 =	vadd.f32 v7, v8  }
0x7b: {  	s18 =	sadd.s32 $0x10, s18  }
0x7c: {  	[tilespmem:s18+$0x0] =	vst v7  }
0x7d: {  	s18 =	simm.s32 $0x20;
	v7 =	vld.idx.msk [tilespmem:v9+s13+$0x0], $0xffff  }
0x7e: {  	v8 =	vld [tilespmem:s18+$0xFFFFFFE0];
	_ =	sdelay $0x1  }
0x7f: {  	s29 =	simm.s32 $0x4  }
0x80: {  	v9 =	vor.u32 s29, v1;
	_ =	sdelay $0x1  }
0x81: {  	v7 =	vadd.f32 v8, v7  }
0x82: {  	s19 =	simm.s32 $0xE20  }
0x83: {  	[tilespmem:s19+$0xFFFFFFE0] =	vst v7  }
0x84: {  	v7 =	vld.idx.msk [tilespmem:v9+s13+$0x0], $0xffff  }
0x85: {  	v8 =	vld [tilespmem:s18+$0xFFFFFFF0];
	_ =	sdelay $0x1  }
0x86: {  	s30 =	simm.s32 $0x8  }
0x87: {  	v9 =	vor.u32 s30, v1;
	_ =	sdelay $0x1  }
0x88: {  	v7 =	vadd.f32 v8, v7;
	_ =	sdelay $0x1  }
0x89: {  	[tilespmem:s19+$0xFFFFFFF0] =	vst v7  }
0x8a: {  	v7 =	vld.idx.msk [tilespmem:v9+s13+$0x0], $0xffff  }
0x8b: {  	v8 =	vld [tilespmem:s18+$0x0];
	_ =	sdelay $0x1  }
0x8c: {  	s31 =	simm.s32 $0xC  }
0x8d: {  	v9 =	vor.u32 s31, v1;
	_ =	sdelay $0x1  }
0x8e: {  	v7 =	vadd.f32 v8, v7;
	_ =	sdelay $0x1  }
0x8f: {  	[tilespmem:s19+$0x0] =	vst v7  }
0x90: {  	v7 =	vld.idx.msk [tilespmem:v9+s13+$0x0], $0xffff  }
0x91: {  	v8 =	vld [tilespmem:s18+$0x10];
	_ =	sdelay $0x1  }
0x92: {  	s22 =	simm.s32 $0x10;
	s21 =	simm.s32 $0x2C;
	s20 =	simm.s32 $0x1C  }
.LBB2_5:
0x93: {  	p0 =	sne.s32 s21, $0x13C;
	v9 =	vor.u32 s22, v1;
	_ =	sdelay $0x1  }
0x94: {  	v7 =	vadd.f32 v8, v7;
	_ =	sdelay $0x1  }
0x95: {  	[tilespmem:s19+$0x10] =	vst v7  }
0x96: {  	s18 =	sadd.s32 $0x40, s18;
	v7 =	vld.idx.msk [tilespmem:v9+s13+$0x0], $0xffff  }
0x97: {  	v8 =	vld [tilespmem:s18+$0xFFFFFFE0];
	_ =	sdelay $0x1  }
0x98: {  	s22 =	sadd.s32 $0xFFFFFFF8, s20  }
0x99: {  	v9 =	vor.u32 s22, v1;
	_ =	sdelay $0x1  }
0x9a: {  	v7 =	vadd.f32 v8, v7  }
0x9b: {  	s19 =	sadd.s32 $0x40, s19  }
0x9c: {  	[tilespmem:s19+$0xFFFFFFE0] =	vst v7  }
0x9d: {  	v7 =	vld.idx.msk [tilespmem:v9+s13+$0x0], $0xffff  }
0x9e: {  	v8 =	vld [tilespmem:s18+$0xFFFFFFF0];
	_ =	sdelay $0x1  }
0x9f: {  	s22 =	sadd.s32 $0xFFFFFFFC, s20  }
0xa0: {  	v9 =	vor.u32 s22, v1;
	_ =	sdelay $0x1  }
0xa1: {  	v7 =	vadd.f32 v8, v7;
	_ =	sdelay $0x1  }
0xa2: {  	[tilespmem:s19+$0xFFFFFFF0] =	vst v7  }
0xa3: {  	v7 =	vld.idx.msk [tilespmem:v9+s13+$0x0], $0xffff  }
0xa4: {  	v8 =	vld [tilespmem:s18+$0x0];
	_ =	sdelay $0x2  }
0xa5: {  	v9 =	vor.u32 s20, v1;
	s20 =	smov.u32 s21;
	_ =	sdelay $0x1  }
0xa6: {  	v7 =	vadd.f32 v8, v7;
	_ =	sdelay $0x1  }
.Ltmp1:
0xa7: {  	[tilespmem:s19+$0x0] =	vst v7;
	(pc) =	sbr.rel @p0 .LBB2_5-.Ltmp1, $3  }
0xa8: {  	v7 =	vld.idx.msk [tilespmem:v9+s13+$0x0], $0xffff  }
0xa9: {  	v8 =	vld [tilespmem:s18+$0x10];
	_ =	sdelay $0x1  }
0xaa: {  	s21 =	sadd.s32 $0x10, s21;
	s22 =	sadd.s32 $0xFFFFFFF4, s20  }
0xab: {  	v9 =	vor.u32 s22, v1;
	_ =	sdelay $0x1  }
0xac: {  	v7 =	vadd.f32 v8, v7;
	_ =	sdelay $0x1  }
0xad: {  	[tilespmem:s19+$0x10] =	vst v7  }
0xae: {  	s18 =	sadd.s32 $0x40, s18;
	v7 =	vld.idx.msk [tilespmem:v9+s13+$0x0], $0xffff  }
0xaf: {  	v8 =	vld [tilespmem:s18+$0xFFFFFFE0];
	_ =	sdelay $0x1  }
0xb0: {  	s21 =	sadd.s32 $0xFFFFFFF8, s20  }
0xb1: {  	v61 =	vor.u32 s21, v1;
	_ =	sdelay $0x1  }
0xb2: {  	v7 =	vadd.f32 v8, v7  }
0xb3: {  	s30 =	sadd.s32 $0x40, s19  }
0xb4: {  	[tilespmem:s30+$0xFFFFFFE0] =	vst v7  }
0xb5: {  	v7 =	vld.idx.msk [tilespmem:v61+s13+$0x0], $0xffff  }
0xb6: {  	v8 =	vld [tilespmem:s18+$0xFFFFFFF0];
	_ =	sdelay $0x1  }
0xb7: {  	s31 =	sadd.s32 $0xFFFFFFFC, s20  }
0xb8: {  	v62 =	vor.u32 s31, v1;
	_ =	sdelay $0x1  }
0xb9: {  	v7 =	vadd.f32 v8, v7;
	_ =	sdelay $0x1  }
0xba: {  	[tilespmem:s30+$0xFFFFFFF0] =	vst v7  }
0xbb: {  	v7 =	vld.idx.msk [tilespmem:v62+s13+$0x0], $0xffff  }
0xbc: {  	v8 =	vld [tilespmem:s18+$0x0];
	_ =	sdelay $0x2  }
0xbd: {  	v63 =	vor.u32 s20, v1;
	_ =	sdelay $0x1  }
0xbe: {  	v7 =	vadd.f32 v8, v7;
	_ =	sdelay $0x1  }
0xbf: {  	[tilespmem:s30+$0x0] =	vst v7  }
0xc0: {  	v7 =	vld.idx.msk [tilespmem:v63+s13+$0x0], $0xffff  }
0xc1: {  	v8 =	vld [tilespmem:s18+$0x10];
	_ =	sdelay $0x4  }
0xc2: {  	s16 =	sadd.s32 $0x1, s16;
	v7 =	vadd.f32 v8, v7  }
0xc3: {  	p0 =	sne.s32 s16, $0xA  }
.Ltmp2:
0xc4: {  	s17 =	sadd.s32 s8, s17;
	[tilespmem:s30+$0x10] =	vst v7;
	(pc) =	sbr.rel @p0 .LBB2_2-.Ltmp2, $4  }
0xc5: {  	[hbm4b:s17+s2] =	stream.linear.scatter [tilespmem:s14], [sflag:$0x1], $0x500, $0x38;
	[tilespmem:$0x1B00] =	vst v63  }
0xc6: {  	_ =	swait.ge [sflag:s12], $0x500  }
0xc7: {  	[sflag:s12] =	ssyncset.done $0x0  }
0xc8: {  	[sflag:s12] =	ssyncadd.s32 $0xFFFFFB00  }
0xc9: {  	s15 =	sadd.s32 $0x1, s15  }
0xca: {  	p0 =	sne.s32 s15, s10  }
.Ltmp3:
0xcb: {  	_ = 	snop;
	(pc) =	sbr.rel @p0 .LBB2_1-.Ltmp3, $1  }
0xcc: {  	_ =	sdelay $0x3  }
0xcd: {  	_ =	sfence.sel $0x180000  }
0xce: {  	[bflag:$0x0] =	sbarrier.arrive $0xFFFF  }
0xcf: {  	p0 =	sne.s32 s4, $0x0;
	_ =	strace $0x90000050  }
0xd0: {  	s0 =	sadd.s32 @!p0 $0x100000, s0;
	[bflag:$0x2] =	sbarrier.arrive $0xFFFF  }
0xd1: {  	[sflag:s0] =	ssyncadd.tile.s32 @!p0 $0x1;
	_ =	shalt  }
.Lfunc_end2:
_tile_overlayer_lowered:
.L_overlay_start_2:
0xd2: {  	(tag) =	ssettag $0x2  }
0xd3: {  	s0 =	rddreg [dreg:$0x0];
	s2 =	stileid.u32  }
0xd4: {  	s1 =	rddreg [dreg:$0x1];
	p0 =	sne.s32 s2, $0x0  }
0xd5: {  	s3 =	rddreg [dreg:$0x2];
	[bflag:$0x3] =	sbarrier.arrive $0xFFFF;
	s2 =	simm.s32 @!p0 $0x1C01  }
0xd6: {  	[timem:s3], [sflag:s2] =	dma.local @!p0 [hbm:s0], s1  }
0xd7: {  	s0 =	simm.s32 @!p0 $0x1  }
0xd8: {  	_ =	swait.ge @!p0 [sflag:s0], s1  }
0xd9: {  	s1 =	ssub.s32 @!p0 $0x0, s1;
	[sflag:s0] =	ssyncset.done @!p0 $0x0  }
0xda: {  	[sflag:s0] =	ssyncadd.s32 @!p0 s1  }
0xdb: {  	[bflag:$0x3] =	sbarrier.arrive $0xFFFF  }
0xdc: {  	_ =	shalt  }

// kernel: kernel.6.cloned.1.call-start
scs
__scs_entry_jumppad:
0x0: {  	(pc) =	sbr.rel $0x88, $3  }
0x1: {  	(tag) =	ssettag $0x0;
	lr =	simm.s32 $0x1  }
0x2: {  	[smem:$0x3F9A] =	sst lr;
	_ =	strace $0xD0000000  }
0x3: {  	_ = 	snop  }
0x4: {  	_ = 	snop  }
0x5: {  	_ = 	snop  }
0x6: {  	_ = 	snop  }
0x7: {  	_ = 	snop  }
__scs_overlays_trampoline_lowered:
0x8: {  	[smem:$0x3FA9] =	sst s0  }
0x9: {  	[smem:$0x3FAA] =	sst s1  }
0xa: {  	[smem:$0x3FAB] =	sst s2  }
0xb: {  	[smem:$0x3FAC] =	sst s3  }
0xc: {  	[smem:$0x3FAD] =	sst s4  }
0xd: {  	[smem:$0x3FAE] =	sst s5  }
0xe: {  	[smem:$0x3FAF] =	sst s6  }
0xf: {  	[smem:$0x3FB0] =	sst s7  }
0x10: {  	[smem:$0x3FB1] =	sst s8  }
0x11: {  	[smem:$0x3FB2] =	sst s9;
	s0 =	simm.s32 @!p0 $0x0  }
0x12: {  	s1 =	sld [smem:$0x3F98];
	s0 =	simm.s32 @p0 $0x1  }
0x13: {  	[smem:$0x3FB3] =	sst s0;
	s0 =	simm.s32 @!p1 $0x0  }
0x14: {  	s2 =	sld [smem:$0x3F97];
	s0 =	simm.s32 @p1 $0x1  }
0x15: {  	[smem:$0x3FB4] =	sst s0;
	s0 =	simm.s32 @!p2 $0x0  }
0x16: {  	s3 =	sld [smem:$0x3FDB];
	s0 =	simm.s32 @p2 $0x1  }
0x17: {  	s4 =	simm.s32 $0x1BF5;
	[smem:$0x3FB6] =	sst s0  }
0x18: {  	s0 =	sld [smem:$0x3F99];
	_ =	swait.ge [sflag:s4], $0x0  }
0x19: {  	s7 =	sld [smem:$0x3F9A]  }
0x1a: {  	s8 =	sadd.s32 $0xFFFFE003, lr  }
0x1b: {  	s9 =	sadd.s32 $0xFFFFFEF7, lr;
	s5 =	simm.s32 $0xFFFFFFFF;
	p2 =	slt.u32 s8, $0xFFFFF086  }
0x1c: {  	p1 =	slt.u32 s9, $0xF7A;
	s5 =	simm.s32 @!p2 $0x0  }
0x1d: {  	s5 =	simm.s32 @p1 $0x1;
	p0 =	seq.s32 s7, s2  }
0x1e: {  	s7 =	smul.u32 @!p0 $0xF7A, s2;
	p2 =	seq.s32 @!p0 s5, $0x0  }
0x1f: {  	s9 =	smul.u32 $0xF7A, s1;
	s8 =	simm.s32 @!p0 $0x1BF5;
	p2 =	por !p2, p0  }
0x20: {  	[sflag:s8] =	ssyncset.s32 @!p0 $0xFFFFF086;
	s6 =	sadd.s32 @!p0 s3, s7;
	s7 =	simm.s32 @!p0 $0x108  }
0x21: {  	s3 =	sadd.s32 s3, s9;
	s6 =	sadd.s32 @!p0 $0x88, s6;
	s7 =	simm.s32 @p2 $0x1082  }
0x22: {  	[simem:s7], [sflag:s8] =	dma.local @!p0 [hbm:s6], $0xF7A  }
0x23: {  	s9 =	sor.u32 $0xD0000000, s2;
	s6 =	simm.s32 $0x108;
	_ =	swait.ge @!p0 [sflag:s8], $0x0  }
0x24: {  	s3 =	sadd.s32 $0x88, s3;
	s6 =	simm.s32 @!p1 $0x1082;
	[sflag:s4] =	ssyncset.s32 $0xFFFFF086  }
0x25: {  	[simem:s6], [sflag:s4] =	dma.local [hbm:s3], $0xF7A  }
0x26: {  	[smem:$0x3F9A] =	sst s1;
	(tag) =	ssettag s2;
	_ =	strace s9  }
0x27: {  	s1 =	sld [smem:$0x3FAA]  }
0x28: {  	s2 =	sld [smem:$0x3FAB]  }
0x29: {  	s4 =	sld [smem:$0x3FAD]  }
0x2a: {  	p0 =	seq.s32 s5, $0x0;
	s5 =	sld [smem:$0x3FAE]  }
0x2b: {  	s6 =	sld [smem:$0x3FAF]  }
0x2c: {  	s7 =	sld [smem:$0x3FB0]  }
0x2d: {  	s3 =	simm.s32 $0x108;
	s8 =	sld [smem:$0x3FB1]  }
0x2e: {  	s3 =	simm.s32 @!p0 $0x1082;
	s9 =	sld [smem:$0x3FB2]  }
0x2f: {  	lr =	sadd.s32 s0, s3;
	s0 =	sld [smem:$0x3FA9]  }
0x30: {  	s3 =	sld [smem:$0x3FAC]  }
0x31: {  	[smem:$0x3FB5] =	sst s10  }
0x32: {  	s10 =	sld [smem:$0x3FB3];
	_ =	sdelay $0x3  }
0x33: {  	p0 =	seq.s32 s10, $0x1;
	s10 =	sld [smem:$0x3FB5];
	_ =	sdelay $0x3  }
0x34: {  	[smem:$0x3FB5] =	sst s10  }
0x35: {  	s10 =	sld [smem:$0x3FB4];
	_ =	sdelay $0x3  }
0x36: {  	p1 =	seq.s32 s10, $0x1;
	s10 =	sld [smem:$0x3FB5];
	_ =	sdelay $0x3  }
0x37: {  	[smem:$0x3FB5] =	sst s10  }
0x38: {  	s10 =	sld [smem:$0x3FB6]  }
0x39: {  	_ = 	snop;
	(pc) =	sbr.ind lr, $3  }
0x3a: {  	_ = 	snop  }
0x3b: {  	_ = 	snop  }
0x3c: {  	p2 =	seq.s32 s10, $0x1;
	s10 =	sld [smem:$0x3FB5]  }
0x3d: {  	_ =	shalt  }
0x3e: {  	_ =	shalt  }
0x3f: {  	_ =	shalt  }
0x40: {  	_ =	shalt  }
0x41: {  	_ =	shalt  }
0x42: {  	_ =	shalt  }
0x43: {  	_ =	shalt  }
0x44: {  	_ =	shalt  }
0x45: {  	_ =	shalt  }
0x46: {  	_ =	shalt  }
0x47: {  	_ =	shalt  }
0x48: {  	_ =	shalt  }
0x49: {  	_ =	shalt  }
0x4a: {  	_ =	shalt  }
0x4b: {  	_ =	shalt  }
0x4c: {  	_ =	shalt  }
0x4d: {  	_ =	shalt  }
0x4e: {  	_ =	shalt  }
0x4f: {  	_ =	shalt  }
0x50: {  	_ =	shalt  }
0x51: {  	_ =	shalt  }
0x52: {  	_ =	shalt  }
0x53: {  	_ =	shalt  }
0x54: {  	_ =	shalt  }
0x55: {  	_ =	shalt  }
0x56: {  	_ =	shalt  }
0x57: {  	_ =	shalt  }
0x58: {  	_ =	shalt  }
0x59: {  	_ =	shalt  }
0x5a: {  	_ =	shalt  }
0x5b: {  	_ =	shalt  }
0x5c: {  	_ =	shalt  }
0x5d: {  	_ =	shalt  }
0x5e: {  	_ =	shalt  }
0x5f: {  	_ =	shalt  }
0x60: {  	_ =	shalt  }
0x61: {  	_ =	shalt  }
0x62: {  	_ =	shalt  }
0x63: {  	_ =	shalt  }
0x64: {  	_ =	shalt  }
0x65: {  	_ =	shalt  }
0x66: {  	_ =	shalt  }
0x67: {  	_ =	shalt  }
0x68: {  	_ =	shalt  }
0x69: {  	_ =	shalt  }
0x6a: {  	_ =	shalt  }
0x6b: {  	_ =	shalt  }
0x6c: {  	_ =	shalt  }
0x6d: {  	_ =	shalt  }
0x6e: {  	_ =	shalt  }
0x6f: {  	_ =	shalt  }
0x70: {  	_ =	shalt  }
0x71: {  	_ =	shalt  }
0x72: {  	_ =	shalt  }
0x73: {  	_ =	shalt  }
0x74: {  	_ =	shalt  }
0x75: {  	_ =	shalt  }
0x76: {  	_ =	shalt  }
0x77: {  	_ =	shalt  }
0x78: {  	_ =	shalt  }
0x79: {  	_ =	shalt  }
0x7a: {  	_ =	shalt  }
0x7b: {  	_ =	shalt  }
0x7c: {  	_ =	shalt  }
0x7d: {  	_ =	shalt  }
0x7e: {  	_ =	shalt  }
0x7f: {  	_ =	shalt  }
0x80: {  	_ =	shalt  }
0x81: {  	_ =	shalt  }
0x82: {  	_ =	shalt  }
0x83: {  	_ =	shalt  }
0x84: {  	_ =	shalt  }
0x85: {  	_ =	shalt  }
0x86: {  	_ =	shalt  }
0x87: {  	_ =	shalt  }
.Lfunc_end0:
.L_simem_size_0:
called_computation_lowered:
.L_overlay_start_0:
0x88: {  	s2 =	sld [smem:$0x3FD9]  }
0x89: {  	s3 =	sld [smem:$0x3FFE];
	_ =	sdelay $0x1  }
0x8a: {  	s1 =	srdreg.scid  }
0x8b: {  	s0 =	sand.u32 $0x1, s1  }
0x8c: {  	s17 =	sshll.u32 s0, $0xA;
	s2 =	sadd.s32 s3, s2  }
0x8d: {  	s2 =	sadd.s32 s2, s17  }
0x8e: {  	[smem:$0x3FC1] =	sst s2  }
0x8f: {  	_ = 	snop  }
0x90: {  	s2 =	sld [smem:$0x3FC5]  }
0x91: {  	s18 =	sld [smem:$0x3FD0];
	(tm) =	ssettm $0x1  }
0x92: {  	s4 =	sld [smem:$0x3FFB];
	_ =	sdelay $0x3  }
0x93: {  	_ =	strace s4  }
0x94: {  	s4 =	sld [smem:$0x3FFC];
	_ =	sdelay $0x3  }
0x95: {  	_ =	strace s4  }
0x96: {  	s4 =	sld [smem:$0x3FFD];
	_ =	sdelay $0x3  }
0x97: {  	_ =	strace s4  }
0x98: {  	_ =	strace $0x8FFFFFFF  }
0x99: {  	s19 =	sld [smem:$0x3FDB];
	_ =	sdelay $0x1  }
0x9a: {  	s5 =	simm.s32 $_scs_section_size  }
0x9b: {  	s6 =	simm.s32 $_size__tile_overlayer_lowered;
	s7 =	simm.s32 $_tile_overlayer_lowered  }
0x9c: {  	s22 =	simm.s32 $0x1BFF;
	s21 =	sshll.u32 s7, $0x1;
	s4 =	sadd.s32 s5, s19  }
0x9d: {  	s8 =	simm.s32 $0x0;
	s20 =	sshll.u32 s6, $0x1;
	s6 =	sadd.s32 s21, s4  }
0x9e: {  	[timem:s8], [sflag:s22] =	dma.local [hbm:s6], s20  }
0x9f: {  	_ =	swait.ge [sflag:s22], s20  }
0xa0: {  	s5 =	ssub.s32 $0x0, s20;
	[sflag:s22] =	ssyncset.done $0x0  }
0xa1: {  	[sflag:s22] =	ssyncadd.s32 s5;
	_ =	sdelay $0x1  }
0xa2: {  	s23 =	simm.s32 $0x1B8B  }
0xa3: {  	_ =	swait.ge [sflag:s23], $0x1  }
0xa4: {  	[sflag:s23] =	ssyncset.done $0x0  }
0xa5: {  	s25 =	simm.s32 $0x1B8E;
	s24 =	sld [smem:$0x3FFE];
	[sflag:s23] =	ssyncadd.s32 $0xFFFFFFFF  }
0xa6: {  	s26 =	simm.s32 $execute0_lowered;
	[smem:$0x3FD2] =	sst s25  }
0xa7: {  	s6 =	sshll.u32 s26, $0x1;
	_ =	strace $0x80000046;
	[dreg:$0x1] =	wrdreg $0xFFFFFFFF  }
0xa8: {  	s28 =	simm.s32 $_size_execute0_lowered;
	s4 =	sadd.s32 s4, s6;
	[dreg:$0x0] =	wrdreg $0x0  }
0xa9: {  	s6 =	sshll.u32 s28, $0x1;
	[dreg:$0x2] =	wrdreg s4  }
0xaa: {  	[dreg:$0x3] =	wrdreg s6  }
0xab: {  	[dreg:$0x4] =	wrdreg $0xC0  }
0xac: {  	_ =	task [dreg:s8], $0x5FFFF  }
0xad: {  	[dreg:$0x1] =	wrdreg $0xFFFFFFFF  }
0xae: {  	[dreg:$0x0] =	wrdreg $0x60  }
0xaf: {  	[dreg:$0x2] =	wrdreg s24  }
0xb0: {  	[dreg:$0x3] =	wrdreg s2  }
0xb1: {  	[dreg:$0x4] =	wrdreg s18  }
0xb2: {  	[dreg:$0x5] =	wrdreg $0x1CC000  }
0xb3: {  	[dreg:$0x6] =	wrdreg $0x1E5000  }
0xb4: {  	[dreg:$0x7] =	wrdreg $0x9  }
0xb5: {  	_ =	task.clear_ibuf [dreg:s8], $0x8FFFF;
	_ =	strace $0x90000046  }
0xb6: {  	s29 =	simm.s32 $0x9;
	_ =	strace $0x80000048  }
0xb7: {  	_ =	swait.ge [sflag:s29], $0x1  }
0xb8: {  	[sflag:s29] =	ssyncadd.s32 $0xFFFFFFFF  }
0xb9: {  	_ =	strace $0x90000048  }
0xba: {  	_ =	sfence  }
0xbb: {  	s30 =	sld [smem:$0x0];
	_ =	sdelay $0x2  }
0xbc: {  	s31 =	sshll.u32 s1, $0xD;
	s1 =	sshrl.u32 s1, $0x2  }
0xbd: {  	s3 =	sand.u32 $0x4000, s31;
	s1 =	sadd.s32 s1, s30  }
0xbe: {  	s0 =	sor.u32 s3, s0;
	s1 =	sshll.u32 s1, $0x11  }
0xbf: {  	s0 =	sor.u32 s1, s0  }
0xc0: {  	s0 =	sadd.s32 $0x8F2B, s0  }
0xc1: {  	[sflag:s0] =	ssyncadd.remote.s32 $0x1  }
0xc2: {  	_ =	sfence.sel $0xFFFF  }
0xc3: {  	[dreg:$0x0] =	wrdreg $0xFFFFFFFF;
	(pc) =	sbr.abs _section_cstart, $3  }
0xc4: {  	[dreg:$0x1] =	wrdreg $0xFFFFFFFF  }
0xc5: {  	_ =	task.clear_ibuf [dreg:s8], $0x2FFFF;
	_ =	strace $0x9FFFFFFF  }
0xc6: {  	(tm) =	ssettm $0x7FFFFFFF  }
0xc7: {  	_ =	shalt  }
tec
execute0_lowered:
.L_overlay_start_1:
0x0: {  	(tag) =	ssettag $0x1  }
0x1: {  	s10 =	rddreg [dreg:$0x0];
	s0 =	srdreg.scid  }
0x2: {  	s2 =	stileid.u32;
	s1 =	simm.s32 $0x0;
	s28 =	rddreg [dreg:$0x4]  }
0x3: {  	s9 =	sand.u32 $0x1, s0;
	s2 =	smul.u32 $0x1900, s2;
	[smem:$0x7FF] =	sst s1  }
0x4: {  	s0 =	sadd.s32 $0x201C00, s10;
	s30 =	sadd.s32 $0x5400, s10;
	s3 =	ssub.s32 $0x2, s9  }
0x5: {  	s31 =	sadd.s32 $0x137600, s10;
	p0 =	sne.s32 s9, $0x0;
	s4 =	sshrl.u32 s3, $0x1  }
0x6: {  	s8 =	sshrl.u32 s2, $0x3;
	s12 =	sadd.s32 $0x280, s2;
	s5 =	sadd.s32 $0x3C0, s2  }
0x7: {  	s29 =	sadd.s32 $0x1400, s2;
	s3 =	ssub.s32 s3, s4;
	[smem:$0x7CD] =	sst s12  }
0x8: {  	s8 =	sadd.s32 s0, s8;
	[smem:$0x7CE] =	sst s5;
	s13 =	sshrl.u32 s12, $0x3  }
0x9: {  	s14 =	sshrl.u32 s5, $0x3;
	s12 =	sadd.s32 $0x500, s2;
	[smem:$0x7FA] =	sst s3  }
0xa: {  	[dreg:$0x6] =	wrdreg s8;
	s8 =	sadd.s32 $0x140, s2;
	s15 =	sadd.s32 s0, s14  }
0xb: {  	s16 =	sshrl.u32 s12, $0x3;
	s14 =	sadd.s32 $0xB40, s2;
	s11 =	sshrl.u32 s8, $0x3  }
0xc: {  	[dreg:$0x9] =	wrdreg s15;
	s15 =	sadd.s32 $0x8C0, s2;
	s22 =	sshrl.u32 s14, $0x3  }
0xd: {  	s3 =	sadd.s32 s0, s11;
	s11 =	sadd.s32 $0x780, s2;
	s20 =	sshrl.u32 s15, $0x3  }
0xe: {  	s23 =	sadd.s32 s0, s22;
	s22 =	sadd.s32 $0x1040, s2;
	[dreg:$0x7] =	wrdreg s3  }
0xf: {  	s3 =	sadd.s32 s0, s13;
	s13 =	sadd.s32 $0x640, s2;
	[dreg:$0xf] =	wrdreg s23  }
0x10: {  	s18 =	sshrl.u32 s11, $0x3;
	[dreg:$0x8] =	wrdreg s3;
	s3 =	sadd.s32 s0, s16  }
0x11: {  	s17 =	sshrl.u32 s13, $0x3;
	s19 =	sadd.s32 s0, s18;
	s16 =	sadd.s32 $0xA00, s2  }
0x12: {  	s18 =	sadd.s32 $0xC80, s2;
	[dreg:$0xa] =	wrdreg s3;
	s3 =	sadd.s32 s0, s17  }
0x13: {  	[dreg:$0xc] =	wrdreg s19;
	s21 =	sshrl.u32 s16, $0x3;
	s24 =	sshrl.u32 s18, $0x3  }
0x14: {  	s17 =	sadd.s32 $0xF00, s2;
	[dreg:$0xb] =	wrdreg s3;
	s3 =	sadd.s32 s0, s20  }
0x15: {  	s26 =	sshrl.u32 s17, $0x3;
	[dreg:$0xd] =	wrdreg s3;
	s3 =	sadd.s32 s0, s21  }
0x16: {  	s20 =	sadd.s32 $0xDC0, s2;
	s5 =	sadd.s32 s0, s26;
	[dreg:$0xe] =	wrdreg s3  }
0x17: {  	s21 =	sadd.s32 $0x12C0, s2;
	s3 =	sadd.s32 s0, s24;
	[dreg:$0x12] =	wrdreg s5  }
0x18: {  	s25 =	sshrl.u32 s20, $0x3;
	s19 =	sshrl.u32 s21, $0x3;
	[dreg:$0x10] =	wrdreg s3  }
0x19: {  	s3 =	sadd.s32 s0, s25;
	s23 =	sadd.s32 s0, s19;
	s19 =	rddreg [dreg:$0x1]  }
0x1a: {  	s6 =	sshrl.u32 s22, $0x3;
	s26 =	sadd.s32 $0x1180, s2;
	[dreg:$0x11] =	wrdreg s3  }
0x1b: {  	s7 =	sshrl.u32 s26, $0x3;
	s24 =	sshrl.u32 s29, $0x3;
	[dreg:$0x15] =	wrdreg s23  }
0x1c: {  	s5 =	sadd.s32 $0x17C0, s2;
	s3 =	sadd.s32 s0, s6;
	s23 =	rddreg [dreg:$0x3]  }
0x1d: {  	s6 =	sadd.s32 $0x1540, s2;
	[dreg:$0x13] =	wrdreg s3;
	s3 =	sadd.s32 s0, s7  }
0x1e: {  	s25 =	sshrl.u32 s6, $0x3;
	s7 =	sadd.s32 $0x1680, s2;
	[dreg:$0x14] =	wrdreg s3  }
0x1f: {  	s3 =	sadd.s32 s0, s24;
	s24 =	smul.u32 $0x19000, s9;
	s4 =	sshrl.u32 s7, $0x3  }
0x20: {  	[dreg:$0x16] =	wrdreg s3;
	s3 =	sadd.s32 s0, s25;
	s25 =	sshrl.u32 s5, $0x3  }
0x21: {  	[dreg:$0x17] =	wrdreg s3;
	s3 =	sadd.s32 s0, s4;
	s0 =	sadd.s32 s0, s25  }
0x22: {  	s4 =	sadd.s32 s2, s24;
	s25 =	sadd.s32 $0x199600, s10;
	[dreg:$0x18] =	wrdreg s3  }
0x23: {  	[dreg:$0x19] =	wrdreg s0;
	s0 =	sshrl.u32 s4, $0x3;
	s3 =	sadd.s32 $0x73800, s10  }
0x24: {  	s4 =	sadd.s32 $0x11C00, s10;
	_ =	strace $0x80000047;
	s0 =	sadd.s32 s0, s10  }
0x25: {  	[smem:$0x7F7] =	sst s0;
	s0 =	sadd.s32 $0xD5400, s10;
	s10 =	sadd.s32 $0x1FB600, s10  }
0x26: {  	s9 =	sshll.u32 s9, $0x4;
	[dreg:$0x1a] =	wrdreg s10;
	s10 =	stileid.u32  }
0x27: {  	s9 =	sor.u32 s10, s9;
	s10 =	sadd.s32 s8, s23  }
0x28: {  	[dreg:$0x1b] =	wrdreg s10  }
0x29: {  	s10 =	sld [smem:$0x7CD];
	_ =	sdelay $0x1  }
0x2a: {  	s8 =	sadd.s32 s8, s28  }
0x2b: {  	[dreg:$0x1c] =	wrdreg s8;
	s8 =	sadd.s32 s10, s23;
	s10 =	sadd.s32 s10, s28  }
0x2c: {  	[dreg:$0x1e] =	wrdreg s10  }
0x2d: {  	s10 =	sld [smem:$0x7CE];
	_ =	sdelay $0x2  }
0x2e: {  	[dreg:$0x1d] =	wrdreg s8;
	s8 =	sadd.s32 s10, s23  }
0x2f: {  	s10 =	sadd.s32 s10, s28;
	[dreg:$0x1f] =	wrdreg s8  }
0x30: {  	[smem:$0x7CF] =	sst s10;
	s10 =	sadd.s32 s12, s23  }
0x31: {  	[smem:$0x7D0] =	sst s10;
	s10 =	sadd.s32 s12, s28  }
0x32: {  	s12 =	sadd.s32 s13, s23;
	[smem:$0x7D1] =	sst s10  }
0x33: {  	s13 =	sadd.s32 s13, s28;
	[smem:$0x7D2] =	sst s12  }
0x34: {  	[smem:$0x7D3] =	sst s13;
	s10 =	sadd.s32 s11, s23  }
0x35: {  	s12 =	sadd.s32 s11, s28;
	[smem:$0x7D4] =	sst s10  }
0x36: {  	s13 =	sadd.s32 s15, s23;
	[smem:$0x7D5] =	sst s12  }
0x37: {  	s11 =	sadd.s32 s16, s23;
	[smem:$0x7D6] =	sst s13  }
0x38: {  	s10 =	sadd.s32 s15, s28;
	[smem:$0x7D8] =	sst s11  }
0x39: {  	s12 =	sadd.s32 s16, s28;
	[smem:$0x7D7] =	sst s10  }
0x3a: {  	s13 =	sadd.s32 s14, s23;
	[smem:$0x7D9] =	sst s12  }
0x3b: {  	s14 =	sadd.s32 s14, s28;
	[smem:$0x7DA] =	sst s13  }
0x3c: {  	s15 =	sadd.s32 s18, s23;
	[smem:$0x7DB] =	sst s14  }
0x3d: {  	s16 =	sadd.s32 s18, s28;
	[smem:$0x7DC] =	sst s15  }
0x3e: {  	s18 =	sadd.s32 s20, s23;
	[smem:$0x7DD] =	sst s16  }
0x3f: {  	s11 =	sadd.s32 s17, s23;
	[smem:$0x7DE] =	sst s18  }
0x40: {  	s10 =	sadd.s32 s20, s28;
	[smem:$0x7E0] =	sst s11  }
0x41: {  	s12 =	sadd.s32 s17, s28;
	[smem:$0x7DF] =	sst s10  }
0x42: {  	s13 =	sadd.s32 s22, s23;
	[smem:$0x7E1] =	sst s12  }
0x43: {  	s14 =	sadd.s32 s22, s28;
	[smem:$0x7E2] =	sst s13  }
0x44: {  	s15 =	sadd.s32 s26, s23;
	[smem:$0x7E3] =	sst s14  }
0x45: {  	s16 =	sadd.s32 s26, s28;
	[smem:$0x7E4] =	sst s15  }
0x46: {  	s17 =	sadd.s32 s21, s23;
	[smem:$0x7E5] =	sst s16  }
0x47: {  	s18 =	sadd.s32 s21, s28;
	[smem:$0x7E6] =	sst s17  }
0x48: {  	s20 =	sadd.s32 s29, s23;
	[smem:$0x7E7] =	sst s18  }
0x49: {  	s21 =	sadd.s32 s29, s28;
	[smem:$0x7E8] =	sst s20  }
0x4a: {  	s22 =	sadd.s32 s6, s23;
	[smem:$0x7E9] =	sst s21  }
0x4b: {  	s6 =	sadd.s32 s6, s28;
	[smem:$0x7EA] =	sst s22  }
0x4c: {  	s26 =	sadd.s32 s7, s23;
	[smem:$0x7EB] =	sst s6  }
0x4d: {  	s7 =	sadd.s32 s7, s28;
	[smem:$0x7EC] =	sst s26  }
0x4e: {  	[smem:$0x7ED] =	sst s7  }
0x4f: {  	s12 =	rddreg [dreg:$0x2]  }
0x50: {  	s20 =	sld [smem:$0x7F7]  }
0x51: {  	s6 =	smul.u32 $0x18800, s9;
	s9 =	sadd.s32 s5, s23;
	s26 =	sld [smem:$0x7FA]  }
0x52: {  	s5 =	sadd.s32 s5, s28;
	s10 =	sshrl.u32 s24, $0x3;
	[smem:$0x7EE] =	sst s9  }
0x53: {  	[smem:$0x7EF] =	sst s5;
	s5 =	sadd.s32 s12, s10  }
0x54: {  	s10 =	sadd.s32 s2, s23;
	[smem:$0x7F0] =	sst s5  }
0x55: {  	s12 =	sadd.s32 s2, s28;
	s11 =	sshrl.u32 s6, $0x3;
	[smem:$0x7FC] =	sst s10  }
0x56: {  	[smem:$0x7FD] =	sst s12;
	s13 =	sadd.s32 s31, s11  }
0x57: {  	s14 =	sadd.s32 s25, s11;
	[smem:$0x7F1] =	sst s13  }
0x58: {  	s15 =	sadd.s32 s0, s11;
	[smem:$0x7F2] =	sst s14  }
0x59: {  	s16 =	sadd.s32 s3, s11;
	[smem:$0x7F3] =	sst s15  }
0x5a: {  	s17 =	sadd.s32 s4, s11;
	[smem:$0x7F4] =	sst s16  }
0x5b: {  	s18 =	sadd.s32 s19, s11;
	[smem:$0x7F5] =	sst s17  }
0x5c: {  	s21 =	sadd.s32 $0x1FB800, s20;
	[smem:$0x7F6] =	sst s18  }
0x5d: {  	s8 =	simm.s32 $0x1AC00;
	s22 =	sadd.s32 $0x204E00, s20;
	[smem:$0x7F8] =	sst s21  }
0x5e: {  	s29 =	simm.s32 $0x2;
	s5 =	smax.u32 s26, $0x1;
	[smem:$0x7F9] =	sst s22  }
0x5f: {  	s7 =	simm.s32 $0x0;
	s20 =	simm.s32 $0x1C000;
	[smem:$0x7FB] =	sst s5  }
0x60: {  	s15 =	sadd.s32 $0x800, s6;
	s18 =	simm.s32 $0x4;
	s22 =	simm.s32 $0x1  }
0x61: {  	v0 =	vimm.f32 $0.0e+00;
	v1 =	vimm.f32 $1.000000000e+00;
	s16 =	simm.s32 $0x19400;
	s14 =	simm.s32 $0x400;
	s21 =	simm.s32 $0x3  }
.LBB2_1:
0x62: {  	[smem:$0x7CC] =	sst s7  }
0x63: {  	s5 =	rddreg [dreg:$0x1a];
	s26 =	simm.s32 $0x1C400  }
0x64: {  	[tilespmem:s26], [sflag:$0x4] =	stream.linear.gather [hbm4b:s5+s1], $0x780, $0x38;
	[tilespmem:$0x1FE00] =	vst v63  }
0x65: {  	_ =	swait.ge [sflag:s18], $0x780  }
0x66: {  	[sflag:s18] =	ssyncset.done $0x0  }
0x67: {  	[sflag:s18] =	ssyncadd.s32 $0xFFFFF880  }
0x68: {  	[tilespmem:$0x18D00] =	vst v0  }
0x69: {  	[tilespmem:$0x18D10] =	vst v0  }
0x6a: {  	[tilespmem:$0x18D20] =	vst v0  }
0x6b: {  	[tilespmem:$0x18D30] =	vst v0  }
0x6c: {  	[tilespmem:$0x18D40] =	vst v0  }
0x6d: {  	[tilespmem:$0x18D50] =	vst v0  }
0x6e: {  	[tilespmem:$0x18D60] =	vst v0  }
0x6f: {  	[tilespmem:$0x18D70] =	vst v0  }
0x70: {  	[tilespmem:$0x18D80] =	vst v0  }
0x71: {  	[tilespmem:$0x18D90] =	vst v0  }
0x72: {  	[tilespmem:$0x18DA0] =	vst v0  }
0x73: {  	[tilespmem:$0x18DB0] =	vst v0  }
0x74: {  	[tilespmem:$0x18DC0] =	vst v0  }
0x75: {  	[tilespmem:$0x18DD0] =	vst v0  }
0x76: {  	[tilespmem:$0x18DE0] =	vst v0  }
0x77: {  	[tilespmem:$0x18DF0] =	vst v0  }
0x78: {  	[tilespmem:$0x18E00] =	vst v0  }
0x79: {  	[tilespmem:$0x18E10] =	vst v0  }
0x7a: {  	[tilespmem:$0x18E20] =	vst v0  }
0x7b: {  	s11 =	simm.s32 $0x18D00;
	[tilespmem:$0x18E30] =	vst v0  }
0x7c: {  	[spmem:s10] =	stream.linear.scatter [tilespmem:s11], [sflag:$0x4], $0x140, $0x38;
	[tilespmem:$0x1FE00] =	vst v63  }
0x7d: {  	_ =	swait.ge [sflag:s18], $0x140  }
0x7e: {  	[sflag:s18] =	ssyncset.done $0x0  }
0x7f: {  	[sflag:s18] =	ssyncadd.s32 $0xFFFFFEC0  }
0x80: {  	[spmem:s12] =	stream.linear.scatter [tilespmem:s11], [sflag:$0x4], $0x140, $0x38;
	[tilespmem:$0x1FE00] =	vst v63  }
0x81: {  	_ =	swait.ge [sflag:s18], $0x140  }
0x82: {  	s17 =	simm.s32 @p0 $0x4;
	[sflag:s18] =	ssyncset.done $0x0  }
0x83: {  	s26 =	simm.s32 @p0 $0x18D00;
	s9 =	rddreg [dreg:$0x1b];
	[sflag:s18] =	ssyncadd.s32 $0xFFFFFEC0  }
0x84: {  	[spmem:s9] =	stream.linear.scatter @p0 [tilespmem:s26], [sflag:$0x4], $0x140, $0x38;
	[tilespmem:$0x1FE00] =	vst v63  }
0x85: {  	_ =	swait.ge @p0 [sflag:s17], $0x140  }
0x86: {  	[sflag:s17] =	ssyncset.done @p0 $0x0  }
0x87: {  	s13 =	simm.s32 @!p0 $0x4;
	s10 =	rddreg [dreg:$0x1c];
	[sflag:s17] =	ssyncadd.s32 @p0 $0xFFFFFEC0  }
0x88: {  	[spmem:s10] =	stream.linear.scatter @p0 [tilespmem:s26], [sflag:$0x4], $0x140, $0x38;
	[tilespmem:$0x1FE00] =	vst v63  }
0x89: {  	s5 =	simm.s32 @!p0 $0x0;
	s12 =	simm.s32 @!p0 $0x18D00;
	s7 =	rddreg [dreg:$0x6]  }
0x8a: {  	[hbm4b:s7+s5] =	stream.linear.scatter @!p0 [tilespmem:s12], [sflag:$0x4], $0x140, $0x38;
	[tilespmem:$0x1FE00] =	vst v63  }
0x8b: {  	_ =	swait.ge @!p0 [sflag:s13], $0x140  }
0x8c: {  	[sflag:s13] =	ssyncset.done @!p0 $0x0  }
0x8d: {  	[sflag:s13] =	ssyncadd.s32 @!p0 $0xFFFFFEC0  }
0x8e: {  	[spmem:s9] =	stream.linear.scatter @!p0 [tilespmem:s12], [sflag:$0x4], $0x140, $0x38;
	[tilespmem:$0x1FE00] =	vst v63  }
0x8f: {  	_ =	swait.ge @!p0 [sflag:s13], $0x140  }
0x90: {  	[sflag:s13] =	ssyncset.done @!p0 $0x0  }
0x91: {  	[sflag:s13] =	ssyncadd.s32 @!p0 $0xFFFFFEC0  }
0x92: {  	[spmem:s10] =	stream.linear.scatter @!p0 [tilespmem:s12], [sflag:$0x4], $0x140, $0x38;
	[tilespmem:$0x1FE00] =	vst v63  }
0x93: {  	_ =	swait.ge @!p0 [sflag:s13], $0x140  }
0x94: {  	[sflag:s13] =	ssyncset.done @!p0 $0x0  }
0x95: {  	s7 =	rddreg [dreg:$0x7];
	[sflag:s13] =	ssyncadd.s32 @!p0 $0xFFFFFEC0  }
0x96: {  	[hbm4b:s7+s5] =	stream.linear.scatter @!p0 [tilespmem:s12], [sflag:$0x4], $0x140, $0x38;
	[tilespmem:$0x1FE00] =	vst v63  }
0x97: {  	_ =	swait.ge [sflag:s18], $0x140  }
0x98: {  	[sflag:s18] =	ssyncset.done $0x0  }
0x99: {  	s9 =	rddreg [dreg:$0x1d];
	[sflag:s18] =	ssyncadd.s32 $0xFFFFFEC0  }
0x9a: {  	[spmem:s9] =	stream.linear.scatter [tilespmem:s11], [sflag:$0x4], $0x140, $0x38;
	[tilespmem:$0x1FE00] =	vst v63  }
0x9b: {  	_ =	swait.ge [sflag:s18], $0x140  }
0x9c: {  	[sflag:s18] =	ssyncset.done $0x0  }
0x9d: {  	s10 =	rddreg [dreg:$0x1e];
	[sflag:s18] =	ssyncadd.s32 $0xFFFFFEC0  }
0x9e: {  	[spmem:s10] =	stream.linear.scatter [tilespmem:s11], [sflag:$0x4], $0x140, $0x38;
	[tilespmem:$0x1FE00] =	vst v63  }
0x9f: {  	_ =	swait.ge [sflag:s18], $0x140  }
0xa0: {  	[sflag:s18] =	ssyncset.done $0x0  }
0xa1: {  	s9 =	rddreg [dreg:$0x1f];
	[sflag:s18] =	ssyncadd.s32 $0xFFFFFEC0  }
0xa2: {  	[spmem:s9] =	stream.linear.scatter @p0 [tilespmem:s26], [sflag:$0x4], $0x140, $0x38;
	[tilespmem:$0x1FE00] =	vst v63  }
0xa3: {  	_ =	swait.ge @p0 [sflag:s17], $0x140  }
0xa4: {  	s10 =	sld [smem:$0x7CF]  }
0xa5: {  	[sflag:s17] =	ssyncset.done @p0 $0x0  }
0xa6: {  	[sflag:s17] =	ssyncadd.s32 @p0 $0xFFFFFEC0  }
0xa7: {  	[spmem:s10] =	stream.linear.scatter @p0 [tilespmem:s26], [sflag:$0x4], $0x140, $0x38;
	[tilespmem:$0x1FE00] =	vst v63  }
0xa8: {  	s7 =	rddreg [dreg:$0x8]  }
0xa9: {  	[hbm4b:s7+s5] =	stream.linear.scatter @!p0 [tilespmem:s12], [sflag:$0x4], $0x140, $0x38;
	[tilespmem:$0x1FE00] =	vst v63  }
0xaa: {  	_ =	swait.ge @!p0 [sflag:s13], $0x140  }
0xab: {  	[sflag:s13] =	ssyncset.done @!p0 $0x0  }
0xac: {  	[sflag:s13] =	ssyncadd.s32 @!p0 $0xFFFFFEC0  }
0xad: {  	[spmem:s9] =	stream.linear.scatter @!p0 [tilespmem:s12], [sflag:$0x4], $0x140, $0x38;
	[tilespmem:$0x1FE00] =	vst v63  }
0xae: {  	_ =	swait.ge @!p0 [sflag:s13], $0x140  }
0xaf: {  	[sflag:s13] =	ssyncset.done @!p0 $0x0  }
0xb0: {  	[sflag:s13] =	ssyncadd.s32 @!p0 $0xFFFFFEC0  }
0xb1: {  	[spmem:s10] =	stream.linear.scatter @!p0 [tilespmem:s12], [sflag:$0x4], $0x140, $0x38;
	[tilespmem:$0x1FE00] =	vst v63  }
0xb2: {  	_ =	swait.ge @!p0 [sflag:s13], $0x140  }
0xb3: {  	[sflag:s13] =	ssyncset.done @!p0 $0x0  }
0xb4: {  	s7 =	rddreg [dreg:$0x9];
	[sflag:s13] =	ssyncadd.s32 @!p0 $0xFFFFFEC0  }
0xb5: {  	[hbm4b:s7+s5] =	stream.linear.scatter @!p0 [tilespmem:s12], [sflag:$0x4], $0x140, $0x38;
	[tilespmem:$0x1FE00] =	vst v63  }
0xb6: {  	_ =	swait.ge [sflag:s18], $0x140  }
0xb7: {  	s9 =	sld [smem:$0x7D0]  }
0xb8: {  	[sflag:s18] =	ssyncset.done $0x0  }
0xb9: {  	[sflag:s18] =	ssyncadd.s32 $0xFFFFFEC0  }
0xba: {  	[spmem:s9] =	stream.linear.scatter [tilespmem:s11], [sflag:$0x4], $0x140, $0x38;
	[tilespmem:$0x1FE00] =	vst v63  }
0xbb: {  	_ =	swait.ge [sflag:s18], $0x140  }
0xbc: {  	s10 =	sld [smem:$0x7D1]  }
0xbd: {  	[sflag:s18] =	ssyncset.done $0x0  }
0xbe: {  	[sflag:s18] =	ssyncadd.s32 $0xFFFFFEC0  }
0xbf: {  	[spmem:s10] =	stream.linear.scatter [tilespmem:s11], [sflag:$0x4], $0x140, $0x38;
	[tilespmem:$0x1FE00] =	vst v63  }
0xc0: {  	_ =	swait.ge [sflag:s18], $0x140  }
0xc1: {  	s9 =	sld [smem:$0x7D2]  }
0xc2: {  	[sflag:s18] =	ssyncset.done $0x0  }
0xc3: {  	[sflag:s18] =	ssyncadd.s32 $0xFFFFFEC0  }
0xc4: {  	[spmem:s9] =	stream.linear.scatter @p0 [tilespmem:s26], [sflag:$0x4], $0x140, $0x38;
	[tilespmem:$0x1FE00] =	vst v63  }
0xc5: {  	_ =	swait.ge @p0 [sflag:s17], $0x140  }
0xc6: {  	s10 =	sld [smem:$0x7D3]  }
0xc7: {  	[sflag:s17] =	ssyncset.done @p0 $0x0  }
0xc8: {  	[sflag:s17] =	ssyncadd.s32 @p0 $0xFFFFFEC0  }
0xc9: {  	[spmem:s10] =	stream.linear.scatter @p0 [tilespmem:s26], [sflag:$0x4], $0x140, $0x38;
	[tilespmem:$0x1FE00] =	vst v63  }
0xca: {  	s7 =	rddreg [dreg:$0xa]  }
0xcb: {  	[hbm4b:s7+s5] =	stream.linear.scatter @!p0 [tilespmem:s12], [sflag:$0x4], $0x140, $0x38;
	[tilespmem:$0x1FE00] =	vst v63  }
0xcc: {  	_ =	swait.ge @!p0 [sflag:s13], $0x140  }
0xcd: {  	[sflag:s13] =	ssyncset.done @!p0 $0x0  }
0xce: {  	[sflag:s13] =	ssyncadd.s32 @!p0 $0xFFFFFEC0  }
0xcf: {  	[spmem:s9] =	stream.linear.scatter @!p0 [tilespmem:s12], [sflag:$0x4], $0x140, $0x38;
	[tilespmem:$0x1FE00] =	vst v63  }
0xd0: {  	_ =	swait.ge @!p0 [sflag:s13], $0x140  }
0xd1: {  	[sflag:s13] =	ssyncset.done @!p0 $0x0  }
0xd2: {  	[sflag:s13] =	ssyncadd.s32 @!p0 $0xFFFFFEC0  }
0xd3: {  	[spmem:s10] =	stream.linear.scatter @!p0 [tilespmem:s12], [sflag:$0x4], $0x140, $0x38;
	[tilespmem:$0x1FE00] =	vst v63  }
0xd4: {  	_ =	swait.ge @!p0 [sflag:s13], $0x140  }
0xd5: {  	[sflag:s13] =	ssyncset.done @!p0 $0x0  }
0xd6: {  	s7 =	rddreg [dreg:$0xb];
	[sflag:s13] =	ssyncadd.s32 @!p0 $0xFFFFFEC0  }
0xd7: {  	[hbm4b:s7+s5] =	stream.linear.scatter @!p0 [tilespmem:s12], [sflag:$0x4], $0x140, $0x38;
	[tilespmem:$0x1FE00] =	vst v63  }
0xd8: {  	_ =	swait.ge [sflag:s18], $0x140  }
0xd9: {  	s9 =	sld [smem:$0x7D4]  }
0xda: {  	[sflag:s18] =	ssyncset.done $0x0  }
0xdb: {  	[sflag:s18] =	ssyncadd.s32 $0xFFFFFEC0  }
0xdc: {  	[spmem:s9] =	stream.linear.scatter [tilespmem:s11], [sflag:$0x4], $0x140, $0x38;
	[tilespmem:$0x1FE00] =	vst v63  }
0xdd: {  	_ =	swait.ge [sflag:s18], $0x140  }
0xde: {  	s10 =	sld [smem:$0x7D5]  }
0xdf: {  	[sflag:s18] =	ssyncset.done $0x0  }
0xe0: {  	[sflag:s18] =	ssyncadd.s32 $0xFFFFFEC0  }
0xe1: {  	[spmem:s10] =	stream.linear.scatter [tilespmem:s11], [sflag:$0x4], $0x140, $0x38;
	[tilespmem:$0x1FE00] =	vst v63  }
0xe2: {  	_ =	swait.ge [sflag:s18], $0x140  }
0xe3: {  	s9 =	sld [smem:$0x7D6]  }
0xe4: {  	[sflag:s18] =	ssyncset.done $0x0  }
0xe5: {  	[sflag:s18] =	ssyncadd.s32 $0xFFFFFEC0  }
0xe6: {  	[spmem:s9] =	stream.linear.scatter @p0 [tilespmem:s26], [sflag:$0x4], $0x140, $0x38;
	[tilespmem:$0x1FE00] =	vst v63  }
0xe7: {  	_ =	swait.ge @p0 [sflag:s17], $0x140  }
0xe8: {  	s10 =	sld [smem:$0x7D7]  }
0xe9: {  	[sflag:s17] =	ssyncset.done @p0 $0x0  }
0xea: {  	[sflag:s17] =	ssyncadd.s32 @p0 $0xFFFFFEC0  }
0xeb: {  	[spmem:s10] =	stream.linear.scatter @p0 [tilespmem:s26], [sflag:$0x4], $0x140, $0x38;
	[tilespmem:$0x1FE00] =	vst v63  }
0xec: {  	s7 =	rddreg [dreg:$0xc]  }
0xed: {  	[hbm4b:s7+s5] =	stream.linear.scatter @!p0 [tilespmem:s12], [sflag:$0x4], $0x140, $0x38;
	[tilespmem:$0x1FE00] =	vst v63  }
0xee: {  	_ =	swait.ge @!p0 [sflag:s13], $0x140  }
0xef: {  	[sflag:s13] =	ssyncset.done @!p0 $0x0  }
0xf0: {  	[sflag:s13] =	ssyncadd.s32 @!p0 $0xFFFFFEC0  }
0xf1: {  	[spmem:s9] =	stream.linear.scatter @!p0 [tilespmem:s12], [sflag:$0x4], $0x140, $0x38;
	[tilespmem:$0x1FE00] =	vst v63  }
0xf2: {  	_ =	swait.ge @!p0 [sflag:s13], $0x140  }
0xf3: {  	[sflag:s13] =	ssyncset.done @!p0 $0x0  }
0xf4: {  	[sflag:s13] =	ssyncadd.s32 @!p0 $0xFFFFFEC0  }
0xf5: {  	[spmem:s10] =	stream.linear.scatter @!p0 [tilespmem:s12], [sflag:$0x4], $0x140, $0x38;
	[tilespmem:$0x1FE00] =	vst v63  }
0xf6: {  	_ =	swait.ge @!p0 [sflag:s13], $0x140  }
0xf7: {  	[sflag:s13] =	ssyncset.done @!p0 $0x0  }
0xf8: {  	s7 =	rddreg [dreg:$0xd];
	[sflag:s13] =	ssyncadd.s32 @!p0 $0xFFFFFEC0  }
0xf9: {  	[hbm4b:s7+s5] =	stream.linear.scatter @!p0 [tilespmem:s12], [sflag:$0x4], $0x140, $0x38;
	[tilespmem:$0x1FE00] =	vst v63  }
0xfa: {  	_ =	swait.ge [sflag:s18], $0x140  }
0xfb: {  	s9 =	sld [smem:$0x7D8]  }
0xfc: {  	[sflag:s18] =	ssyncset.done $0x0  }
0xfd: {  	[sflag:s18] =	ssyncadd.s32 $0xFFFFFEC0  }
0xfe: {  	[spmem:s9] =	stream.linear.scatter [tilespmem:s11], [sflag:$0x4], $0x140, $0x38;
	[tilespmem:$0x1FE00] =	vst v63  }
0xff: {  	_ =	swait.ge [sflag:s18], $0x140  }
0x100: {  	s10 =	sld [smem:$0x7D9]  }
0x101: {  	[sflag:s18] =	ssyncset.done $0x0  }
0x102: {  	[sflag:s18] =	ssyncadd.s32 $0xFFFFFEC0  }
0x103: {  	[spmem:s10] =	stream.linear.scatter [tilespmem:s11], [sflag:$0x4], $0x140, $0x38;
	[tilespmem:$0x1FE00] =	vst v63  }
0x104: {  	_ =	swait.ge [sflag:s18], $0x140  }
0x105: {  	s9 =	sld [smem:$0x7DA]  }
0x106: {  	[sflag:s18] =	ssyncset.done $0x0  }
0x107: {  	[sflag:s18] =	ssyncadd.s32 $0xFFFFFEC0  }
0x108: {  	[spmem:s9] =	stream.linear.scatter @p0 [tilespmem:s26], [sflag:$0x4], $0x140, $0x38;
	[tilespmem:$0x1FE00] =	vst v63  }
0x109: {  	_ =	swait.ge @p0 [sflag:s17], $0x140  }
0x10a: {  	s10 =	sld [smem:$0x7DB]  }
0x10b: {  	[sflag:s17] =	ssyncset.done @p0 $0x0  }
0x10c: {  	[sflag:s17] =	ssyncadd.s32 @p0 $0xFFFFFEC0  }
0x10d: {  	[spmem:s10] =	stream.linear.scatter @p0 [tilespmem:s26], [sflag:$0x4], $0x140, $0x38;
	[tilespmem:$0x1FE00] =	vst v63  }
0x10e: {  	s7 =	rddreg [dreg:$0xe]  }
0x10f: {  	[hbm4b:s7+s5] =	stream.linear.scatter @!p0 [tilespmem:s12], [sflag:$0x4], $0x140, $0x38;
	[tilespmem:$0x1FE00] =	vst v63  }
0x110: {  	_ =	swait.ge @!p0 [sflag:s13], $0x140  }
0x111: {  	[sflag:s13] =	ssyncset.done @!p0 $0x0  }
0x112: {  	[sflag:s13] =	ssyncadd.s32 @!p0 $0xFFFFFEC0  }
0x113: {  	[spmem:s9] =	stream.linear.scatter @!p0 [tilespmem:s12], [sflag:$0x4], $0x140, $0x38;
	[tilespmem:$0x1FE00] =	vst v63  }
0x114: {  	_ =	swait.ge @!p0 [sflag:s13], $0x140  }
0x115: {  	[sflag:s13] =	ssyncset.done @!p0 $0x0  }
0x116: {  	[sflag:s13] =	ssyncadd.s32 @!p0 $0xFFFFFEC0  }
0x117: {  	[spmem:s10] =	stream.linear.scatter @!p0 [tilespmem:s12], [sflag:$0x4], $0x140, $0x38;
	[tilespmem:$0x1FE00] =	vst v63  }
0x118: {  	_ =	swait.ge @!p0 [sflag:s13], $0x140  }
0x119: {  	[sflag:s13] =	ssyncset.done @!p0 $0x0  }
0x11a: {  	s7 =	rddreg [dreg:$0xf];
	[sflag:s13] =	ssyncadd.s32 @!p0 $0xFFFFFEC0  }
0x11b: {  	[hbm4b:s7+s5] =	stream.linear.scatter @!p0 [tilespmem:s12], [sflag:$0x4], $0x140, $0x38;
	[tilespmem:$0x1FE00] =	vst v63  }
0x11c: {  	_ =	swait.ge [sflag:s18], $0x140  }
0x11d: {  	s9 =	sld [smem:$0x7DC]  }
0x11e: {  	[sflag:s18] =	ssyncset.done $0x0  }
0x11f: {  	[sflag:s18] =	ssyncadd.s32 $0xFFFFFEC0  }
0x120: {  	[spmem:s9] =	stream.linear.scatter [tilespmem:s11], [sflag:$0x4], $0x140, $0x38;
	[tilespmem:$0x1FE00] =	vst v63  }
0x121: {  	_ =	swait.ge [sflag:s18], $0x140  }
0x122: {  	s10 =	sld [smem:$0x7DD]  }
0x123: {  	[sflag:s18] =	ssyncset.done $0x0  }
0x124: {  	[sflag:s18] =	ssyncadd.s32 $0xFFFFFEC0  }
0x125: {  	[spmem:s10] =	stream.linear.scatter [tilespmem:s11], [sflag:$0x4], $0x140, $0x38;
	[tilespmem:$0x1FE00] =	vst v63  }
0x126: {  	_ =	swait.ge [sflag:s18], $0x140  }
0x127: {  	s9 =	sld [smem:$0x7DE]  }
0x128: {  	[sflag:s18] =	ssyncset.done $0x0  }
0x129: {  	[sflag:s18] =	ssyncadd.s32 $0xFFFFFEC0  }
0x12a: {  	[spmem:s9] =	stream.linear.scatter @p0 [tilespmem:s26], [sflag:$0x4], $0x140, $0x38;
	[tilespmem:$0x1FE00] =	vst v63  }
0x12b: {  	_ =	swait.ge @p0 [sflag:s17], $0x140  }
0x12c: {  	s10 =	sld [smem:$0x7DF]  }
0x12d: {  	[sflag:s17] =	ssyncset.done @p0 $0x0  }
0x12e: {  	[sflag:s17] =	ssyncadd.s32 @p0 $0xFFFFFEC0  }
0x12f: {  	[spmem:s10] =	stream.linear.scatter @p0 [tilespmem:s26], [sflag:$0x4], $0x140, $0x38;
	[tilespmem:$0x1FE00] =	vst v63  }
0x130: {  	s7 =	rddreg [dreg:$0x10]  }
0x131: {  	[hbm4b:s7+s5] =	stream.linear.scatter @!p0 [tilespmem:s12], [sflag:$0x4], $0x140, $0x38;
	[tilespmem:$0x1FE00] =	vst v63  }
0x132: {  	_ =	swait.ge @!p0 [sflag:s13], $0x140  }
0x133: {  	[sflag:s13] =	ssyncset.done @!p0 $0x0  }
0x134: {  	[sflag:s13] =	ssyncadd.s32 @!p0 $0xFFFFFEC0  }
0x135: {  	[spmem:s9] =	stream.linear.scatter @!p0 [tilespmem:s12], [sflag:$0x4], $0x140, $0x38;
	[tilespmem:$0x1FE00] =	vst v63  }
0x136: {  	_ =	swait.ge @!p0 [sflag:s13], $0x140  }
0x137: {  	[sflag:s13] =	ssyncset.done @!p0 $0x0  }
0x138: {  	[sflag:s13] =	ssyncadd.s32 @!p0 $0xFFFFFEC0  }
0x139: {  	[spmem:s10] =	stream.linear.scatter @!p0 [tilespmem:s12], [sflag:$0x4], $0x140, $0x38;
	[tilespmem:$0x1FE00] =	vst v63  }
0x13a: {  	_ =	swait.ge @!p0 [sflag:s13], $0x140  }
0x13b: {  	[sflag:s13] =	ssyncset.done @!p0 $0x0  }
0x13c: {  	s7 =	rddreg [dreg:$0x11];
	[sflag:s13] =	ssyncadd.s32 @!p0 $0xFFFFFEC0  }
0x13d: {  	[hbm4b:s7+s5] =	stream.linear.scatter @!p0 [tilespmem:s12], [sflag:$0x4], $0x140, $0x38;
	[tilespmem:$0x1FE00] =	vst v63  }
0x13e: {  	_ =	swait.ge [sflag:s18], $0x140  }
0x13f: {  	s9 =	sld [smem:$0x7E0]  }
0x140: {  	[sflag:s18] =	ssyncset.done $0x0  }
0x141: {  	[sflag:s18] =	ssyncadd.s32 $0xFFFFFEC0  }
0x142: {  	[spmem:s9] =	stream.linear.scatter [tilespmem:s11], [sflag:$0x4], $0x140, $0x38;
	[tilespmem:$0x1FE00] =	vst v63  }
0x143: {  	_ =	swait.ge [sflag:s18], $0x140  }
0x144: {  	s10 =	sld [smem:$0x7E1]  }
0x145: {  	[sflag:s18] =	ssyncset.done $0x0  }
0x146: {  	[sflag:s18] =	ssyncadd.s32 $0xFFFFFEC0  }
0x147: {  	[spmem:s10] =	stream.linear.scatter [tilespmem:s11], [sflag:$0x4], $0x140, $0x38;
	[tilespmem:$0x1FE00] =	vst v63  }
0x148: {  	_ =	swait.ge [sflag:s18], $0x140  }
0x149: {  	s9 =	sld [smem:$0x7E2]  }
0x14a: {  	[sflag:s18] =	ssyncset.done $0x0  }
0x14b: {  	[sflag:s18] =	ssyncadd.s32 $0xFFFFFEC0  }
0x14c: {  	[spmem:s9] =	stream.linear.scatter @p0 [tilespmem:s26], [sflag:$0x4], $0x140, $0x38;
	[tilespmem:$0x1FE00] =	vst v63  }
0x14d: {  	_ =	swait.ge @p0 [sflag:s17], $0x140  }
0x14e: {  	s10 =	sld [smem:$0x7E3]  }
0x14f: {  	[sflag:s17] =	ssyncset.done @p0 $0x0  }
0x150: {  	[sflag:s17] =	ssyncadd.s32 @p0 $0xFFFFFEC0  }
0x151: {  	[spmem:s10] =	stream.linear.scatter @p0 [tilespmem:s26], [sflag:$0x4], $0x140, $0x38;
	[tilespmem:$0x1FE00] =	vst v63  }
0x152: {  	s7 =	rddreg [dreg:$0x12]  }
0x153: {  	[hbm4b:s7+s5] =	stream.linear.scatter @!p0 [tilespmem:s12], [sflag:$0x4], $0x140, $0x38;
	[tilespmem:$0x1FE00] =	vst v63  }
0x154: {  	_ =	swait.ge @!p0 [sflag:s13], $0x140  }
0x155: {  	[sflag:s13] =	ssyncset.done @!p0 $0x0  }
0x156: {  	[sflag:s13] =	ssyncadd.s32 @!p0 $0xFFFFFEC0  }
0x157: {  	[spmem:s9] =	stream.linear.scatter @!p0 [tilespmem:s12], [sflag:$0x4], $0x140, $0x38;
	[tilespmem:$0x1FE00] =	vst v63  }
0x158: {  	_ =	swait.ge @!p0 [sflag:s13], $0x140  }
0x159: {  	[sflag:s13] =	ssyncset.done @!p0 $0x0  }
0x15a: {  	[sflag:s13] =	ssyncadd.s32 @!p0 $0xFFFFFEC0  }
0x15b: {  	[spmem:s10] =	stream.linear.scatter @!p0 [tilespmem:s12], [sflag:$0x4], $0x140, $0x38;
	[tilespmem:$0x1FE00] =	vst v63  }
0x15c: {  	_ =	swait.ge @!p0 [sflag:s13], $0x140  }
0x15d: {  	[sflag:s13] =	ssyncset.done @!p0 $0x0  }
0x15e: {  	s7 =	rddreg [dreg:$0x13];
	[sflag:s13] =	ssyncadd.s32 @!p0 $0xFFFFFEC0  }
0x15f: {  	[hbm4b:s7+s5] =	stream.linear.scatter @!p0 [tilespmem:s12], [sflag:$0x4], $0x140, $0x38;
	[tilespmem:$0x1FE00] =	vst v63  }
0x160: {  	_ =	swait.ge [sflag:s18], $0x140  }
0x161: {  	s9 =	sld [smem:$0x7E4]  }
0x162: {  	[sflag:s18] =	ssyncset.done $0x0  }
0x163: {  	[sflag:s18] =	ssyncadd.s32 $0xFFFFFEC0  }
0x164: {  	[spmem:s9] =	stream.linear.scatter [tilespmem:s11], [sflag:$0x4], $0x140, $0x38;
	[tilespmem:$0x1FE00] =	vst v63  }
0x165: {  	_ =	swait.ge [sflag:s18], $0x140  }
0x166: {  	s10 =	sld [smem:$0x7E5]  }
0x167: {  	[sflag:s18] =	ssyncset.done $0x0  }
0x168: {  	[sflag:s18] =	ssyncadd.s32 $0xFFFFFEC0  }
0x169: {  	[spmem:s10] =	stream.linear.scatter [tilespmem:s11], [sflag:$0x4], $0x140, $0x38;
	[tilespmem:$0x1FE00] =	vst v63  }
0x16a: {  	_ =	swait.ge [sflag:s18], $0x140  }
0x16b: {  	s9 =	sld [smem:$0x7E6]  }
0x16c: {  	[sflag:s18] =	ssyncset.done $0x0  }
0x16d: {  	[sflag:s18] =	ssyncadd.s32 $0xFFFFFEC0  }
0x16e: {  	[spmem:s9] =	stream.linear.scatter @p0 [tilespmem:s26], [sflag:$0x4], $0x140, $0x38;
	[tilespmem:$0x1FE00] =	vst v63  }
0x16f: {  	_ =	swait.ge @p0 [sflag:s17], $0x140  }
0x170: {  	s10 =	sld [smem:$0x7E7]  }
0x171: {  	[sflag:s17] =	ssyncset.done @p0 $0x0  }
0x172: {  	[sflag:s17] =	ssyncadd.s32 @p0 $0xFFFFFEC0  }
0x173: {  	[spmem:s10] =	stream.linear.scatter @p0 [tilespmem:s26], [sflag:$0x4], $0x140, $0x38;
	[tilespmem:$0x1FE00] =	vst v63  }
0x174: {  	s7 =	rddreg [dreg:$0x14]  }
0x175: {  	[hbm4b:s7+s5] =	stream.linear.scatter @!p0 [tilespmem:s12], [sflag:$0x4], $0x140, $0x38;
	[tilespmem:$0x1FE00] =	vst v63  }
0x176: {  	_ =	swait.ge @!p0 [sflag:s13], $0x140  }
0x177: {  	[sflag:s13] =	ssyncset.done @!p0 $0x0  }
0x178: {  	[sflag:s13] =	ssyncadd.s32 @!p0 $0xFFFFFEC0  }
0x179: {  	[spmem:s9] =	stream.linear.scatter @!p0 [tilespmem:s12], [sflag:$0x4], $0x140, $0x38;
	[tilespmem:$0x1FE00] =	vst v63  }
0x17a: {  	_ =	swait.ge @!p0 [sflag:s13], $0x140  }
0x17b: {  	[sflag:s13] =	ssyncset.done @!p0 $0x0  }
0x17c: {  	[sflag:s13] =	ssyncadd.s32 @!p0 $0xFFFFFEC0  }
0x17d: {  	[spmem:s10] =	stream.linear.scatter @!p0 [tilespmem:s12], [sflag:$0x4], $0x140, $0x38;
	[tilespmem:$0x1FE00] =	vst v63  }
0x17e: {  	_ =	swait.ge @!p0 [sflag:s13], $0x140  }
0x17f: {  	[sflag:s13] =	ssyncset.done @!p0 $0x0  }
0x180: {  	s7 =	rddreg [dreg:$0x15];
	[sflag:s13] =	ssyncadd.s32 @!p0 $0xFFFFFEC0  }
0x181: {  	[hbm4b:s7+s5] =	stream.linear.scatter @!p0 [tilespmem:s12], [sflag:$0x4], $0x140, $0x38;
	[tilespmem:$0x1FE00] =	vst v63  }
0x182: {  	_ =	swait.ge [sflag:s18], $0x140  }
0x183: {  	s9 =	sld [smem:$0x7E8]  }
0x184: {  	[sflag:s18] =	ssyncset.done $0x0  }
0x185: {  	[sflag:s18] =	ssyncadd.s32 $0xFFFFFEC0  }
0x186: {  	[spmem:s9] =	stream.linear.scatter [tilespmem:s11], [sflag:$0x4], $0x140, $0x38;
	[tilespmem:$0x1FE00] =	vst v63  }
0x187: {  	_ =	swait.ge [sflag:s18], $0x140  }
0x188: {  	s10 =	sld [smem:$0x7E9]  }
0x189: {  	[sflag:s18] =	ssyncset.done $0x0  }
0x18a: {  	[sflag:s18] =	ssyncadd.s32 $0xFFFFFEC0  }
0x18b: {  	[spmem:s10] =	stream.linear.scatter [tilespmem:s11], [sflag:$0x4], $0x140, $0x38;
	[tilespmem:$0x1FE00] =	vst v63  }
0x18c: {  	_ =	swait.ge [sflag:s18], $0x140  }
0x18d: {  	s9 =	sld [smem:$0x7EA]  }
0x18e: {  	[sflag:s18] =	ssyncset.done $0x0  }
0x18f: {  	[sflag:s18] =	ssyncadd.s32 $0xFFFFFEC0  }
0x190: {  	[spmem:s9] =	stream.linear.scatter @p0 [tilespmem:s26], [sflag:$0x4], $0x140, $0x38;
	[tilespmem:$0x1FE00] =	vst v63  }
0x191: {  	_ =	swait.ge @p0 [sflag:s17], $0x140  }
0x192: {  	s10 =	sld [smem:$0x7EB]  }
0x193: {  	[sflag:s17] =	ssyncset.done @p0 $0x0  }
0x194: {  	[sflag:s17] =	ssyncadd.s32 @p0 $0xFFFFFEC0  }
0x195: {  	[spmem:s10] =	stream.linear.scatter @p0 [tilespmem:s26], [sflag:$0x4], $0x140, $0x38;
	[tilespmem:$0x1FE00] =	vst v63  }
0x196: {  	s7 =	rddreg [dreg:$0x16]  }
0x197: {  	[hbm4b:s7+s5] =	stream.linear.scatter @!p0 [tilespmem:s12], [sflag:$0x4], $0x140, $0x38;
	[tilespmem:$0x1FE00] =	vst v63  }
0x198: {  	_ =	swait.ge @!p0 [sflag:s13], $0x140  }
0x199: {  	[sflag:s13] =	ssyncset.done @!p0 $0x0  }
0x19a: {  	[sflag:s13] =	ssyncadd.s32 @!p0 $0xFFFFFEC0  }
0x19b: {  	[spmem:s9] =	stream.linear.scatter @!p0 [tilespmem:s12], [sflag:$0x4], $0x140, $0x38;
	[tilespmem:$0x1FE00] =	vst v63  }
0x19c: {  	_ =	swait.ge @!p0 [sflag:s13], $0x140  }
0x19d: {  	[sflag:s13] =	ssyncset.done @!p0 $0x0  }
0x19e: {  	[sflag:s13] =	ssyncadd.s32 @!p0 $0xFFFFFEC0  }
0x19f: {  	[spmem:s10] =	stream.linear.scatter @!p0 [tilespmem:s12], [sflag:$0x4], $0x140, $0x38;
	[tilespmem:$0x1FE00] =	vst v63  }
0x1a0: {  	_ =	swait.ge @!p0 [sflag:s13], $0x140  }
0x1a1: {  	[sflag:s13] =	ssyncset.done @!p0 $0x0  }
0x1a2: {  	s7 =	rddreg [dreg:$0x17];
	[sflag:s13] =	ssyncadd.s32 @!p0 $0xFFFFFEC0  }
0x1a3: {  	[hbm4b:s7+s5] =	stream.linear.scatter @!p0 [tilespmem:s12], [sflag:$0x4], $0x140, $0x38;
	[tilespmem:$0x1FE00] =	vst v63  }
0x1a4: {  	_ =	swait.ge [sflag:s18], $0x140  }
0x1a5: {  	s9 =	sld [smem:$0x7EC]  }
0x1a6: {  	[sflag:s18] =	ssyncset.done $0x0  }
0x1a7: {  	[sflag:s18] =	ssyncadd.s32 $0xFFFFFEC0  }
0x1a8: {  	[spmem:s9] =	stream.linear.scatter [tilespmem:s11], [sflag:$0x4], $0x140, $0x38;
	[tilespmem:$0x1FE00] =	vst v63  }
0x1a9: {  	_ =	swait.ge [sflag:s18], $0x140  }
0x1aa: {  	s10 =	sld [smem:$0x7ED]  }
0x1ab: {  	[sflag:s18] =	ssyncset.done $0x0  }
0x1ac: {  	[sflag:s18] =	ssyncadd.s32 $0xFFFFFEC0  }
0x1ad: {  	[spmem:s10] =	stream.linear.scatter [tilespmem:s11], [sflag:$0x4], $0x140, $0x38;
	[tilespmem:$0x1FE00] =	vst v63  }
0x1ae: {  	_ =	swait.ge [sflag:s18], $0x140  }
0x1af: {  	s9 =	sld [smem:$0x7EE]  }
0x1b0: {  	[sflag:s18] =	ssyncset.done $0x0  }
0x1b1: {  	[sflag:s18] =	ssyncadd.s32 $0xFFFFFEC0  }
0x1b2: {  	[spmem:s9] =	stream.linear.scatter @p0 [tilespmem:s26], [sflag:$0x4], $0x140, $0x38;
	[tilespmem:$0x1FE00] =	vst v63  }
0x1b3: {  	_ =	swait.ge @p0 [sflag:s17], $0x140  }
0x1b4: {  	s10 =	sld [smem:$0x7EF]  }
0x1b5: {  	[sflag:s17] =	ssyncset.done @p0 $0x0  }
0x1b6: {  	[sflag:s17] =	ssyncadd.s32 @p0 $0xFFFFFEC0  }
0x1b7: {  	[spmem:s10] =	stream.linear.scatter @p0 [tilespmem:s26], [sflag:$0x4], $0x140, $0x38;
	[tilespmem:$0x1FE00] =	vst v63  }
0x1b8: {  	s7 =	rddreg [dreg:$0x18]  }
0x1b9: {  	[hbm4b:s7+s5] =	stream.linear.scatter @!p0 [tilespmem:s12], [sflag:$0x4], $0x140, $0x38;
	[tilespmem:$0x1FE00] =	vst v63  }
0x1ba: {  	_ =	swait.ge @!p0 [sflag:s13], $0x140  }
0x1bb: {  	[sflag:s13] =	ssyncset.done @!p0 $0x0  }
0x1bc: {  	[sflag:s13] =	ssyncadd.s32 @!p0 $0xFFFFFEC0  }
0x1bd: {  	[spmem:s9] =	stream.linear.scatter @!p0 [tilespmem:s12], [sflag:$0x4], $0x140, $0x38;
	[tilespmem:$0x1FE00] =	vst v63  }
0x1be: {  	_ =	swait.ge @!p0 [sflag:s13], $0x140  }
0x1bf: {  	[sflag:s13] =	ssyncset.done @!p0 $0x0  }
0x1c0: {  	[sflag:s13] =	ssyncadd.s32 @!p0 $0xFFFFFEC0  }
0x1c1: {  	[spmem:s10] =	stream.linear.scatter @!p0 [tilespmem:s12], [sflag:$0x4], $0x140, $0x38;
	[tilespmem:$0x1FE00] =	vst v63  }
0x1c2: {  	_ =	swait.ge @!p0 [sflag:s13], $0x140  }
0x1c3: {  	[sflag:s13] =	ssyncset.done @!p0 $0x0  }
0x1c4: {  	s7 =	rddreg [dreg:$0x19];
	[sflag:s13] =	ssyncadd.s32 @!p0 $0xFFFFFEC0  }
0x1c5: {  	[hbm4b:s7+s5] =	stream.linear.scatter @!p0 [tilespmem:s12], [sflag:$0x4], $0x140, $0x38;
	[tilespmem:$0x1FE00] =	vst v63  }
0x1c6: {  	_ =	swait.ge [sflag:s18], $0x140  }
0x1c7: {  	[sflag:s18] =	ssyncset.done $0x0  }
0x1c8: {  	[sflag:s18] =	ssyncadd.s32 $0xFFFFFEC0  }
0x1c9: {  	v6 =	vld [tilespmem:$0x1C880]  }
0x1ca: {  	v2 =	vld [tilespmem:$0x1C680]  }
0x1cb: {  	v3 =	vld [tilespmem:$0x1C700];
	_ =	sdelay $0x1  }
0x1cc: {  	s11 =	simm.s32 $0x18700;
	v4 =	vld [tilespmem:$0x1C780]  }
0x1cd: {  	s10 =	simm.s32 $0x18880;
	s5 =	simm.s32 $0x0;
	v5 =	vld [tilespmem:$0x1C800];
	s7 =	rddreg [dreg:$0x2];
	v6 =	vmul.f32 $0.0e+00, v6  }
.LBB2_2:
0x1ce: {  	s9 =	smul.u32 $0x140, s5;
	_ =	sdelay $0x1  }
0x1cf: {  	s12 =	sadd.s32 s2, s9  }
0x1d0: {  	s9 =	sshrl.u32 s12, $0x3  }
0x1d1: {  	s13 =	simm.s32 $0x0;
	s9 =	sadd.s32 s30, s9  }
0x1d2: {  	[tilespmem:s11], [sflag:$0x1] =	stream.linear.gather [hbm4b:s9+s13], $0x140, $0x38;
	[tilespmem:$0x1FE00] =	vst v63  }
0x1d3: {  	s17 =	sadd.s32 $0x3200, s9  }
0x1d4: {  	[tilespmem:s10], [sflag:$0x1] =	stream.linear.gather [hbm4b:s17+s13], $0x140, $0x38;
	[tilespmem:$0x1FE00] =	vst v63  }
0x1d5: {  	s26 =	simm.s32 $0x18A00;
	s17 =	sadd.s32 $0x6400, s9  }
0x1d6: {  	[tilespmem:s26], [sflag:$0x1] =	stream.linear.gather [hbm4b:s17+s13], $0x140, $0x38;
	[tilespmem:$0x1FE00] =	vst v63  }
0x1d7: {  	s9 =	sadd.s32 $0x9600, s9;
	s26 =	simm.s32 $0x18B80  }
0x1d8: {  	[tilespmem:s26], [sflag:$0x1] =	stream.linear.gather [hbm4b:s9+s13], $0x140, $0x38;
	[tilespmem:$0x1FE00] =	vst v63  }
0x1d9: {  	_ =	swait.ge [sflag:s22], $0x140  }
0x1da: {  	[sflag:s22] =	ssyncset.done $0x0  }
0x1db: {  	[sflag:s22] =	ssyncadd.s32 $0xFFFFFEC0  }
0x1dc: {  	_ =	swait.ge [sflag:s22], $0x140  }
0x1dd: {  	[sflag:s22] =	ssyncset.done $0x0  }
0x1de: {  	[sflag:s22] =	ssyncadd.s32 $0xFFFFFEC0  }
0x1df: {  	_ =	swait.ge [sflag:s22], $0x140  }
0x1e0: {  	[sflag:s22] =	ssyncset.done $0x0  }
0x1e1: {  	[sflag:s22] =	ssyncadd.s32 $0xFFFFFEC0  }
0x1e2: {  	_ =	swait.ge [sflag:s22], $0x140  }
0x1e3: {  	[sflag:s22] =	ssyncset.done $0x0  }
0x1e4: {  	s13 =	simm.s32 $0x0;
	[sflag:s22] =	ssyncadd.s32 $0xFFFFFEC0  }
0x1e5: {  	v7 =	vld [tilespmem:s13+$0x18700]  }
0x1e6: {  	v8 =	vld [tilespmem:s13+$0x18880];
	_ =	sdelay $0x2  }
0x1e7: {  	v9 =	vld [tilespmem:s13+$0x18A00];
	_ =	sdelay $0x1  }
0x1e8: {  	s17 =	simm.s32 $0x10;
	v11 =	vld [tilespmem:s13+$0x18B80];
	v10 =	vmul.f32 v7, v2;
	v8 =	vmul.f32 v8, v3  }
0x1e9: {  	v7 =	vld [tilespmem:s17+$0x18700]  }
0x1ea: {  	v10 =	vadd.f32 v8, v10;
	v8 =	vld [tilespmem:s17+$0x18880]  }
0x1eb: {  	v12 =	vmul.f32 v9, v4  }
0x1ec: {  	v9 =	vld [tilespmem:s17+$0x18A00]  }
0x1ed: {  	s9 =	simm.s32 $0x80;
	v11 =	vmul.f32 v11, v5;
	v10 =	vadd.f32 v12, v10  }
.LBB2_3:
0x1ee: {  	s26 =	sshra.s32 s9, $0x2;
	v12 =	vld [tilespmem:s17+$0x18B80];
	p1 =	sne.s32 s9, $0x4C0  }
.Ltmp0:
0x1ef: {  	s9 =	sadd.s32 $0x40, s9;
	v13 =	vmul.f32 v7, v2;
	v7 =	vld [tilespmem:s26+$0x18700];
	v14 =	vmul.f32 v8, v3;
	v10 =	vadd.f32 v11, v10;
	(pc) =	sbr.rel @p1 .LBB2_3-.Ltmp0, $4  }
0x1f0: {  	v8 =	vld [tilespmem:s26+$0x18880]  }
0x1f1: {  	v11 =	vadd.f32 v14, v13;
	v13 =	vmul.f32 v9, v4;
	v14 =	vadd.f32 v10, v6  }
0x1f2: {  	v9 =	vld [tilespmem:s26+$0x18A00]  }
0x1f3: {  	v10 =	vadd.f32 v13, v11;
	v11 =	vmul.f32 v12, v5;
	[tilespmem:s13+$0x18E80] =	vst v14;
	s13 =	smov.u32 s17;
	s17 =	smov.u32 s26  }
0x1f4: {  	v12 =	vld [tilespmem:s17+$0x18B80]  }
0x1f5: {  	v7 =	vmul.f32 v7, v2;
	v8 =	vmul.f32 v8, v3;
	_ =	sdelay $0x1  }
0x1f6: {  	v7 =	vadd.f32 v8, v7;
	v8 =	vmul.f32 v9, v4;
	_ =	sdelay $0x1  }
0x1f7: {  	v7 =	vadd.f32 v8, v7;
	v8 =	vmul.f32 v12, v5  }
0x1f8: {  	v63 =	vadd.f32 v11, v10  }
0x1f9: {  	v7 =	vadd.f32 v8, v7  }
0x1fa: {  	v8 =	vadd.f32 v63, v6  }
0x1fb: {  	s9 =	sadd.s32 s24, s12;
	s5 =	sadd.s32 $0x1, s5;
	v7 =	vadd.f32 v7, v6  }
0x1fc: {  	s9 =	sshrl.u32 s9, $0x3;
	p1 =	sne.s32 s5, $0x14;
	[tilespmem:s13+$0x18E80] =	vst v8  }
.Ltmp1:
0x1fd: {  	s26 =	simm.s32 $0x18E80;
	s9 =	sadd.s32 s7, s9;
	[tilespmem:s17+$0x18E80] =	vst v7;
	(pc) =	sbr.rel @p1 .LBB2_2-.Ltmp1, $4  }
0x1fe: {  	[hbm4b:s9+s1] =	stream.linear.scatter [tilespmem:s26], [sflag:$0x4], $0x140, $0x38;
	[tilespmem:$0x1FE00] =	vst v63  }
0x1ff: {  	_ =	swait.ge [sflag:s18], $0x140  }
0x200: {  	[sflag:s18] =	ssyncset.done $0x0  }
0x201: {  	[sflag:s18] =	ssyncadd.s32 $0xFFFFFEC0  }
0x202: {  	[bflag:$0x0] =	sbarrier.arrive $0xFFFF  }
0x203: {  	s7 =	sld [smem:$0x7F0];
	_ =	sdelay $0x1  }
0x204: {  	s5 =	simm.s32 $0x0  }
0x205: {  	[tilespmem:s5], [sflag:$0x4] =	stream.linear.gather [hbm4b:s7+s5], $0x186A0, $0x38;
	[tilespmem:$0x1FE00] =	vst v63  }
0x206: {  	_ =	swait.ge [sflag:s18], $0x186A0  }
0x207: {  	[sflag:s18] =	ssyncset.done $0x0  }
0x208: {  	[sflag:s18] =	ssyncadd.s32 $0xFFFE7960  }
0x209: {  	v2 =	vld [tilespmem:$0x1C400]  }
0x20a: {  	s12 =	sld [smem:$0x7F1];
	v3 =	vld [tilespmem:$0x1C480]  }
0x20b: {  	v4 =	vld [tilespmem:$0x1C500]  }
0x20c: {  	s9 =	simm.s32 $0x19000;
	s13 =	sld [smem:$0x7F2];
	v5 =	vld [tilespmem:$0x1C580]  }
0x20d: {  	v6 =	vld [tilespmem:$0x1C600];
	[tilespmem:s9], [sflag:$0x1] =	stream.linear.gather [hbm4b:s12+s5], $0x400, $0x38  }
0x20e: {  	s17 =	sld [smem:$0x7F3]  }
0x20f: {  	[tilespmem:s16], [sflag:$0x1] =	stream.linear.gather [hbm4b:s13+s5], $0x400, $0x38;
	[tilespmem:$0x1FE00] =	vst v63  }
0x210: {  	s26 =	simm.s32 $0x19800;
	s10 =	sld [smem:$0x7F4]  }
0x211: {  	[tilespmem:s26], [sflag:$0x1] =	stream.linear.gather [hbm4b:s17+s5], $0x400, $0x38;
	[tilespmem:$0x1FE00] =	vst v63  }
0x212: {  	s11 =	simm.s32 $0x19C00;
	s12 =	sld [smem:$0x7F5]  }
0x213: {  	[tilespmem:s11], [sflag:$0x1] =	stream.linear.gather [hbm4b:s10+s5], $0x400, $0x38;
	[tilespmem:$0x1FE00] =	vst v63  }
0x214: {  	s13 =	simm.s32 $0x1A000;
	s17 =	sld [smem:$0x7F6];
	s26 =	simm.s32 $0x1A400  }
0x215: {  	[tilespmem:s13], [sflag:$0x1] =	stream.linear.gather [hbm4b:s12+s5], $0x400, $0x38;
	[tilespmem:$0x1FE00] =	vst v63  }
0x216: {  	s10 =	sld [smem:$0x7FC];
	s11 =	simm.s32 $0x1A800;
	s12 =	simm.s32 $0x0  }
0x217: {  	[tilespmem:s26], [sflag:$0x1] =	stream.linear.gather [hbm4b:s17+s5], $0x400, $0x38;
	[tilespmem:$0x1FE00] =	vst v63  }
.LBB2_6:
0x218: {  	s13 =	sshll.u32 s12, $0xB  }
0x219: {  	s9 =	sadd.s32 s13, s6  }
0x21a: {  	s9 =	sadd.s32 $0x400, s9  }
0x21b: {  	s17 =	sshrl.u32 s9, $0x3  }
0x21c: {  	s9 =	smin.u32 s9, $0x30D000;
	s26 =	sadd.s32 s31, s17  }
0x21d: {  	[tilespmem:s11], [sflag:$0x2] =	stream.linear.gather [hbm4b:s26+s5], $0x400, $0x38;
	[tilespmem:$0x1FE00] =	vst v63  }
0x21e: {  	s17 =	sadd.s32 s25, s17;
	s9 =	sshrl.u32 s9, $0x3  }
0x21f: {  	[tilespmem:s8], [sflag:$0x2] =	stream.linear.gather [hbm4b:s17+s5], $0x400, $0x38;
	[tilespmem:$0x1FE00] =	vst v63  }
0x220: {  	s7 =	simm.s32 $0x1B000;
	s26 =	sadd.s32 s0, s9  }
0x221: {  	[tilespmem:s7], [sflag:$0x2] =	stream.linear.gather [hbm4b:s26+s5], $0x400, $0x38;
	[tilespmem:$0x1FE00] =	vst v63  }
0x222: {  	s7 =	sadd.s32 s3, s9;
	s26 =	simm.s32 $0x1B400  }
0x223: {  	[tilespmem:s26], [sflag:$0x2] =	stream.linear.gather [hbm4b:s7+s5], $0x400, $0x38;
	[tilespmem:$0x1FE00] =	vst v63  }
0x224: {  	s7 =	sadd.s32 s4, s9;
	s26 =	simm.s32 $0x1B800  }
0x225: {  	[tilespmem:s26], [sflag:$0x2] =	stream.linear.gather [hbm4b:s7+s5], $0x400, $0x38;
	[tilespmem:$0x1FE00] =	vst v63  }
0x226: {  	s9 =	sadd.s32 s19, s9;
	s26 =	simm.s32 $0x1BC00  }
0x227: {  	[tilespmem:s26], [sflag:$0x2] =	stream.linear.gather [hbm4b:s9+s5], $0x400, $0x38;
	[tilespmem:$0x1FE00] =	vst v63  }
0x228: {  	_ =	swait.ge [sflag:s22], $0x400  }
0x229: {  	[sflag:s22] =	ssyncset.done $0x0  }
0x22a: {  	[sflag:s22] =	ssyncadd.s32 $0xFFFFFC00  }
0x22b: {  	_ =	swait.ge [sflag:s22], $0x400  }
0x22c: {  	[sflag:s22] =	ssyncset.done $0x0  }
0x22d: {  	[sflag:s22] =	ssyncadd.s32 $0xFFFFFC00  }
0x22e: {  	_ =	swait.ge [sflag:s22], $0x400  }
0x22f: {  	[sflag:s22] =	ssyncset.done $0x0  }
0x230: {  	[sflag:s22] =	ssyncadd.s32 $0xFFFFFC00  }
0x231: {  	_ =	swait.ge [sflag:s22], $0x400  }
0x232: {  	[sflag:s22] =	ssyncset.done $0x0  }
0x233: {  	[sflag:s22] =	ssyncadd.s32 $0xFFFFFC00  }
0x234: {  	_ =	swait.ge [sflag:s22], $0x400  }
0x235: {  	[sflag:s22] =	ssyncset.done $0x0  }
0x236: {  	[sflag:s22] =	ssyncadd.s32 $0xFFFFFC00  }
0x237: {  	_ =	swait.ge [sflag:s22], $0x400  }
0x238: {  	[sflag:s22] =	ssyncset.done $0x0  }
0x239: {  	s17 =	simm.s32 $0x0;
	[sflag:s22] =	ssyncadd.s32 $0xFFFFFC00  }
0x23a: {  	v7 =	vld [tilespmem:s17+$0x19000];
	_ =	sdelay $0x5  }
0x23b: {  	v8 =	vld [tilespmem:s17+$0x19800];
	_ =	sdelay $0x1  }
0x23c: {  	v7 =	vld.idx.msk [tilespmem:v7+s1+$0x0], $0xffff  }
0x23d: {  	v9 =	vld [tilespmem:s17+$0x19C00];
	_ =	sdelay $0x1  }
0x23e: {  	v10 =	vld [tilespmem:s17+$0x1A000];
	v8 =	vmul.f32 v8, v2;
	_ =	sdelay $0x1  }
0x23f: {  	v8 =	vadd.f32 v8, v7;
	v7 =	vld [tilespmem:s17+$0x1A400]  }
0x240: {  	v9 =	vmul.f32 v9, v3;
	_ =	sdelay $0x1  }
0x241: {  	s26 =	simm.s32 $0x10;
	s9 =	simm.s32 $0x80;
	v8 =	vadd.f32 v9, v8;
	v9 =	vmul.f32 v10, v4  }
.LBB2_7:
0x242: {  	p1 =	sne.s32 s9, $0xFC0;
	v10 =	vld [tilespmem:s26+$0x19000]  }
0x243: {  	v8 =	vadd.f32 v9, v8;
	v7 =	vmul.f32 v7, v5;
	_ =	sdelay $0x1  }
0x244: {  	v7 =	vadd.f32 v7, v8;
	_ =	sdelay $0x1  }
0x245: {  	v7 =	vadd.f32 v7, v6;
	_ =	sdelay $0x1  }
0x246: {  	v8 =	vld [tilespmem:s26+$0x19800];
	[tilespmem:s17+$0x1C000] =	vst v7;
	s17 =	smov.u32 s26  }
0x247: {  	v9 =	vld.idx.msk [tilespmem:v10+s1+$0x0], $0xffff  }
0x248: {  	v10 =	vld [tilespmem:s17+$0x19C00];
	_ =	sdelay $0x1  }
0x249: {  	v11 =	vld [tilespmem:s17+$0x1A000]  }
.Ltmp2:
0x24a: {  	v8 =	vmul.f32 v8, v2;
	(pc) =	sbr.rel @p1 .LBB2_7-.Ltmp2, $3  }
0x24b: {  	v7 =	vld [tilespmem:s17+$0x1A400]  }
0x24c: {  	v8 =	vadd.f32 v8, v9;
	v9 =	vmul.f32 v10, v3;
	_ =	sdelay $0x1  }
0x24d: {  	s26 =	sshra.s32 s9, $0x2;
	s9 =	sadd.s32 $0x40, s9;
	v8 =	vadd.f32 v9, v8;
	v9 =	vmul.f32 v11, v4  }
0x24e: {  	v10 =	vld [tilespmem:s26+$0x19000]  }
0x24f: {  	v8 =	vadd.f32 v9, v8;
	v7 =	vmul.f32 v7, v5;
	_ =	sdelay $0x1  }
0x250: {  	v7 =	vadd.f32 v7, v8;
	_ =	sdelay $0x1  }
0x251: {  	v7 =	vadd.f32 v7, v6;
	_ =	sdelay $0x1  }
0x252: {  	v8 =	vld [tilespmem:s26+$0x19800];
	[tilespmem:s17+$0x1C000] =	vst v7  }
0x253: {  	v7 =	vld.idx.msk [tilespmem:v10+s1+$0x0], $0xffff  }
0x254: {  	v62 =	vld [tilespmem:s26+$0x19C00];
	_ =	sdelay $0x1  }
0x255: {  	v63 =	vld [tilespmem:s26+$0x1A000]  }
0x256: {  	v8 =	vmul.f32 v8, v2  }
0x257: {  	v11 =	vld [tilespmem:s26+$0x1A400]  }
0x258: {  	v7 =	vadd.f32 v8, v7;
	v8 =	vmul.f32 v62, v3;
	_ =	sdelay $0x1  }
0x259: {  	v7 =	vadd.f32 v8, v7;
	v8 =	vmul.f32 v63, v4;
	_ =	sdelay $0x1  }
0x25a: {  	v7 =	vadd.f32 v8, v7;
	v8 =	vmul.f32 v11, v5;
	_ =	sdelay $0x1  }
0x25b: {  	v7 =	vadd.f32 v8, v7;
	_ =	sdelay $0x1  }
0x25c: {  	v7 =	vadd.f32 v7, v6;
	_ =	sdelay $0x1  }
0x25d: {  	[tilespmem:s26+$0x1C000] =	vst v7  }
0x25e: {  	[spmem:s23] =	stream.indirect.scatter.add.f32 [tilespmem:s20], [sflag:$0x3], $0x1, s16, s14, $0xb8;
	[tilespmem:$0x1FE00] =	vst v63  }
0x25f: {  	_ =	swait.ge [sflag:s21], $0x400  }
0x260: {  	[sflag:s21] =	ssyncset.done $0x0  }
0x261: {  	s9 =	simm.s32 $0x40;
	s17 =	simm.s32 $0x0;
	[sflag:s21] =	ssyncadd.s32 $0xFFFFFC00  }
.LBB2_9:
0x262: {  	p1 =	sne.s32 s9, $0xFC0;
	[tilespmem:s17+$0x1C000] =	vst v1;
	s17 =	smov.u32 s9;
	s9 =	sadd.s32 $0x40, s9  }
.Ltmp3:
0x263: {  	(pc) =	sbr.rel @p1 .LBB2_9-.Ltmp3, $2  }
0x264: {  	_ =	sdelay $0x2  }
0x265: {  	s17 =	sshra.s32 s17, $0x2  }
0x266: {  	[tilespmem:s17+$0x1C000] =	vst v1;
	p1 =	seq.s32 s12, $0x30  }
0x267: {  	[spmem:s28] =	stream.indirect.scatter.add.f32 [tilespmem:s20], [sflag:$0x3], $0x1, s16, s14, $0xb8;
	[tilespmem:$0x1FE00] =	vst v63  }
0x268: {  	s9 =	sadd.s32 @!p1 s13, s15;
	_ =	swait.ge [sflag:s21], $0x400  }
0x269: {  	s26 =	simm.s32 @!p1 $0x0;
	s13 =	sshrl.u32 @!p1 s9, $0x3;
	[sflag:s21] =	ssyncset.done $0x0  }
0x26a: {  	s7 =	simm.s32 @!p1 $0x19000;
	s17 =	sadd.s32 @!p1 s31, s13;
	[sflag:s21] =	ssyncadd.s32 $0xFFFFFC00  }
0x26b: {  	[tilespmem:s7], [sflag:$0x1] =	stream.linear.gather @!p1 [hbm4b:s17+s26], $0x400, $0x38;
	[tilespmem:$0x1FE00] =	vst v63  }
0x26c: {  	s7 =	smin.u32 @!p1 s9, $0x30D000  }
0x26d: {  	s9 =	sadd.s32 @!p1 s25, s13;
	s13 =	simm.s32 @!p1 $0x19400;
	s7 =	sshrl.u32 @!p1 s7, $0x3  }
0x26e: {  	[tilespmem:s13], [sflag:$0x1] =	stream.linear.gather @!p1 [hbm4b:s9+s26], $0x400, $0x38;
	[tilespmem:$0x1FE00] =	vst v63  }
0x26f: {  	s9 =	sadd.s32 @!p1 s0, s7;
	s13 =	simm.s32 @!p1 $0x19800  }
0x270: {  	[tilespmem:s13], [sflag:$0x1] =	stream.linear.gather @!p1 [hbm4b:s9+s26], $0x400, $0x38;
	[tilespmem:$0x1FE00] =	vst v63  }
0x271: {  	s9 =	sadd.s32 @!p1 s3, s7;
	s13 =	simm.s32 @!p1 $0x19C00  }
0x272: {  	[tilespmem:s13], [sflag:$0x1] =	stream.linear.gather @!p1 [hbm4b:s9+s26], $0x400, $0x38;
	[tilespmem:$0x1FE00] =	vst v63  }
0x273: {  	s9 =	sadd.s32 @!p1 s4, s7;
	s13 =	simm.s32 @!p1 $0x1A000  }
0x274: {  	[tilespmem:s13], [sflag:$0x1] =	stream.linear.gather @!p1 [hbm4b:s9+s26], $0x400, $0x38;
	[tilespmem:$0x1FE00] =	vst v63  }
0x275: {  	s7 =	sadd.s32 @!p1 s19, s7;
	s9 =	simm.s32 @!p1 $0x1A400  }
0x276: {  	[tilespmem:s9], [sflag:$0x1] =	stream.linear.gather @!p1 [hbm4b:s7+s26], $0x400, $0x38;
	[tilespmem:$0x1FE00] =	vst v63  }
0x277: {  	_ =	swait.ge [sflag:s29], $0x400  }
0x278: {  	[sflag:s29] =	ssyncset.done $0x0  }
0x279: {  	[sflag:s29] =	ssyncadd.s32 $0xFFFFFC00  }
0x27a: {  	_ =	swait.ge [sflag:s29], $0x400  }
0x27b: {  	[sflag:s29] =	ssyncset.done $0x0  }
0x27c: {  	[sflag:s29] =	ssyncadd.s32 $0xFFFFFC00  }
0x27d: {  	_ =	swait.ge [sflag:s29], $0x400  }
0x27e: {  	[sflag:s29] =	ssyncset.done $0x0  }
0x27f: {  	[sflag:s29] =	ssyncadd.s32 $0xFFFFFC00  }
0x280: {  	_ =	swait.ge [sflag:s29], $0x400  }
0x281: {  	[sflag:s29] =	ssyncset.done $0x0  }
0x282: {  	[sflag:s29] =	ssyncadd.s32 $0xFFFFFC00  }
0x283: {  	_ =	swait.ge [sflag:s29], $0x400  }
0x284: {  	[sflag:s29] =	ssyncset.done $0x0  }
0x285: {  	[sflag:s29] =	ssyncadd.s32 $0xFFFFFC00  }
0x286: {  	_ =	swait.ge [sflag:s29], $0x400  }
0x287: {  	[sflag:s29] =	ssyncset.done $0x0  }
0x288: {  	s13 =	simm.s32 $0x0;
	[sflag:s29] =	ssyncadd.s32 $0xFFFFFC00  }
0x289: {  	v7 =	vld [tilespmem:s13+$0x1A800];
	_ =	sdelay $0x5  }
0x28a: {  	v8 =	vld [tilespmem:s13+$0x1B000];
	_ =	sdelay $0x1  }
0x28b: {  	v7 =	vld.idx.msk [tilespmem:v7+s1+$0x0], $0xffff  }
0x28c: {  	v9 =	vld [tilespmem:s13+$0x1B400];
	_ =	sdelay $0x1  }
0x28d: {  	v10 =	vld [tilespmem:s13+$0x1B800];
	v8 =	vmul.f32 v8, v2;
	_ =	sdelay $0x1  }
0x28e: {  	v8 =	vadd.f32 v8, v7;
	v7 =	vld [tilespmem:s13+$0x1BC00]  }
0x28f: {  	v9 =	vmul.f32 v9, v3;
	_ =	sdelay $0x1  }
0x290: {  	s17 =	simm.s32 $0x10;
	s9 =	simm.s32 $0x80;
	v8 =	vadd.f32 v9, v8;
	v9 =	vmul.f32 v10, v4  }
.LBB2_11:
0x291: {  	p1 =	sne.s32 s9, $0xFC0;
	v10 =	vld [tilespmem:s17+$0x1A800]  }
0x292: {  	v8 =	vadd.f32 v9, v8;
	v7 =	vmul.f32 v7, v5;
	_ =	sdelay $0x1  }
0x293: {  	v7 =	vadd.f32 v7, v8;
	_ =	sdelay $0x1  }
0x294: {  	v7 =	vadd.f32 v7, v6;
	_ =	sdelay $0x1  }
0x295: {  	v8 =	vld [tilespmem:s17+$0x1B000];
	[tilespmem:s13+$0x1C000] =	vst v7;
	s13 =	smov.u32 s17  }
0x296: {  	v9 =	vld.idx.msk [tilespmem:v10+s1+$0x0], $0xffff  }
0x297: {  	v10 =	vld [tilespmem:s13+$0x1B400];
	_ =	sdelay $0x1  }
0x298: {  	v11 =	vld [tilespmem:s13+$0x1B800]  }
.Ltmp4:
0x299: {  	v8 =	vmul.f32 v8, v2;
	(pc) =	sbr.rel @p1 .LBB2_11-.Ltmp4, $3  }
0x29a: {  	v7 =	vld [tilespmem:s13+$0x1BC00]  }
0x29b: {  	v8 =	vadd.f32 v8, v9;
	v9 =	vmul.f32 v10, v3;
	_ =	sdelay $0x1  }
0x29c: {  	s17 =	sshra.s32 s9, $0x2;
	s9 =	sadd.s32 $0x40, s9;
	v8 =	vadd.f32 v9, v8;
	v9 =	vmul.f32 v11, v4  }
0x29d: {  	v10 =	vld [tilespmem:s17+$0x1A800]  }
0x29e: {  	v8 =	vadd.f32 v9, v8;
	v7 =	vmul.f32 v7, v5;
	_ =	sdelay $0x1  }
0x29f: {  	v7 =	vadd.f32 v7, v8;
	_ =	sdelay $0x1  }
0x2a0: {  	v7 =	vadd.f32 v7, v6;
	_ =	sdelay $0x1  }
0x2a1: {  	v8 =	vld [tilespmem:s17+$0x1B000];
	[tilespmem:s13+$0x1C000] =	vst v7  }
0x2a2: {  	v7 =	vld.idx.msk [tilespmem:v10+s1+$0x0], $0xffff  }
0x2a3: {  	v62 =	vld [tilespmem:s17+$0x1B400];
	_ =	sdelay $0x1  }
0x2a4: {  	v63 =	vld [tilespmem:s17+$0x1B800]  }
0x2a5: {  	v8 =	vmul.f32 v8, v2  }
0x2a6: {  	v11 =	vld [tilespmem:s17+$0x1BC00]  }
0x2a7: {  	v7 =	vadd.f32 v8, v7;
	v8 =	vmul.f32 v62, v3;
	_ =	sdelay $0x1  }
0x2a8: {  	v7 =	vadd.f32 v8, v7;
	v8 =	vmul.f32 v63, v4;
	_ =	sdelay $0x1  }
0x2a9: {  	v7 =	vadd.f32 v8, v7;
	v8 =	vmul.f32 v11, v5;
	_ =	sdelay $0x1  }
0x2aa: {  	v7 =	vadd.f32 v8, v7;
	_ =	sdelay $0x1  }
0x2ab: {  	v7 =	vadd.f32 v7, v6;
	_ =	sdelay $0x1  }
0x2ac: {  	[tilespmem:s17+$0x1C000] =	vst v7  }
0x2ad: {  	[spmem:s23] =	stream.indirect.scatter.add.f32 [tilespmem:s20], [sflag:$0x3], $0x1, s8, s14, $0xb8;
	[tilespmem:$0x1FE00] =	vst v63  }
0x2ae: {  	_ =	swait.ge [sflag:s21], $0x400  }
0x2af: {  	[sflag:s21] =	ssyncset.done $0x0  }
0x2b0: {  	s9 =	simm.s32 $0x40;
	s13 =	simm.s32 $0x0;
	[sflag:s21] =	ssyncadd.s32 $0xFFFFFC00  }
.LBB2_13:
0x2b1: {  	p1 =	sne.s32 s9, $0xFC0;
	[tilespmem:s13+$0x1C000] =	vst v1;
	s7 =	smov.u32 s9;
	s9 =	sadd.s32 $0x40, s9  }
.Ltmp5:
0x2b2: {  	(pc) =	sbr.rel @p1 .LBB2_13-.Ltmp5, $2  }
0x2b3: {  	_ =	sdelay $0x2  }
0x2b4: {  	s13 =	sshra.s32 s7, $0x2  }
0x2b5: {  	s12 =	sadd.s32 $0x1, s12  }
0x2b6: {  	p1 =	sne.s32 s12, $0x31  }
.Ltmp6:
0x2b7: {  	[tilespmem:s13+$0x1C000] =	vst v1;
	(pc) =	sbr.rel @p1 .LBB2_6-.Ltmp6, $4  }
0x2b8: {  	[spmem:s28] =	stream.indirect.scatter.add.f32 [tilespmem:s20], [sflag:$0x3], $0x1, s8, s14, $0xb8;
	[tilespmem:$0x1FE00] =	vst v63  }
0x2b9: {  	_ =	swait.ge [sflag:s21], $0x400  }
0x2ba: {  	[sflag:s21] =	ssyncset.done $0x0  }
0x2bb: {  	[sflag:s21] =	ssyncadd.s32 $0xFFFFFC00  }
0x2bc: {  	[bflag:$0x0] =	sbarrier.arrive $0xFFFF  }
0x2bd: {  	s5 =	stileid.u32;
	s9 =	sld [smem:$0x7F8]  }
0x2be: {  	s5 =	sshll.u32 s5, $0x6  }
0x2bf: {  	s7 =	sshrl.u32 s10, $0x3;
	s5 =	sor.u32 $0x1C04, s5  }
0x2c0: {  	[hbm:s9], [sflag:s5] =	dma.local [spmem:s7], $0x320  }
0x2c1: {  	_ =	swait.ge [sflag:s18], $0x320  }
0x2c2: {  	s12 =	sld [smem:$0x7FD]  }
0x2c3: {  	s13 =	sld [smem:$0x7F9]  }
0x2c4: {  	[sflag:s18] =	ssyncset.done $0x0  }
0x2c5: {  	[sflag:s18] =	ssyncadd.s32 $0xFFFFFCE0;
	s11 =	sshrl.u32 s12, $0x3  }
0x2c6: {  	[hbm:s13], [sflag:s5] =	dma.local [spmem:s11], $0x320  }
0x2c7: {  	_ =	swait.ge [sflag:s18], $0x320  }
0x2c8: {  	s17 =	sld [smem:$0x7CC]  }
0x2c9: {  	s26 =	sld [smem:$0x7FB];
	_ =	sdelay $0x1  }
0x2ca: {  	s7 =	sadd.s32 $0x1, s17  }
0x2cb: {  	p1 =	sne.s32 s7, s26  }
.Ltmp7:
0x2cc: {  	_ = 	snop;
	(pc) =	sbr.rel @p1 .LBB2_1-.Ltmp7, $3  }
0x2cd: {  	_ =	sdelay $0x1  }
0x2ce: {  	[sflag:s18] =	ssyncset.done $0x0  }
0x2cf: {  	[sflag:s18] =	ssyncadd.s32 $0xFFFFFCE0  }
0x2d0: {  	_ =	sfence.sel $0x180000  }
0x2d1: {  	[bflag:$0x0] =	sbarrier.arrive $0xFFFF  }
0x2d2: {  	_ =	strace $0x90000047  }
0x2d3: {  	s0 =	stileid.u32;
	[bflag:$0x2] =	sbarrier.arrive $0xFFFF  }
0x2d4: {  	p0 =	sne.s32 s0, $0x0;
	s0 =	rddreg [dreg:$0x5]  }
0x2d5: {  	s0 =	sadd.s32 @!p0 $0x100000, s0  }
0x2d6: {  	[sflag:s0] =	ssyncadd.tile.s32 @!p0 $0x1;
	_ =	shalt  }
.Lfunc_end2:
_tile_overlayer_lowered:
.L_overlay_start_2:
0x2d7: {  	(tag) =	ssettag $0x2  }
0x2d8: {  	s0 =	rddreg [dreg:$0x0];
	s2 =	stileid.u32  }
0x2d9: {  	s1 =	rddreg [dreg:$0x1];
	p0 =	sne.s32 s2, $0x0  }
0x2da: {  	s3 =	rddreg [dreg:$0x2];
	[bflag:$0x3] =	sbarrier.arrive $0xFFFF;
	s2 =	simm.s32 @!p0 $0x1C04  }
0x2db: {  	[timem:s3], [sflag:s2] =	dma.local @!p0 [hbm:s0], s1  }
0x2dc: {  	s0 =	simm.s32 @!p0 $0x4  }
0x2dd: {  	_ =	swait.ge @!p0 [sflag:s0], s1  }
0x2de: {  	s1 =	ssub.s32 @!p0 $0x0, s1;
	[sflag:s0] =	ssyncset.done @!p0 $0x0  }
0x2df: {  	[sflag:s0] =	ssyncadd.s32 @!p0 s1  }
0x2e0: {  	[bflag:$0x3] =	sbarrier.arrive $0xFFFF  }
0x2e1: {  	_ =	shalt  }

// kernel: kernel.9.cloned.1.call-start
scs
__scs_entry_jumppad:
0x0: {  	(pc) =	sbr.rel $0x88, $3  }
0x1: {  	(tag) =	ssettag $0x0;
	lr =	simm.s32 $0x1  }
0x2: {  	[smem:$0x3F9A] =	sst lr;
	_ =	strace $0xD0000000  }
0x3: {  	_ = 	snop  }
0x4: {  	_ = 	snop  }
0x5: {  	_ = 	snop  }
0x6: {  	_ = 	snop  }
0x7: {  	_ = 	snop  }
__scs_overlays_trampoline_lowered:
0x8: {  	[smem:$0x3FA9] =	sst s0  }
0x9: {  	[smem:$0x3FAA] =	sst s1  }
0xa: {  	[smem:$0x3FAB] =	sst s2  }
0xb: {  	[smem:$0x3FAC] =	sst s3  }
0xc: {  	[smem:$0x3FAD] =	sst s4  }
0xd: {  	[smem:$0x3FAE] =	sst s5  }
0xe: {  	[smem:$0x3FAF] =	sst s6  }
0xf: {  	[smem:$0x3FB0] =	sst s7  }
0x10: {  	[smem:$0x3FB1] =	sst s8  }
0x11: {  	[smem:$0x3FB2] =	sst s9;
	s0 =	simm.s32 @!p0 $0x0  }
0x12: {  	s1 =	sld [smem:$0x3F98];
	s0 =	simm.s32 @p0 $0x1  }
0x13: {  	[smem:$0x3FB3] =	sst s0;
	s0 =	simm.s32 @!p1 $0x0  }
0x14: {  	s2 =	sld [smem:$0x3F97];
	s0 =	simm.s32 @p1 $0x1  }
0x15: {  	[smem:$0x3FB4] =	sst s0;
	s0 =	simm.s32 @!p2 $0x0  }
0x16: {  	s3 =	sld [smem:$0x3FDB];
	s0 =	simm.s32 @p2 $0x1  }
0x17: {  	s4 =	simm.s32 $0x1BF5;
	[smem:$0x3FB6] =	sst s0  }
0x18: {  	s0 =	sld [smem:$0x3F99];
	_ =	swait.ge [sflag:s4], $0x0  }
0x19: {  	s7 =	sld [smem:$0x3F9A]  }
0x1a: {  	s8 =	sadd.s32 $0xFFFFE003, lr  }
0x1b: {  	s9 =	sadd.s32 $0xFFFFFEF7, lr;
	s5 =	simm.s32 $0xFFFFFFFF;
	p2 =	slt.u32 s8, $0xFFFFF086  }
0x1c: {  	p1 =	slt.u32 s9, $0xF7A;
	s5 =	simm.s32 @!p2 $0x0  }
0x1d: {  	s5 =	simm.s32 @p1 $0x1;
	p0 =	seq.s32 s7, s2  }
0x1e: {  	s7 =	smul.u32 @!p0 $0xF7A, s2;
	p2 =	seq.s32 @!p0 s5, $0x0  }
0x1f: {  	s9 =	smul.u32 $0xF7A, s1;
	s8 =	simm.s32 @!p0 $0x1BF5;
	p2 =	por !p2, p0  }
0x20: {  	[sflag:s8] =	ssyncset.s32 @!p0 $0xFFFFF086;
	s6 =	sadd.s32 @!p0 s3, s7;
	s7 =	simm.s32 @!p0 $0x108  }
0x21: {  	s3 =	sadd.s32 s3, s9;
	s6 =	sadd.s32 @!p0 $0x88, s6;
	s7 =	simm.s32 @p2 $0x1082  }
0x22: {  	[simem:s7], [sflag:s8] =	dma.local @!p0 [hbm:s6], $0xF7A  }
0x23: {  	s9 =	sor.u32 $0xD0000000, s2;
	s6 =	simm.s32 $0x108;
	_ =	swait.ge @!p0 [sflag:s8], $0x0  }
0x24: {  	s3 =	sadd.s32 $0x88, s3;
	s6 =	simm.s32 @!p1 $0x1082;
	[sflag:s4] =	ssyncset.s32 $0xFFFFF086  }
0x25: {  	[simem:s6], [sflag:s4] =	dma.local [hbm:s3], $0xF7A  }
0x26: {  	[smem:$0x3F9A] =	sst s1;
	(tag) =	ssettag s2;
	_ =	strace s9  }
0x27: {  	s1 =	sld [smem:$0x3FAA]  }
0x28: {  	s2 =	sld [smem:$0x3FAB]  }
0x29: {  	s4 =	sld [smem:$0x3FAD]  }
0x2a: {  	p0 =	seq.s32 s5, $0x0;
	s5 =	sld [smem:$0x3FAE]  }
0x2b: {  	s6 =	sld [smem:$0x3FAF]  }
0x2c: {  	s7 =	sld [smem:$0x3FB0]  }
0x2d: {  	s3 =	simm.s32 $0x108;
	s8 =	sld [smem:$0x3FB1]  }
0x2e: {  	s3 =	simm.s32 @!p0 $0x1082;
	s9 =	sld [smem:$0x3FB2]  }
0x2f: {  	lr =	sadd.s32 s0, s3;
	s0 =	sld [smem:$0x3FA9]  }
0x30: {  	s3 =	sld [smem:$0x3FAC]  }
0x31: {  	[smem:$0x3FB5] =	sst s10  }
0x32: {  	s10 =	sld [smem:$0x3FB3];
	_ =	sdelay $0x3  }
0x33: {  	p0 =	seq.s32 s10, $0x1;
	s10 =	sld [smem:$0x3FB5];
	_ =	sdelay $0x3  }
0x34: {  	[smem:$0x3FB5] =	sst s10  }
0x35: {  	s10 =	sld [smem:$0x3FB4];
	_ =	sdelay $0x3  }
0x36: {  	p1 =	seq.s32 s10, $0x1;
	s10 =	sld [smem:$0x3FB5];
	_ =	sdelay $0x3  }
0x37: {  	[smem:$0x3FB5] =	sst s10  }
0x38: {  	s10 =	sld [smem:$0x3FB6]  }
0x39: {  	_ = 	snop;
	(pc) =	sbr.ind lr, $3  }
0x3a: {  	_ = 	snop  }
0x3b: {  	_ = 	snop  }
0x3c: {  	p2 =	seq.s32 s10, $0x1;
	s10 =	sld [smem:$0x3FB5]  }
0x3d: {  	_ =	shalt  }
0x3e: {  	_ =	shalt  }
0x3f: {  	_ =	shalt  }
0x40: {  	_ =	shalt  }
0x41: {  	_ =	shalt  }
0x42: {  	_ =	shalt  }
0x43: {  	_ =	shalt  }
0x44: {  	_ =	shalt  }
0x45: {  	_ =	shalt  }
0x46: {  	_ =	shalt  }
0x47: {  	_ =	shalt  }
0x48: {  	_ =	shalt  }
0x49: {  	_ =	shalt  }
0x4a: {  	_ =	shalt  }
0x4b: {  	_ =	shalt  }
0x4c: {  	_ =	shalt  }
0x4d: {  	_ =	shalt  }
0x4e: {  	_ =	shalt  }
0x4f: {  	_ =	shalt  }
0x50: {  	_ =	shalt  }
0x51: {  	_ =	shalt  }
0x52: {  	_ =	shalt  }
0x53: {  	_ =	shalt  }
0x54: {  	_ =	shalt  }
0x55: {  	_ =	shalt  }
0x56: {  	_ =	shalt  }
0x57: {  	_ =	shalt  }
0x58: {  	_ =	shalt  }
0x59: {  	_ =	shalt  }
0x5a: {  	_ =	shalt  }
0x5b: {  	_ =	shalt  }
0x5c: {  	_ =	shalt  }
0x5d: {  	_ =	shalt  }
0x5e: {  	_ =	shalt  }
0x5f: {  	_ =	shalt  }
0x60: {  	_ =	shalt  }
0x61: {  	_ =	shalt  }
0x62: {  	_ =	shalt  }
0x63: {  	_ =	shalt  }
0x64: {  	_ =	shalt  }
0x65: {  	_ =	shalt  }
0x66: {  	_ =	shalt  }
0x67: {  	_ =	shalt  }
0x68: {  	_ =	shalt  }
0x69: {  	_ =	shalt  }
0x6a: {  	_ =	shalt  }
0x6b: {  	_ =	shalt  }
0x6c: {  	_ =	shalt  }
0x6d: {  	_ =	shalt  }
0x6e: {  	_ =	shalt  }
0x6f: {  	_ =	shalt  }
0x70: {  	_ =	shalt  }
0x71: {  	_ =	shalt  }
0x72: {  	_ =	shalt  }
0x73: {  	_ =	shalt  }
0x74: {  	_ =	shalt  }
0x75: {  	_ =	shalt  }
0x76: {  	_ =	shalt  }
0x77: {  	_ =	shalt  }
0x78: {  	_ =	shalt  }
0x79: {  	_ =	shalt  }
0x7a: {  	_ =	shalt  }
0x7b: {  	_ =	shalt  }
0x7c: {  	_ =	shalt  }
0x7d: {  	_ =	shalt  }
0x7e: {  	_ =	shalt  }
0x7f: {  	_ =	shalt  }
0x80: {  	_ =	shalt  }
0x81: {  	_ =	shalt  }
0x82: {  	_ =	shalt  }
0x83: {  	_ =	shalt  }
0x84: {  	_ =	shalt  }
0x85: {  	_ =	shalt  }
0x86: {  	_ =	shalt  }
0x87: {  	_ =	shalt  }
.Lfunc_end0:
.L_simem_size_0:
called_computation.1_lowered:
.L_overlay_start_0:
0x88: {  	s2 =	sld [smem:$0x3FD9]  }
0x89: {  	s3 =	sld [smem:$0x3FFE];
	_ =	sdelay $0x1  }
0x8a: {  	s1 =	srdreg.scid  }
0x8b: {  	s0 =	sand.u32 $0x1, s1  }
0x8c: {  	s17 =	sshll.u32 s0, $0xA;
	s2 =	sadd.s32 s3, s2  }
0x8d: {  	s2 =	sadd.s32 s2, s17  }
0x8e: {  	[smem:$0x3FC1] =	sst s2  }
0x8f: {  	_ = 	snop  }
0x90: {  	s2 =	sld [smem:$0x3FC5]  }
0x91: {  	s18 =	sld [smem:$0x3FD0];
	(tm) =	ssettm $0x1  }
0x92: {  	s4 =	sld [smem:$0x3FFB];
	_ =	sdelay $0x3  }
0x93: {  	_ =	strace s4  }
0x94: {  	s4 =	sld [smem:$0x3FFC];
	_ =	sdelay $0x3  }
0x95: {  	_ =	strace s4  }
0x96: {  	s4 =	sld [smem:$0x3FFD];
	_ =	sdelay $0x3  }
0x97: {  	_ =	strace s4  }
0x98: {  	_ =	strace $0x8FFFFFFF  }
0x99: {  	s19 =	sld [smem:$0x3FDB];
	_ =	sdelay $0x1  }
0x9a: {  	s5 =	simm.s32 $_scs_section_size  }
0x9b: {  	s6 =	simm.s32 $_size__tile_overlayer_lowered;
	s7 =	simm.s32 $_tile_overlayer_lowered  }
0x9c: {  	s22 =	simm.s32 $0x1BFF;
	s21 =	sshll.u32 s7, $0x1;
	s4 =	sadd.s32 s5, s19  }
0x9d: {  	s8 =	simm.s32 $0x0;
	s20 =	sshll.u32 s6, $0x1;
	s6 =	sadd.s32 s21, s4  }
0x9e: {  	[timem:s8], [sflag:s22] =	dma.local [hbm:s6], s20  }
0x9f: {  	_ =	swait.ge [sflag:s22], s20  }
0xa0: {  	s5 =	ssub.s32 $0x0, s20;
	[sflag:s22] =	ssyncset.done $0x0  }
0xa1: {  	[sflag:s22] =	ssyncadd.s32 s5;
	_ =	sdelay $0x1  }
0xa2: {  	s23 =	simm.s32 $0x1B8B  }
0xa3: {  	_ =	swait.ge [sflag:s23], $0x1  }
0xa4: {  	[sflag:s23] =	ssyncset.done $0x0  }
0xa5: {  	s25 =	simm.s32 $0x1B8E;
	s24 =	sld [smem:$0x3FFE];
	[sflag:s23] =	ssyncadd.s32 $0xFFFFFFFF  }
0xa6: {  	s26 =	simm.s32 $execute0_lowered;
	[smem:$0x3FD2] =	sst s25  }
0xa7: {  	s6 =	sshll.u32 s26, $0x1;
	_ =	strace $0x80000049;
	[dreg:$0x1] =	wrdreg $0xFFFFFFFF  }
0xa8: {  	s28 =	simm.s32 $_size_execute0_lowered;
	s4 =	sadd.s32 s4, s6;
	[dreg:$0x0] =	wrdreg $0x0  }
0xa9: {  	s6 =	sshll.u32 s28, $0x1;
	[dreg:$0x2] =	wrdreg s4  }
0xaa: {  	[dreg:$0x3] =	wrdreg s6  }
0xab: {  	[dreg:$0x4] =	wrdreg $0xC0  }
0xac: {  	_ =	task [dreg:s8], $0x5FFFF  }
0xad: {  	[dreg:$0x1] =	wrdreg $0xFFFFFFFF  }
0xae: {  	[dreg:$0x0] =	wrdreg $0x60  }
0xaf: {  	[dreg:$0x2] =	wrdreg s24  }
0xb0: {  	[dreg:$0x3] =	wrdreg s2  }
0xb1: {  	[dreg:$0x4] =	wrdreg s18  }
0xb2: {  	[dreg:$0x5] =	wrdreg $0x1D2000  }
0xb3: {  	[dreg:$0x6] =	wrdreg $0x9  }
0xb4: {  	_ =	task.clear_ibuf [dreg:s8], $0x7FFFF;
	_ =	strace $0x90000049  }
0xb5: {  	s29 =	simm.s32 $0x9;
	_ =	strace $0x8000004B  }
0xb6: {  	_ =	swait.ge [sflag:s29], $0x1  }
0xb7: {  	[sflag:s29] =	ssyncadd.s32 $0xFFFFFFFF  }
0xb8: {  	_ =	strace $0x9000004B  }
0xb9: {  	_ =	sfence  }
0xba: {  	s30 =	sld [smem:$0x0];
	_ =	sdelay $0x2  }
0xbb: {  	s31 =	sshll.u32 s1, $0xD;
	s1 =	sshrl.u32 s1, $0x2  }
0xbc: {  	s3 =	sand.u32 $0x4000, s31;
	s1 =	sadd.s32 s1, s30  }
0xbd: {  	s0 =	sor.u32 s3, s0;
	s1 =	sshll.u32 s1, $0x11  }
0xbe: {  	s0 =	sor.u32 s1, s0  }
0xbf: {  	s0 =	sadd.s32 $0x8F2B, s0  }
0xc0: {  	[sflag:s0] =	ssyncadd.remote.s32 $0x1  }
0xc1: {  	_ =	sfence.sel $0xFFFF  }
0xc2: {  	[dreg:$0x0] =	wrdreg $0xFFFFFFFF;
	(pc) =	sbr.abs _section_cstart, $3  }
0xc3: {  	[dreg:$0x1] =	wrdreg $0xFFFFFFFF  }
0xc4: {  	_ =	task.clear_ibuf [dreg:s8], $0x2FFFF;
	_ =	strace $0x9FFFFFFF  }
0xc5: {  	(tm) =	ssettm $0x7FFFFFFF  }
tec
execute0_lowered:
.L_overlay_start_1:
0x0: {  	(tag) =	ssettag $0x1  }
0x1: {  	s0 =	rddreg [dreg:$0x0]  }
0x2: {  	s1 =	rddreg [dreg:$0x1]  }
0x3: {  	s21 =	rddreg [dreg:$0x2]  }
0x4: {  	s3 =	rddreg [dreg:$0x3];
	s4 =	simm.s32 $0x0  }
0x5: {  	s2 =	srdreg.scid;
	[smem:$0x7FF] =	sst s4;
	s6 =	sadd.s32 $0x201C00, s0  }
0x6: {  	s18 =	stileid.u32;
	s7 =	sadd.s32 $0x1FB800, s0;
	s8 =	sadd.s32 $0x204E00, s0  }
0x7: {  	s2 =	sand.u32 $0x1, s2;
	s9 =	smul.u32 $0x1900, s18;
	s10 =	sadd.s32 $0x5400, s0  }
0x8: {  	s11 =	sadd.s32 $0x137600, s0;
	s13 =	sadd.s32 $0x199600, s0;
	s17 =	sshll.u32 s2, $0x4  }
0x9: {  	s14 =	sadd.s32 $0xD5400, s0;
	s12 =	smul.u32 $0x19000, s2;
	s17 =	sor.u32 s18, s17  }
0xa: {  	s15 =	sadd.s32 $0x73800, s0;
	s16 =	sadd.s32 $0x11C00, s0;
	s18 =	smul.u32 $0x18800, s17  }
0xb: {  	s19 =	sadd.s32 $0x1FB600, s0;
	_ =	strace $0x8000004A;
	s23 =	sshrl.u32 s12, $0x3  }
0xc: {  	[dreg:$0x5] =	wrdreg s19;
	s17 =	sadd.s32 s21, s23;
	s24 =	sshrl.u32 s18, $0x3  }
0xd: {  	s20 =	ssub.s32 $0x2, s2;
	[dreg:$0x6] =	wrdreg s17;
	s25 =	sadd.s32 s11, s24  }
0xe: {  	s19 =	sadd.s32 $0x213C00, s0;
	s26 =	sadd.s32 s13, s24;
	[dreg:$0x7] =	wrdreg s25  }
0xf: {  	s22 =	sshrl.u32 s20, $0x1;
	s28 =	sadd.s32 s14, s24;
	[dreg:$0x8] =	wrdreg s26  }
0x10: {  	s5 =	sadd.s32 s9, s12;
	s29 =	sadd.s32 s15, s24;
	[dreg:$0x9] =	wrdreg s28  }
0x11: {  	s5 =	sshrl.u32 s5, $0x3;
	s31 =	sadd.s32 s16, s24;
	[dreg:$0xa] =	wrdreg s29  }
0x12: {  	s5 =	sadd.s32 s5, s0;
	s17 =	sadd.s32 s1, s24;
	[dreg:$0xb] =	wrdreg s31  }
0x13: {  	s0 =	ssub.s32 s20, s22;
	s20 =	sadd.s32 $0x20D800, s5;
	[dreg:$0xc] =	wrdreg s17  }
0x14: {  	s0 =	smax.u32 s0, $0x1;
	[dreg:$0xd] =	wrdreg s20  }
0x15: {  	s17 =	sadd.s32 s9, s3;
	[dreg:$0xf] =	wrdreg s0  }
0x16: {  	s21 =	sadd.s32 $0x280, s17;
	[dreg:$0xe] =	wrdreg s17  }
0x17: {  	s22 =	sadd.s32 $0x500, s17;
	[dreg:$0x10] =	wrdreg s21  }
0x18: {  	s23 =	sadd.s32 $0x780, s17;
	[dreg:$0x11] =	wrdreg s22  }
0x19: {  	s24 =	sadd.s32 $0xA00, s17;
	[dreg:$0x12] =	wrdreg s23  }
0x1a: {  	s25 =	sadd.s32 $0xC80, s17;
	[dreg:$0x13] =	wrdreg s24  }
0x1b: {  	s26 =	sadd.s32 $0xF00, s17;
	[dreg:$0x14] =	wrdreg s25  }
0x1c: {  	s28 =	sadd.s32 $0x1180, s17;
	[dreg:$0x15] =	wrdreg s26  }
0x1d: {  	s30 =	simm.s32 $0x1B200;
	s29 =	sadd.s32 $0x1400, s17;
	[dreg:$0x16] =	wrdreg s28  }
0x1e: {  	p0 =	sne.s32 s2, $0x0;
	s31 =	sadd.s32 $0x1680, s17;
	[dreg:$0x17] =	wrdreg s29  }
0x1f: {  	s1 =	simm.s32 $0x0;
	s20 =	simm.s32 $0x400;
	[dreg:$0x18] =	wrdreg s31  }
0x20: {  	s25 =	sadd.s32 $0x800, s18;
	s26 =	simm.s32 $0x4;
	s24 =	simm.s32 $0x1  }
0x21: {  	v0 =	vimm.f32 $0.0e+00;
	s21 =	simm.s32 $0x1C600;
	s22 =	simm.s32 $0x3;
	s23 =	simm.s32 $0x2  }
.LBB2_1:
0x22: {  	[dreg:$0x19] =	wrdreg s1  }
0x23: {  	s0 =	rddreg [dreg:$0x5];
	s2 =	simm.s32 $0x1CA00  }
0x24: {  	[tilespmem:s2], [sflag:$0x4] =	stream.linear.gather [hbm4b:s0+s4], $0x780, $0x38;
	[tilespmem:$0x1F780] =	vst v63  }
0x25: {  	_ =	swait.ge [sflag:s26], $0x780  }
0x26: {  	[sflag:s26] =	ssyncset.done $0x0  }
0x27: {  	[sflag:s26] =	ssyncadd.s32 $0xFFFFF880  }
0x28: {  	[tilespmem:$0x19100] =	vst v0  }
0x29: {  	[tilespmem:$0x19110] =	vst v0  }
0x2a: {  	[tilespmem:$0x19120] =	vst v0  }
0x2b: {  	[tilespmem:$0x19130] =	vst v0  }
0x2c: {  	[tilespmem:$0x19140] =	vst v0  }
0x2d: {  	[tilespmem:$0x19150] =	vst v0  }
0x2e: {  	[tilespmem:$0x19160] =	vst v0  }
0x2f: {  	[tilespmem:$0x19170] =	vst v0  }
0x30: {  	[tilespmem:$0x19180] =	vst v0  }
0x31: {  	[tilespmem:$0x19190] =	vst v0  }
0x32: {  	[tilespmem:$0x191A0] =	vst v0  }
0x33: {  	[tilespmem:$0x191B0] =	vst v0  }
0x34: {  	[tilespmem:$0x191C0] =	vst v0  }
0x35: {  	[tilespmem:$0x191D0] =	vst v0  }
0x36: {  	[tilespmem:$0x191E0] =	vst v0  }
0x37: {  	[tilespmem:$0x191F0] =	vst v0  }
0x38: {  	[tilespmem:$0x19200] =	vst v0  }
0x39: {  	[tilespmem:$0x19210] =	vst v0  }
0x3a: {  	[tilespmem:$0x19220] =	vst v0  }
0x3b: {  	[tilespmem:$0x19230] =	vst v0  }
0x3c: {  	[tilespmem:$0x19240] =	vst v0  }
0x3d: {  	[tilespmem:$0x19250] =	vst v0  }
0x3e: {  	[tilespmem:$0x19260] =	vst v0  }
0x3f: {  	[tilespmem:$0x19270] =	vst v0  }
0x40: {  	[tilespmem:$0x19280] =	vst v0  }
0x41: {  	[tilespmem:$0x19290] =	vst v0  }
0x42: {  	[tilespmem:$0x192A0] =	vst v0  }
0x43: {  	[tilespmem:$0x192B0] =	vst v0  }
0x44: {  	[tilespmem:$0x192C0] =	vst v0  }
0x45: {  	[tilespmem:$0x192D0] =	vst v0  }
0x46: {  	[tilespmem:$0x192E0] =	vst v0  }
0x47: {  	[tilespmem:$0x192F0] =	vst v0  }
0x48: {  	[tilespmem:$0x19300] =	vst v0  }
0x49: {  	[tilespmem:$0x19310] =	vst v0  }
0x4a: {  	[tilespmem:$0x19320] =	vst v0  }
0x4b: {  	[tilespmem:$0x19330] =	vst v0  }
0x4c: {  	[tilespmem:$0x19340] =	vst v0  }
0x4d: {  	[tilespmem:$0x19350] =	vst v0  }
0x4e: {  	[tilespmem:$0x19360] =	vst v0  }
0x4f: {  	s2 =	simm.s32 $0x19100;
	[tilespmem:$0x19370] =	vst v0  }
0x50: {  	[spmem:s17] =	stream.linear.scatter [tilespmem:s2], [sflag:$0x4], $0x280, $0x38;
	[tilespmem:$0x1F780] =	vst v63  }
0x51: {  	_ =	swait.ge [sflag:s26], $0x280  }
0x52: {  	[sflag:s26] =	ssyncset.done $0x0  }
0x53: {  	s28 =	rddreg [dreg:$0x10];
	[sflag:s26] =	ssyncadd.s32 $0xFFFFFD80  }
0x54: {  	[spmem:s28] =	stream.linear.scatter [tilespmem:s2], [sflag:$0x4], $0x280, $0x38;
	[tilespmem:$0x1F780] =	vst v63  }
0x55: {  	_ =	swait.ge [sflag:s26], $0x280  }
0x56: {  	[sflag:s26] =	ssyncset.done $0x0  }
0x57: {  	s29 =	rddreg [dreg:$0x11];
	[sflag:s26] =	ssyncadd.s32 $0xFFFFFD80  }
0x58: {  	[spmem:s29] =	stream.linear.scatter [tilespmem:s2], [sflag:$0x4], $0x280, $0x38;
	[tilespmem:$0x1F780] =	vst v63  }
0x59: {  	_ =	swait.ge [sflag:s26], $0x280  }
0x5a: {  	[sflag:s26] =	ssyncset.done $0x0  }
0x5b: {  	s31 =	rddreg [dreg:$0x12];
	[sflag:s26] =	ssyncadd.s32 $0xFFFFFD80  }
0x5c: {  	[spmem:s31] =	stream.linear.scatter [tilespmem:s2], [sflag:$0x4], $0x280, $0x38;
	[tilespmem:$0x1F780] =	vst v63  }
0x5d: {  	_ =	swait.ge [sflag:s26], $0x280  }
0x5e: {  	[sflag:s26] =	ssyncset.done $0x0  }
0x5f: {  	s1 =	rddreg [dreg:$0x13];
	[sflag:s26] =	ssyncadd.s32 $0xFFFFFD80  }
0x60: {  	[spmem:s1] =	stream.linear.scatter [tilespmem:s2], [sflag:$0x4], $0x280, $0x38;
	[tilespmem:$0x1F780] =	vst v63  }
0x61: {  	_ =	swait.ge [sflag:s26], $0x280  }
0x62: {  	[sflag:s26] =	ssyncset.done $0x0  }
0x63: {  	s5 =	rddreg [dreg:$0x14];
	[sflag:s26] =	ssyncadd.s32 $0xFFFFFD80  }
0x64: {  	[spmem:s5] =	stream.linear.scatter [tilespmem:s2], [sflag:$0x4], $0x280, $0x38;
	[tilespmem:$0x1F780] =	vst v63  }
0x65: {  	_ =	swait.ge [sflag:s26], $0x280  }
0x66: {  	[sflag:s26] =	ssyncset.done $0x0  }
0x67: {  	s17 =	rddreg [dreg:$0x15];
	[sflag:s26] =	ssyncadd.s32 $0xFFFFFD80  }
0x68: {  	[spmem:s17] =	stream.linear.scatter [tilespmem:s2], [sflag:$0x4], $0x280, $0x38;
	[tilespmem:$0x1F780] =	vst v63  }
0x69: {  	_ =	swait.ge [sflag:s26], $0x280  }
0x6a: {  	[sflag:s26] =	ssyncset.done $0x0  }
0x6b: {  	s28 =	rddreg [dreg:$0x16];
	[sflag:s26] =	ssyncadd.s32 $0xFFFFFD80  }
0x6c: {  	[spmem:s28] =	stream.linear.scatter [tilespmem:s2], [sflag:$0x4], $0x280, $0x38;
	[tilespmem:$0x1F780] =	vst v63  }
0x6d: {  	_ =	swait.ge [sflag:s26], $0x280  }
0x6e: {  	[sflag:s26] =	ssyncset.done $0x0  }
0x6f: {  	s29 =	rddreg [dreg:$0x17];
	[sflag:s26] =	ssyncadd.s32 $0xFFFFFD80  }
0x70: {  	[spmem:s29] =	stream.linear.scatter [tilespmem:s2], [sflag:$0x4], $0x280, $0x38;
	[tilespmem:$0x1F780] =	vst v63  }
0x71: {  	_ =	swait.ge [sflag:s26], $0x280  }
0x72: {  	[sflag:s26] =	ssyncset.done $0x0  }
0x73: {  	s31 =	rddreg [dreg:$0x18];
	[sflag:s26] =	ssyncadd.s32 $0xFFFFFD80  }
0x74: {  	[spmem:s31] =	stream.linear.scatter [tilespmem:s2], [sflag:$0x4], $0x280, $0x38;
	[tilespmem:$0x1F780] =	vst v63  }
0x75: {  	_ =	swait.ge [sflag:s26], $0x280  }
0x76: {  	[sflag:s26] =	ssyncset.done $0x0  }
0x77: {  	[sflag:s26] =	ssyncadd.s32 $0xFFFFFD80  }
0x78: {  	v1 =	vld [tilespmem:$0x1CC80]  }
0x79: {  	v2 =	vld [tilespmem:$0x1CD00]  }
0x7a: {  	v3 =	vld [tilespmem:$0x1CD80]  }
0x7b: {  	v4 =	vld [tilespmem:$0x1CE00]  }
0x7c: {  	v5 =	vld [tilespmem:$0x1CE80]  }
0x7d: {  	v9 =	vld [tilespmem:$0x1D080]  }
0x7e: {  	v6 =	vld [tilespmem:$0x1CF00]  }
0x7f: {  	v10 =	vld [tilespmem:$0x1D100]  }
0x80: {  	v7 =	vld [tilespmem:$0x1CF80]  }
0x81: {  	s2 =	simm.s32 $0x0;
	v8 =	vld [tilespmem:$0x1D000]  }
.LBB2_2:
0x82: {  	s0 =	smul.u32 $0x280, s2;
	_ =	sdelay $0x1  }
0x83: {  	s29 =	sadd.s32 s9, s0  }
0x84: {  	s31 =	sshrl.u32 s29, $0x3  }
0x85: {  	s5 =	simm.s32 $0x0;
	s17 =	simm.s32 $0x18700;
	s0 =	sadd.s32 s10, s31  }
0x86: {  	[tilespmem:s17], [sflag:$0x1] =	stream.linear.gather [hbm4b:s0+s5], $0x280, $0x38;
	[tilespmem:$0x1F780] =	vst v63  }
0x87: {  	s17 =	sadd.s32 $0x3200, s31  }
0x88: {  	s1 =	simm.s32 $0x18980;
	s28 =	sadd.s32 s10, s17  }
0x89: {  	[tilespmem:s1], [sflag:$0x1] =	stream.linear.gather [hbm4b:s28+s5], $0x280, $0x38;
	[tilespmem:$0x1F780] =	vst v63  }
0x8a: {  	s28 =	sadd.s32 $0x6400, s0;
	s1 =	simm.s32 $0x18C00  }
0x8b: {  	[tilespmem:s1], [sflag:$0x1] =	stream.linear.gather [hbm4b:s28+s5], $0x280, $0x38;
	[tilespmem:$0x1F780] =	vst v63  }
0x8c: {  	s0 =	sadd.s32 $0x9600, s0;
	s1 =	simm.s32 $0x18E80  }
0x8d: {  	[tilespmem:s1], [sflag:$0x1] =	stream.linear.gather [hbm4b:s0+s5], $0x280, $0x38;
	[tilespmem:$0x1F780] =	vst v63  }
0x8e: {  	s0 =	sadd.s32 s6, s31;
	s1 =	simm.s32 $0x1EB00  }
0x8f: {  	[tilespmem:s1], [sflag:$0x1] =	stream.linear.gather [hbm4b:s0+s5], $0x280, $0x38;
	[tilespmem:$0x1F780] =	vst v63  }
0x90: {  	s0 =	sadd.s32 s7, s31;
	s1 =	simm.s32 $0x1ED80  }
0x91: {  	[tilespmem:s1], [sflag:$0x1] =	stream.linear.gather [hbm4b:s0+s5], $0x280, $0x38;
	[tilespmem:$0x1F780] =	vst v63  }
0x92: {  	s0 =	sadd.s32 s7, s17;
	s1 =	simm.s32 $0x1F000  }
0x93: {  	[tilespmem:s1], [sflag:$0x1] =	stream.linear.gather [hbm4b:s0+s5], $0x280, $0x38;
	[tilespmem:$0x1F780] =	vst v63  }
0x94: {  	s0 =	sadd.s32 s8, s31;
	s1 =	simm.s32 $0x1F280  }
0x95: {  	[tilespmem:s1], [sflag:$0x1] =	stream.linear.gather [hbm4b:s0+s5], $0x280, $0x38;
	[tilespmem:$0x1F780] =	vst v63  }
0x96: {  	s1 =	sadd.s32 s8, s17;
	s17 =	simm.s32 $0x1F500  }
0x97: {  	[tilespmem:s17], [sflag:$0x1] =	stream.linear.gather [hbm4b:s1+s5], $0x280, $0x38;
	[tilespmem:$0x1F780] =	vst v63  }
0x98: {  	_ =	swait.ge [sflag:s24], $0x280  }
0x99: {  	[sflag:s24] =	ssyncset.done $0x0  }
0x9a: {  	[sflag:s24] =	ssyncadd.s32 $0xFFFFFD80  }
0x9b: {  	_ =	swait.ge [sflag:s24], $0x280  }
0x9c: {  	[sflag:s24] =	ssyncset.done $0x0  }
0x9d: {  	[sflag:s24] =	ssyncadd.s32 $0xFFFFFD80  }
0x9e: {  	_ =	swait.ge [sflag:s24], $0x280  }
0x9f: {  	[sflag:s24] =	ssyncset.done $0x0  }
0xa0: {  	[sflag:s24] =	ssyncadd.s32 $0xFFFFFD80  }
0xa1: {  	_ =	swait.ge [sflag:s24], $0x280  }
0xa2: {  	[sflag:s24] =	ssyncset.done $0x0  }
0xa3: {  	[sflag:s24] =	ssyncadd.s32 $0xFFFFFD80  }
0xa4: {  	_ =	swait.ge [sflag:s24], $0x280  }
0xa5: {  	[sflag:s24] =	ssyncset.done $0x0  }
0xa6: {  	[sflag:s24] =	ssyncadd.s32 $0xFFFFFD80  }
0xa7: {  	_ =	swait.ge [sflag:s24], $0x280  }
0xa8: {  	[sflag:s24] =	ssyncset.done $0x0  }
0xa9: {  	[sflag:s24] =	ssyncadd.s32 $0xFFFFFD80  }
0xaa: {  	_ =	swait.ge [sflag:s24], $0x280  }
0xab: {  	[sflag:s24] =	ssyncset.done $0x0  }
0xac: {  	[sflag:s24] =	ssyncadd.s32 $0xFFFFFD80  }
0xad: {  	_ =	swait.ge [sflag:s24], $0x280  }
0xae: {  	[sflag:s24] =	ssyncset.done $0x0  }
0xaf: {  	[sflag:s24] =	ssyncadd.s32 $0xFFFFFD80  }
0xb0: {  	_ =	swait.ge [sflag:s24], $0x280  }
0xb1: {  	[sflag:s24] =	ssyncset.done $0x0  }
0xb2: {  	s17 =	simm.s32 $0x0;
	[sflag:s24] =	ssyncadd.s32 $0xFFFFFD80  }
0xb3: {  	v16 =	vld [tilespmem:s17+$0x18700]  }
0xb4: {  	v17 =	vld [tilespmem:s17+$0x18980];
	_ =	sdelay $0x1  }
0xb5: {  	v13 =	vld [tilespmem:s17+$0x18C00]  }
0xb6: {  	v14 =	vld [tilespmem:s17+$0x1ED80]  }
0xb7: {  	v24 =	vld [tilespmem:s17+$0x18E80]  }
0xb8: {  	v18 =	vld [tilespmem:s17+$0x1F280];
	v11 =	vmul.f32 v16, v6;
	v12 =	vmul.f32 v17, v7  }
0xb9: {  	v19 =	vld [tilespmem:s17+$0x1EB00]  }
0xba: {  	s0 =	simm.s32 $0x10;
	v21 =	vld [tilespmem:s17+$0x1F500];
	v20 =	vmul.f32 v13, v8;
	v15 =	vadd.f32 v12, v11  }
0xbb: {  	v11 =	vld [tilespmem:s0+$0x18700]  }
0xbc: {  	v22 =	vmul.f32 v24, v9;
	v12 =	vld [tilespmem:s0+$0x18980];
	v20 =	vadd.f32 v20, v15  }
0xbd: {  	v23 =	vld [tilespmem:s17+$0x1F000]  }
0xbe: {  	v15 =	vld [tilespmem:s0+$0x18C00];
	v20 =	vadd.f32 v22, v20;
	v22 =	vmul.f32 v19, v10  }
0xbf: {  	v21 =	vadd.f32 v21, v18;
	v25 =	vmul.f32 v13, v3;
	v13 =	vld [tilespmem:s0+$0x18E80];
	v16 =	vmul.f32 v16, v1  }
0xc0: {  	v18 =	vld [tilespmem:s0+$0x1EB00];
	v19 =	vadd.f32 v14, v19;
	v20 =	vadd.f32 v22, v20;
	v22 =	vmul.f32 v17, v2  }
0xc1: {  	v14 =	vld [tilespmem:s0+$0x1ED80];
	v26 =	vmul.f32 v11, v6;
	v27 =	vmul.f32 v12, v7  }
0xc2: {  	v17 =	vld [tilespmem:s0+$0x1F280];
	v23 =	vadd.f32 v23, v19;
	v28 =	vmul.f32 v21, v20;
	v29 =	vadd.f32 v22, v16  }
0xc3: {  	s5 =	simm.s32 $0x20;
	v19 =	vld [tilespmem:s0+$0x1F500];
	v20 =	vadd.f32 v27, v26;
	v21 =	vmul.f32 v15, v8  }
0xc4: {  	s28 =	simm.s32 $0xC0;
	v24 =	vmul.f32 v24, v4;
	v16 =	vld [tilespmem:s5+$0x18700];
	v22 =	vadd.f32 v28, v23;
	v23 =	vadd.f32 v25, v29  }
.LBB2_3:
0xc5: {  	p1 =	sne.s32 s28, $0x9C0;
	v25 =	vld [tilespmem:s5+$0x18980];
	v20 =	vadd.f32 v21, v20;
	v21 =	vmul.f32 v13, v9;
	v26 =	vmov v13  }
0xc6: {  	v27 =	vld [tilespmem:s0+$0x1F000];
	[tilespmem:s17+$0x19100] =	vst v22;
	v13 =	vadd.f32 v24, v23;
	v22 =	vmul.f32 v22, v5  }
0xc7: {  	v23 =	vld [tilespmem:s5+$0x18C00];
	v20 =	vadd.f32 v21, v20;
	v21 =	vmul.f32 v18, v10;
	v24 =	vadd.f32 v14, v18  }
0xc8: {  	v28 =	vmul.f32 v15, v3;
	v14 =	vld [tilespmem:s5+$0x1ED80];
	v19 =	vadd.f32 v19, v17;
	v15 =	vadd.f32 v22, v13  }
.Ltmp0:
0xc9: {  	v22 =	vmul.f32 v12, v2;
	v13 =	vld [tilespmem:s5+$0x18E80];
	v20 =	vadd.f32 v21, v20;
	v21 =	vmul.f32 v11, v1;
	v11 =	vmovc v16;
	(pc) =	sbr.rel @p1 .LBB2_3-.Ltmp0, $4  }
0xca: {  	v16 =	vmul.f32 v11, v6;
	v29 =	vmul.f32 v25, v7;
	v17 =	vld [tilespmem:s5+$0x1F280];
	[tilespmem:s17+$0x19380] =	vst v15;
	v12 =	vmov v25;
	s17 =	smov.u32 s0;
	s0 =	smov.u32 s5  }
0xcb: {  	v18 =	vld [tilespmem:s0+$0x1EB00];
	v24 =	vadd.f32 v27, v24;
	v25 =	vmul.f32 v19, v20;
	v27 =	vadd.f32 v22, v21  }
0xcc: {  	s5 =	sshra.s32 s28, $0x2;
	v20 =	vadd.f32 v29, v16;
	v21 =	vmul.f32 v23, v8;
	v19 =	vld [tilespmem:s0+$0x1F500];
	v15 =	vmov v23  }
0xcd: {  	s28 =	sadd.s32 $0x40, s28;
	v16 =	vld [tilespmem:s5+$0x18700];
	v22 =	vadd.f32 v25, v24;
	v23 =	vadd.f32 v28, v27;
	v24 =	vmul.f32 v26, v4  }
0xce: {  	v25 =	vld [tilespmem:s5+$0x18980]  }
0xcf: {  	v26 =	vld [tilespmem:s0+$0x1F000];
	[tilespmem:s17+$0x19100] =	vst v22;
	v23 =	vadd.f32 v24, v23;
	v39 =	vmul.f32 v22, v5  }
0xd0: {  	v40 =	vld [tilespmem:s5+$0x18C00]  }
0xd1: {  	v27 =	vld [tilespmem:s5+$0x1ED80];
	v22 =	vadd.f32 v39, v23  }
0xd2: {  	v20 =	vadd.f32 v21, v20;
	v41 =	vmul.f32 v13, v9;
	v42 =	vld [tilespmem:s5+$0x18E80]  }
0xd3: {  	v29 =	vld [tilespmem:s5+$0x1F280];
	v43 =	vmul.f32 v16, v6;
	[tilespmem:s17+$0x19380] =	vst v22;
	v44 =	vmul.f32 v25, v7  }
0xd4: {  	v28 =	vmul.f32 v18, v10;
	v20 =	vadd.f32 v41, v20;
	v45 =	vld [tilespmem:s5+$0x1EB00]  }
0xd5: {  	v14 =	vadd.f32 v14, v18;
	v47 =	vadd.f32 v44, v43;
	v48 =	vmul.f32 v40, v8  }
0xd6: {  	v11 =	vmul.f32 v11, v1;
	v17 =	vadd.f32 v19, v17;
	v46 =	vadd.f32 v28, v20;
	v49 =	vld [tilespmem:s5+$0x1F500]  }
0xd7: {  	v12 =	vmul.f32 v12, v2;
	v51 =	vmul.f32 v42, v9;
	v50 =	vadd.f32 v48, v47  }
0xd8: {  	v15 =	vmul.f32 v15, v3;
	v14 =	vadd.f32 v26, v14;
	v17 =	vmul.f32 v17, v46;
	v52 =	vld [tilespmem:s5+$0x1F000]  }
0xd9: {  	v11 =	vadd.f32 v12, v11;
	v53 =	vadd.f32 v51, v50;
	v54 =	vmul.f32 v45, v10  }
0xda: {  	v56 =	vmul.f32 v16, v1;
	v14 =	vadd.f32 v17, v14;
	v18 =	vadd.f32 v27, v45  }
0xdb: {  	v57 =	vmul.f32 v25, v2;
	v55 =	vadd.f32 v49, v29;
	v17 =	vadd.f32 v54, v53  }
0xdc: {  	v58 =	vmul.f32 v13, v4;
	v11 =	vadd.f32 v15, v11;
	v59 =	vmul.f32 v40, v3  }
0xdd: {  	v16 =	vadd.f32 v57, v56;
	v12 =	vadd.f32 v52, v18;
	v17 =	vmul.f32 v55, v17  }
0xde: {  	v11 =	vadd.f32 v58, v11;
	v61 =	vmul.f32 v42, v4  }
0xdf: {  	v15 =	vadd.f32 v59, v16;
	v60 =	vmul.f32 v14, v5;
	v12 =	vadd.f32 v17, v12;
	_ =	sdelay $0x1  }
0xe0: {  	v62 =	vadd.f32 v61, v15;
	v11 =	vadd.f32 v60, v11;
	v63 =	vmul.f32 v12, v5  }
0xe1: {  	[tilespmem:s0+$0x19100] =	vst v14  }
0xe2: {  	[tilespmem:s0+$0x19380] =	vst v11;
	v11 =	vadd.f32 v63, v62  }
0xe3: {  	[tilespmem:s5+$0x19100] =	vst v12  }
0xe4: {  	s17 =	simm.s32 @!p0 $0x19100;
	s0 =	sadd.s32 @!p0 s19, s31;
	[tilespmem:s5+$0x19380] =	vst v11;
	s5 =	simm.s32 @!p0 $0x0  }
0xe5: {  	[hbm4b:s0+s5] =	stream.linear.scatter @!p0 [tilespmem:s17], [sflag:$0x4], $0x280, $0x38;
	[tilespmem:$0x1F780] =	vst v63  }
0xe6: {  	s0 =	simm.s32 @!p0 $0x4  }
0xe7: {  	_ =	swait.ge @!p0 [sflag:s0], $0x280  }
0xe8: {  	[sflag:s0] =	ssyncset.done @!p0 $0x0  }
0xe9: {  	s2 =	sadd.s32 $0x1, s2;
	s31 =	sadd.s32 s12, s29;
	[sflag:s0] =	ssyncadd.s32 @!p0 $0xFFFFFD80  }
0xea: {  	p1 =	sne.s32 s2, $0xA;
	s5 =	sshrl.u32 s31, $0x3;
	s0 =	rddreg [dreg:$0x2]  }
.Ltmp1:
0xeb: {  	s1 =	simm.s32 $0x19380;
	s0 =	sadd.s32 s0, s5;
	(pc) =	sbr.rel @p1 .LBB2_2-.Ltmp1, $4  }
0xec: {  	[hbm4b:s0+s4] =	stream.linear.scatter [tilespmem:s1], [sflag:$0x4], $0x280, $0x38;
	[tilespmem:$0x1F780] =	vst v63  }
0xed: {  	_ =	swait.ge [sflag:s26], $0x280  }
0xee: {  	[sflag:s26] =	ssyncset.done $0x0  }
0xef: {  	[sflag:s26] =	ssyncadd.s32 $0xFFFFFD80  }
0xf0: {  	[bflag:$0x0] =	sbarrier.arrive $0xFFFF  }
0xf1: {  	s29 =	simm.s32 $0x0;
	s0 =	rddreg [dreg:$0x6]  }
0xf2: {  	[tilespmem:s29], [sflag:$0x4] =	stream.linear.gather [hbm4b:s0+s29], $0x186A0, $0x38;
	[tilespmem:$0x1F780] =	vst v63  }
0xf3: {  	_ =	swait.ge [sflag:s26], $0x186A0  }
0xf4: {  	[sflag:s26] =	ssyncset.done $0x0  }
0xf5: {  	[sflag:s26] =	ssyncadd.s32 $0xFFFE7960  }
0xf6: {  	v1 =	vld [tilespmem:$0x1CA00]  }
0xf7: {  	v2 =	vld [tilespmem:$0x1CA80]  }
0xf8: {  	s2 =	rddreg [dreg:$0x7];
	v3 =	vld [tilespmem:$0x1CB00]  }
0xf9: {  	s1 =	simm.s32 $0x19600;
	s5 =	rddreg [dreg:$0x8];
	v4 =	vld [tilespmem:$0x1CB80]  }
0xfa: {  	v5 =	vld [tilespmem:$0x1CC00];
	[tilespmem:s1], [sflag:$0x1] =	stream.linear.gather [hbm4b:s2+s29], $0x400, $0x38  }
0xfb: {  	s17 =	simm.s32 $0x19A00;
	s28 =	rddreg [dreg:$0x9]  }
0xfc: {  	[tilespmem:s17], [sflag:$0x1] =	stream.linear.gather [hbm4b:s5+s29], $0x400, $0x38;
	[tilespmem:$0x1F780] =	vst v63  }
0xfd: {  	s31 =	simm.s32 $0x19E00;
	s1 =	rddreg [dreg:$0xa]  }
0xfe: {  	[tilespmem:s31], [sflag:$0x1] =	stream.linear.gather [hbm4b:s28+s29], $0x400, $0x38;
	[tilespmem:$0x1F780] =	vst v63  }
0xff: {  	s2 =	simm.s32 $0x1A200;
	s5 =	rddreg [dreg:$0xb]  }
0x100: {  	[tilespmem:s2], [sflag:$0x1] =	stream.linear.gather [hbm4b:s1+s29], $0x400, $0x38;
	[tilespmem:$0x1F780] =	vst v63  }
0x101: {  	s17 =	simm.s32 $0x1A600;
	s28 =	rddreg [dreg:$0xc]  }
0x102: {  	[tilespmem:s17], [sflag:$0x1] =	stream.linear.gather [hbm4b:s5+s29], $0x400, $0x38;
	[tilespmem:$0x1F780] =	vst v63  }
0x103: {  	s31 =	simm.s32 $0x1AA00;
	s2 =	simm.s32 $0x0;
	s1 =	rddreg [dreg:$0x1]  }
0x104: {  	[tilespmem:s31], [sflag:$0x1] =	stream.linear.gather [hbm4b:s28+s29], $0x400, $0x38;
	[tilespmem:$0x1F780] =	vst v63  }
.LBB2_6:
0x105: {  	s0 =	sshll.u32 s2, $0xB  }
0x106: {  	s5 =	sadd.s32 s0, s18  }
0x107: {  	s5 =	sadd.s32 $0x400, s5  }
0x108: {  	s17 =	sshrl.u32 s5, $0x3  }
0x109: {  	s31 =	simm.s32 $0x1AE00;
	s5 =	smin.u32 s5, $0x30D000;
	s28 =	sadd.s32 s11, s17  }
0x10a: {  	[tilespmem:s31], [sflag:$0x2] =	stream.linear.gather [hbm4b:s28+s29], $0x400, $0x38;
	[tilespmem:$0x1F780] =	vst v63  }
0x10b: {  	s17 =	sadd.s32 s13, s17;
	s5 =	sshrl.u32 s5, $0x3  }
0x10c: {  	[tilespmem:s30], [sflag:$0x2] =	stream.linear.gather [hbm4b:s17+s29], $0x400, $0x38;
	[tilespmem:$0x1F780] =	vst v63  }
0x10d: {  	s31 =	sadd.s32 s14, s5;
	s28 =	simm.s32 $0x1B600  }
0x10e: {  	[tilespmem:s28], [sflag:$0x2] =	stream.linear.gather [hbm4b:s31+s29], $0x400, $0x38;
	[tilespmem:$0x1F780] =	vst v63  }
0x10f: {  	s31 =	sadd.s32 s15, s5;
	s28 =	simm.s32 $0x1BA00  }
0x110: {  	[tilespmem:s28], [sflag:$0x2] =	stream.linear.gather [hbm4b:s31+s29], $0x400, $0x38;
	[tilespmem:$0x1F780] =	vst v63  }
0x111: {  	s31 =	sadd.s32 s16, s5;
	s28 =	simm.s32 $0x1BE00  }
0x112: {  	[tilespmem:s28], [sflag:$0x2] =	stream.linear.gather [hbm4b:s31+s29], $0x400, $0x38;
	[tilespmem:$0x1F780] =	vst v63  }
0x113: {  	s5 =	sadd.s32 s1, s5;
	s31 =	simm.s32 $0x1C200  }
0x114: {  	[tilespmem:s31], [sflag:$0x2] =	stream.linear.gather [hbm4b:s5+s29], $0x400, $0x38;
	[tilespmem:$0x1F780] =	vst v63  }
0x115: {  	_ =	swait.ge [sflag:s24], $0x400  }
0x116: {  	[sflag:s24] =	ssyncset.done $0x0  }
0x117: {  	[sflag:s24] =	ssyncadd.s32 $0xFFFFFC00  }
0x118: {  	_ =	swait.ge [sflag:s24], $0x400  }
0x119: {  	[sflag:s24] =	ssyncset.done $0x0  }
0x11a: {  	[sflag:s24] =	ssyncadd.s32 $0xFFFFFC00  }
0x11b: {  	_ =	swait.ge [sflag:s24], $0x400  }
0x11c: {  	[sflag:s24] =	ssyncset.done $0x0  }
0x11d: {  	[sflag:s24] =	ssyncadd.s32 $0xFFFFFC00  }
0x11e: {  	_ =	swait.ge [sflag:s24], $0x400  }
0x11f: {  	[sflag:s24] =	ssyncset.done $0x0  }
0x120: {  	[sflag:s24] =	ssyncadd.s32 $0xFFFFFC00  }
0x121: {  	_ =	swait.ge [sflag:s24], $0x400  }
0x122: {  	[sflag:s24] =	ssyncset.done $0x0  }
0x123: {  	[sflag:s24] =	ssyncadd.s32 $0xFFFFFC00  }
0x124: {  	_ =	swait.ge [sflag:s24], $0x400  }
0x125: {  	[sflag:s24] =	ssyncset.done $0x0  }
0x126: {  	s5 =	simm.s32 $0x0;
	[sflag:s24] =	ssyncadd.s32 $0xFFFFFC00  }
0x127: {  	v6 =	vld [tilespmem:s5+$0x19600];
	_ =	sdelay $0x5  }
0x128: {  	v7 =	vld [tilespmem:s5+$0x19E00];
	_ =	sdelay $0x1  }
0x129: {  	v6 =	vld.idx.msk [tilespmem:v6+s4+$0x0], $0xffff  }
0x12a: {  	v8 =	vld [tilespmem:s5+$0x1A200];
	_ =	sdelay $0x1  }
0x12b: {  	v9 =	vld [tilespmem:s5+$0x1A600];
	v7 =	vmul.f32 v7, v1;
	_ =	sdelay $0x1  }
0x12c: {  	v7 =	vadd.f32 v7, v6;
	v6 =	vld [tilespmem:s5+$0x1AA00]  }
0x12d: {  	v8 =	vmul.f32 v8, v2;
	_ =	sdelay $0x1  }
0x12e: {  	s17 =	simm.s32 $0x10;
	s28 =	simm.s32 $0x80;
	v7 =	vadd.f32 v8, v7;
	v8 =	vmul.f32 v9, v3  }
.LBB2_7:
0x12f: {  	p1 =	sne.s32 s28, $0xFC0;
	v9 =	vld [tilespmem:s17+$0x19600]  }
0x130: {  	v7 =	vadd.f32 v8, v7;
	v6 =	vmul.f32 v6, v4;
	_ =	sdelay $0x1  }
0x131: {  	v6 =	vadd.f32 v6, v7;
	_ =	sdelay $0x1  }
0x132: {  	v6 =	vadd.f32 v6, v5;
	_ =	sdelay $0x1  }
0x133: {  	v7 =	vld [tilespmem:s17+$0x19E00];
	[tilespmem:s5+$0x1C600] =	vst v6;
	s5 =	smov.u32 s17  }
0x134: {  	v8 =	vld.idx.msk [tilespmem:v9+s4+$0x0], $0xffff  }
0x135: {  	v9 =	vld [tilespmem:s5+$0x1A200];
	_ =	sdelay $0x1  }
0x136: {  	v10 =	vld [tilespmem:s5+$0x1A600]  }
.Ltmp2:
0x137: {  	v7 =	vmul.f32 v7, v1;
	(pc) =	sbr.rel @p1 .LBB2_7-.Ltmp2, $3  }
0x138: {  	v6 =	vld [tilespmem:s5+$0x1AA00]  }
0x139: {  	v7 =	vadd.f32 v7, v8;
	v8 =	vmul.f32 v9, v2;
	_ =	sdelay $0x1  }
0x13a: {  	s17 =	sshra.s32 s28, $0x2;
	s28 =	sadd.s32 $0x40, s28;
	v7 =	vadd.f32 v8, v7;
	v8 =	vmul.f32 v10, v3  }
0x13b: {  	v9 =	vld [tilespmem:s17+$0x19600]  }
0x13c: {  	v7 =	vadd.f32 v8, v7;
	v6 =	vmul.f32 v6, v4;
	_ =	sdelay $0x1  }
0x13d: {  	v6 =	vadd.f32 v6, v7;
	_ =	sdelay $0x1  }
0x13e: {  	v6 =	vadd.f32 v6, v5;
	_ =	sdelay $0x1  }
0x13f: {  	v7 =	vld [tilespmem:s17+$0x19E00];
	[tilespmem:s5+$0x1C600] =	vst v6  }
0x140: {  	v6 =	vld.idx.msk [tilespmem:v9+s4+$0x0], $0xffff  }
0x141: {  	v8 =	vld [tilespmem:s17+$0x1A200];
	_ =	sdelay $0x1  }
0x142: {  	v9 =	vld [tilespmem:s17+$0x1A600]  }
0x143: {  	v7 =	vmul.f32 v7, v1  }
0x144: {  	v10 =	vld [tilespmem:s17+$0x1AA00]  }
0x145: {  	v6 =	vadd.f32 v7, v6;
	v7 =	vmul.f32 v8, v2;
	_ =	sdelay $0x1  }
0x146: {  	v6 =	vadd.f32 v7, v6;
	v7 =	vmul.f32 v9, v3;
	_ =	sdelay $0x1  }
0x147: {  	v6 =	vadd.f32 v7, v6;
	v7 =	vmul.f32 v10, v4;
	_ =	sdelay $0x1  }
0x148: {  	v6 =	vadd.f32 v7, v6;
	_ =	sdelay $0x1  }
0x149: {  	v6 =	vadd.f32 v6, v5;
	_ =	sdelay $0x1  }
0x14a: {  	s31 =	simm.s32 $0x19A00;
	p1 =	seq.s32 s2, $0x30;
	[tilespmem:s17+$0x1C600] =	vst v6  }
0x14b: {  	[spmem:s3] =	stream.indirect.scatter.add.f32 [tilespmem:s21], [sflag:$0x3], $0x1, s31, s20, $0xb8;
	[tilespmem:$0x1F780] =	vst v63  }
0x14c: {  	s0 =	sadd.s32 @!p1 s0, s25;
	s28 =	simm.s32 @!p1 $0x0;
	_ =	swait.ge [sflag:s22], $0x400  }
0x14d: {  	s5 =	sshrl.u32 @!p1 s0, $0x3;
	s0 =	smin.u32 @!p1 s0, $0x30D000;
	[sflag:s22] =	ssyncset.done $0x0  }
0x14e: {  	s17 =	sadd.s32 @!p1 s11, s5;
	s31 =	simm.s32 @!p1 $0x19600;
	[sflag:s22] =	ssyncadd.s32 $0xFFFFFC00  }
0x14f: {  	[tilespmem:s31], [sflag:$0x1] =	stream.linear.gather @!p1 [hbm4b:s17+s28], $0x400, $0x38;
	[tilespmem:$0x1F780] =	vst v63  }
0x150: {  	s0 =	sshrl.u32 @!p1 s0, $0x3;
	s5 =	sadd.s32 @!p1 s13, s5;
	s17 =	simm.s32 @!p1 $0x19A00  }
0x151: {  	[tilespmem:s17], [sflag:$0x1] =	stream.linear.gather @!p1 [hbm4b:s5+s28], $0x400, $0x38;
	[tilespmem:$0x1F780] =	vst v63  }
0x152: {  	s5 =	sadd.s32 @!p1 s14, s0;
	s17 =	simm.s32 @!p1 $0x19E00  }
0x153: {  	[tilespmem:s17], [sflag:$0x1] =	stream.linear.gather @!p1 [hbm4b:s5+s28], $0x400, $0x38;
	[tilespmem:$0x1F780] =	vst v63  }
0x154: {  	s5 =	sadd.s32 @!p1 s15, s0;
	s17 =	simm.s32 @!p1 $0x1A200  }
0x155: {  	[tilespmem:s17], [sflag:$0x1] =	stream.linear.gather @!p1 [hbm4b:s5+s28], $0x400, $0x38;
	[tilespmem:$0x1F780] =	vst v63  }
0x156: {  	s5 =	sadd.s32 @!p1 s16, s0;
	s17 =	simm.s32 @!p1 $0x1A600  }
0x157: {  	[tilespmem:s17], [sflag:$0x1] =	stream.linear.gather @!p1 [hbm4b:s5+s28], $0x400, $0x38;
	[tilespmem:$0x1F780] =	vst v63  }
0x158: {  	s0 =	sadd.s32 @!p1 s1, s0;
	s5 =	simm.s32 @!p1 $0x1AA00  }
0x159: {  	[tilespmem:s5], [sflag:$0x1] =	stream.linear.gather @!p1 [hbm4b:s0+s28], $0x400, $0x38;
	[tilespmem:$0x1F780] =	vst v63  }
0x15a: {  	_ =	swait.ge [sflag:s23], $0x400  }
0x15b: {  	[sflag:s23] =	ssyncset.done $0x0  }
0x15c: {  	[sflag:s23] =	ssyncadd.s32 $0xFFFFFC00  }
0x15d: {  	_ =	swait.ge [sflag:s23], $0x400  }
0x15e: {  	[sflag:s23] =	ssyncset.done $0x0  }
0x15f: {  	[sflag:s23] =	ssyncadd.s32 $0xFFFFFC00  }
0x160: {  	_ =	swait.ge [sflag:s23], $0x400  }
0x161: {  	[sflag:s23] =	ssyncset.done $0x0  }
0x162: {  	[sflag:s23] =	ssyncadd.s32 $0xFFFFFC00  }
0x163: {  	_ =	swait.ge [sflag:s23], $0x400  }
0x164: {  	[sflag:s23] =	ssyncset.done $0x0  }
0x165: {  	[sflag:s23] =	ssyncadd.s32 $0xFFFFFC00  }
0x166: {  	_ =	swait.ge [sflag:s23], $0x400  }
0x167: {  	[sflag:s23] =	ssyncset.done $0x0  }
0x168: {  	[sflag:s23] =	ssyncadd.s32 $0xFFFFFC00  }
0x169: {  	_ =	swait.ge [sflag:s23], $0x400  }
0x16a: {  	[sflag:s23] =	ssyncset.done $0x0  }
0x16b: {  	s0 =	simm.s32 $0x0;
	[sflag:s23] =	ssyncadd.s32 $0xFFFFFC00  }
0x16c: {  	v6 =	vld [tilespmem:s0+$0x1AE00];
	_ =	sdelay $0x5  }
0x16d: {  	v7 =	vld [tilespmem:s0+$0x1B600];
	_ =	sdelay $0x1  }
0x16e: {  	v6 =	vld.idx.msk [tilespmem:v6+s4+$0x0], $0xffff  }
0x16f: {  	v8 =	vld [tilespmem:s0+$0x1BA00];
	_ =	sdelay $0x1  }
0x170: {  	v9 =	vld [tilespmem:s0+$0x1BE00];
	v7 =	vmul.f32 v7, v1;
	_ =	sdelay $0x1  }
0x171: {  	v7 =	vadd.f32 v7, v6;
	v6 =	vld [tilespmem:s0+$0x1C200]  }
0x172: {  	v8 =	vmul.f32 v8, v2;
	_ =	sdelay $0x1  }
0x173: {  	s17 =	simm.s32 $0x80;
	s5 =	simm.s32 $0x10;
	v7 =	vadd.f32 v8, v7;
	v8 =	vmul.f32 v9, v3  }
.LBB2_9:
0x174: {  	p1 =	sne.s32 s17, $0xFC0;
	v9 =	vld [tilespmem:s5+$0x1AE00]  }
0x175: {  	v7 =	vadd.f32 v8, v7;
	v6 =	vmul.f32 v6, v4;
	_ =	sdelay $0x1  }
0x176: {  	v6 =	vadd.f32 v6, v7;
	_ =	sdelay $0x1  }
0x177: {  	v6 =	vadd.f32 v6, v5;
	_ =	sdelay $0x1  }
0x178: {  	v7 =	vld [tilespmem:s5+$0x1B600];
	[tilespmem:s0+$0x1C600] =	vst v6;
	s0 =	smov.u32 s5  }
0x179: {  	v8 =	vld.idx.msk [tilespmem:v9+s4+$0x0], $0xffff  }
0x17a: {  	v9 =	vld [tilespmem:s0+$0x1BA00];
	_ =	sdelay $0x1  }
0x17b: {  	v10 =	vld [tilespmem:s0+$0x1BE00]  }
.Ltmp3:
0x17c: {  	v7 =	vmul.f32 v7, v1;
	(pc) =	sbr.rel @p1 .LBB2_9-.Ltmp3, $3  }
0x17d: {  	v6 =	vld [tilespmem:s0+$0x1C200]  }
0x17e: {  	v7 =	vadd.f32 v7, v8;
	v8 =	vmul.f32 v9, v2;
	_ =	sdelay $0x1  }
0x17f: {  	s5 =	sshra.s32 s17, $0x2;
	s17 =	sadd.s32 $0x40, s17;
	v7 =	vadd.f32 v8, v7;
	v8 =	vmul.f32 v10, v3  }
0x180: {  	v9 =	vld [tilespmem:s5+$0x1AE00]  }
0x181: {  	v7 =	vadd.f32 v8, v7;
	v6 =	vmul.f32 v6, v4;
	_ =	sdelay $0x1  }
0x182: {  	v6 =	vadd.f32 v6, v7;
	_ =	sdelay $0x1  }
0x183: {  	v6 =	vadd.f32 v6, v5;
	_ =	sdelay $0x1  }
0x184: {  	v7 =	vld [tilespmem:s5+$0x1B600];
	[tilespmem:s0+$0x1C600] =	vst v6  }
0x185: {  	v6 =	vld.idx.msk [tilespmem:v9+s4+$0x0], $0xffff  }
0x186: {  	v62 =	vld [tilespmem:s5+$0x1BA00];
	_ =	sdelay $0x1  }
0x187: {  	v63 =	vld [tilespmem:s5+$0x1BE00]  }
0x188: {  	v7 =	vmul.f32 v7, v1  }
0x189: {  	v10 =	vld [tilespmem:s5+$0x1C200]  }
0x18a: {  	v6 =	vadd.f32 v7, v6;
	v7 =	vmul.f32 v62, v2;
	_ =	sdelay $0x1  }
0x18b: {  	v6 =	vadd.f32 v7, v6;
	v7 =	vmul.f32 v63, v3;
	_ =	sdelay $0x1  }
0x18c: {  	v6 =	vadd.f32 v7, v6;
	v7 =	vmul.f32 v10, v4;
	_ =	sdelay $0x1  }
0x18d: {  	v6 =	vadd.f32 v7, v6;
	_ =	sdelay $0x1  }
0x18e: {  	s2 =	sadd.s32 $0x1, s2;
	v6 =	vadd.f32 v6, v5  }
0x18f: {  	p1 =	sne.s32 s2, $0x31  }
.Ltmp4:
0x190: {  	[tilespmem:s5+$0x1C600] =	vst v6;
	(pc) =	sbr.rel @p1 .LBB2_6-.Ltmp4, $4  }
0x191: {  	[spmem:s3] =	stream.indirect.scatter.add.f32 [tilespmem:s21], [sflag:$0x3], $0x1, s30, s20, $0xb8;
	[tilespmem:$0x1F780] =	vst v63  }
0x192: {  	_ =	swait.ge [sflag:s22], $0x400  }
0x193: {  	[sflag:s22] =	ssyncset.done $0x0  }
0x194: {  	[sflag:s22] =	ssyncadd.s32 $0xFFFFFC00  }
0x195: {  	s0 =	stileid.u32;
	[bflag:$0x0] =	sbarrier.arrive $0xFFFF  }
0x196: {  	s0 =	sshll.u32 s0, $0x6;
	s17 =	rddreg [dreg:$0xe]  }
0x197: {  	s5 =	rddreg [dreg:$0xd];
	s0 =	sor.u32 $0x1C04, s0;
	s2 =	sshrl.u32 s17, $0x3  }
0x198: {  	[hbm:s5], [sflag:s0] =	dma.local [spmem:s2], $0x320  }
0x199: {  	_ =	swait.ge [sflag:s26], $0x320  }
0x19a: {  	s1 =	rddreg [dreg:$0x19]  }
0x19b: {  	s31 =	rddreg [dreg:$0xf];
	s1 =	sadd.s32 $0x1, s1  }
0x19c: {  	p1 =	sne.s32 s1, s31  }
.Ltmp5:
0x19d: {  	_ = 	snop;
	(pc) =	sbr.rel @p1 .LBB2_1-.Ltmp5, $3  }
0x19e: {  	_ =	sdelay $0x1  }
0x19f: {  	[sflag:s26] =	ssyncset.done $0x0  }
0x1a0: {  	[sflag:s26] =	ssyncadd.s32 $0xFFFFFCE0  }
0x1a1: {  	_ =	sfence.sel $0x180000  }
0x1a2: {  	[bflag:$0x0] =	sbarrier.arrive $0xFFFF  }
0x1a3: {  	_ =	strace $0x9000004A  }
0x1a4: {  	s0 =	stileid.u32;
	[bflag:$0x2] =	sbarrier.arrive $0xFFFF  }
0x1a5: {  	p0 =	sne.s32 s0, $0x0;
	s0 =	rddreg [dreg:$0x4]  }
0x1a6: {  	s0 =	sadd.s32 @!p0 $0x100000, s0  }
0x1a7: {  	[sflag:s0] =	ssyncadd.tile.s32 @!p0 $0x1;
	_ =	shalt  }
.Lfunc_end2:
_tile_overlayer_lowered:
.L_overlay_start_2:
0x1a8: {  	(tag) =	ssettag $0x2  }
0x1a9: {  	s0 =	rddreg [dreg:$0x0];
	s2 =	stileid.u32  }
0x1aa: {  	s1 =	rddreg [dreg:$0x1];
	p0 =	sne.s32 s2, $0x0  }
0x1ab: {  	s3 =	rddreg [dreg:$0x2];
	[bflag:$0x3] =	sbarrier.arrive $0xFFFF;
	s2 =	simm.s32 @!p0 $0x1C04  }
0x1ac: {  	[timem:s3], [sflag:s2] =	dma.local @!p0 [hbm:s0], s1  }
0x1ad: {  	s0 =	simm.s32 @!p0 $0x4  }
0x1ae: {  	_ =	swait.ge @!p0 [sflag:s0], s1  }
0x1af: {  	s1 =	ssub.s32 @!p0 $0x0, s1;
	[sflag:s0] =	ssyncset.done @!p0 $0x0  }
0x1b0: {  	[sflag:s0] =	ssyncadd.s32 @!p0 s1  }
0x1b1: {  	[bflag:$0x3] =	sbarrier.arrive $0xFFFF  }
0x1b2: {  	_ =	shalt  }

</sc_bundles>
